<compile_context>
chip_gen: v7x
topology: tpu7x:2x2x1
jax: 0.10.2.dev20260603
libtpu: 0.0.44.dev20260713+nightly
codegen_flags: <defaults>
</compile_context>

<pallas_src>
import functools

import jax
import jax.numpy as jnp
from jax import lax
from jax.experimental import pallas as pl
from jax.experimental.pallas import tpu as pltpu
from jax.experimental.pallas import tpu_sc as plsc

D = 64
NC = 2
NS = 16
NW = NC * NS
GROUP = 16
NGROUP = 8


def _sc_gather(emb, idx3):
    V, _ = emb.shape
    nw, R, C = idx3.shape
    per_w = R * C
    n = nw * per_w
    ngrp = per_w // GROUP
    mesh = plsc.VectorSubcoreMesh(core_axis_name="c", subcore_axis_name="s")

    @functools.partial(
        pl.kernel,
        out_type=jax.ShapeDtypeStruct((n, D), jnp.float32),
        mesh=mesh,
        scratch_types=[
            pltpu.VMEM((R, C), jnp.int32),
            pltpu.VMEM((2 * GROUP, 8, D), jnp.float32),
            pltpu.VMEM((2, GROUP, D), jnp.float32),
            pltpu.SemaphoreType.DMA,
            pltpu.SemaphoreType.DMA,
            pltpu.SemaphoreType.DMA,
            pltpu.SemaphoreType.DMA,
        ],
    )
    def k(emb_hbm, idx_hbm, out_hbm, idx_v, slabs, rows, s_e, s_o, o_e, o_o):
        wid = lax.axis_index("s") * NC + lax.axis_index("c")
        base = wid * per_w
        pltpu.sync_copy(idx_hbm.at[wid], idx_v)

        def load_grp(g):
            return idx_v[g // NGROUP, pl.ds((g % NGROUP) * GROUP, GROUP)]

        def fire(g, par, sem):
            v = load_grp(g)
            half = par * GROUP
            for nn in range(GROUP):
                start = pl.multiple_of(v[nn] & jnp.int32(-8), 8)
                pltpu.async_copy(
                    emb_hbm.at[pl.ds(start, 8)],
                    slabs.at[half + nn], sem)

        def drain_extract(g, par, sem):
            v = load_grp(g)
            half = par * GROUP
            for nn in range(GROUP):
                pltpu.make_async_copy(
                    emb_hbm.at[pl.ds(0, 8)],
                    slabs.at[half + nn], sem).wait()
            for nn in range(GROUP):
                r = v[nn] & 7
                for j in range(D // 16):
                    rows[par, nn, pl.ds(16 * j, 16)] = (
                        slabs[half + nn, r, pl.ds(16 * j, 16)])

        def write_out(g, par, sem):
            pltpu.async_copy(
                rows.at[par],
                out_hbm.at[pl.ds(base + g * GROUP, GROUP)], sem)

        def wait_out(par, sem):
            pltpu.make_async_copy(
                rows.at[par],
                out_hbm.at[pl.ds(base, GROUP)], sem).wait()

        fire(0, 0, s_e)

        @pl.loop(0, ngrp // 2)
        def _(p):
            g = 2 * p

            @pl.when(g >= 2)
            def _():
                wait_out(0, o_e)
            fire(g + 1, 1, s_o)
            drain_extract(g, 0, s_e)
            write_out(g, 0, o_e)

            @pl.when(g >= 1)
            def _():
                wait_out(1, o_o)

            @pl.when(g + 2 < ngrp)
            def _():
                fire(g + 2, 0, s_e)
            drain_extract(g + 1, 1, s_o)
            write_out(g + 1, 1, o_o)

        wait_out(0, o_e)
        wait_out(1, o_o)

    return k(emb, idx3)


def _tc_mlp(x, W1, b1, W2, b2):
    n, d = x.shape
    blk = 4096

    def body(x_ref, w1_ref, b1_ref, w2_ref, b2_ref, o_ref):
        h = jnp.maximum(
            jnp.dot(x_ref[...], w1_ref[...], preferred_element_type=jnp.float32)
            + b1_ref[...], 0.0)
        o_ref[...] = (
            jnp.dot(h, w2_ref[...], preferred_element_type=jnp.float32)
            + b2_ref[...])

    return pl.pallas_call(
        body,
        grid=(n // blk,),
        in_specs=[
            pl.BlockSpec((blk, d), lambda i: (i, 0)),
            pl.BlockSpec((d, d), lambda i: (0, 0)),
            pl.BlockSpec((1, d), lambda i: (0, 0)),
            pl.BlockSpec((d, d), lambda i: (0, 0)),
            pl.BlockSpec((1, d), lambda i: (0, 0)),
        ],
        out_specs=pl.BlockSpec((blk, d), lambda i: (i, 0)),
        out_shape=jax.ShapeDtypeStruct((n, d), jnp.float32),
    )(x, W1, b1.reshape(1, d), W2, b2.reshape(1, d))


def kernel(class_indices, embedding, W1, b1, W2, b2):
    if class_indices.ndim == 1:
        class_indices = class_indices[:, None]
    q, b = class_indices.shape
    n = q * b
    per_w = n // NW
    idx3 = class_indices.reshape(NW, per_w // 128, 128).astype(jnp.int32)
    gathered = _sc_gather(embedding, idx3)
    out = _tc_mlp(gathered, W1, b1, W2, b2)
    return out.reshape(q, b, D)

# --- scband reference (transcript-rebuilt; emitter-appended) ---
"""Pipeline reference for scband-semantic-query-generator-64072322122155 (READ-ONLY COPY).

The authoritative reference and input builder live on the scoring server;
editing this copy changes nothing except your own understanding.
"""

import jax, jax.numpy as jnp
import numpy as np

NUM_CLASSES = 1000000
EMBED_DIMS = 64
NUM_QUERIES = 16384
B = 4

def setup_inputs(seed: int = 0) -> dict:
    key = jax.random.key(seed)
    k_idx, k_emb, k_w1, k_b1, k_w2, k_b2 = jax.random.split(key, 6)
    class_indices = jax.random.randint(k_idx, (NUM_QUERIES, B), 0, NUM_CLASSES, dtype=jnp.int64 if jax.config.jax_enable_x64 else jnp.int32)
    embedding = jax.random.normal(k_emb, (NUM_CLASSES, EMBED_DIMS), dtype=jnp.float32)
    W1 = jax.random.normal(k_w1, (EMBED_DIMS, EMBED_DIMS), dtype=jnp.float32) * (1.0 / np.sqrt(EMBED_DIMS))
    b1 = jax.random.normal(k_b1, (EMBED_DIMS,), dtype=jnp.float32) * 0.01
    W2 = jax.random.normal(k_w2, (EMBED_DIMS, EMBED_DIMS), dtype=jnp.float32) * (1.0 / np.sqrt(EMBED_DIMS))
    b2 = jax.random.normal(k_b2, (EMBED_DIMS,), dtype=jnp.float32) * 0.01
    return {"class_indices": class_indices, "embedding": embedding, "W1": W1, "b1": b1, "W2": W2, "b2": b2}

def reference(class_indices, embedding, W1, b1, W2, b2):
    # class_indices: [num_queries, B] (already 2D; torch code unsqueezes if 1D)
    if class_indices.ndim == 1:
        class_indices = class_indices[:, None]
    sem = jnp.take(embedding, class_indices, axis=0)  # [Q, B, D]
    # project = Identity (no pretrained wordvec)
    h = jnp.maximum(sem @ W1 + b1, 0.0)
    out = h @ W2 + b2
    return out

if __name__ == "__main__":
    import jax
    _d = setup_inputs()
    print(jax.jit(kernel)(*tuple(_d.values())))

</pallas_src>

<mosaic_0001>
#map = affine_map<(d0, d1) -> (0, 0)>
#map1 = affine_map<(d0, d1) -> (0, 0, 0)>
module attributes {stable_mosaic.version = 14 : i64} {
  func.func @k(%arg0: i32, %arg1: i32, %arg2: memref<1000000x64xf32, #tpu.memory_space<hbm>>, %arg3: memref<32x16x128xi32, #tpu.memory_space<hbm>>, %arg4: memref<65536x64xf32, #tpu.memory_space<hbm>>, %arg5: memref<16x128xi32, #tpu.memory_space<vmem>>, %arg6: memref<32x8x64xf32, #tpu.memory_space<vmem>>, %arg7: memref<2x16x64xf32, #tpu.memory_space<vmem>>, %arg8: memref<!tpu.dma_semaphore, #tpu.memory_space<semaphore_mem>>, %arg9: memref<!tpu.dma_semaphore, #tpu.memory_space<semaphore_mem>>, %arg10: memref<!tpu.dma_semaphore, #tpu.memory_space<semaphore_mem>>, %arg11: memref<!tpu.dma_semaphore, #tpu.memory_space<semaphore_mem>>) attributes {dimension_semantics = [#tpu.dimension_semantics<core_parallel>, #tpu.dimension_semantics<subcore_parallel>], iteration_bounds = array<i64: 2, 16>, scalar_prefetch = 0 : i64, scratch_operands = 7 : i64, tpu.core_type = #tpu.core_type<sc_vector_subcore>, window_params = [{transform_indices = #map}, {transform_indices = #map1}, {transform_indices = #map}]} {
    %mul3A = arith.constant 2 : i32
    %mul3A_0 = arith.muli %arg1, %mul3A : i32
    %add3A = arith.addi %mul3A_0, %arg0 : i32
    %mul3A_1 = arith.constant 2048 : i32
    %mul3A_2 = arith.muli %add3A, %mul3A_1 : i32
    "tpu.region"() ({
      %run_scoped3A = tpu.sem_alloc : memref<!tpu.dma_semaphore, #tpu.memory_space<semaphore_mem>>
      %dma_start3A_319 = arith.constant 0 : i32
      %dma_start3A_320 = arith.constant 0 : i32
      %dma_start3A_321 = tpu.memref_slice %arg3[%add3A, %dma_start3A_319, %dma_start3A_320] : memref<32x16x128xi32, #tpu.memory_space<hbm>> -> memref<1x16x128xi32, #tpu.memory_space<hbm>>
      %dma_start3A_322 = tpu.memref_squeeze %dma_start3A_321 : memref<1x16x128xi32, #tpu.memory_space<hbm>> -> memref<16x128xi32, #tpu.memory_space<hbm>>
      %dma_start3A_323 = arith.constant 0 : i32
      %dma_start3A_324 = arith.constant 0 : i32
      %dma_start3A_325 = tpu.memref_slice %arg3[%add3A, %dma_start3A_323, %dma_start3A_324] : memref<32x16x128xi32, #tpu.memory_space<hbm>> -> memref<1x16x128xi32, #tpu.memory_space<hbm>>
      %dma_start3A_326 = tpu.memref_squeeze %dma_start3A_325 : memref<1x16x128xi32, #tpu.memory_space<hbm>> -> memref<16x128xi32, #tpu.memory_space<hbm>>
      tpu.enqueue_dma source(%dma_start3A_326 : memref<16x128xi32, #tpu.memory_space<hbm>>) target(%arg5 : memref<16x128xi32, #tpu.memory_space<vmem>>) target_semaphore(%run_scoped3A : memref<!tpu.dma_semaphore, #tpu.memory_space<semaphore_mem>>)
      %dma_wait3A_327 = arith.constant 0 : i32
      %dma_wait3A_328 = arith.constant 0 : i32
      %dma_wait3A_329 = tpu.memref_slice %arg3[%add3A, %dma_wait3A_327, %dma_wait3A_328] : memref<32x16x128xi32, #tpu.memory_space<hbm>> -> memref<1x16x128xi32, #tpu.memory_space<hbm>>
      %dma_wait3A_330 = tpu.memref_squeeze %dma_wait3A_329 : memref<1x16x128xi32, #tpu.memory_space<hbm>> -> memref<16x128xi32, #tpu.memory_space<hbm>>
      %dma_wait3A_331 = arith.constant 0 : i32
      %dma_wait3A_332 = arith.constant 0 : i32
      %dma_wait3A_333 = tpu.memref_slice %arg3[%add3A, %dma_wait3A_331, %dma_wait3A_332] : memref<32x16x128xi32, #tpu.memory_space<hbm>> -> memref<1x16x128xi32, #tpu.memory_space<hbm>>
      %dma_wait3A_334 = tpu.memref_squeeze %dma_wait3A_333 : memref<1x16x128xi32, #tpu.memory_space<hbm>> -> memref<16x128xi32, #tpu.memory_space<hbm>>
      tpu.wait_dma2 semaphore(%run_scoped3A : memref<!tpu.dma_semaphore, #tpu.memory_space<semaphore_mem>>) src(%dma_wait3A_334 : memref<16x128xi32, #tpu.memory_space<hbm>>) dst(%arg5 : memref<16x128xi32, #tpu.memory_space<vmem>>)
      tpu.yield
    }) : () -> ()
    %get3A = arith.constant 0 : i32
    %get3A_3 = arith.index_cast %get3A : i32 to index
    %get3A_4 = arith.constant 0 : index
    %get3A_5 = tpu.vector_load %arg5[%get3A_3, %get3A_4] {strides = array<i32>} : memref<16x128xi32, #tpu.memory_space<vmem>>, vector<1x16xi32>,
    %get3A_6 = vector.shape_cast %get3A_5 : vector<1x16xi32> to vector<16xi32>
    %slice3A = vector.extract_strided_slice %get3A_6 {offsets = [0], sizes = [1], strides = [1]} : vector<16xi32> to vector<1xi32>
    %squeeze3A = vector.extract %slice3A[0] : i32 from vector<1xi32>
    %and3A = arith.constant -8 : i32
    %and3A_7 = arith.andi %squeeze3A, %and3A : i32
    %multiple_of3A = tpu.assume_multiple %and3A_7, 8 : i32
    %dma_start3A = arith.constant 0 : i32
    %dma_start3A_8 = arith.constant 0 : i32
    %dma_start3A_9 = arith.constant 0 : i32
    %dma_start3A_10 = tpu.memref_slice %arg6[%dma_start3A, %dma_start3A_8, %dma_start3A_9] : memref<32x8x64xf32, #tpu.memory_space<vmem>> -> memref<1x8x64xf32, #tpu.memory_space<vmem>>
    %dma_start3A_11 = tpu.memref_squeeze %dma_start3A_10 : memref<1x8x64xf32, #tpu.memory_space<vmem>> -> memref<8x64xf32, #tpu.memory_space<vmem>>
    %dma_start3A_12 = arith.constant 0 : i32
    %dma_start3A_13 = tpu.memref_slice %arg2[%multiple_of3A, %dma_start3A_12] : memref<1000000x64xf32, #tpu.memory_space<hbm>> -> memref<8x64xf32, #tpu.memory_space<hbm>>
    %dma_start3A_14 = arith.constant 0 : i32
    %dma_start3A_15 = arith.constant 0 : i32
    %dma_start3A_16 = tpu.memref_slice %arg6[%dma_start3A, %dma_start3A_14, %dma_start3A_15] : memref<32x8x64xf32, #tpu.memory_space<vmem>> -> memref<1x8x64xf32, #tpu.memory_space<vmem>>
    %dma_start3A_17 = tpu.memref_squeeze %dma_start3A_16 : memref<1x8x64xf32, #tpu.memory_space<vmem>> -> memref<8x64xf32, #tpu.memory_space<vmem>>
    %dma_start3A_18 = arith.constant 0 : i32
    %dma_start3A_19 = tpu.memref_slice %arg2[%multiple_of3A, %dma_start3A_18] : memref<1000000x64xf32, #tpu.memory_space<hbm>> -> memref<8x64xf32, #tpu.memory_space<hbm>>
    tpu.enqueue_dma source(%dma_start3A_19 : memref<8x64xf32, #tpu.memory_space<hbm>>) target(%dma_start3A_17 : memref<8x64xf32, #tpu.memory_space<vmem>>) target_semaphore(%arg8 : memref<!tpu.dma_semaphore, #tpu.memory_space<semaphore_mem>>)
    %slice3A_20 = vector.extract_strided_slice %get3A_6 {offsets = [1], sizes = [1], strides = [1]} : vector<16xi32> to vector<1xi32>
    %squeeze3A_21 = vector.extract %slice3A_20[0] : i32 from vector<1xi32>
    %and3A_22 = arith.constant -8 : i32
    %and3A_23 = arith.andi %squeeze3A_21, %and3A_22 : i32
    %multiple_of3A_24 = tpu.assume_multiple %and3A_23, 8 : i32
    %dma_start3A_25 = arith.constant 1 : i32
    %dma_start3A_26 = arith.constant 0 : i32
    %dma_start3A_27 = arith.constant 0 : i32
    %dma_start3A_28 = tpu.memref_slice %arg6[%dma_start3A_25, %dma_start3A_26, %dma_start3A_27] : memref<32x8x64xf32, #tpu.memory_space<vmem>> -> memref<1x8x64xf32, #tpu.memory_space<vmem>>
    %dma_start3A_29 = tpu.memref_squeeze %dma_start3A_28 : memref<1x8x64xf32, #tpu.memory_space<vmem>> -> memref<8x64xf32, #tpu.memory_space<vmem>>
    %dma_start3A_30 = arith.constant 0 : i32
    %dma_start3A_31 = tpu.memref_slice %arg2[%multiple_of3A_24, %dma_start3A_30] : memref<1000000x64xf32, #tpu.memory_space<hbm>> -> memref<8x64xf32, #tpu.memory_space<hbm>>
    %dma_start3A_32 = arith.constant 0 : i32
    %dma_start3A_33 = arith.constant 0 : i32
    %dma_start3A_34 = tpu.memref_slice %arg6[%dma_start3A_25, %dma_start3A_32, %dma_start3A_33] : memref<32x8x64xf32, #tpu.memory_space<vmem>> -> memref<1x8x64xf32, #tpu.memory_space<vmem>>
    %dma_start3A_35 = tpu.memref_squeeze %dma_start3A_34 : memref<1x8x64xf32, #tpu.memory_space<vmem>> -> memref<8x64xf32, #tpu.memory_space<vmem>>
    %dma_start3A_36 = arith.constant 0 : i32
    %dma_start3A_37 = tpu.memref_slice %arg2[%multiple_of3A_24, %dma_start3A_36] : memref<1000000x64xf32, #tpu.memory_space<hbm>> -> memref<8x64xf32, #tpu.memory_space<hbm>>
    tpu.enqueue_dma source(%dma_start3A_37 : memref<8x64xf32, #tpu.memory_space<hbm>>) target(%dma_start3A_35 : memref<8x64xf32, #tpu.memory_space<vmem>>) target_semaphore(%arg8 : memref<!tpu.dma_semaphore, #tpu.memory_space<semaphore_mem>>)
    %slice3A_38 = vector.extract_strided_slice %get3A_6 {offsets = [2], sizes = [1], strides = [1]} : vector<16xi32> to vector<1xi32>
    %squeeze3A_39 = vector.extract %slice3A_38[0] : i32 from vector<1xi32>
    %and3A_40 = arith.constant -8 : i32
    %and3A_41 = arith.andi %squeeze3A_39, %and3A_40 : i32
    %multiple_of3A_42 = tpu.assume_multiple %and3A_41, 8 : i32
    %dma_start3A_43 = arith.constant 2 : i32
    %dma_start3A_44 = arith.constant 0 : i32
    %dma_start3A_45 = arith.constant 0 : i32
    %dma_start3A_46 = tpu.memref_slice %arg6[%dma_start3A_43, %dma_start3A_44, %dma_start3A_45] : memref<32x8x64xf32, #tpu.memory_space<vmem>> -> memref<1x8x64xf32, #tpu.memory_space<vmem>>
    %dma_start3A_47 = tpu.memref_squeeze %dma_start3A_46 : memref<1x8x64xf32, #tpu.memory_space<vmem>> -> memref<8x64xf32, #tpu.memory_space<vmem>>
    %dma_start3A_48 = arith.constant 0 : i32
    %dma_start3A_49 = tpu.memref_slice %arg2[%multiple_of3A_42, %dma_start3A_48] : memref<1000000x64xf32, #tpu.memory_space<hbm>> -> memref<8x64xf32, #tpu.memory_space<hbm>>
    %dma_start3A_50 = arith.constant 0 : i32
    %dma_start3A_51 = arith.constant 0 : i32
    %dma_start3A_52 = tpu.memref_slice %arg6[%dma_start3A_43, %dma_start3A_50, %dma_start3A_51] : memref<32x8x64xf32, #tpu.memory_space<vmem>> -> memref<1x8x64xf32, #tpu.memory_space<vmem>>
    %dma_start3A_53 = tpu.memref_squeeze %dma_start3A_52 : memref<1x8x64xf32, #tpu.memory_space<vmem>> -> memref<8x64xf32, #tpu.memory_space<vmem>>
    %dma_start3A_54 = arith.constant 0 : i32
    %dma_start3A_55 = tpu.memref_slice %arg2[%multiple_of3A_42, %dma_start3A_54] : memref<1000000x64xf32, #tpu.memory_space<hbm>> -> memref<8x64xf32, #tpu.memory_space<hbm>>
    tpu.enqueue_dma source(%dma_start3A_55 : memref<8x64xf32, #tpu.memory_space<hbm>>) target(%dma_start3A_53 : memref<8x64xf32, #tpu.memory_space<vmem>>) target_semaphore(%arg8 : memref<!tpu.dma_semaphore, #tpu.memory_space<semaphore_mem>>)
    %slice3A_56 = vector.extract_strided_slice %get3A_6 {offsets = [3], sizes = [1], strides = [1]} : vector<16xi32> to vector<1xi32>
    %squeeze3A_57 = vector.extract %slice3A_56[0] : i32 from vector<1xi32>
    %and3A_58 = arith.constant -8 : i32
    %and3A_59 = arith.andi %squeeze3A_57, %and3A_58 : i32
    %multiple_of3A_60 = tpu.assume_multiple %and3A_59, 8 : i32
    %dma_start3A_61 = arith.constant 3 : i32
    %dma_start3A_62 = arith.constant 0 : i32
    %dma_start3A_63 = arith.constant 0 : i32
    %dma_start3A_64 = tpu.memref_slice %arg6[%dma_start3A_61, %dma_start3A_62, %dma_start3A_63] : memref<32x8x64xf32, #tpu.memory_space<vmem>> -> memref<1x8x64xf32, #tpu.memory_space<vmem>>
    %dma_start3A_65 = tpu.memref_squeeze %dma_start3A_64 : memref<1x8x64xf32, #tpu.memory_space<vmem>> -> memref<8x64xf32, #tpu.memory_space<vmem>>
    %dma_start3A_66 = arith.constant 0 : i32
    %dma_start3A_67 = tpu.memref_slice %arg2[%multiple_of3A_60, %dma_start3A_66] : memref<1000000x64xf32, #tpu.memory_space<hbm>> -> memref<8x64xf32, #tpu.memory_space<hbm>>
    %dma_start3A_68 = arith.constant 0 : i32
    %dma_start3A_69 = arith.constant 0 : i32
    %dma_start3A_70 = tpu.memref_slice %arg6[%dma_start3A_61, %dma_start3A_68, %dma_start3A_69] : memref<32x8x64xf32, #tpu.memory_space<vmem>> -> memref<1x8x64xf32, #tpu.memory_space<vmem>>
    %dma_start3A_71 = tpu.memref_squeeze %dma_start3A_70 : memref<1x8x64xf32, #tpu.memory_space<vmem>> -> memref<8x64xf32, #tpu.memory_space<vmem>>
    %dma_start3A_72 = arith.constant 0 : i32
    %dma_start3A_73 = tpu.memref_slice %arg2[%multiple_of3A_60, %dma_start3A_72] : memref<1000000x64xf32, #tpu.memory_space<hbm>> -> memref<8x64xf32, #tpu.memory_space<hbm>>
    tpu.enqueue_dma source(%dma_start3A_73 : memref<8x64xf32, #tpu.memory_space<hbm>>) target(%dma_start3A_71 : memref<8x64xf32, #tpu.memory_space<vmem>>) target_semaphore(%arg8 : memref<!tpu.dma_semaphore, #tpu.memory_space<semaphore_mem>>)
    %slice3A_74 = vector.extract_strided_slice %get3A_6 {offsets = [4], sizes = [1], strides = [1]} : vector<16xi32> to vector<1xi32>
    %squeeze3A_75 = vector.extract %slice3A_74[0] : i32 from vector<1xi32>
    %and3A_76 = arith.constant -8 : i32
    %and3A_77 = arith.andi %squeeze3A_75, %and3A_76 : i32
    %multiple_of3A_78 = tpu.assume_multiple %and3A_77, 8 : i32
    %dma_start3A_79 = arith.constant 4 : i32
    %dma_start3A_80 = arith.constant 0 : i32
    %dma_start3A_81 = arith.constant 0 : i32
    %dma_start3A_82 = tpu.memref_slice %arg6[%dma_start3A_79, %dma_start3A_80, %dma_start3A_81] : memref<32x8x64xf32, #tpu.memory_space<vmem>> -> memref<1x8x64xf32, #tpu.memory_space<vmem>>
    %dma_start3A_83 = tpu.memref_squeeze %dma_start3A_82 : memref<1x8x64xf32, #tpu.memory_space<vmem>> -> memref<8x64xf32, #tpu.memory_space<vmem>>
    %dma_start3A_84 = arith.constant 0 : i32
    %dma_start3A_85 = tpu.memref_slice %arg2[%multiple_of3A_78, %dma_start3A_84] : memref<1000000x64xf32, #tpu.memory_space<hbm>> -> memref<8x64xf32, #tpu.memory_space<hbm>>
    %dma_start3A_86 = arith.constant 0 : i32
    %dma_start3A_87 = arith.constant 0 : i32
    %dma_start3A_88 = tpu.memref_slice %arg6[%dma_start3A_79, %dma_start3A_86, %dma_start3A_87] : memref<32x8x64xf32, #tpu.memory_space<vmem>> -> memref<1x8x64xf32, #tpu.memory_space<vmem>>
    %dma_start3A_89 = tpu.memref_squeeze %dma_start3A_88 : memref<1x8x64xf32, #tpu.memory_space<vmem>> -> memref<8x64xf32, #tpu.memory_space<vmem>>
    %dma_start3A_90 = arith.constant 0 : i32
    %dma_start3A_91 = tpu.memref_slice %arg2[%multiple_of3A_78, %dma_start3A_90] : memref<1000000x64xf32, #tpu.memory_space<hbm>> -> memref<8x64xf32, #tpu.memory_space<hbm>>
    tpu.enqueue_dma source(%dma_start3A_91 : memref<8x64xf32, #tpu.memory_space<hbm>>) target(%dma_start3A_89 : memref<8x64xf32, #tpu.memory_space<vmem>>) target_semaphore(%arg8 : memref<!tpu.dma_semaphore, #tpu.memory_space<semaphore_mem>>)
    %slice3A_92 = vector.extract_strided_slice %get3A_6 {offsets = [5], sizes = [1], strides = [1]} : vector<16xi32> to vector<1xi32>
    %squeeze3A_93 = vector.extract %slice3A_92[0] : i32 from vector<1xi32>
    %and3A_94 = arith.constant -8 : i32
    %and3A_95 = arith.andi %squeeze3A_93, %and3A_94 : i32
    %multiple_of3A_96 = tpu.assume_multiple %and3A_95, 8 : i32
    %dma_start3A_97 = arith.constant 5 : i32
    %dma_start3A_98 = arith.constant 0 : i32
    %dma_start3A_99 = arith.constant 0 : i32
    %dma_start3A_100 = tpu.memref_slice %arg6[%dma_start3A_97, %dma_start3A_98, %dma_start3A_99] : memref<32x8x64xf32, #tpu.memory_space<vmem>> -> memref<1x8x64xf32, #tpu.memory_space<vmem>>
    %dma_start3A_101 = tpu.memref_squeeze %dma_start3A_100 : memref<1x8x64xf32, #tpu.memory_space<vmem>> -> memref<8x64xf32, #tpu.memory_space<vmem>>
    %dma_start3A_102 = arith.constant 0 : i32
    %dma_start3A_103 = tpu.memref_slice %arg2[%multiple_of3A_96, %dma_start3A_102] : memref<1000000x64xf32, #tpu.memory_space<hbm>> -> memref<8x64xf32, #tpu.memory_space<hbm>>
    %dma_start3A_104 = arith.constant 0 : i32
    %dma_start3A_105 = arith.constant 0 : i32
    %dma_start3A_106 = tpu.memref_slice %arg6[%dma_start3A_97, %dma_start3A_104, %dma_start3A_105] : memref<32x8x64xf32, #tpu.memory_space<vmem>> -> memref<1x8x64xf32, #tpu.memory_space<vmem>>
    %dma_start3A_107 = tpu.memref_squeeze %dma_start3A_106 : memref<1x8x64xf32, #tpu.memory_space<vmem>> -> memref<8x64xf32, #tpu.memory_space<vmem>>
    %dma_start3A_108 = arith.constant 0 : i32
    %dma_start3A_109 = tpu.memref_slice %arg2[%multiple_of3A_96, %dma_start3A_108] : memref<1000000x64xf32, #tpu.memory_space<hbm>> -> memref<8x64xf32, #tpu.memory_space<hbm>>
    tpu.enqueue_dma source(%dma_start3A_109 : memref<8x64xf32, #tpu.memory_space<hbm>>) target(%dma_start3A_107 : memref<8x64xf32, #tpu.memory_space<vmem>>) target_semaphore(%arg8 : memref<!tpu.dma_semaphore, #tpu.memory_space<semaphore_mem>>)
    %slice3A_110 = vector.extract_strided_slice %get3A_6 {offsets = [6], sizes = [1], strides = [1]} : vector<16xi32> to vector<1xi32>
    %squeeze3A_111 = vector.extract %slice3A_110[0] : i32 from vector<1xi32>
    %and3A_112 = arith.constant -8 : i32
    %and3A_113 = arith.andi %squeeze3A_111, %and3A_112 : i32
    %multiple_of3A_114 = tpu.assume_multiple %and3A_113, 8 : i32
    %dma_start3A_115 = arith.constant 6 : i32
    %dma_start3A_116 = arith.constant 0 : i32
    %dma_start3A_117 = arith.constant 0 : i32
    %dma_start3A_118 = tpu.memref_slice %arg6[%dma_start3A_115, %dma_start3A_116, %dma_start3A_117] : memref<32x8x64xf32, #tpu.memory_space<vmem>> -> memref<1x8x64xf32, #tpu.memory_space<vmem>>
    %dma_start3A_119 = tpu.memref_squeeze %dma_start3A_118 : memref<1x8x64xf32, #tpu.memory_space<vmem>> -> memref<8x64xf32, #tpu.memory_space<vmem>>
    %dma_start3A_120 = arith.constant 0 : i32
    %dma_start3A_121 = tpu.memref_slice %arg2[%multiple_of3A_114, %dma_start3A_120] : memref<1000000x64xf32, #tpu.memory_space<hbm>> -> memref<8x64xf32, #tpu.memory_space<hbm>>
    %dma_start3A_122 = arith.constant 0 : i32
    %dma_start3A_123 = arith.constant 0 : i32
    %dma_start3A_124 = tpu.memref_slice %arg6[%dma_start3A_115, %dma_start3A_122, %dma_start3A_123] : memref<32x8x64xf32, #tpu.memory_space<vmem>> -> memref<1x8x64xf32, #tpu.memory_space<vmem>>
    %dma_start3A_125 = tpu.memref_squeeze %dma_start3A_124 : memref<1x8x64xf32, #tpu.memory_space<vmem>> -> memref<8x64xf32, #tpu.memory_space<vmem>>
    %dma_start3A_126 = arith.constant 0 : i32
    %dma_start3A_127 = tpu.memref_slice %arg2[%multiple_of3A_114, %dma_start3A_126] : memref<1000000x64xf32, #tpu.memory_space<hbm>> -> memref<8x64xf32, #tpu.memory_space<hbm>>
    tpu.enqueue_dma source(%dma_start3A_127 : memref<8x64xf32, #tpu.memory_space<hbm>>) target(%dma_start3A_125 : memref<8x64xf32, #tpu.memory_space<vmem>>) target_semaphore(%arg8 : memref<!tpu.dma_semaphore, #tpu.memory_space<semaphore_mem>>)
    %slice3A_128 = vector.extract_strided_slice %get3A_6 {offsets = [7], sizes = [1], strides = [1]} : vector<16xi32> to vector<1xi32>
    %squeeze3A_129 = vector.extract %slice3A_128[0] : i32 from vector<1xi32>
    %and3A_130 = arith.constant -8 : i32
    %and3A_131 = arith.andi %squeeze3A_129, %and3A_130 : i32
    %multiple_of3A_132 = tpu.assume_multiple %and3A_131, 8 : i32
    %dma_start3A_133 = arith.constant 7 : i32
    %dma_start3A_134 = arith.constant 0 : i32
    %dma_start3A_135 = arith.constant 0 : i32
    %dma_start3A_136 = tpu.memref_slice %arg6[%dma_start3A_133, %dma_start3A_134, %dma_start3A_135] : memref<32x8x64xf32, #tpu.memory_space<vmem>> -> memref<1x8x64xf32, #tpu.memory_space<vmem>>
    %dma_start3A_137 = tpu.memref_squeeze %dma_start3A_136 : memref<1x8x64xf32, #tpu.memory_space<vmem>> -> memref<8x64xf32, #tpu.memory_space<vmem>>
    %dma_start3A_138 = arith.constant 0 : i32
    %dma_start3A_139 = tpu.memref_slice %arg2[%multiple_of3A_132, %dma_start3A_138] : memref<1000000x64xf32, #tpu.memory_space<hbm>> -> memref<8x64xf32, #tpu.memory_space<hbm>>
    %dma_start3A_140 = arith.constant 0 : i32
    %dma_start3A_141 = arith.constant 0 : i32
    %dma_start3A_142 = tpu.memref_slice %arg6[%dma_start3A_133, %dma_start3A_140, %dma_start3A_141] : memref<32x8x64xf32, #tpu.memory_space<vmem>> -> memref<1x8x64xf32, #tpu.memory_space<vmem>>
    %dma_start3A_143 = tpu.memref_squeeze %dma_start3A_142 : memref<1x8x64xf32, #tpu.memory_space<vmem>> -> memref<8x64xf32, #tpu.memory_space<vmem>>
    %dma_start3A_144 = arith.constant 0 : i32
    %dma_start3A_145 = tpu.memref_slice %arg2[%multiple_of3A_132, %dma_start3A_144] : memref<1000000x64xf32, #tpu.memory_space<hbm>> -> memref<8x64xf32, #tpu.memory_space<hbm>>
    tpu.enqueue_dma source(%dma_start3A_145 : memref<8x64xf32, #tpu.memory_space<hbm>>) target(%dma_start3A_143 : memref<8x64xf32, #tpu.memory_space<vmem>>) target_semaphore(%arg8 : memref<!tpu.dma_semaphore, #tpu.memory_space<semaphore_mem>>)
    %slice3A_146 = vector.extract_strided_slice %get3A_6 {offsets = [8], sizes = [1], strides = [1]} : vector<16xi32> to vector<1xi32>
    %squeeze3A_147 = vector.extract %slice3A_146[0] : i32 from vector<1xi32>
    %and3A_148 = arith.constant -8 : i32
    %and3A_149 = arith.andi %squeeze3A_147, %and3A_148 : i32
    %multiple_of3A_150 = tpu.assume_multiple %and3A_149, 8 : i32
    %dma_start3A_151 = arith.constant 8 : i32
    %dma_start3A_152 = arith.constant 0 : i32
    %dma_start3A_153 = arith.constant 0 : i32
    %dma_start3A_154 = tpu.memref_slice %arg6[%dma_start3A_151, %dma_start3A_152, %dma_start3A_153] : memref<32x8x64xf32, #tpu.memory_space<vmem>> -> memref<1x8x64xf32, #tpu.memory_space<vmem>>
    %dma_start3A_155 = tpu.memref_squeeze %dma_start3A_154 : memref<1x8x64xf32, #tpu.memory_space<vmem>> -> memref<8x64xf32, #tpu.memory_space<vmem>>
    %dma_start3A_156 = arith.constant 0 : i32
    %dma_start3A_157 = tpu.memref_slice %arg2[%multiple_of3A_150, %dma_start3A_156] : memref<1000000x64xf32, #tpu.memory_space<hbm>> -> memref<8x64xf32, #tpu.memory_space<hbm>>
    %dma_start3A_158 = arith.constant 0 : i32
    %dma_start3A_159 = arith.constant 0 : i32
    %dma_start3A_160 = tpu.memref_slice %arg6[%dma_start3A_151, %dma_start3A_158, %dma_start3A_159] : memref<32x8x64xf32, #tpu.memory_space<vmem>> -> memref<1x8x64xf32, #tpu.memory_space<vmem>>
    %dma_start3A_161 = tpu.memref_squeeze %dma_start3A_160 : memref<1x8x64xf32, #tpu.memory_space<vmem>> -> memref<8x64xf32, #tpu.memory_space<vmem>>
    %dma_start3A_162 = arith.constant 0 : i32
    %dma_start3A_163 = tpu.memref_slice %arg2[%multiple_of3A_150, %dma_start3A_162] : memref<1000000x64xf32, #tpu.memory_space<hbm>> -> memref<8x64xf32, #tpu.memory_space<hbm>>
    tpu.enqueue_dma source(%dma_start3A_163 : memref<8x64xf32, #tpu.memory_space<hbm>>) target(%dma_start3A_161 : memref<8x64xf32, #tpu.memory_space<vmem>>) target_semaphore(%arg8 : memref<!tpu.dma_semaphore, #tpu.memory_space<semaphore_mem>>)
    %slice3A_164 = vector.extract_strided_slice %get3A_6 {offsets = [9], sizes = [1], strides = [1]} : vector<16xi32> to vector<1xi32>
    %squeeze3A_165 = vector.extract %slice3A_164[0] : i32 from vector<1xi32>
    %and3A_166 = arith.constant -8 : i32
    %and3A_167 = arith.andi %squeeze3A_165, %and3A_166 : i32
    %multiple_of3A_168 = tpu.assume_multiple %and3A_167, 8 : i32
    %dma_start3A_169 = arith.constant 9 : i32
    %dma_start3A_170 = arith.constant 0 : i32
    %dma_start3A_171 = arith.constant 0 : i32
    %dma_start3A_172 = tpu.memref_slice %arg6[%dma_start3A_169, %dma_start3A_170, %dma_start3A_171] : memref<32x8x64xf32, #tpu.memory_space<vmem>> -> memref<1x8x64xf32, #tpu.memory_space<vmem>>
    %dma_start3A_173 = tpu.memref_squeeze %dma_start3A_172 : memref<1x8x64xf32, #tpu.memory_space<vmem>> -> memref<8x64xf32, #tpu.memory_space<vmem>>
    %dma_start3A_174 = arith.constant 0 : i32
    %dma_start3A_175 = tpu.memref_slice %arg2[%multiple_of3A_168, %dma_start3A_174] : memref<1000000x64xf32, #tpu.memory_space<hbm>> -> memref<8x64xf32, #tpu.memory_space<hbm>>
    %dma_start3A_176 = arith.constant 0 : i32
    %dma_start3A_177 = arith.constant 0 : i32
    %dma_start3A_178 = tpu.memref_slice %arg6[%dma_start3A_169, %dma_start3A_176, %dma_start3A_177] : memref<32x8x64xf32, #tpu.memory_space<vmem>> -> memref<1x8x64xf32, #tpu.memory_space<vmem>>
    %dma_start3A_179 = tpu.memref_squeeze %dma_start3A_178 : memref<1x8x64xf32, #tpu.memory_space<vmem>> -> memref<8x64xf32, #tpu.memory_space<vmem>>
    %dma_start3A_180 = arith.constant 0 : i32
    %dma_start3A_181 = tpu.memref_slice %arg2[%multiple_of3A_168, %dma_start3A_180] : memref<1000000x64xf32, #tpu.memory_space<hbm>> -> memref<8x64xf32, #tpu.memory_space<hbm>>
    tpu.enqueue_dma source(%dma_start3A_181 : memref<8x64xf32, #tpu.memory_space<hbm>>) target(%dma_start3A_179 : memref<8x64xf32, #tpu.memory_space<vmem>>) target_semaphore(%arg8 : memref<!tpu.dma_semaphore, #tpu.memory_space<semaphore_mem>>)
    %slice3A_182 = vector.extract_strided_slice %get3A_6 {offsets = [10], sizes = [1], strides = [1]} : vector<16xi32> to vector<1xi32>
    %squeeze3A_183 = vector.extract %slice3A_182[0] : i32 from vector<1xi32>
    %and3A_184 = arith.constant -8 : i32
    %and3A_185 = arith.andi %squeeze3A_183, %and3A_184 : i32
    %multiple_of3A_186 = tpu.assume_multiple %and3A_185, 8 : i32
    %dma_start3A_187 = arith.constant 10 : i32
    %dma_start3A_188 = arith.constant 0 : i32
    %dma_start3A_189 = arith.constant 0 : i32
    %dma_start3A_190 = tpu.memref_slice %arg6[%dma_start3A_187, %dma_start3A_188, %dma_start3A_189] : memref<32x8x64xf32, #tpu.memory_space<vmem>> -> memref<1x8x64xf32, #tpu.memory_space<vmem>>
    %dma_start3A_191 = tpu.memref_squeeze %dma_start3A_190 : memref<1x8x64xf32, #tpu.memory_space<vmem>> -> memref<8x64xf32, #tpu.memory_space<vmem>>
    %dma_start3A_192 = arith.constant 0 : i32
    %dma_start3A_193 = tpu.memref_slice %arg2[%multiple_of3A_186, %dma_start3A_192] : memref<1000000x64xf32, #tpu.memory_space<hbm>> -> memref<8x64xf32, #tpu.memory_space<hbm>>
    %dma_start3A_194 = arith.constant 0 : i32
    %dma_start3A_195 = arith.constant 0 : i32
    %dma_start3A_196 = tpu.memref_slice %arg6[%dma_start3A_187, %dma_start3A_194, %dma_start3A_195] : memref<32x8x64xf32, #tpu.memory_space<vmem>> -> memref<1x8x64xf32, #tpu.memory_space<vmem>>
    %dma_start3A_197 = tpu.memref_squeeze %dma_start3A_196 : memref<1x8x64xf32, #tpu.memory_space<vmem>> -> memref<8x64xf32, #tpu.memory_space<vmem>>
    %dma_start3A_198 = arith.constant 0 : i32
    %dma_start3A_199 = tpu.memref_slice %arg2[%multiple_of3A_186, %dma_start3A_198] : memref<1000000x64xf32, #tpu.memory_space<hbm>> -> memref<8x64xf32, #tpu.memory_space<hbm>>
    tpu.enqueue_dma source(%dma_start3A_199 : memref<8x64xf32, #tpu.memory_space<hbm>>) target(%dma_start3A_197 : memref<8x64xf32, #tpu.memory_space<vmem>>) target_semaphore(%arg8 : memref<!tpu.dma_semaphore, #tpu.memory_space<semaphore_mem>>)
    %slice3A_200 = vector.extract_strided_slice %get3A_6 {offsets = [11], sizes = [1], strides = [1]} : vector<16xi32> to vector<1xi32>
    %squeeze3A_201 = vector.extract %slice3A_200[0] : i32 from vector<1xi32>
    %and3A_202 = arith.constant -8 : i32
    %and3A_203 = arith.andi %squeeze3A_201, %and3A_202 : i32
    %multiple_of3A_204 = tpu.assume_multiple %and3A_203, 8 : i32
    %dma_start3A_205 = arith.constant 11 : i32
    %dma_start3A_206 = arith.constant 0 : i32
    %dma_start3A_207 = arith.constant 0 : i32
    %dma_start3A_208 = tpu.memref_slice %arg6[%dma_start3A_205, %dma_start3A_206, %dma_start3A_207] : memref<32x8x64xf32, #tpu.memory_space<vmem>> -> memref<1x8x64xf32, #tpu.memory_space<vmem>>
    %dma_start3A_209 = tpu.memref_squeeze %dma_start3A_208 : memref<1x8x64xf32, #tpu.memory_space<vmem>> -> memref<8x64xf32, #tpu.memory_space<vmem>>
    %dma_start3A_210 = arith.constant 0 : i32
    %dma_start3A_211 = tpu.memref_slice %arg2[%multiple_of3A_204, %dma_start3A_210] : memref<1000000x64xf32, #tpu.memory_space<hbm>> -> memref<8x64xf32, #tpu.memory_space<hbm>>
    %dma_start3A_212 = arith.constant 0 : i32
    %dma_start3A_213 = arith.constant 0 : i32
    %dma_start3A_214 = tpu.memref_slice %arg6[%dma_start3A_205, %dma_start3A_212, %dma_start3A_213] : memref<32x8x64xf32, #tpu.memory_space<vmem>> -> memref<1x8x64xf32, #tpu.memory_space<vmem>>
    %dma_start3A_215 = tpu.memref_squeeze %dma_start3A_214 : memref<1x8x64xf32, #tpu.memory_space<vmem>> -> memref<8x64xf32, #tpu.memory_space<vmem>>
    %dma_start3A_216 = arith.constant 0 : i32
    %dma_start3A_217 = tpu.memref_slice %arg2[%multiple_of3A_204, %dma_start3A_216] : memref<1000000x64xf32, #tpu.memory_space<hbm>> -> memref<8x64xf32, #tpu.memory_space<hbm>>
    tpu.enqueue_dma source(%dma_start3A_217 : memref<8x64xf32, #tpu.memory_space<hbm>>) target(%dma_start3A_215 : memref<8x64xf32, #tpu.memory_space<vmem>>) target_semaphore(%arg8 : memref<!tpu.dma_semaphore, #tpu.memory_space<semaphore_mem>>)
    %slice3A_218 = vector.extract_strided_slice %get3A_6 {offsets = [12], sizes = [1], strides = [1]} : vector<16xi32> to vector<1xi32>
    %squeeze3A_219 = vector.extract %slice3A_218[0] : i32 from vector<1xi32>
    %and3A_220 = arith.constant -8 : i32
    %and3A_221 = arith.andi %squeeze3A_219, %and3A_220 : i32
    %multiple_of3A_222 = tpu.assume_multiple %and3A_221, 8 : i32
    %dma_start3A_223 = arith.constant 12 : i32
    %dma_start3A_224 = arith.constant 0 : i32
    %dma_start3A_225 = arith.constant 0 : i32
    %dma_start3A_226 = tpu.memref_slice %arg6[%dma_start3A_223, %dma_start3A_224, %dma_start3A_225] : memref<32x8x64xf32, #tpu.memory_space<vmem>> -> memref<1x8x64xf32, #tpu.memory_space<vmem>>
    %dma_start3A_227 = tpu.memref_squeeze %dma_start3A_226 : memref<1x8x64xf32, #tpu.memory_space<vmem>> -> memref<8x64xf32, #tpu.memory_space<vmem>>
    %dma_start3A_228 = arith.constant 0 : i32
    %dma_start3A_229 = tpu.memref_slice %arg2[%multiple_of3A_222, %dma_start3A_228] : memref<1000000x64xf32, #tpu.memory_space<hbm>> -> memref<8x64xf32, #tpu.memory_space<hbm>>
    %dma_start3A_230 = arith.constant 0 : i32
    %dma_start3A_231 = arith.constant 0 : i32
    %dma_start3A_232 = tpu.memref_slice %arg6[%dma_start3A_223, %dma_start3A_230, %dma_start3A_231] : memref<32x8x64xf32, #tpu.memory_space<vmem>> -> memref<1x8x64xf32, #tpu.memory_space<vmem>>
    %dma_start3A_233 = tpu.memref_squeeze %dma_start3A_232 : memref<1x8x64xf32, #tpu.memory_space<vmem>> -> memref<8x64xf32, #tpu.memory_space<vmem>>
    %dma_start3A_234 = arith.constant 0 : i32
    %dma_start3A_235 = tpu.memref_slice %arg2[%multiple_of3A_222, %dma_start3A_234] : memref<1000000x64xf32, #tpu.memory_space<hbm>> -> memref<8x64xf32, #tpu.memory_space<hbm>>
    tpu.enqueue_dma source(%dma_start3A_235 : memref<8x64xf32, #tpu.memory_space<hbm>>) target(%dma_start3A_233 : memref<8x64xf32, #tpu.memory_space<vmem>>) target_semaphore(%arg8 : memref<!tpu.dma_semaphore, #tpu.memory_space<semaphore_mem>>)
    %slice3A_236 = vector.extract_strided_slice %get3A_6 {offsets = [13], sizes = [1], strides = [1]} : vector<16xi32> to vector<1xi32>
    %squeeze3A_237 = vector.extract %slice3A_236[0] : i32 from vector<1xi32>
    %and3A_238 = arith.constant -8 : i32
    %and3A_239 = arith.andi %squeeze3A_237, %and3A_238 : i32
    %multiple_of3A_240 = tpu.assume_multiple %and3A_239, 8 : i32
    %dma_start3A_241 = arith.constant 13 : i32
    %dma_start3A_242 = arith.constant 0 : i32
    %dma_start3A_243 = arith.constant 0 : i32
    %dma_start3A_244 = tpu.memref_slice %arg6[%dma_start3A_241, %dma_start3A_242, %dma_start3A_243] : memref<32x8x64xf32, #tpu.memory_space<vmem>> -> memref<1x8x64xf32, #tpu.memory_space<vmem>>
    %dma_start3A_245 = tpu.memref_squeeze %dma_start3A_244 : memref<1x8x64xf32, #tpu.memory_space<vmem>> -> memref<8x64xf32, #tpu.memory_space<vmem>>
    %dma_start3A_246 = arith.constant 0 : i32
    %dma_start3A_247 = tpu.memref_slice %arg2[%multiple_of3A_240, %dma_start3A_246] : memref<1000000x64xf32, #tpu.memory_space<hbm>> -> memref<8x64xf32, #tpu.memory_space<hbm>>
    %dma_start3A_248 = arith.constant 0 : i32
    %dma_start3A_249 = arith.constant 0 : i32
    %dma_start3A_250 = tpu.memref_slice %arg6[%dma_start3A_241, %dma_start3A_248, %dma_start3A_249] : memref<32x8x64xf32, #tpu.memory_space<vmem>> -> memref<1x8x64xf32, #tpu.memory_space<vmem>>
    %dma_start3A_251 = tpu.memref_squeeze %dma_start3A_250 : memref<1x8x64xf32, #tpu.memory_space<vmem>> -> memref<8x64xf32, #tpu.memory_space<vmem>>
    %dma_start3A_252 = arith.constant 0 : i32
    %dma_start3A_253 = tpu.memref_slice %arg2[%multiple_of3A_240, %dma_start3A_252] : memref<1000000x64xf32, #tpu.memory_space<hbm>> -> memref<8x64xf32, #tpu.memory_space<hbm>>
    tpu.enqueue_dma source(%dma_start3A_253 : memref<8x64xf32, #tpu.memory_space<hbm>>) target(%dma_start3A_251 : memref<8x64xf32, #tpu.memory_space<vmem>>) target_semaphore(%arg8 : memref<!tpu.dma_semaphore, #tpu.memory_space<semaphore_mem>>)
    %slice3A_254 = vector.extract_strided_slice %get3A_6 {offsets = [14], sizes = [1], strides = [1]} : vector<16xi32> to vector<1xi32>
    %squeeze3A_255 = vector.extract %slice3A_254[0] : i32 from vector<1xi32>
    %and3A_256 = arith.constant -8 : i32
    %and3A_257 = arith.andi %squeeze3A_255, %and3A_256 : i32
    %multiple_of3A_258 = tpu.assume_multiple %and3A_257, 8 : i32
    %dma_start3A_259 = arith.constant 14 : i32
    %dma_start3A_260 = arith.constant 0 : i32
    %dma_start3A_261 = arith.constant 0 : i32
    %dma_start3A_262 = tpu.memref_slice %arg6[%dma_start3A_259, %dma_start3A_260, %dma_start3A_261] : memref<32x8x64xf32, #tpu.memory_space<vmem>> -> memref<1x8x64xf32, #tpu.memory_space<vmem>>
    %dma_start3A_263 = tpu.memref_squeeze %dma_start3A_262 : memref<1x8x64xf32, #tpu.memory_space<vmem>> -> memref<8x64xf32, #tpu.memory_space<vmem>>
    %dma_start3A_264 = arith.constant 0 : i32
    %dma_start3A_265 = tpu.memref_slice %arg2[%multiple_of3A_258, %dma_start3A_264] : memref<1000000x64xf32, #tpu.memory_space<hbm>> -> memref<8x64xf32, #tpu.memory_space<hbm>>
    %dma_start3A_266 = arith.constant 0 : i32
    %dma_start3A_267 = arith.constant 0 : i32
    %dma_start3A_268 = tpu.memref_slice %arg6[%dma_start3A_259, %dma_start3A_266, %dma_start3A_267] : memref<32x8x64xf32, #tpu.memory_space<vmem>> -> memref<1x8x64xf32, #tpu.memory_space<vmem>>
    %dma_start3A_269 = tpu.memref_squeeze %dma_start3A_268 : memref<1x8x64xf32, #tpu.memory_space<vmem>> -> memref<8x64xf32, #tpu.memory_space<vmem>>
    %dma_start3A_270 = arith.constant 0 : i32
    %dma_start3A_271 = tpu.memref_slice %arg2[%multiple_of3A_258, %dma_start3A_270] : memref<1000000x64xf32, #tpu.memory_space<hbm>> -> memref<8x64xf32, #tpu.memory_space<hbm>>
    tpu.enqueue_dma source(%dma_start3A_271 : memref<8x64xf32, #tpu.memory_space<hbm>>) target(%dma_start3A_269 : memref<8x64xf32, #tpu.memory_space<vmem>>) target_semaphore(%arg8 : memref<!tpu.dma_semaphore, #tpu.memory_space<semaphore_mem>>)
    %slice3A_272 = vector.extract_strided_slice %get3A_6 {offsets = [15], sizes = [1], strides = [1]} : vector<16xi32> to vector<1xi32>
    %squeeze3A_273 = vector.extract %slice3A_272[0] : i32 from vector<1xi32>
    %and3A_274 = arith.constant -8 : i32
    %and3A_275 = arith.andi %squeeze3A_273, %and3A_274 : i32
    %multiple_of3A_276 = tpu.assume_multiple %and3A_275, 8 : i32
    %dma_start3A_277 = arith.constant 15 : i32
    %dma_start3A_278 = arith.constant 0 : i32
    %dma_start3A_279 = arith.constant 0 : i32
    %dma_start3A_280 = tpu.memref_slice %arg6[%dma_start3A_277, %dma_start3A_278, %dma_start3A_279] : memref<32x8x64xf32, #tpu.memory_space<vmem>> -> memref<1x8x64xf32, #tpu.memory_space<vmem>>
    %dma_start3A_281 = tpu.memref_squeeze %dma_start3A_280 : memref<1x8x64xf32, #tpu.memory_space<vmem>> -> memref<8x64xf32, #tpu.memory_space<vmem>>
    %dma_start3A_282 = arith.constant 0 : i32
    %dma_start3A_283 = tpu.memref_slice %arg2[%multiple_of3A_276, %dma_start3A_282] : memref<1000000x64xf32, #tpu.memory_space<hbm>> -> memref<8x64xf32, #tpu.memory_space<hbm>>
    %dma_start3A_284 = arith.constant 0 : i32
    %dma_start3A_285 = arith.constant 0 : i32
    %dma_start3A_286 = tpu.memref_slice %arg6[%dma_start3A_277, %dma_start3A_284, %dma_start3A_285] : memref<32x8x64xf32, #tpu.memory_space<vmem>> -> memref<1x8x64xf32, #tpu.memory_space<vmem>>
    %dma_start3A_287 = tpu.memref_squeeze %dma_start3A_286 : memref<1x8x64xf32, #tpu.memory_space<vmem>> -> memref<8x64xf32, #tpu.memory_space<vmem>>
    %dma_start3A_288 = arith.constant 0 : i32
    %dma_start3A_289 = tpu.memref_slice %arg2[%multiple_of3A_276, %dma_start3A_288] : memref<1000000x64xf32, #tpu.memory_space<hbm>> -> memref<8x64xf32, #tpu.memory_space<hbm>>
    tpu.enqueue_dma source(%dma_start3A_289 : memref<8x64xf32, #tpu.memory_space<hbm>>) target(%dma_start3A_287 : memref<8x64xf32, #tpu.memory_space<vmem>>) target_semaphore(%arg8 : memref<!tpu.dma_semaphore, #tpu.memory_space<semaphore_mem>>)
    %scan3A = arith.constant 0 : i32
    %scan3A_290 = arith.constant 64 : i32
    %scan3A_291 = arith.addi %scan3A, %scan3A_290 : i32
    %scan3A_292 = arith.constant 1 : i32
    scf.for %scan3A_319 = %scan3A to %scan3A_291 step %scan3A_292  : i32 {
      %mul3A_320 = arith.constant 1 : i32
      %mul3A_321 = arith.muli %scan3A_319, %mul3A_320 : i32
      %add3A_322 = arith.constant 0 : i32
      %add3A_323 = arith.addi %add3A_322, %mul3A_321 : i32
      %mul3A_324 = arith.constant 2 : i32
      %mul3A_325 = arith.muli %mul3A_324, %add3A_323 : i32
      %ge3A = arith.constant 2 : i32
      %ge3A_326 = arith.cmpi sge, %mul3A_325, %ge3A : i32
      %convert_element_type3A = arith.extui %ge3A_326 : i1 to i32
      %cond3A = arith.constant 0 : i32
      %cond3A_327 = arith.cmpi ne, %convert_element_type3A, %cond3A : i32
      scf.if %cond3A_327 {
        %dma_wait3A_3194 = arith.constant 0 : i32
        %dma_wait3A_3195 = arith.constant 0 : i32
        %dma_wait3A_3196 = arith.constant 0 : i32
        %dma_wait3A_3197 = tpu.memref_slice %arg7[%dma_wait3A_3194, %dma_wait3A_3195, %dma_wait3A_3196] : memref<2x16x64xf32, #tpu.memory_space<vmem>> -> memref<1x16x64xf32, #tpu.memory_space<vmem>>
        %dma_wait3A_3198 = tpu.memref_squeeze %dma_wait3A_3197 : memref<1x16x64xf32, #tpu.memory_space<vmem>> -> memref<16x64xf32, #tpu.memory_space<vmem>>
        %dma_wait3A_3199 = arith.constant 0 : i32
        %dma_wait3A_3200 = tpu.memref_slice %arg4[%mul3A_2, %dma_wait3A_3199] : memref<65536x64xf32, #tpu.memory_space<hbm>> -> memref<16x64xf32, #tpu.memory_space<hbm>>
        %dma_wait3A_3201 = arith.constant 0 : i32
        %dma_wait3A_3202 = tpu.memref_slice %arg4[%mul3A_2, %dma_wait3A_3201] : memref<65536x64xf32, #tpu.memory_space<hbm>> -> memref<16x64xf32, #tpu.memory_space<hbm>>
        %dma_wait3A_3203 = arith.constant 0 : i32
        %dma_wait3A_3204 = arith.constant 0 : i32
        %dma_wait3A_3205 = tpu.memref_slice %arg7[%dma_wait3A_3194, %dma_wait3A_3203, %dma_wait3A_3204] : memref<2x16x64xf32, #tpu.memory_space<vmem>> -> memref<1x16x64xf32, #tpu.memory_space<vmem>>
        %dma_wait3A_3206 = tpu.memref_squeeze %dma_wait3A_3205 : memref<1x16x64xf32, #tpu.memory_space<vmem>> -> memref<16x64xf32, #tpu.memory_space<vmem>>
        tpu.wait_dma2 semaphore(%arg10 : memref<!tpu.dma_semaphore, #tpu.memory_space<semaphore_mem>>) src(%dma_wait3A_3206 : memref<16x64xf32, #tpu.memory_space<vmem>>) dst(%dma_wait3A_3202 : memref<16x64xf32, #tpu.memory_space<hbm>>)
      } else {
      }
      %add3A_328 = arith.constant 1 : i32
      %add3A_329 = arith.addi %mul3A_325, %add3A_328 : i32
      %jit3A = arith.constant 8 : i32
      %div3A = arith.divsi %add3A_329, %jit3A : i32
      %sign3A = arith.constant 0 : i32
      %sign3A_330 = arith.cmpi sgt, %add3A_329, %sign3A : i32
      %sign3A_331 = arith.extui %sign3A_330 : i1 to i32
      %sign3A_332 = arith.constant 0 : i32
      %sign3A_333 = arith.cmpi slt, %add3A_329, %sign3A_332 : i32
      %sign3A_334 = arith.extui %sign3A_333 : i1 to i32
      %sign3A_335 = arith.subi %sign3A_331, %sign3A_334 : i32
      %sign3A_336 = arith.constant 0 : i32
      %sign3A_337 = arith.cmpi sgt, %jit3A, %sign3A_336 : i32
      %sign3A_338 = arith.extui %sign3A_337 : i1 to i32
      %sign3A_339 = arith.constant 0 : i32
      %sign3A_340 = arith.cmpi slt, %jit3A, %sign3A_339 : i32
      %sign3A_341 = arith.extui %sign3A_340 : i1 to i32
      %sign3A_342 = arith.subi %sign3A_338, %sign3A_341 : i32
      %ne3A = arith.cmpi ne, %sign3A_335, %sign3A_342 : i32
      %rem3A = arith.remsi %add3A_329, %jit3A : i32
      %ne3A_343 = arith.constant 0 : i32
      %ne3A_344 = arith.cmpi ne, %rem3A, %ne3A_343 : i32
      %and3A_345 = arith.andi %ne3A, %ne3A_344 : i1
      %sub3A = arith.constant 1 : i32
      %sub3A_346 = arith.subi %div3A, %sub3A : i32
      %select_n3A = arith.select %and3A_345, %sub3A_346, %div3A : i32
      %jit3A_347 = arith.constant 8 : i32
      %eq3A = arith.constant 0 : i32
      %eq3A_348 = arith.cmpi eq, %jit3A_347, %eq3A : i32
      %jit3A_349 = arith.constant 1 : i32
      %select_n3A_350 = arith.select %eq3A_348, %jit3A_349, %jit3A_347 : i32
      %rem3A_351 = arith.remsi %add3A_329, %select_n3A_350 : i32
      %ne3A_352 = arith.constant 0 : i32
      %ne3A_353 = arith.cmpi ne, %rem3A_351, %ne3A_352 : i32
      %lt3A = arith.constant 0 : i32
      %lt3A_354 = arith.cmpi slt, %rem3A_351, %lt3A : i32
      %lt3A_355 = arith.constant 0 : i32
      %lt3A_356 = arith.cmpi slt, %select_n3A_350, %lt3A_355 : i32
      %ne3A_357 = arith.xori %lt3A_354, %lt3A_356 : i1
      %and3A_358 = arith.andi %ne3A_357, %ne3A_353 : i1
      %add3A_359 = arith.addi %rem3A_351, %select_n3A_350 : i32
      %select_n3A_360 = arith.select %and3A_358, %add3A_359, %rem3A_351 : i32
      %mul3A_361 = arith.constant 16 : i32
      %mul3A_362 = arith.muli %select_n3A_360, %mul3A_361 : i32
      %get3A_363 = arith.index_cast %select_n3A : i32 to index
      %get3A_364 = arith.index_cast %mul3A_362 : i32 to index
      %get3A_365 = tpu.vector_load %arg5[%get3A_363, %get3A_364] {strides = array<i32>} : memref<16x128xi32, #tpu.memory_space<vmem>>, vector<1x16xi32>,
      %get3A_366 = vector.shape_cast %get3A_365 : vector<1x16xi32> to vector<16xi32>
      %slice3A_367 = vector.extract_strided_slice %get3A_366 {offsets = [0], sizes = [1], strides = [1]} : vector<16xi32> to vector<1xi32>
      %squeeze3A_368 = vector.extract %slice3A_367[0] : i32 from vector<1xi32>
      %and3A_369 = arith.constant -8 : i32
      %and3A_370 = arith.andi %squeeze3A_368, %and3A_369 : i32
      %multiple_of3A_371 = tpu.assume_multiple %and3A_370, 8 : i32
      %dma_start3A_372 = arith.constant 16 : i32
      %dma_start3A_373 = arith.constant 0 : i32
      %dma_start3A_374 = arith.constant 0 : i32
      %dma_start3A_375 = tpu.memref_slice %arg6[%dma_start3A_372, %dma_start3A_373, %dma_start3A_374] : memref<32x8x64xf32, #tpu.memory_space<vmem>> -> memref<1x8x64xf32, #tpu.memory_space<vmem>>
      %dma_start3A_376 = tpu.memref_squeeze %dma_start3A_375 : memref<1x8x64xf32, #tpu.memory_space<vmem>> -> memref<8x64xf32, #tpu.memory_space<vmem>>
      %dma_start3A_377 = arith.constant 0 : i32
      %dma_start3A_378 = tpu.memref_slice %arg2[%multiple_of3A_371, %dma_start3A_377] : memref<1000000x64xf32, #tpu.memory_space<hbm>> -> memref<8x64xf32, #tpu.memory_space<hbm>>
      %dma_start3A_379 = arith.constant 0 : i32
      %dma_start3A_380 = arith.constant 0 : i32
      %dma_start3A_381 = tpu.memref_slice %arg6[%dma_start3A_372, %dma_start3A_379, %dma_start3A_380] : memref<32x8x64xf32, #tpu.memory_space<vmem>> -> memref<1x8x64xf32, #tpu.memory_space<vmem>>
      %dma_start3A_382 = tpu.memref_squeeze %dma_start3A_381 : memref<1x8x64xf32, #tpu.memory_space<vmem>> -> memref<8x64xf32, #tpu.memory_space<vmem>>
      %dma_start3A_383 = arith.constant 0 : i32
      %dma_start3A_384 = tpu.memref_slice %arg2[%multiple_of3A_371, %dma_start3A_383] : memref<1000000x64xf32, #tpu.memory_space<hbm>> -> memref<8x64xf32, #tpu.memory_space<hbm>>
      tpu.enqueue_dma source(%dma_start3A_384 : memref<8x64xf32, #tpu.memory_space<hbm>>) target(%dma_start3A_382 : memref<8x64xf32, #tpu.memory_space<vmem>>) target_semaphore(%arg9 : memref<!tpu.dma_semaphore, #tpu.memory_space<semaphore_mem>>)
      %slice3A_385 = vector.extract_strided_slice %get3A_366 {offsets = [1], sizes = [1], strides = [1]} : vector<16xi32> to vector<1xi32>
      %squeeze3A_386 = vector.extract %slice3A_385[0] : i32 from vector<1xi32>
      %and3A_387 = arith.constant -8 : i32
      %and3A_388 = arith.andi %squeeze3A_386, %and3A_387 : i32
      %multiple_of3A_389 = tpu.assume_multiple %and3A_388, 8 : i32
      %dma_start3A_390 = arith.constant 17 : i32
      %dma_start3A_391 = arith.constant 0 : i32
      %dma_start3A_392 = arith.constant 0 : i32
      %dma_start3A_393 = tpu.memref_slice %arg6[%dma_start3A_390, %dma_start3A_391, %dma_start3A_392] : memref<32x8x64xf32, #tpu.memory_space<vmem>> -> memref<1x8x64xf32, #tpu.memory_space<vmem>>
      %dma_start3A_394 = tpu.memref_squeeze %dma_start3A_393 : memref<1x8x64xf32, #tpu.memory_space<vmem>> -> memref<8x64xf32, #tpu.memory_space<vmem>>
      %dma_start3A_395 = arith.constant 0 : i32
      %dma_start3A_396 = tpu.memref_slice %arg2[%multiple_of3A_389, %dma_start3A_395] : memref<1000000x64xf32, #tpu.memory_space<hbm>> -> memref<8x64xf32, #tpu.memory_space<hbm>>
      %dma_start3A_397 = arith.constant 0 : i32
      %dma_start3A_398 = arith.constant 0 : i32
      %dma_start3A_399 = tpu.memref_slice %arg6[%dma_start3A_390, %dma_start3A_397, %dma_start3A_398] : memref<32x8x64xf32, #tpu.memory_space<vmem>> -> memref<1x8x64xf32, #tpu.memory_space<vmem>>
      %dma_start3A_400 = tpu.memref_squeeze %dma_start3A_399 : memref<1x8x64xf32, #tpu.memory_space<vmem>> -> memref<8x64xf32, #tpu.memory_space<vmem>>
      %dma_start3A_401 = arith.constant 0 : i32
      %dma_start3A_402 = tpu.memref_slice %arg2[%multiple_of3A_389, %dma_start3A_401] : memref<1000000x64xf32, #tpu.memory_space<hbm>> -> memref<8x64xf32, #tpu.memory_space<hbm>>
      tpu.enqueue_dma source(%dma_start3A_402 : memref<8x64xf32, #tpu.memory_space<hbm>>) target(%dma_start3A_400 : memref<8x64xf32, #tpu.memory_space<vmem>>) target_semaphore(%arg9 : memref<!tpu.dma_semaphore, #tpu.memory_space<semaphore_mem>>)
      %slice3A_403 = vector.extract_strided_slice %get3A_366 {offsets = [2], sizes = [1], strides = [1]} : vector<16xi32> to vector<1xi32>
      %squeeze3A_404 = vector.extract %slice3A_403[0] : i32 from vector<1xi32>
      %and3A_405 = arith.constant -8 : i32
      %and3A_406 = arith.andi %squeeze3A_404, %and3A_405 : i32
      %multiple_of3A_407 = tpu.assume_multiple %and3A_406, 8 : i32
      %dma_start3A_408 = arith.constant 18 : i32
      %dma_start3A_409 = arith.constant 0 : i32
      %dma_start3A_410 = arith.constant 0 : i32
      %dma_start3A_411 = tpu.memref_slice %arg6[%dma_start3A_408, %dma_start3A_409, %dma_start3A_410] : memref<32x8x64xf32, #tpu.memory_space<vmem>> -> memref<1x8x64xf32, #tpu.memory_space<vmem>>
      %dma_start3A_412 = tpu.memref_squeeze %dma_start3A_411 : memref<1x8x64xf32, #tpu.memory_space<vmem>> -> memref<8x64xf32, #tpu.memory_space<vmem>>
      %dma_start3A_413 = arith.constant 0 : i32
      %dma_start3A_414 = tpu.memref_slice %arg2[%multiple_of3A_407, %dma_start3A_413] : memref<1000000x64xf32, #tpu.memory_space<hbm>> -> memref<8x64xf32, #tpu.memory_space<hbm>>
      %dma_start3A_415 = arith.constant 0 : i32
      %dma_start3A_416 = arith.constant 0 : i32
      %dma_start3A_417 = tpu.memref_slice %arg6[%dma_start3A_408, %dma_start3A_415, %dma_start3A_416] : memref<32x8x64xf32, #tpu.memory_space<vmem>> -> memref<1x8x64xf32, #tpu.memory_space<vmem>>
      %dma_start3A_418 = tpu.memref_squeeze %dma_start3A_417 : memref<1x8x64xf32, #tpu.memory_space<vmem>> -> memref<8x64xf32, #tpu.memory_space<vmem>>
      %dma_start3A_419 = arith.constant 0 : i32
      %dma_start3A_420 = tpu.memref_slice %arg2[%multiple_of3A_407, %dma_start3A_419] : memref<1000000x64xf32, #tpu.memory_space<hbm>> -> memref<8x64xf32, #tpu.memory_space<hbm>>
      tpu.enqueue_dma source(%dma_start3A_420 : memref<8x64xf32, #tpu.memory_space<hbm>>) target(%dma_start3A_418 : memref<8x64xf32, #tpu.memory_space<vmem>>) target_semaphore(%arg9 : memref<!tpu.dma_semaphore, #tpu.memory_space<semaphore_mem>>)
      %slice3A_421 = vector.extract_strided_slice %get3A_366 {offsets = [3], sizes = [1], strides = [1]} : vector<16xi32> to vector<1xi32>
      %squeeze3A_422 = vector.extract %slice3A_421[0] : i32 from vector<1xi32>
      %and3A_423 = arith.constant -8 : i32
      %and3A_424 = arith.andi %squeeze3A_422, %and3A_423 : i32
      %multiple_of3A_425 = tpu.assume_multiple %and3A_424, 8 : i32
      %dma_start3A_426 = arith.constant 19 : i32
      %dma_start3A_427 = arith.constant 0 : i32
      %dma_start3A_428 = arith.constant 0 : i32
      %dma_start3A_429 = tpu.memref_slice %arg6[%dma_start3A_426, %dma_start3A_427, %dma_start3A_428] : memref<32x8x64xf32, #tpu.memory_space<vmem>> -> memref<1x8x64xf32, #tpu.memory_space<vmem>>
      %dma_start3A_430 = tpu.memref_squeeze %dma_start3A_429 : memref<1x8x64xf32, #tpu.memory_space<vmem>> -> memref<8x64xf32, #tpu.memory_space<vmem>>
      %dma_start3A_431 = arith.constant 0 : i32
      %dma_start3A_432 = tpu.memref_slice %arg2[%multiple_of3A_425, %dma_start3A_431] : memref<1000000x64xf32, #tpu.memory_space<hbm>> -> memref<8x64xf32, #tpu.memory_space<hbm>>
      %dma_start3A_433 = arith.constant 0 : i32
      %dma_start3A_434 = arith.constant 0 : i32
      %dma_start3A_435 = tpu.memref_slice %arg6[%dma_start3A_426, %dma_start3A_433, %dma_start3A_434] : memref<32x8x64xf32, #tpu.memory_space<vmem>> -> memref<1x8x64xf32, #tpu.memory_space<vmem>>
      %dma_start3A_436 = tpu.memref_squeeze %dma_start3A_435 : memref<1x8x64xf32, #tpu.memory_space<vmem>> -> memref<8x64xf32, #tpu.memory_space<vmem>>
      %dma_start3A_437 = arith.constant 0 : i32
      %dma_start3A_438 = tpu.memref_slice %arg2[%multiple_of3A_425, %dma_start3A_437] : memref<1000000x64xf32, #tpu.memory_space<hbm>> -> memref<8x64xf32, #tpu.memory_space<hbm>>
      tpu.enqueue_dma source(%dma_start3A_438 : memref<8x64xf32, #tpu.memory_space<hbm>>) target(%dma_start3A_436 : memref<8x64xf32, #tpu.memory_space<vmem>>) target_semaphore(%arg9 : memref<!tpu.dma_semaphore, #tpu.memory_space<semaphore_mem>>)
      %slice3A_439 = vector.extract_strided_slice %get3A_366 {offsets = [4], sizes = [1], strides = [1]} : vector<16xi32> to vector<1xi32>
      %squeeze3A_440 = vector.extract %slice3A_439[0] : i32 from vector<1xi32>
      %and3A_441 = arith.constant -8 : i32
      %and3A_442 = arith.andi %squeeze3A_440, %and3A_441 : i32
      %multiple_of3A_443 = tpu.assume_multiple %and3A_442, 8 : i32
      %dma_start3A_444 = arith.constant 20 : i32
      %dma_start3A_445 = arith.constant 0 : i32
      %dma_start3A_446 = arith.constant 0 : i32
      %dma_start3A_447 = tpu.memref_slice %arg6[%dma_start3A_444, %dma_start3A_445, %dma_start3A_446] : memref<32x8x64xf32, #tpu.memory_space<vmem>> -> memref<1x8x64xf32, #tpu.memory_space<vmem>>
      %dma_start3A_448 = tpu.memref_squeeze %dma_start3A_447 : memref<1x8x64xf32, #tpu.memory_space<vmem>> -> memref<8x64xf32, #tpu.memory_space<vmem>>
      %dma_start3A_449 = arith.constant 0 : i32
      %dma_start3A_450 = tpu.memref_slice %arg2[%multiple_of3A_443, %dma_start3A_449] : memref<1000000x64xf32, #tpu.memory_space<hbm>> -> memref<8x64xf32, #tpu.memory_space<hbm>>
      %dma_start3A_451 = arith.constant 0 : i32
      %dma_start3A_452 = arith.constant 0 : i32
      %dma_start3A_453 = tpu.memref_slice %arg6[%dma_start3A_444, %dma_start3A_451, %dma_start3A_452] : memref<32x8x64xf32, #tpu.memory_space<vmem>> -> memref<1x8x64xf32, #tpu.memory_space<vmem>>
      %dma_start3A_454 = tpu.memref_squeeze %dma_start3A_453 : memref<1x8x64xf32, #tpu.memory_space<vmem>> -> memref<8x64xf32, #tpu.memory_space<vmem>>
      %dma_start3A_455 = arith.constant 0 : i32
      %dma_start3A_456 = tpu.memref_slice %arg2[%multiple_of3A_443, %dma_start3A_455] : memref<1000000x64xf32, #tpu.memory_space<hbm>> -> memref<8x64xf32, #tpu.memory_space<hbm>>
      tpu.enqueue_dma source(%dma_start3A_456 : memref<8x64xf32, #tpu.memory_space<hbm>>) target(%dma_start3A_454 : memref<8x64xf32, #tpu.memory_space<vmem>>) target_semaphore(%arg9 : memref<!tpu.dma_semaphore, #tpu.memory_space<semaphore_mem>>)
      %slice3A_457 = vector.extract_strided_slice %get3A_366 {offsets = [5], sizes = [1], strides = [1]} : vector<16xi32> to vector<1xi32>
      %squeeze3A_458 = vector.extract %slice3A_457[0] : i32 from vector<1xi32>
      %and3A_459 = arith.constant -8 : i32
      %and3A_460 = arith.andi %squeeze3A_458, %and3A_459 : i32
      %multiple_of3A_461 = tpu.assume_multiple %and3A_460, 8 : i32
      %dma_start3A_462 = arith.constant 21 : i32
      %dma_start3A_463 = arith.constant 0 : i32
      %dma_start3A_464 = arith.constant 0 : i32
      %dma_start3A_465 = tpu.memref_slice %arg6[%dma_start3A_462, %dma_start3A_463, %dma_start3A_464] : memref<32x8x64xf32, #tpu.memory_space<vmem>> -> memref<1x8x64xf32, #tpu.memory_space<vmem>>
      %dma_start3A_466 = tpu.memref_squeeze %dma_start3A_465 : memref<1x8x64xf32, #tpu.memory_space<vmem>> -> memref<8x64xf32, #tpu.memory_space<vmem>>
      %dma_start3A_467 = arith.constant 0 : i32
      %dma_start3A_468 = tpu.memref_slice %arg2[%multiple_of3A_461, %dma_start3A_467] : memref<1000000x64xf32, #tpu.memory_space<hbm>> -> memref<8x64xf32, #tpu.memory_space<hbm>>
      %dma_start3A_469 = arith.constant 0 : i32
      %dma_start3A_470 = arith.constant 0 : i32
      %dma_start3A_471 = tpu.memref_slice %arg6[%dma_start3A_462, %dma_start3A_469, %dma_start3A_470] : memref<32x8x64xf32, #tpu.memory_space<vmem>> -> memref<1x8x64xf32, #tpu.memory_space<vmem>>
      %dma_start3A_472 = tpu.memref_squeeze %dma_start3A_471 : memref<1x8x64xf32, #tpu.memory_space<vmem>> -> memref<8x64xf32, #tpu.memory_space<vmem>>
      %dma_start3A_473 = arith.constant 0 : i32
      %dma_start3A_474 = tpu.memref_slice %arg2[%multiple_of3A_461, %dma_start3A_473] : memref<1000000x64xf32, #tpu.memory_space<hbm>> -> memref<8x64xf32, #tpu.memory_space<hbm>>
      tpu.enqueue_dma source(%dma_start3A_474 : memref<8x64xf32, #tpu.memory_space<hbm>>) target(%dma_start3A_472 : memref<8x64xf32, #tpu.memory_space<vmem>>) target_semaphore(%arg9 : memref<!tpu.dma_semaphore, #tpu.memory_space<semaphore_mem>>)
      %slice3A_475 = vector.extract_strided_slice %get3A_366 {offsets = [6], sizes = [1], strides = [1]} : vector<16xi32> to vector<1xi32>
      %squeeze3A_476 = vector.extract %slice3A_475[0] : i32 from vector<1xi32>
      %and3A_477 = arith.constant -8 : i32
      %and3A_478 = arith.andi %squeeze3A_476, %and3A_477 : i32
      %multiple_of3A_479 = tpu.assume_multiple %and3A_478, 8 : i32
      %dma_start3A_480 = arith.constant 22 : i32
      %dma_start3A_481 = arith.constant 0 : i32
      %dma_start3A_482 = arith.constant 0 : i32
      %dma_start3A_483 = tpu.memref_slice %arg6[%dma_start3A_480, %dma_start3A_481, %dma_start3A_482] : memref<32x8x64xf32, #tpu.memory_space<vmem>> -> memref<1x8x64xf32, #tpu.memory_space<vmem>>
      %dma_start3A_484 = tpu.memref_squeeze %dma_start3A_483 : memref<1x8x64xf32, #tpu.memory_space<vmem>> -> memref<8x64xf32, #tpu.memory_space<vmem>>
      %dma_start3A_485 = arith.constant 0 : i32
      %dma_start3A_486 = tpu.memref_slice %arg2[%multiple_of3A_479, %dma_start3A_485] : memref<1000000x64xf32, #tpu.memory_space<hbm>> -> memref<8x64xf32, #tpu.memory_space<hbm>>
      %dma_start3A_487 = arith.constant 0 : i32
      %dma_start3A_488 = arith.constant 0 : i32
      %dma_start3A_489 = tpu.memref_slice %arg6[%dma_start3A_480, %dma_start3A_487, %dma_start3A_488] : memref<32x8x64xf32, #tpu.memory_space<vmem>> -> memref<1x8x64xf32, #tpu.memory_space<vmem>>
      %dma_start3A_490 = tpu.memref_squeeze %dma_start3A_489 : memref<1x8x64xf32, #tpu.memory_space<vmem>> -> memref<8x64xf32, #tpu.memory_space<vmem>>
      %dma_start3A_491 = arith.constant 0 : i32
      %dma_start3A_492 = tpu.memref_slice %arg2[%multiple_of3A_479, %dma_start3A_491] : memref<1000000x64xf32, #tpu.memory_space<hbm>> -> memref<8x64xf32, #tpu.memory_space<hbm>>
      tpu.enqueue_dma source(%dma_start3A_492 : memref<8x64xf32, #tpu.memory_space<hbm>>) target(%dma_start3A_490 : memref<8x64xf32, #tpu.memory_space<vmem>>) target_semaphore(%arg9 : memref<!tpu.dma_semaphore, #tpu.memory_space<semaphore_mem>>)
      %slice3A_493 = vector.extract_strided_slice %get3A_366 {offsets = [7], sizes = [1], strides = [1]} : vector<16xi32> to vector<1xi32>
      %squeeze3A_494 = vector.extract %slice3A_493[0] : i32 from vector<1xi32>
      %and3A_495 = arith.constant -8 : i32
      %and3A_496 = arith.andi %squeeze3A_494, %and3A_495 : i32
      %multiple_of3A_497 = tpu.assume_multiple %and3A_496, 8 : i32
      %dma_start3A_498 = arith.constant 23 : i32
      %dma_start3A_499 = arith.constant 0 : i32
      %dma_start3A_500 = arith.constant 0 : i32
      %dma_start3A_501 = tpu.memref_slice %arg6[%dma_start3A_498, %dma_start3A_499, %dma_start3A_500] : memref<32x8x64xf32, #tpu.memory_space<vmem>> -> memref<1x8x64xf32, #tpu.memory_space<vmem>>
      %dma_start3A_502 = tpu.memref_squeeze %dma_start3A_501 : memref<1x8x64xf32, #tpu.memory_space<vmem>> -> memref<8x64xf32, #tpu.memory_space<vmem>>
      %dma_start3A_503 = arith.constant 0 : i32
      %dma_start3A_504 = tpu.memref_slice %arg2[%multiple_of3A_497, %dma_start3A_503] : memref<1000000x64xf32, #tpu.memory_space<hbm>> -> memref<8x64xf32, #tpu.memory_space<hbm>>
      %dma_start3A_505 = arith.constant 0 : i32
      %dma_start3A_506 = arith.constant 0 : i32
      %dma_start3A_507 = tpu.memref_slice %arg6[%dma_start3A_498, %dma_start3A_505, %dma_start3A_506] : memref<32x8x64xf32, #tpu.memory_space<vmem>> -> memref<1x8x64xf32, #tpu.memory_space<vmem>>
      %dma_start3A_508 = tpu.memref_squeeze %dma_start3A_507 : memref<1x8x64xf32, #tpu.memory_space<vmem>> -> memref<8x64xf32, #tpu.memory_space<vmem>>
      %dma_start3A_509 = arith.constant 0 : i32
      %dma_start3A_510 = tpu.memref_slice %arg2[%multiple_of3A_497, %dma_start3A_509] : memref<1000000x64xf32, #tpu.memory_space<hbm>> -> memref<8x64xf32, #tpu.memory_space<hbm>>
      tpu.enqueue_dma source(%dma_start3A_510 : memref<8x64xf32, #tpu.memory_space<hbm>>) target(%dma_start3A_508 : memref<8x64xf32, #tpu.memory_space<vmem>>) target_semaphore(%arg9 : memref<!tpu.dma_semaphore, #tpu.memory_space<semaphore_mem>>)
      %slice3A_511 = vector.extract_strided_slice %get3A_366 {offsets = [8], sizes = [1], strides = [1]} : vector<16xi32> to vector<1xi32>
      %squeeze3A_512 = vector.extract %slice3A_511[0] : i32 from vector<1xi32>
      %and3A_513 = arith.constant -8 : i32
      %and3A_514 = arith.andi %squeeze3A_512, %and3A_513 : i32
      %multiple_of3A_515 = tpu.assume_multiple %and3A_514, 8 : i32
      %dma_start3A_516 = arith.constant 24 : i32
      %dma_start3A_517 = arith.constant 0 : i32
      %dma_start3A_518 = arith.constant 0 : i32
      %dma_start3A_519 = tpu.memref_slice %arg6[%dma_start3A_516, %dma_start3A_517, %dma_start3A_518] : memref<32x8x64xf32, #tpu.memory_space<vmem>> -> memref<1x8x64xf32, #tpu.memory_space<vmem>>
      %dma_start3A_520 = tpu.memref_squeeze %dma_start3A_519 : memref<1x8x64xf32, #tpu.memory_space<vmem>> -> memref<8x64xf32, #tpu.memory_space<vmem>>
      %dma_start3A_521 = arith.constant 0 : i32
      %dma_start3A_522 = tpu.memref_slice %arg2[%multiple_of3A_515, %dma_start3A_521] : memref<1000000x64xf32, #tpu.memory_space<hbm>> -> memref<8x64xf32, #tpu.memory_space<hbm>>
      %dma_start3A_523 = arith.constant 0 : i32
      %dma_start3A_524 = arith.constant 0 : i32
      %dma_start3A_525 = tpu.memref_slice %arg6[%dma_start3A_516, %dma_start3A_523, %dma_start3A_524] : memref<32x8x64xf32, #tpu.memory_space<vmem>> -> memref<1x8x64xf32, #tpu.memory_space<vmem>>
      %dma_start3A_526 = tpu.memref_squeeze %dma_start3A_525 : memref<1x8x64xf32, #tpu.memory_space<vmem>> -> memref<8x64xf32, #tpu.memory_space<vmem>>
      %dma_start3A_527 = arith.constant 0 : i32
      %dma_start3A_528 = tpu.memref_slice %arg2[%multiple_of3A_515, %dma_start3A_527] : memref<1000000x64xf32, #tpu.memory_space<hbm>> -> memref<8x64xf32, #tpu.memory_space<hbm>>
      tpu.enqueue_dma source(%dma_start3A_528 : memref<8x64xf32, #tpu.memory_space<hbm>>) target(%dma_start3A_526 : memref<8x64xf32, #tpu.memory_space<vmem>>) target_semaphore(%arg9 : memref<!tpu.dma_semaphore, #tpu.memory_space<semaphore_mem>>)
      %slice3A_529 = vector.extract_strided_slice %get3A_366 {offsets = [9], sizes = [1], strides = [1]} : vector<16xi32> to vector<1xi32>
      %squeeze3A_530 = vector.extract %slice3A_529[0] : i32 from vector<1xi32>
      %and3A_531 = arith.constant -8 : i32
      %and3A_532 = arith.andi %squeeze3A_530, %and3A_531 : i32
      %multiple_of3A_533 = tpu.assume_multiple %and3A_532, 8 : i32
      %dma_start3A_534 = arith.constant 25 : i32
      %dma_start3A_535 = arith.constant 0 : i32
      %dma_start3A_536 = arith.constant 0 : i32
      %dma_start3A_537 = tpu.memref_slice %arg6[%dma_start3A_534, %dma_start3A_535, %dma_start3A_536] : memref<32x8x64xf32, #tpu.memory_space<vmem>> -> memref<1x8x64xf32, #tpu.memory_space<vmem>>
      %dma_start3A_538 = tpu.memref_squeeze %dma_start3A_537 : memref<1x8x64xf32, #tpu.memory_space<vmem>> -> memref<8x64xf32, #tpu.memory_space<vmem>>
      %dma_start3A_539 = arith.constant 0 : i32
      %dma_start3A_540 = tpu.memref_slice %arg2[%multiple_of3A_533, %dma_start3A_539] : memref<1000000x64xf32, #tpu.memory_space<hbm>> -> memref<8x64xf32, #tpu.memory_space<hbm>>
      %dma_start3A_541 = arith.constant 0 : i32
      %dma_start3A_542 = arith.constant 0 : i32
      %dma_start3A_543 = tpu.memref_slice %arg6[%dma_start3A_534, %dma_start3A_541, %dma_start3A_542] : memref<32x8x64xf32, #tpu.memory_space<vmem>> -> memref<1x8x64xf32, #tpu.memory_space<vmem>>
      %dma_start3A_544 = tpu.memref_squeeze %dma_start3A_543 : memref<1x8x64xf32, #tpu.memory_space<vmem>> -> memref<8x64xf32, #tpu.memory_space<vmem>>
      %dma_start3A_545 = arith.constant 0 : i32
      %dma_start3A_546 = tpu.memref_slice %arg2[%multiple_of3A_533, %dma_start3A_545] : memref<1000000x64xf32, #tpu.memory_space<hbm>> -> memref<8x64xf32, #tpu.memory_space<hbm>>
      tpu.enqueue_dma source(%dma_start3A_546 : memref<8x64xf32, #tpu.memory_space<hbm>>) target(%dma_start3A_544 : memref<8x64xf32, #tpu.memory_space<vmem>>) target_semaphore(%arg9 : memref<!tpu.dma_semaphore, #tpu.memory_space<semaphore_mem>>)
      %slice3A_547 = vector.extract_strided_slice %get3A_366 {offsets = [10], sizes = [1], strides = [1]} : vector<16xi32> to vector<1xi32>
      %squeeze3A_548 = vector.extract %slice3A_547[0] : i32 from vector<1xi32>
      %and3A_549 = arith.constant -8 : i32
      %and3A_550 = arith.andi %squeeze3A_548, %and3A_549 : i32
      %multiple_of3A_551 = tpu.assume_multiple %and3A_550, 8 : i32
      %dma_start3A_552 = arith.constant 26 : i32
      %dma_start3A_553 = arith.constant 0 : i32
      %dma_start3A_554 = arith.constant 0 : i32
      %dma_start3A_555 = tpu.memref_slice %arg6[%dma_start3A_552, %dma_start3A_553, %dma_start3A_554] : memref<32x8x64xf32, #tpu.memory_space<vmem>> -> memref<1x8x64xf32, #tpu.memory_space<vmem>>
      %dma_start3A_556 = tpu.memref_squeeze %dma_start3A_555 : memref<1x8x64xf32, #tpu.memory_space<vmem>> -> memref<8x64xf32, #tpu.memory_space<vmem>>
      %dma_start3A_557 = arith.constant 0 : i32
      %dma_start3A_558 = tpu.memref_slice %arg2[%multiple_of3A_551, %dma_start3A_557] : memref<1000000x64xf32, #tpu.memory_space<hbm>> -> memref<8x64xf32, #tpu.memory_space<hbm>>
      %dma_start3A_559 = arith.constant 0 : i32
      %dma_start3A_560 = arith.constant 0 : i32
      %dma_start3A_561 = tpu.memref_slice %arg6[%dma_start3A_552, %dma_start3A_559, %dma_start3A_560] : memref<32x8x64xf32, #tpu.memory_space<vmem>> -> memref<1x8x64xf32, #tpu.memory_space<vmem>>
      %dma_start3A_562 = tpu.memref_squeeze %dma_start3A_561 : memref<1x8x64xf32, #tpu.memory_space<vmem>> -> memref<8x64xf32, #tpu.memory_space<vmem>>
      %dma_start3A_563 = arith.constant 0 : i32
      %dma_start3A_564 = tpu.memref_slice %arg2[%multiple_of3A_551, %dma_start3A_563] : memref<1000000x64xf32, #tpu.memory_space<hbm>> -> memref<8x64xf32, #tpu.memory_space<hbm>>
      tpu.enqueue_dma source(%dma_start3A_564 : memref<8x64xf32, #tpu.memory_space<hbm>>) target(%dma_start3A_562 : memref<8x64xf32, #tpu.memory_space<vmem>>) target_semaphore(%arg9 : memref<!tpu.dma_semaphore, #tpu.memory_space<semaphore_mem>>)
      %slice3A_565 = vector.extract_strided_slice %get3A_366 {offsets = [11], sizes = [1], strides = [1]} : vector<16xi32> to vector<1xi32>
      %squeeze3A_566 = vector.extract %slice3A_565[0] : i32 from vector<1xi32>
      %and3A_567 = arith.constant -8 : i32
      %and3A_568 = arith.andi %squeeze3A_566, %and3A_567 : i32
      %multiple_of3A_569 = tpu.assume_multiple %and3A_568, 8 : i32
      %dma_start3A_570 = arith.constant 27 : i32
      %dma_start3A_571 = arith.constant 0 : i32
      %dma_start3A_572 = arith.constant 0 : i32
      %dma_start3A_573 = tpu.memref_slice %arg6[%dma_start3A_570, %dma_start3A_571, %dma_start3A_572] : memref<32x8x64xf32, #tpu.memory_space<vmem>> -> memref<1x8x64xf32, #tpu.memory_space<vmem>>
      %dma_start3A_574 = tpu.memref_squeeze %dma_start3A_573 : memref<1x8x64xf32, #tpu.memory_space<vmem>> -> memref<8x64xf32, #tpu.memory_space<vmem>>
      %dma_start3A_575 = arith.constant 0 : i32
      %dma_start3A_576 = tpu.memref_slice %arg2[%multiple_of3A_569, %dma_start3A_575] : memref<1000000x64xf32, #tpu.memory_space<hbm>> -> memref<8x64xf32, #tpu.memory_space<hbm>>
      %dma_start3A_577 = arith.constant 0 : i32
      %dma_start3A_578 = arith.constant 0 : i32
      %dma_start3A_579 = tpu.memref_slice %arg6[%dma_start3A_570, %dma_start3A_577, %dma_start3A_578] : memref<32x8x64xf32, #tpu.memory_space<vmem>> -> memref<1x8x64xf32, #tpu.memory_space<vmem>>
      %dma_start3A_580 = tpu.memref_squeeze %dma_start3A_579 : memref<1x8x64xf32, #tpu.memory_space<vmem>> -> memref<8x64xf32, #tpu.memory_space<vmem>>
      %dma_start3A_581 = arith.constant 0 : i32
      %dma_start3A_582 = tpu.memref_slice %arg2[%multiple_of3A_569, %dma_start3A_581] : memref<1000000x64xf32, #tpu.memory_space<hbm>> -> memref<8x64xf32, #tpu.memory_space<hbm>>
      tpu.enqueue_dma source(%dma_start3A_582 : memref<8x64xf32, #tpu.memory_space<hbm>>) target(%dma_start3A_580 : memref<8x64xf32, #tpu.memory_space<vmem>>) target_semaphore(%arg9 : memref<!tpu.dma_semaphore, #tpu.memory_space<semaphore_mem>>)
      %slice3A_583 = vector.extract_strided_slice %get3A_366 {offsets = [12], sizes = [1], strides = [1]} : vector<16xi32> to vector<1xi32>
      %squeeze3A_584 = vector.extract %slice3A_583[0] : i32 from vector<1xi32>
      %and3A_585 = arith.constant -8 : i32
      %and3A_586 = arith.andi %squeeze3A_584, %and3A_585 : i32
      %multiple_of3A_587 = tpu.assume_multiple %and3A_586, 8 : i32
      %dma_start3A_588 = arith.constant 28 : i32
      %dma_start3A_589 = arith.constant 0 : i32
      %dma_start3A_590 = arith.constant 0 : i32
      %dma_start3A_591 = tpu.memref_slice %arg6[%dma_start3A_588, %dma_start3A_589, %dma_start3A_590] : memref<32x8x64xf32, #tpu.memory_space<vmem>> -> memref<1x8x64xf32, #tpu.memory_space<vmem>>
      %dma_start3A_592 = tpu.memref_squeeze %dma_start3A_591 : memref<1x8x64xf32, #tpu.memory_space<vmem>> -> memref<8x64xf32, #tpu.memory_space<vmem>>
      %dma_start3A_593 = arith.constant 0 : i32
      %dma_start3A_594 = tpu.memref_slice %arg2[%multiple_of3A_587, %dma_start3A_593] : memref<1000000x64xf32, #tpu.memory_space<hbm>> -> memref<8x64xf32, #tpu.memory_space<hbm>>
      %dma_start3A_595 = arith.constant 0 : i32
      %dma_start3A_596 = arith.constant 0 : i32
      %dma_start3A_597 = tpu.memref_slice %arg6[%dma_start3A_588, %dma_start3A_595, %dma_start3A_596] : memref<32x8x64xf32, #tpu.memory_space<vmem>> -> memref<1x8x64xf32, #tpu.memory_space<vmem>>
      %dma_start3A_598 = tpu.memref_squeeze %dma_start3A_597 : memref<1x8x64xf32, #tpu.memory_space<vmem>> -> memref<8x64xf32, #tpu.memory_space<vmem>>
      %dma_start3A_599 = arith.constant 0 : i32
      %dma_start3A_600 = tpu.memref_slice %arg2[%multiple_of3A_587, %dma_start3A_599] : memref<1000000x64xf32, #tpu.memory_space<hbm>> -> memref<8x64xf32, #tpu.memory_space<hbm>>
      tpu.enqueue_dma source(%dma_start3A_600 : memref<8x64xf32, #tpu.memory_space<hbm>>) target(%dma_start3A_598 : memref<8x64xf32, #tpu.memory_space<vmem>>) target_semaphore(%arg9 : memref<!tpu.dma_semaphore, #tpu.memory_space<semaphore_mem>>)
      %slice3A_601 = vector.extract_strided_slice %get3A_366 {offsets = [13], sizes = [1], strides = [1]} : vector<16xi32> to vector<1xi32>
      %squeeze3A_602 = vector.extract %slice3A_601[0] : i32 from vector<1xi32>
      %and3A_603 = arith.constant -8 : i32
      %and3A_604 = arith.andi %squeeze3A_602, %and3A_603 : i32
      %multiple_of3A_605 = tpu.assume_multiple %and3A_604, 8 : i32
      %dma_start3A_606 = arith.constant 29 : i32
      %dma_start3A_607 = arith.constant 0 : i32
      %dma_start3A_608 = arith.constant 0 : i32
      %dma_start3A_609 = tpu.memref_slice %arg6[%dma_start3A_606, %dma_start3A_607, %dma_start3A_608] : memref<32x8x64xf32, #tpu.memory_space<vmem>> -> memref<1x8x64xf32, #tpu.memory_space<vmem>>
      %dma_start3A_610 = tpu.memref_squeeze %dma_start3A_609 : memref<1x8x64xf32, #tpu.memory_space<vmem>> -> memref<8x64xf32, #tpu.memory_space<vmem>>
      %dma_start3A_611 = arith.constant 0 : i32
      %dma_start3A_612 = tpu.memref_slice %arg2[%multiple_of3A_605, %dma_start3A_611] : memref<1000000x64xf32, #tpu.memory_space<hbm>> -> memref<8x64xf32, #tpu.memory_space<hbm>>
      %dma_start3A_613 = arith.constant 0 : i32
      %dma_start3A_614 = arith.constant 0 : i32
      %dma_start3A_615 = tpu.memref_slice %arg6[%dma_start3A_606, %dma_start3A_613, %dma_start3A_614] : memref<32x8x64xf32, #tpu.memory_space<vmem>> -> memref<1x8x64xf32, #tpu.memory_space<vmem>>
      %dma_start3A_616 = tpu.memref_squeeze %dma_start3A_615 : memref<1x8x64xf32, #tpu.memory_space<vmem>> -> memref<8x64xf32, #tpu.memory_space<vmem>>
      %dma_start3A_617 = arith.constant 0 : i32
      %dma_start3A_618 = tpu.memref_slice %arg2[%multiple_of3A_605, %dma_start3A_617] : memref<1000000x64xf32, #tpu.memory_space<hbm>> -> memref<8x64xf32, #tpu.memory_space<hbm>>
      tpu.enqueue_dma source(%dma_start3A_618 : memref<8x64xf32, #tpu.memory_space<hbm>>) target(%dma_start3A_616 : memref<8x64xf32, #tpu.memory_space<vmem>>) target_semaphore(%arg9 : memref<!tpu.dma_semaphore, #tpu.memory_space<semaphore_mem>>)
      %slice3A_619 = vector.extract_strided_slice %get3A_366 {offsets = [14], sizes = [1], strides = [1]} : vector<16xi32> to vector<1xi32>
      %squeeze3A_620 = vector.extract %slice3A_619[0] : i32 from vector<1xi32>
      %and3A_621 = arith.constant -8 : i32
      %and3A_622 = arith.andi %squeeze3A_620, %and3A_621 : i32
      %multiple_of3A_623 = tpu.assume_multiple %and3A_622, 8 : i32
      %dma_start3A_624 = arith.constant 30 : i32
      %dma_start3A_625 = arith.constant 0 : i32
      %dma_start3A_626 = arith.constant 0 : i32
      %dma_start3A_627 = tpu.memref_slice %arg6[%dma_start3A_624, %dma_start3A_625, %dma_start3A_626] : memref<32x8x64xf32, #tpu.memory_space<vmem>> -> memref<1x8x64xf32, #tpu.memory_space<vmem>>
      %dma_start3A_628 = tpu.memref_squeeze %dma_start3A_627 : memref<1x8x64xf32, #tpu.memory_space<vmem>> -> memref<8x64xf32, #tpu.memory_space<vmem>>
      %dma_start3A_629 = arith.constant 0 : i32
      %dma_start3A_630 = tpu.memref_slice %arg2[%multiple_of3A_623, %dma_start3A_629] : memref<1000000x64xf32, #tpu.memory_space<hbm>> -> memref<8x64xf32, #tpu.memory_space<hbm>>
      %dma_start3A_631 = arith.constant 0 : i32
      %dma_start3A_632 = arith.constant 0 : i32
      %dma_start3A_633 = tpu.memref_slice %arg6[%dma_start3A_624, %dma_start3A_631, %dma_start3A_632] : memref<32x8x64xf32, #tpu.memory_space<vmem>> -> memref<1x8x64xf32, #tpu.memory_space<vmem>>
      %dma_start3A_634 = tpu.memref_squeeze %dma_start3A_633 : memref<1x8x64xf32, #tpu.memory_space<vmem>> -> memref<8x64xf32, #tpu.memory_space<vmem>>
      %dma_start3A_635 = arith.constant 0 : i32
      %dma_start3A_636 = tpu.memref_slice %arg2[%multiple_of3A_623, %dma_start3A_635] : memref<1000000x64xf32, #tpu.memory_space<hbm>> -> memref<8x64xf32, #tpu.memory_space<hbm>>
      tpu.enqueue_dma source(%dma_start3A_636 : memref<8x64xf32, #tpu.memory_space<hbm>>) target(%dma_start3A_634 : memref<8x64xf32, #tpu.memory_space<vmem>>) target_semaphore(%arg9 : memref<!tpu.dma_semaphore, #tpu.memory_space<semaphore_mem>>)
      %slice3A_637 = vector.extract_strided_slice %get3A_366 {offsets = [15], sizes = [1], strides = [1]} : vector<16xi32> to vector<1xi32>
      %squeeze3A_638 = vector.extract %slice3A_637[0] : i32 from vector<1xi32>
      %and3A_639 = arith.constant -8 : i32
      %and3A_640 = arith.andi %squeeze3A_638, %and3A_639 : i32
      %multiple_of3A_641 = tpu.assume_multiple %and3A_640, 8 : i32
      %dma_start3A_642 = arith.constant 31 : i32
      %dma_start3A_643 = arith.constant 0 : i32
      %dma_start3A_644 = arith.constant 0 : i32
      %dma_start3A_645 = tpu.memref_slice %arg6[%dma_start3A_642, %dma_start3A_643, %dma_start3A_644] : memref<32x8x64xf32, #tpu.memory_space<vmem>> -> memref<1x8x64xf32, #tpu.memory_space<vmem>>
      %dma_start3A_646 = tpu.memref_squeeze %dma_start3A_645 : memref<1x8x64xf32, #tpu.memory_space<vmem>> -> memref<8x64xf32, #tpu.memory_space<vmem>>
      %dma_start3A_647 = arith.constant 0 : i32
      %dma_start3A_648 = tpu.memref_slice %arg2[%multiple_of3A_641, %dma_start3A_647] : memref<1000000x64xf32, #tpu.memory_space<hbm>> -> memref<8x64xf32, #tpu.memory_space<hbm>>
      %dma_start3A_649 = arith.constant 0 : i32
      %dma_start3A_650 = arith.constant 0 : i32
      %dma_start3A_651 = tpu.memref_slice %arg6[%dma_start3A_642, %dma_start3A_649, %dma_start3A_650] : memref<32x8x64xf32, #tpu.memory_space<vmem>> -> memref<1x8x64xf32, #tpu.memory_space<vmem>>
      %dma_start3A_652 = tpu.memref_squeeze %dma_start3A_651 : memref<1x8x64xf32, #tpu.memory_space<vmem>> -> memref<8x64xf32, #tpu.memory_space<vmem>>
      %dma_start3A_653 = arith.constant 0 : i32
      %dma_start3A_654 = tpu.memref_slice %arg2[%multiple_of3A_641, %dma_start3A_653] : memref<1000000x64xf32, #tpu.memory_space<hbm>> -> memref<8x64xf32, #tpu.memory_space<hbm>>
      tpu.enqueue_dma source(%dma_start3A_654 : memref<8x64xf32, #tpu.memory_space<hbm>>) target(%dma_start3A_652 : memref<8x64xf32, #tpu.memory_space<vmem>>) target_semaphore(%arg9 : memref<!tpu.dma_semaphore, #tpu.memory_space<semaphore_mem>>)
      %jit3A_655 = arith.constant 8 : i32
      %div3A_656 = arith.divsi %mul3A_325, %jit3A_655 : i32
      %sign3A_657 = arith.constant 0 : i32
      %sign3A_658 = arith.cmpi sgt, %mul3A_325, %sign3A_657 : i32
      %sign3A_659 = arith.extui %sign3A_658 : i1 to i32
      %sign3A_660 = arith.constant 0 : i32
      %sign3A_661 = arith.cmpi slt, %mul3A_325, %sign3A_660 : i32
      %sign3A_662 = arith.extui %sign3A_661 : i1 to i32
      %sign3A_663 = arith.subi %sign3A_659, %sign3A_662 : i32
      %sign3A_664 = arith.constant 0 : i32
      %sign3A_665 = arith.cmpi sgt, %jit3A_655, %sign3A_664 : i32
      %sign3A_666 = arith.extui %sign3A_665 : i1 to i32
      %sign3A_667 = arith.constant 0 : i32
      %sign3A_668 = arith.cmpi slt, %jit3A_655, %sign3A_667 : i32
      %sign3A_669 = arith.extui %sign3A_668 : i1 to i32
      %sign3A_670 = arith.subi %sign3A_666, %sign3A_669 : i32
      %ne3A_671 = arith.cmpi ne, %sign3A_663, %sign3A_670 : i32
      %rem3A_672 = arith.remsi %mul3A_325, %jit3A_655 : i32
      %ne3A_673 = arith.constant 0 : i32
      %ne3A_674 = arith.cmpi ne, %rem3A_672, %ne3A_673 : i32
      %and3A_675 = arith.andi %ne3A_671, %ne3A_674 : i1
      %sub3A_676 = arith.constant 1 : i32
      %sub3A_677 = arith.subi %div3A_656, %sub3A_676 : i32
      %select_n3A_678 = arith.select %and3A_675, %sub3A_677, %div3A_656 : i32
      %jit3A_679 = arith.constant 8 : i32
      %eq3A_680 = arith.constant 0 : i32
      %eq3A_681 = arith.cmpi eq, %jit3A_679, %eq3A_680 : i32
      %jit3A_682 = arith.constant 1 : i32
      %select_n3A_683 = arith.select %eq3A_681, %jit3A_682, %jit3A_679 : i32
      %rem3A_684 = arith.remsi %mul3A_325, %select_n3A_683 : i32
      %ne3A_685 = arith.constant 0 : i32
      %ne3A_686 = arith.cmpi ne, %rem3A_684, %ne3A_685 : i32
      %lt3A_687 = arith.constant 0 : i32
      %lt3A_688 = arith.cmpi slt, %rem3A_684, %lt3A_687 : i32
      %lt3A_689 = arith.constant 0 : i32
      %lt3A_690 = arith.cmpi slt, %select_n3A_683, %lt3A_689 : i32
      %ne3A_691 = arith.xori %lt3A_688, %lt3A_690 : i1
      %and3A_692 = arith.andi %ne3A_691, %ne3A_686 : i1
      %add3A_693 = arith.addi %rem3A_684, %select_n3A_683 : i32
      %select_n3A_694 = arith.select %and3A_692, %add3A_693, %rem3A_684 : i32
      %mul3A_695 = arith.constant 16 : i32
      %mul3A_696 = arith.muli %select_n3A_694, %mul3A_695 : i32
      %get3A_697 = arith.index_cast %select_n3A_678 : i32 to index
      %get3A_698 = arith.index_cast %mul3A_696 : i32 to index
      %get3A_699 = tpu.vector_load %arg5[%get3A_697, %get3A_698] {strides = array<i32>} : memref<16x128xi32, #tpu.memory_space<vmem>>, vector<1x16xi32>,
      %get3A_700 = vector.shape_cast %get3A_699 : vector<1x16xi32> to vector<16xi32>
      %dma_wait3A_701 = arith.constant 0 : i32
      %dma_wait3A_702 = arith.constant 0 : i32
      %dma_wait3A_703 = arith.constant 0 : i32
      %dma_wait3A_704 = tpu.memref_slice %arg6[%dma_wait3A_701, %dma_wait3A_702, %dma_wait3A_703] : memref<32x8x64xf32, #tpu.memory_space<vmem>> -> memref<1x8x64xf32, #tpu.memory_space<vmem>>
      %dma_wait3A_705 = tpu.memref_squeeze %dma_wait3A_704 : memref<1x8x64xf32, #tpu.memory_space<vmem>> -> memref<8x64xf32, #tpu.memory_space<vmem>>
      %dma_wait3A_706 = arith.constant 0 : i32
      %dma_wait3A_707 = arith.constant 0 : i32
      %dma_wait3A_708 = tpu.memref_slice %arg2[%dma_wait3A_706, %dma_wait3A_707] : memref<1000000x64xf32, #tpu.memory_space<hbm>> -> memref<8x64xf32, #tpu.memory_space<hbm>>
      %dma_wait3A_709 = arith.constant 0 : i32
      %dma_wait3A_710 = arith.constant 0 : i32
      %dma_wait3A_711 = tpu.memref_slice %arg6[%dma_wait3A_701, %dma_wait3A_709, %dma_wait3A_710] : memref<32x8x64xf32, #tpu.memory_space<vmem>> -> memref<1x8x64xf32, #tpu.memory_space<vmem>>
      %dma_wait3A_712 = tpu.memref_squeeze %dma_wait3A_711 : memref<1x8x64xf32, #tpu.memory_space<vmem>> -> memref<8x64xf32, #tpu.memory_space<vmem>>
      %dma_wait3A_713 = arith.constant 0 : i32
      %dma_wait3A_714 = arith.constant 0 : i32
      %dma_wait3A_715 = tpu.memref_slice %arg2[%dma_wait3A_713, %dma_wait3A_714] : memref<1000000x64xf32, #tpu.memory_space<hbm>> -> memref<8x64xf32, #tpu.memory_space<hbm>>
      tpu.wait_dma2 semaphore(%arg8 : memref<!tpu.dma_semaphore, #tpu.memory_space<semaphore_mem>>) src(%dma_wait3A_715 : memref<8x64xf32, #tpu.memory_space<hbm>>) dst(%dma_wait3A_712 : memref<8x64xf32, #tpu.memory_space<vmem>>)
      %dma_wait3A_716 = arith.constant 1 : i32
      %dma_wait3A_717 = arith.constant 0 : i32
      %dma_wait3A_718 = arith.constant 0 : i32
      %dma_wait3A_719 = tpu.memref_slice %arg6[%dma_wait3A_716, %dma_wait3A_717, %dma_wait3A_718] : memref<32x8x64xf32, #tpu.memory_space<vmem>> -> memref<1x8x64xf32, #tpu.memory_space<vmem>>
      %dma_wait3A_720 = tpu.memref_squeeze %dma_wait3A_719 : memref<1x8x64xf32, #tpu.memory_space<vmem>> -> memref<8x64xf32, #tpu.memory_space<vmem>>
      %dma_wait3A_721 = arith.constant 0 : i32
      %dma_wait3A_722 = arith.constant 0 : i32
      %dma_wait3A_723 = tpu.memref_slice %arg2[%dma_wait3A_721, %dma_wait3A_722] : memref<1000000x64xf32, #tpu.memory_space<hbm>> -> memref<8x64xf32, #tpu.memory_space<hbm>>
      %dma_wait3A_724 = arith.constant 0 : i32
      %dma_wait3A_725 = arith.constant 0 : i32
      %dma_wait3A_726 = tpu.memref_slice %arg6[%dma_wait3A_716, %dma_wait3A_724, %dma_wait3A_725] : memref<32x8x64xf32, #tpu.memory_space<vmem>> -> memref<1x8x64xf32, #tpu.memory_space<vmem>>
      %dma_wait3A_727 = tpu.memref_squeeze %dma_wait3A_726 : memref<1x8x64xf32, #tpu.memory_space<vmem>> -> memref<8x64xf32, #tpu.memory_space<vmem>>
      %dma_wait3A_728 = arith.constant 0 : i32
      %dma_wait3A_729 = arith.constant 0 : i32
      %dma_wait3A_730 = tpu.memref_slice %arg2[%dma_wait3A_728, %dma_wait3A_729] : memref<1000000x64xf32, #tpu.memory_space<hbm>> -> memref<8x64xf32, #tpu.memory_space<hbm>>
      tpu.wait_dma2 semaphore(%arg8 : memref<!tpu.dma_semaphore, #tpu.memory_space<semaphore_mem>>) src(%dma_wait3A_730 : memref<8x64xf32, #tpu.memory_space<hbm>>) dst(%dma_wait3A_727 : memref<8x64xf32, #tpu.memory_space<vmem>>)
      %dma_wait3A_731 = arith.constant 2 : i32
      %dma_wait3A_732 = arith.constant 0 : i32
      %dma_wait3A_733 = arith.constant 0 : i32
      %dma_wait3A_734 = tpu.memref_slice %arg6[%dma_wait3A_731, %dma_wait3A_732, %dma_wait3A_733] : memref<32x8x64xf32, #tpu.memory_space<vmem>> -> memref<1x8x64xf32, #tpu.memory_space<vmem>>
      %dma_wait3A_735 = tpu.memref_squeeze %dma_wait3A_734 : memref<1x8x64xf32, #tpu.memory_space<vmem>> -> memref<8x64xf32, #tpu.memory_space<vmem>>
      %dma_wait3A_736 = arith.constant 0 : i32
      %dma_wait3A_737 = arith.constant 0 : i32
      %dma_wait3A_738 = tpu.memref_slice %arg2[%dma_wait3A_736, %dma_wait3A_737] : memref<1000000x64xf32, #tpu.memory_space<hbm>> -> memref<8x64xf32, #tpu.memory_space<hbm>>
      %dma_wait3A_739 = arith.constant 0 : i32
      %dma_wait3A_740 = arith.constant 0 : i32
      %dma_wait3A_741 = tpu.memref_slice %arg6[%dma_wait3A_731, %dma_wait3A_739, %dma_wait3A_740] : memref<32x8x64xf32, #tpu.memory_space<vmem>> -> memref<1x8x64xf32, #tpu.memory_space<vmem>>
      %dma_wait3A_742 = tpu.memref_squeeze %dma_wait3A_741 : memref<1x8x64xf32, #tpu.memory_space<vmem>> -> memref<8x64xf32, #tpu.memory_space<vmem>>
      %dma_wait3A_743 = arith.constant 0 : i32
      %dma_wait3A_744 = arith.constant 0 : i32
      %dma_wait3A_745 = tpu.memref_slice %arg2[%dma_wait3A_743, %dma_wait3A_744] : memref<1000000x64xf32, #tpu.memory_space<hbm>> -> memref<8x64xf32, #tpu.memory_space<hbm>>
      tpu.wait_dma2 semaphore(%arg8 : memref<!tpu.dma_semaphore, #tpu.memory_space<semaphore_mem>>) src(%dma_wait3A_745 : memref<8x64xf32, #tpu.memory_space<hbm>>) dst(%dma_wait3A_742 : memref<8x64xf32, #tpu.memory_space<vmem>>)
      %dma_wait3A_746 = arith.constant 3 : i32
      %dma_wait3A_747 = arith.constant 0 : i32
      %dma_wait3A_748 = arith.constant 0 : i32
      %dma_wait3A_749 = tpu.memref_slice %arg6[%dma_wait3A_746, %dma_wait3A_747, %dma_wait3A_748] : memref<32x8x64xf32, #tpu.memory_space<vmem>> -> memref<1x8x64xf32, #tpu.memory_space<vmem>>
      %dma_wait3A_750 = tpu.memref_squeeze %dma_wait3A_749 : memref<1x8x64xf32, #tpu.memory_space<vmem>> -> memref<8x64xf32, #tpu.memory_space<vmem>>
      %dma_wait3A_751 = arith.constant 0 : i32
      %dma_wait3A_752 = arith.constant 0 : i32
      %dma_wait3A_753 = tpu.memref_slice %arg2[%dma_wait3A_751, %dma_wait3A_752] : memref<1000000x64xf32, #tpu.memory_space<hbm>> -> memref<8x64xf32, #tpu.memory_space<hbm>>
      %dma_wait3A_754 = arith.constant 0 : i32
      %dma_wait3A_755 = arith.constant 0 : i32
      %dma_wait3A_756 = tpu.memref_slice %arg6[%dma_wait3A_746, %dma_wait3A_754, %dma_wait3A_755] : memref<32x8x64xf32, #tpu.memory_space<vmem>> -> memref<1x8x64xf32, #tpu.memory_space<vmem>>
      %dma_wait3A_757 = tpu.memref_squeeze %dma_wait3A_756 : memref<1x8x64xf32, #tpu.memory_space<vmem>> -> memref<8x64xf32, #tpu.memory_space<vmem>>
      %dma_wait3A_758 = arith.constant 0 : i32
      %dma_wait3A_759 = arith.constant 0 : i32
      %dma_wait3A_760 = tpu.memref_slice %arg2[%dma_wait3A_758, %dma_wait3A_759] : memref<1000000x64xf32, #tpu.memory_space<hbm>> -> memref<8x64xf32, #tpu.memory_space<hbm>>
      tpu.wait_dma2 semaphore(%arg8 : memref<!tpu.dma_semaphore, #tpu.memory_space<semaphore_mem>>) src(%dma_wait3A_760 : memref<8x64xf32, #tpu.memory_space<hbm>>) dst(%dma_wait3A_757 : memref<8x64xf32, #tpu.memory_space<vmem>>)
      %dma_wait3A_761 = arith.constant 4 : i32
      %dma_wait3A_762 = arith.constant 0 : i32
      %dma_wait3A_763 = arith.constant 0 : i32
      %dma_wait3A_764 = tpu.memref_slice %arg6[%dma_wait3A_761, %dma_wait3A_762, %dma_wait3A_763] : memref<32x8x64xf32, #tpu.memory_space<vmem>> -> memref<1x8x64xf32, #tpu.memory_space<vmem>>
      %dma_wait3A_765 = tpu.memref_squeeze %dma_wait3A_764 : memref<1x8x64xf32, #tpu.memory_space<vmem>> -> memref<8x64xf32, #tpu.memory_space<vmem>>
      %dma_wait3A_766 = arith.constant 0 : i32
      %dma_wait3A_767 = arith.constant 0 : i32
      %dma_wait3A_768 = tpu.memref_slice %arg2[%dma_wait3A_766, %dma_wait3A_767] : memref<1000000x64xf32, #tpu.memory_space<hbm>> -> memref<8x64xf32, #tpu.memory_space<hbm>>
      %dma_wait3A_769 = arith.constant 0 : i32
      %dma_wait3A_770 = arith.constant 0 : i32
      %dma_wait3A_771 = tpu.memref_slice %arg6[%dma_wait3A_761, %dma_wait3A_769, %dma_wait3A_770] : memref<32x8x64xf32, #tpu.memory_space<vmem>> -> memref<1x8x64xf32, #tpu.memory_space<vmem>>
      %dma_wait3A_772 = tpu.memref_squeeze %dma_wait3A_771 : memref<1x8x64xf32, #tpu.memory_space<vmem>> -> memref<8x64xf32, #tpu.memory_space<vmem>>
      %dma_wait3A_773 = arith.constant 0 : i32
      %dma_wait3A_774 = arith.constant 0 : i32
      %dma_wait3A_775 = tpu.memref_slice %arg2[%dma_wait3A_773, %dma_wait3A_774] : memref<1000000x64xf32, #tpu.memory_space<hbm>> -> memref<8x64xf32, #tpu.memory_space<hbm>>
      tpu.wait_dma2 semaphore(%arg8 : memref<!tpu.dma_semaphore, #tpu.memory_space<semaphore_mem>>) src(%dma_wait3A_775 : memref<8x64xf32, #tpu.memory_space<hbm>>) dst(%dma_wait3A_772 : memref<8x64xf32, #tpu.memory_space<vmem>>)
      %dma_wait3A_776 = arith.constant 5 : i32
      %dma_wait3A_777 = arith.constant 0 : i32
      %dma_wait3A_778 = arith.constant 0 : i32
      %dma_wait3A_779 = tpu.memref_slice %arg6[%dma_wait3A_776, %dma_wait3A_777, %dma_wait3A_778] : memref<32x8x64xf32, #tpu.memory_space<vmem>> -> memref<1x8x64xf32, #tpu.memory_space<vmem>>
      %dma_wait3A_780 = tpu.memref_squeeze %dma_wait3A_779 : memref<1x8x64xf32, #tpu.memory_space<vmem>> -> memref<8x64xf32, #tpu.memory_space<vmem>>
      %dma_wait3A_781 = arith.constant 0 : i32
      %dma_wait3A_782 = arith.constant 0 : i32
      %dma_wait3A_783 = tpu.memref_slice %arg2[%dma_wait3A_781, %dma_wait3A_782] : memref<1000000x64xf32, #tpu.memory_space<hbm>> -> memref<8x64xf32, #tpu.memory_space<hbm>>
      %dma_wait3A_784 = arith.constant 0 : i32
      %dma_wait3A_785 = arith.constant 0 : i32
      %dma_wait3A_786 = tpu.memref_slice %arg6[%dma_wait3A_776, %dma_wait3A_784, %dma_wait3A_785] : memref<32x8x64xf32, #tpu.memory_space<vmem>> -> memref<1x8x64xf32, #tpu.memory_space<vmem>>
      %dma_wait3A_787 = tpu.memref_squeeze %dma_wait3A_786 : memref<1x8x64xf32, #tpu.memory_space<vmem>> -> memref<8x64xf32, #tpu.memory_space<vmem>>
      %dma_wait3A_788 = arith.constant 0 : i32
      %dma_wait3A_789 = arith.constant 0 : i32
      %dma_wait3A_790 = tpu.memref_slice %arg2[%dma_wait3A_788, %dma_wait3A_789] : memref<1000000x64xf32, #tpu.memory_space<hbm>> -> memref<8x64xf32, #tpu.memory_space<hbm>>
      tpu.wait_dma2 semaphore(%arg8 : memref<!tpu.dma_semaphore, #tpu.memory_space<semaphore_mem>>) src(%dma_wait3A_790 : memref<8x64xf32, #tpu.memory_space<hbm>>) dst(%dma_wait3A_787 : memref<8x64xf32, #tpu.memory_space<vmem>>)
      %dma_wait3A_791 = arith.constant 6 : i32
      %dma_wait3A_792 = arith.constant 0 : i32
      %dma_wait3A_793 = arith.constant 0 : i32
      %dma_wait3A_794 = tpu.memref_slice %arg6[%dma_wait3A_791, %dma_wait3A_792, %dma_wait3A_793] : memref<32x8x64xf32, #tpu.memory_space<vmem>> -> memref<1x8x64xf32, #tpu.memory_space<vmem>>
      %dma_wait3A_795 = tpu.memref_squeeze %dma_wait3A_794 : memref<1x8x64xf32, #tpu.memory_space<vmem>> -> memref<8x64xf32, #tpu.memory_space<vmem>>
      %dma_wait3A_796 = arith.constant 0 : i32
      %dma_wait3A_797 = arith.constant 0 : i32
      %dma_wait3A_798 = tpu.memref_slice %arg2[%dma_wait3A_796, %dma_wait3A_797] : memref<1000000x64xf32, #tpu.memory_space<hbm>> -> memref<8x64xf32, #tpu.memory_space<hbm>>
      %dma_wait3A_799 = arith.constant 0 : i32
      %dma_wait3A_800 = arith.constant 0 : i32
      %dma_wait3A_801 = tpu.memref_slice %arg6[%dma_wait3A_791, %dma_wait3A_799, %dma_wait3A_800] : memref<32x8x64xf32, #tpu.memory_space<vmem>> -> memref<1x8x64xf32, #tpu.memory_space<vmem>>
      %dma_wait3A_802 = tpu.memref_squeeze %dma_wait3A_801 : memref<1x8x64xf32, #tpu.memory_space<vmem>> -> memref<8x64xf32, #tpu.memory_space<vmem>>
      %dma_wait3A_803 = arith.constant 0 : i32
      %dma_wait3A_804 = arith.constant 0 : i32
      %dma_wait3A_805 = tpu.memref_slice %arg2[%dma_wait3A_803, %dma_wait3A_804] : memref<1000000x64xf32, #tpu.memory_space<hbm>> -> memref<8x64xf32, #tpu.memory_space<hbm>>
      tpu.wait_dma2 semaphore(%arg8 : memref<!tpu.dma_semaphore, #tpu.memory_space<semaphore_mem>>) src(%dma_wait3A_805 : memref<8x64xf32, #tpu.memory_space<hbm>>) dst(%dma_wait3A_802 : memref<8x64xf32, #tpu.memory_space<vmem>>)
      %dma_wait3A_806 = arith.constant 7 : i32
      %dma_wait3A_807 = arith.constant 0 : i32
      %dma_wait3A_808 = arith.constant 0 : i32
      %dma_wait3A_809 = tpu.memref_slice %arg6[%dma_wait3A_806, %dma_wait3A_807, %dma_wait3A_808] : memref<32x8x64xf32, #tpu.memory_space<vmem>> -> memref<1x8x64xf32, #tpu.memory_space<vmem>>
      %dma_wait3A_810 = tpu.memref_squeeze %dma_wait3A_809 : memref<1x8x64xf32, #tpu.memory_space<vmem>> -> memref<8x64xf32, #tpu.memory_space<vmem>>
      %dma_wait3A_811 = arith.constant 0 : i32
      %dma_wait3A_812 = arith.constant 0 : i32
      %dma_wait3A_813 = tpu.memref_slice %arg2[%dma_wait3A_811, %dma_wait3A_812] : memref<1000000x64xf32, #tpu.memory_space<hbm>> -> memref<8x64xf32, #tpu.memory_space<hbm>>
      %dma_wait3A_814 = arith.constant 0 : i32
      %dma_wait3A_815 = arith.constant 0 : i32
      %dma_wait3A_816 = tpu.memref_slice %arg6[%dma_wait3A_806, %dma_wait3A_814, %dma_wait3A_815] : memref<32x8x64xf32, #tpu.memory_space<vmem>> -> memref<1x8x64xf32, #tpu.memory_space<vmem>>
      %dma_wait3A_817 = tpu.memref_squeeze %dma_wait3A_816 : memref<1x8x64xf32, #tpu.memory_space<vmem>> -> memref<8x64xf32, #tpu.memory_space<vmem>>
      %dma_wait3A_818 = arith.constant 0 : i32
      %dma_wait3A_819 = arith.constant 0 : i32
      %dma_wait3A_820 = tpu.memref_slice %arg2[%dma_wait3A_818, %dma_wait3A_819] : memref<1000000x64xf32, #tpu.memory_space<hbm>> -> memref<8x64xf32, #tpu.memory_space<hbm>>
      tpu.wait_dma2 semaphore(%arg8 : memref<!tpu.dma_semaphore, #tpu.memory_space<semaphore_mem>>) src(%dma_wait3A_820 : memref<8x64xf32, #tpu.memory_space<hbm>>) dst(%dma_wait3A_817 : memref<8x64xf32, #tpu.memory_space<vmem>>)
      %dma_wait3A_821 = arith.constant 8 : i32
      %dma_wait3A_822 = arith.constant 0 : i32
      %dma_wait3A_823 = arith.constant 0 : i32
      %dma_wait3A_824 = tpu.memref_slice %arg6[%dma_wait3A_821, %dma_wait3A_822, %dma_wait3A_823] : memref<32x8x64xf32, #tpu.memory_space<vmem>> -> memref<1x8x64xf32, #tpu.memory_space<vmem>>
      %dma_wait3A_825 = tpu.memref_squeeze %dma_wait3A_824 : memref<1x8x64xf32, #tpu.memory_space<vmem>> -> memref<8x64xf32, #tpu.memory_space<vmem>>
      %dma_wait3A_826 = arith.constant 0 : i32
      %dma_wait3A_827 = arith.constant 0 : i32
      %dma_wait3A_828 = tpu.memref_slice %arg2[%dma_wait3A_826, %dma_wait3A_827] : memref<1000000x64xf32, #tpu.memory_space<hbm>> -> memref<8x64xf32, #tpu.memory_space<hbm>>
      %dma_wait3A_829 = arith.constant 0 : i32
      %dma_wait3A_830 = arith.constant 0 : i32
      %dma_wait3A_831 = tpu.memref_slice %arg6[%dma_wait3A_821, %dma_wait3A_829, %dma_wait3A_830] : memref<32x8x64xf32, #tpu.memory_space<vmem>> -> memref<1x8x64xf32, #tpu.memory_space<vmem>>
      %dma_wait3A_832 = tpu.memref_squeeze %dma_wait3A_831 : memref<1x8x64xf32, #tpu.memory_space<vmem>> -> memref<8x64xf32, #tpu.memory_space<vmem>>
      %dma_wait3A_833 = arith.constant 0 : i32
      %dma_wait3A_834 = arith.constant 0 : i32
      %dma_wait3A_835 = tpu.memref_slice %arg2[%dma_wait3A_833, %dma_wait3A_834] : memref<1000000x64xf32, #tpu.memory_space<hbm>> -> memref<8x64xf32, #tpu.memory_space<hbm>>
      tpu.wait_dma2 semaphore(%arg8 : memref<!tpu.dma_semaphore, #tpu.memory_space<semaphore_mem>>) src(%dma_wait3A_835 : memref<8x64xf32, #tpu.memory_space<hbm>>) dst(%dma_wait3A_832 : memref<8x64xf32, #tpu.memory_space<vmem>>)
      %dma_wait3A_836 = arith.constant 9 : i32
      %dma_wait3A_837 = arith.constant 0 : i32
      %dma_wait3A_838 = arith.constant 0 : i32
      %dma_wait3A_839 = tpu.memref_slice %arg6[%dma_wait3A_836, %dma_wait3A_837, %dma_wait3A_838] : memref<32x8x64xf32, #tpu.memory_space<vmem>> -> memref<1x8x64xf32, #tpu.memory_space<vmem>>
      %dma_wait3A_840 = tpu.memref_squeeze %dma_wait3A_839 : memref<1x8x64xf32, #tpu.memory_space<vmem>> -> memref<8x64xf32, #tpu.memory_space<vmem>>
      %dma_wait3A_841 = arith.constant 0 : i32
      %dma_wait3A_842 = arith.constant 0 : i32
      %dma_wait3A_843 = tpu.memref_slice %arg2[%dma_wait3A_841, %dma_wait3A_842] : memref<1000000x64xf32, #tpu.memory_space<hbm>> -> memref<8x64xf32, #tpu.memory_space<hbm>>
      %dma_wait3A_844 = arith.constant 0 : i32
      %dma_wait3A_845 = arith.constant 0 : i32
      %dma_wait3A_846 = tpu.memref_slice %arg6[%dma_wait3A_836, %dma_wait3A_844, %dma_wait3A_845] : memref<32x8x64xf32, #tpu.memory_space<vmem>> -> memref<1x8x64xf32, #tpu.memory_space<vmem>>
      %dma_wait3A_847 = tpu.memref_squeeze %dma_wait3A_846 : memref<1x8x64xf32, #tpu.memory_space<vmem>> -> memref<8x64xf32, #tpu.memory_space<vmem>>
      %dma_wait3A_848 = arith.constant 0 : i32
      %dma_wait3A_849 = arith.constant 0 : i32
      %dma_wait3A_850 = tpu.memref_slice %arg2[%dma_wait3A_848, %dma_wait3A_849] : memref<1000000x64xf32, #tpu.memory_space<hbm>> -> memref<8x64xf32, #tpu.memory_space<hbm>>
      tpu.wait_dma2 semaphore(%arg8 : memref<!tpu.dma_semaphore, #tpu.memory_space<semaphore_mem>>) src(%dma_wait3A_850 : memref<8x64xf32, #tpu.memory_space<hbm>>) dst(%dma_wait3A_847 : memref<8x64xf32, #tpu.memory_space<vmem>>)
      %dma_wait3A_851 = arith.constant 10 : i32
      %dma_wait3A_852 = arith.constant 0 : i32
      %dma_wait3A_853 = arith.constant 0 : i32
      %dma_wait3A_854 = tpu.memref_slice %arg6[%dma_wait3A_851, %dma_wait3A_852, %dma_wait3A_853] : memref<32x8x64xf32, #tpu.memory_space<vmem>> -> memref<1x8x64xf32, #tpu.memory_space<vmem>>
      %dma_wait3A_855 = tpu.memref_squeeze %dma_wait3A_854 : memref<1x8x64xf32, #tpu.memory_space<vmem>> -> memref<8x64xf32, #tpu.memory_space<vmem>>
      %dma_wait3A_856 = arith.constant 0 : i32
      %dma_wait3A_857 = arith.constant 0 : i32
      %dma_wait3A_858 = tpu.memref_slice %arg2[%dma_wait3A_856, %dma_wait3A_857] : memref<1000000x64xf32, #tpu.memory_space<hbm>> -> memref<8x64xf32, #tpu.memory_space<hbm>>
      %dma_wait3A_859 = arith.constant 0 : i32
      %dma_wait3A_860 = arith.constant 0 : i32
      %dma_wait3A_861 = tpu.memref_slice %arg6[%dma_wait3A_851, %dma_wait3A_859, %dma_wait3A_860] : memref<32x8x64xf32, #tpu.memory_space<vmem>> -> memref<1x8x64xf32, #tpu.memory_space<vmem>>
      %dma_wait3A_862 = tpu.memref_squeeze %dma_wait3A_861 : memref<1x8x64xf32, #tpu.memory_space<vmem>> -> memref<8x64xf32, #tpu.memory_space<vmem>>
      %dma_wait3A_863 = arith.constant 0 : i32
      %dma_wait3A_864 = arith.constant 0 : i32
      %dma_wait3A_865 = tpu.memref_slice %arg2[%dma_wait3A_863, %dma_wait3A_864] : memref<1000000x64xf32, #tpu.memory_space<hbm>> -> memref<8x64xf32, #tpu.memory_space<hbm>>
      tpu.wait_dma2 semaphore(%arg8 : memref<!tpu.dma_semaphore, #tpu.memory_space<semaphore_mem>>) src(%dma_wait3A_865 : memref<8x64xf32, #tpu.memory_space<hbm>>) dst(%dma_wait3A_862 : memref<8x64xf32, #tpu.memory_space<vmem>>)
      %dma_wait3A_866 = arith.constant 11 : i32
      %dma_wait3A_867 = arith.constant 0 : i32
      %dma_wait3A_868 = arith.constant 0 : i32
      %dma_wait3A_869 = tpu.memref_slice %arg6[%dma_wait3A_866, %dma_wait3A_867, %dma_wait3A_868] : memref<32x8x64xf32, #tpu.memory_space<vmem>> -> memref<1x8x64xf32, #tpu.memory_space<vmem>>
      %dma_wait3A_870 = tpu.memref_squeeze %dma_wait3A_869 : memref<1x8x64xf32, #tpu.memory_space<vmem>> -> memref<8x64xf32, #tpu.memory_space<vmem>>
      %dma_wait3A_871 = arith.constant 0 : i32
      %dma_wait3A_872 = arith.constant 0 : i32
      %dma_wait3A_873 = tpu.memref_slice %arg2[%dma_wait3A_871, %dma_wait3A_872] : memref<1000000x64xf32, #tpu.memory_space<hbm>> -> memref<8x64xf32, #tpu.memory_space<hbm>>
      %dma_wait3A_874 = arith.constant 0 : i32
      %dma_wait3A_875 = arith.constant 0 : i32
      %dma_wait3A_876 = tpu.memref_slice %arg6[%dma_wait3A_866, %dma_wait3A_874, %dma_wait3A_875] : memref<32x8x64xf32, #tpu.memory_space<vmem>> -> memref<1x8x64xf32, #tpu.memory_space<vmem>>
      %dma_wait3A_877 = tpu.memref_squeeze %dma_wait3A_876 : memref<1x8x64xf32, #tpu.memory_space<vmem>> -> memref<8x64xf32, #tpu.memory_space<vmem>>
      %dma_wait3A_878 = arith.constant 0 : i32
      %dma_wait3A_879 = arith.constant 0 : i32
      %dma_wait3A_880 = tpu.memref_slice %arg2[%dma_wait3A_878, %dma_wait3A_879] : memref<1000000x64xf32, #tpu.memory_space<hbm>> -> memref<8x64xf32, #tpu.memory_space<hbm>>
      tpu.wait_dma2 semaphore(%arg8 : memref<!tpu.dma_semaphore, #tpu.memory_space<semaphore_mem>>) src(%dma_wait3A_880 : memref<8x64xf32, #tpu.memory_space<hbm>>) dst(%dma_wait3A_877 : memref<8x64xf32, #tpu.memory_space<vmem>>)
      %dma_wait3A_881 = arith.constant 12 : i32
      %dma_wait3A_882 = arith.constant 0 : i32
      %dma_wait3A_883 = arith.constant 0 : i32
      %dma_wait3A_884 = tpu.memref_slice %arg6[%dma_wait3A_881, %dma_wait3A_882, %dma_wait3A_883] : memref<32x8x64xf32, #tpu.memory_space<vmem>> -> memref<1x8x64xf32, #tpu.memory_space<vmem>>
      %dma_wait3A_885 = tpu.memref_squeeze %dma_wait3A_884 : memref<1x8x64xf32, #tpu.memory_space<vmem>> -> memref<8x64xf32, #tpu.memory_space<vmem>>
      %dma_wait3A_886 = arith.constant 0 : i32
      %dma_wait3A_887 = arith.constant 0 : i32
      %dma_wait3A_888 = tpu.memref_slice %arg2[%dma_wait3A_886, %dma_wait3A_887] : memref<1000000x64xf32, #tpu.memory_space<hbm>> -> memref<8x64xf32, #tpu.memory_space<hbm>>
      %dma_wait3A_889 = arith.constant 0 : i32
      %dma_wait3A_890 = arith.constant 0 : i32
      %dma_wait3A_891 = tpu.memref_slice %arg6[%dma_wait3A_881, %dma_wait3A_889, %dma_wait3A_890] : memref<32x8x64xf32, #tpu.memory_space<vmem>> -> memref<1x8x64xf32, #tpu.memory_space<vmem>>
      %dma_wait3A_892 = tpu.memref_squeeze %dma_wait3A_891 : memref<1x8x64xf32, #tpu.memory_space<vmem>> -> memref<8x64xf32, #tpu.memory_space<vmem>>
      %dma_wait3A_893 = arith.constant 0 : i32
      %dma_wait3A_894 = arith.constant 0 : i32
      %dma_wait3A_895 = tpu.memref_slice %arg2[%dma_wait3A_893, %dma_wait3A_894] : memref<1000000x64xf32, #tpu.memory_space<hbm>> -> memref<8x64xf32, #tpu.memory_space<hbm>>
      tpu.wait_dma2 semaphore(%arg8 : memref<!tpu.dma_semaphore, #tpu.memory_space<semaphore_mem>>) src(%dma_wait3A_895 : memref<8x64xf32, #tpu.memory_space<hbm>>) dst(%dma_wait3A_892 : memref<8x64xf32, #tpu.memory_space<vmem>>)
      %dma_wait3A_896 = arith.constant 13 : i32
      %dma_wait3A_897 = arith.constant 0 : i32
      %dma_wait3A_898 = arith.constant 0 : i32
      %dma_wait3A_899 = tpu.memref_slice %arg6[%dma_wait3A_896, %dma_wait3A_897, %dma_wait3A_898] : memref<32x8x64xf32, #tpu.memory_space<vmem>> -> memref<1x8x64xf32, #tpu.memory_space<vmem>>
      %dma_wait3A_900 = tpu.memref_squeeze %dma_wait3A_899 : memref<1x8x64xf32, #tpu.memory_space<vmem>> -> memref<8x64xf32, #tpu.memory_space<vmem>>
      %dma_wait3A_901 = arith.constant 0 : i32
      %dma_wait3A_902 = arith.constant 0 : i32
      %dma_wait3A_903 = tpu.memref_slice %arg2[%dma_wait3A_901, %dma_wait3A_902] : memref<1000000x64xf32, #tpu.memory_space<hbm>> -> memref<8x64xf32, #tpu.memory_space<hbm>>
      %dma_wait3A_904 = arith.constant 0 : i32
      %dma_wait3A_905 = arith.constant 0 : i32
      %dma_wait3A_906 = tpu.memref_slice %arg6[%dma_wait3A_896, %dma_wait3A_904, %dma_wait3A_905] : memref<32x8x64xf32, #tpu.memory_space<vmem>> -> memref<1x8x64xf32, #tpu.memory_space<vmem>>
      %dma_wait3A_907 = tpu.memref_squeeze %dma_wait3A_906 : memref<1x8x64xf32, #tpu.memory_space<vmem>> -> memref<8x64xf32, #tpu.memory_space<vmem>>
      %dma_wait3A_908 = arith.constant 0 : i32
      %dma_wait3A_909 = arith.constant 0 : i32
      %dma_wait3A_910 = tpu.memref_slice %arg2[%dma_wait3A_908, %dma_wait3A_909] : memref<1000000x64xf32, #tpu.memory_space<hbm>> -> memref<8x64xf32, #tpu.memory_space<hbm>>
      tpu.wait_dma2 semaphore(%arg8 : memref<!tpu.dma_semaphore, #tpu.memory_space<semaphore_mem>>) src(%dma_wait3A_910 : memref<8x64xf32, #tpu.memory_space<hbm>>) dst(%dma_wait3A_907 : memref<8x64xf32, #tpu.memory_space<vmem>>)
      %dma_wait3A_911 = arith.constant 14 : i32
      %dma_wait3A_912 = arith.constant 0 : i32
      %dma_wait3A_913 = arith.constant 0 : i32
      %dma_wait3A_914 = tpu.memref_slice %arg6[%dma_wait3A_911, %dma_wait3A_912, %dma_wait3A_913] : memref<32x8x64xf32, #tpu.memory_space<vmem>> -> memref<1x8x64xf32, #tpu.memory_space<vmem>>
      %dma_wait3A_915 = tpu.memref_squeeze %dma_wait3A_914 : memref<1x8x64xf32, #tpu.memory_space<vmem>> -> memref<8x64xf32, #tpu.memory_space<vmem>>
      %dma_wait3A_916 = arith.constant 0 : i32
      %dma_wait3A_917 = arith.constant 0 : i32
      %dma_wait3A_918 = tpu.memref_slice %arg2[%dma_wait3A_916, %dma_wait3A_917] : memref<1000000x64xf32, #tpu.memory_space<hbm>> -> memref<8x64xf32, #tpu.memory_space<hbm>>
      %dma_wait3A_919 = arith.constant 0 : i32
      %dma_wait3A_920 = arith.constant 0 : i32
      %dma_wait3A_921 = tpu.memref_slice %arg6[%dma_wait3A_911, %dma_wait3A_919, %dma_wait3A_920] : memref<32x8x64xf32, #tpu.memory_space<vmem>> -> memref<1x8x64xf32, #tpu.memory_space<vmem>>
      %dma_wait3A_922 = tpu.memref_squeeze %dma_wait3A_921 : memref<1x8x64xf32, #tpu.memory_space<vmem>> -> memref<8x64xf32, #tpu.memory_space<vmem>>
      %dma_wait3A_923 = arith.constant 0 : i32
      %dma_wait3A_924 = arith.constant 0 : i32
      %dma_wait3A_925 = tpu.memref_slice %arg2[%dma_wait3A_923, %dma_wait3A_924] : memref<1000000x64xf32, #tpu.memory_space<hbm>> -> memref<8x64xf32, #tpu.memory_space<hbm>>
      tpu.wait_dma2 semaphore(%arg8 : memref<!tpu.dma_semaphore, #tpu.memory_space<semaphore_mem>>) src(%dma_wait3A_925 : memref<8x64xf32, #tpu.memory_space<hbm>>) dst(%dma_wait3A_922 : memref<8x64xf32, #tpu.memory_space<vmem>>)
      %dma_wait3A_926 = arith.constant 15 : i32
      %dma_wait3A_927 = arith.constant 0 : i32
      %dma_wait3A_928 = arith.constant 0 : i32
      %dma_wait3A_929 = tpu.memref_slice %arg6[%dma_wait3A_926, %dma_wait3A_927, %dma_wait3A_928] : memref<32x8x64xf32, #tpu.memory_space<vmem>> -> memref<1x8x64xf32, #tpu.memory_space<vmem>>
      %dma_wait3A_930 = tpu.memref_squeeze %dma_wait3A_929 : memref<1x8x64xf32, #tpu.memory_space<vmem>> -> memref<8x64xf32, #tpu.memory_space<vmem>>
      %dma_wait3A_931 = arith.constant 0 : i32
      %dma_wait3A_932 = arith.constant 0 : i32
      %dma_wait3A_933 = tpu.memref_slice %arg2[%dma_wait3A_931, %dma_wait3A_932] : memref<1000000x64xf32, #tpu.memory_space<hbm>> -> memref<8x64xf32, #tpu.memory_space<hbm>>
      %dma_wait3A_934 = arith.constant 0 : i32
      %dma_wait3A_935 = arith.constant 0 : i32
      %dma_wait3A_936 = tpu.memref_slice %arg6[%dma_wait3A_926, %dma_wait3A_934, %dma_wait3A_935] : memref<32x8x64xf32, #tpu.memory_space<vmem>> -> memref<1x8x64xf32, #tpu.memory_space<vmem>>
      %dma_wait3A_937 = tpu.memref_squeeze %dma_wait3A_936 : memref<1x8x64xf32, #tpu.memory_space<vmem>> -> memref<8x64xf32, #tpu.memory_space<vmem>>
      %dma_wait3A_938 = arith.constant 0 : i32
      %dma_wait3A_939 = arith.constant 0 : i32
      %dma_wait3A_940 = tpu.memref_slice %arg2[%dma_wait3A_938, %dma_wait3A_939] : memref<1000000x64xf32, #tpu.memory_space<hbm>> -> memref<8x64xf32, #tpu.memory_space<hbm>>
      tpu.wait_dma2 semaphore(%arg8 : memref<!tpu.dma_semaphore, #tpu.memory_space<semaphore_mem>>) src(%dma_wait3A_940 : memref<8x64xf32, #tpu.memory_space<hbm>>) dst(%dma_wait3A_937 : memref<8x64xf32, #tpu.memory_space<vmem>>)
      %slice3A_941 = vector.extract_strided_slice %get3A_700 {offsets = [0], sizes = [1], strides = [1]} : vector<16xi32> to vector<1xi32>
      %squeeze3A_942 = vector.extract %slice3A_941[0] : i32 from vector<1xi32>
      %and3A_943 = arith.constant 7 : i32
      %and3A_944 = arith.andi %squeeze3A_942, %and3A_943 : i32
      %get3A_945 = arith.constant 0 : i32
      %get3A_946 = arith.index_cast %get3A_945 : i32 to index
      %get3A_947 = arith.index_cast %and3A_944 : i32 to index
      %get3A_948 = arith.constant 0 : index
      %get3A_949 = tpu.vector_load %arg6[%get3A_946, %get3A_947, %get3A_948] {strides = array<i32>} : memref<32x8x64xf32, #tpu.memory_space<vmem>>, vector<1x1x16xf32>,
      %get3A_950 = vector.shape_cast %get3A_949 : vector<1x1x16xf32> to vector<16xf32>
      %swap3A = arith.constant 0 : i32
      %swap3A_951 = arith.constant 0 : i32
      %swap3A_952 = arith.index_cast %swap3A : i32 to index
      %swap3A_953 = arith.index_cast %swap3A_951 : i32 to index
      %swap3A_954 = arith.constant 0 : index
      %swap3A_955 = tpu.vector_load %arg7[%swap3A_952, %swap3A_953, %swap3A_954] {strides = array<i32>} : memref<2x16x64xf32, #tpu.memory_space<vmem>>, vector<1x1x16xf32>,
      %swap3A_956 = vector.shape_cast %swap3A_955 : vector<1x1x16xf32> to vector<16xf32>
      %swap3A_957 = vector.shape_cast %get3A_950 : vector<16xf32> to vector<1x1x16xf32>
      tpu.vector_store %arg7[%swap3A_952, %swap3A_953, %swap3A_954], %swap3A_957 {strides = array<i32>} : memref<2x16x64xf32, #tpu.memory_space<vmem>>, vector<1x1x16xf32>,
      %get3A_958 = arith.constant 0 : i32
      %get3A_959 = arith.index_cast %get3A_958 : i32 to index
      %get3A_960 = arith.index_cast %and3A_944 : i32 to index
      %get3A_961 = arith.constant 16 : index
      %get3A_962 = tpu.vector_load %arg6[%get3A_959, %get3A_960, %get3A_961] {strides = array<i32>} : memref<32x8x64xf32, #tpu.memory_space<vmem>>, vector<1x1x16xf32>,
      %get3A_963 = vector.shape_cast %get3A_962 : vector<1x1x16xf32> to vector<16xf32>
      %swap3A_964 = arith.constant 0 : i32
      %swap3A_965 = arith.constant 0 : i32
      %swap3A_966 = arith.index_cast %swap3A_964 : i32 to index
      %swap3A_967 = arith.index_cast %swap3A_965 : i32 to index
      %swap3A_968 = arith.constant 16 : index
      %swap3A_969 = tpu.vector_load %arg7[%swap3A_966, %swap3A_967, %swap3A_968] {strides = array<i32>} : memref<2x16x64xf32, #tpu.memory_space<vmem>>, vector<1x1x16xf32>,
      %swap3A_970 = vector.shape_cast %swap3A_969 : vector<1x1x16xf32> to vector<16xf32>
      %swap3A_971 = vector.shape_cast %get3A_963 : vector<16xf32> to vector<1x1x16xf32>
      tpu.vector_store %arg7[%swap3A_966, %swap3A_967, %swap3A_968], %swap3A_971 {strides = array<i32>} : memref<2x16x64xf32, #tpu.memory_space<vmem>>, vector<1x1x16xf32>,
      %get3A_972 = arith.constant 0 : i32
      %get3A_973 = arith.index_cast %get3A_972 : i32 to index
      %get3A_974 = arith.index_cast %and3A_944 : i32 to index
      %get3A_975 = arith.constant 32 : index
      %get3A_976 = tpu.vector_load %arg6[%get3A_973, %get3A_974, %get3A_975] {strides = array<i32>} : memref<32x8x64xf32, #tpu.memory_space<vmem>>, vector<1x1x16xf32>,
      %get3A_977 = vector.shape_cast %get3A_976 : vector<1x1x16xf32> to vector<16xf32>
      %swap3A_978 = arith.constant 0 : i32
      %swap3A_979 = arith.constant 0 : i32
      %swap3A_980 = arith.index_cast %swap3A_978 : i32 to index
      %swap3A_981 = arith.index_cast %swap3A_979 : i32 to index
      %swap3A_982 = arith.constant 32 : index
      %swap3A_983 = tpu.vector_load %arg7[%swap3A_980, %swap3A_981, %swap3A_982] {strides = array<i32>} : memref<2x16x64xf32, #tpu.memory_space<vmem>>, vector<1x1x16xf32>,
      %swap3A_984 = vector.shape_cast %swap3A_983 : vector<1x1x16xf32> to vector<16xf32>
      %swap3A_985 = vector.shape_cast %get3A_977 : vector<16xf32> to vector<1x1x16xf32>
      tpu.vector_store %arg7[%swap3A_980, %swap3A_981, %swap3A_982], %swap3A_985 {strides = array<i32>} : memref<2x16x64xf32, #tpu.memory_space<vmem>>, vector<1x1x16xf32>,
      %get3A_986 = arith.constant 0 : i32
      %get3A_987 = arith.index_cast %get3A_986 : i32 to index
      %get3A_988 = arith.index_cast %and3A_944 : i32 to index
      %get3A_989 = arith.constant 48 : index
      %get3A_990 = tpu.vector_load %arg6[%get3A_987, %get3A_988, %get3A_989] {strides = array<i32>} : memref<32x8x64xf32, #tpu.memory_space<vmem>>, vector<1x1x16xf32>,
      %get3A_991 = vector.shape_cast %get3A_990 : vector<1x1x16xf32> to vector<16xf32>
      %swap3A_992 = arith.constant 0 : i32
      %swap3A_993 = arith.constant 0 : i32
      %swap3A_994 = arith.index_cast %swap3A_992 : i32 to index
      %swap3A_995 = arith.index_cast %swap3A_993 : i32 to index
      %swap3A_996 = arith.constant 48 : index
      %swap3A_997 = tpu.vector_load %arg7[%swap3A_994, %swap3A_995, %swap3A_996] {strides = array<i32>} : memref<2x16x64xf32, #tpu.memory_space<vmem>>, vector<1x1x16xf32>,
      %swap3A_998 = vector.shape_cast %swap3A_997 : vector<1x1x16xf32> to vector<16xf32>
      %swap3A_999 = vector.shape_cast %get3A_991 : vector<16xf32> to vector<1x1x16xf32>
      tpu.vector_store %arg7[%swap3A_994, %swap3A_995, %swap3A_996], %swap3A_999 {strides = array<i32>} : memref<2x16x64xf32, #tpu.memory_space<vmem>>, vector<1x1x16xf32>,
      %slice3A_1000 = vector.extract_strided_slice %get3A_700 {offsets = [1], sizes = [1], strides = [1]} : vector<16xi32> to vector<1xi32>
      %squeeze3A_1001 = vector.extract %slice3A_1000[0] : i32 from vector<1xi32>
      %and3A_1002 = arith.constant 7 : i32
      %and3A_1003 = arith.andi %squeeze3A_1001, %and3A_1002 : i32
      %get3A_1004 = arith.constant 1 : i32
      %get3A_1005 = arith.index_cast %get3A_1004 : i32 to index
      %get3A_1006 = arith.index_cast %and3A_1003 : i32 to index
      %get3A_1007 = arith.constant 0 : index
      %get3A_1008 = tpu.vector_load %arg6[%get3A_1005, %get3A_1006, %get3A_1007] {strides = array<i32>} : memref<32x8x64xf32, #tpu.memory_space<vmem>>, vector<1x1x16xf32>,
      %get3A_1009 = vector.shape_cast %get3A_1008 : vector<1x1x16xf32> to vector<16xf32>
      %swap3A_1010 = arith.constant 0 : i32
      %swap3A_1011 = arith.constant 1 : i32
      %swap3A_1012 = arith.index_cast %swap3A_1010 : i32 to index
      %swap3A_1013 = arith.index_cast %swap3A_1011 : i32 to index
      %swap3A_1014 = arith.constant 0 : index
      %swap3A_1015 = tpu.vector_load %arg7[%swap3A_1012, %swap3A_1013, %swap3A_1014] {strides = array<i32>} : memref<2x16x64xf32, #tpu.memory_space<vmem>>, vector<1x1x16xf32>,
      %swap3A_1016 = vector.shape_cast %swap3A_1015 : vector<1x1x16xf32> to vector<16xf32>
      %swap3A_1017 = vector.shape_cast %get3A_1009 : vector<16xf32> to vector<1x1x16xf32>
      tpu.vector_store %arg7[%swap3A_1012, %swap3A_1013, %swap3A_1014], %swap3A_1017 {strides = array<i32>} : memref<2x16x64xf32, #tpu.memory_space<vmem>>, vector<1x1x16xf32>,
      %get3A_1018 = arith.constant 1 : i32
      %get3A_1019 = arith.index_cast %get3A_1018 : i32 to index
      %get3A_1020 = arith.index_cast %and3A_1003 : i32 to index
      %get3A_1021 = arith.constant 16 : index
      %get3A_1022 = tpu.vector_load %arg6[%get3A_1019, %get3A_1020, %get3A_1021] {strides = array<i32>} : memref<32x8x64xf32, #tpu.memory_space<vmem>>, vector<1x1x16xf32>,
      %get3A_1023 = vector.shape_cast %get3A_1022 : vector<1x1x16xf32> to vector<16xf32>
      %swap3A_1024 = arith.constant 0 : i32
      %swap3A_1025 = arith.constant 1 : i32
      %swap3A_1026 = arith.index_cast %swap3A_1024 : i32 to index
      %swap3A_1027 = arith.index_cast %swap3A_1025 : i32 to index
      %swap3A_1028 = arith.constant 16 : index
      %swap3A_1029 = tpu.vector_load %arg7[%swap3A_1026, %swap3A_1027, %swap3A_1028] {strides = array<i32>} : memref<2x16x64xf32, #tpu.memory_space<vmem>>, vector<1x1x16xf32>,
      %swap3A_1030 = vector.shape_cast %swap3A_1029 : vector<1x1x16xf32> to vector<16xf32>
      %swap3A_1031 = vector.shape_cast %get3A_1023 : vector<16xf32> to vector<1x1x16xf32>
      tpu.vector_store %arg7[%swap3A_1026, %swap3A_1027, %swap3A_1028], %swap3A_1031 {strides = array<i32>} : memref<2x16x64xf32, #tpu.memory_space<vmem>>, vector<1x1x16xf32>,
      %get3A_1032 = arith.constant 1 : i32
      %get3A_1033 = arith.index_cast %get3A_1032 : i32 to index
      %get3A_1034 = arith.index_cast %and3A_1003 : i32 to index
      %get3A_1035 = arith.constant 32 : index
      %get3A_1036 = tpu.vector_load %arg6[%get3A_1033, %get3A_1034, %get3A_1035] {strides = array<i32>} : memref<32x8x64xf32, #tpu.memory_space<vmem>>, vector<1x1x16xf32>,
      %get3A_1037 = vector.shape_cast %get3A_1036 : vector<1x1x16xf32> to vector<16xf32>
      %swap3A_1038 = arith.constant 0 : i32
      %swap3A_1039 = arith.constant 1 : i32
      %swap3A_1040 = arith.index_cast %swap3A_1038 : i32 to index
      %swap3A_1041 = arith.index_cast %swap3A_1039 : i32 to index
      %swap3A_1042 = arith.constant 32 : index
      %swap3A_1043 = tpu.vector_load %arg7[%swap3A_1040, %swap3A_1041, %swap3A_1042] {strides = array<i32>} : memref<2x16x64xf32, #tpu.memory_space<vmem>>, vector<1x1x16xf32>,
      %swap3A_1044 = vector.shape_cast %swap3A_1043 : vector<1x1x16xf32> to vector<16xf32>
      %swap3A_1045 = vector.shape_cast %get3A_1037 : vector<16xf32> to vector<1x1x16xf32>
      tpu.vector_store %arg7[%swap3A_1040, %swap3A_1041, %swap3A_1042], %swap3A_1045 {strides = array<i32>} : memref<2x16x64xf32, #tpu.memory_space<vmem>>, vector<1x1x16xf32>,
      %get3A_1046 = arith.constant 1 : i32
      %get3A_1047 = arith.index_cast %get3A_1046 : i32 to index
      %get3A_1048 = arith.index_cast %and3A_1003 : i32 to index
      %get3A_1049 = arith.constant 48 : index
      %get3A_1050 = tpu.vector_load %arg6[%get3A_1047, %get3A_1048, %get3A_1049] {strides = array<i32>} : memref<32x8x64xf32, #tpu.memory_space<vmem>>, vector<1x1x16xf32>,
      %get3A_1051 = vector.shape_cast %get3A_1050 : vector<1x1x16xf32> to vector<16xf32>
      %swap3A_1052 = arith.constant 0 : i32
      %swap3A_1053 = arith.constant 1 : i32
      %swap3A_1054 = arith.index_cast %swap3A_1052 : i32 to index
      %swap3A_1055 = arith.index_cast %swap3A_1053 : i32 to index
      %swap3A_1056 = arith.constant 48 : index
      %swap3A_1057 = tpu.vector_load %arg7[%swap3A_1054, %swap3A_1055, %swap3A_1056] {strides = array<i32>} : memref<2x16x64xf32, #tpu.memory_space<vmem>>, vector<1x1x16xf32>,
      %swap3A_1058 = vector.shape_cast %swap3A_1057 : vector<1x1x16xf32> to vector<16xf32>
      %swap3A_1059 = vector.shape_cast %get3A_1051 : vector<16xf32> to vector<1x1x16xf32>
      tpu.vector_store %arg7[%swap3A_1054, %swap3A_1055, %swap3A_1056], %swap3A_1059 {strides = array<i32>} : memref<2x16x64xf32, #tpu.memory_space<vmem>>, vector<1x1x16xf32>,
      %slice3A_1060 = vector.extract_strided_slice %get3A_700 {offsets = [2], sizes = [1], strides = [1]} : vector<16xi32> to vector<1xi32>
      %squeeze3A_1061 = vector.extract %slice3A_1060[0] : i32 from vector<1xi32>
      %and3A_1062 = arith.constant 7 : i32
      %and3A_1063 = arith.andi %squeeze3A_1061, %and3A_1062 : i32
      %get3A_1064 = arith.constant 2 : i32
      %get3A_1065 = arith.index_cast %get3A_1064 : i32 to index
      %get3A_1066 = arith.index_cast %and3A_1063 : i32 to index
      %get3A_1067 = arith.constant 0 : index
      %get3A_1068 = tpu.vector_load %arg6[%get3A_1065, %get3A_1066, %get3A_1067] {strides = array<i32>} : memref<32x8x64xf32, #tpu.memory_space<vmem>>, vector<1x1x16xf32>,
      %get3A_1069 = vector.shape_cast %get3A_1068 : vector<1x1x16xf32> to vector<16xf32>
      %swap3A_1070 = arith.constant 0 : i32
      %swap3A_1071 = arith.constant 2 : i32
      %swap3A_1072 = arith.index_cast %swap3A_1070 : i32 to index
      %swap3A_1073 = arith.index_cast %swap3A_1071 : i32 to index
      %swap3A_1074 = arith.constant 0 : index
      %swap3A_1075 = tpu.vector_load %arg7[%swap3A_1072, %swap3A_1073, %swap3A_1074] {strides = array<i32>} : memref<2x16x64xf32, #tpu.memory_space<vmem>>, vector<1x1x16xf32>,
      %swap3A_1076 = vector.shape_cast %swap3A_1075 : vector<1x1x16xf32> to vector<16xf32>
      %swap3A_1077 = vector.shape_cast %get3A_1069 : vector<16xf32> to vector<1x1x16xf32>
      tpu.vector_store %arg7[%swap3A_1072, %swap3A_1073, %swap3A_1074], %swap3A_1077 {strides = array<i32>} : memref<2x16x64xf32, #tpu.memory_space<vmem>>, vector<1x1x16xf32>,
      %get3A_1078 = arith.constant 2 : i32
      %get3A_1079 = arith.index_cast %get3A_1078 : i32 to index
      %get3A_1080 = arith.index_cast %and3A_1063 : i32 to index
      %get3A_1081 = arith.constant 16 : index
      %get3A_1082 = tpu.vector_load %arg6[%get3A_1079, %get3A_1080, %get3A_1081] {strides = array<i32>} : memref<32x8x64xf32, #tpu.memory_space<vmem>>, vector<1x1x16xf32>,
      %get3A_1083 = vector.shape_cast %get3A_1082 : vector<1x1x16xf32> to vector<16xf32>
      %swap3A_1084 = arith.constant 0 : i32
      %swap3A_1085 = arith.constant 2 : i32
      %swap3A_1086 = arith.index_cast %swap3A_1084 : i32 to index
      %swap3A_1087 = arith.index_cast %swap3A_1085 : i32 to index
      %swap3A_1088 = arith.constant 16 : index
      %swap3A_1089 = tpu.vector_load %arg7[%swap3A_1086, %swap3A_1087, %swap3A_1088] {strides = array<i32>} : memref<2x16x64xf32, #tpu.memory_space<vmem>>, vector<1x1x16xf32>,
      %swap3A_1090 = vector.shape_cast %swap3A_1089 : vector<1x1x16xf32> to vector<16xf32>
      %swap3A_1091 = vector.shape_cast %get3A_1083 : vector<16xf32> to vector<1x1x16xf32>
      tpu.vector_store %arg7[%swap3A_1086, %swap3A_1087, %swap3A_1088], %swap3A_1091 {strides = array<i32>} : memref<2x16x64xf32, #tpu.memory_space<vmem>>, vector<1x1x16xf32>,
      %get3A_1092 = arith.constant 2 : i32
      %get3A_1093 = arith.index_cast %get3A_1092 : i32 to index
      %get3A_1094 = arith.index_cast %and3A_1063 : i32 to index
      %get3A_1095 = arith.constant 32 : index
      %get3A_1096 = tpu.vector_load %arg6[%get3A_1093, %get3A_1094, %get3A_1095] {strides = array<i32>} : memref<32x8x64xf32, #tpu.memory_space<vmem>>, vector<1x1x16xf32>,
      %get3A_1097 = vector.shape_cast %get3A_1096 : vector<1x1x16xf32> to vector<16xf32>
      %swap3A_1098 = arith.constant 0 : i32
      %swap3A_1099 = arith.constant 2 : i32
      %swap3A_1100 = arith.index_cast %swap3A_1098 : i32 to index
      %swap3A_1101 = arith.index_cast %swap3A_1099 : i32 to index
      %swap3A_1102 = arith.constant 32 : index
      %swap3A_1103 = tpu.vector_load %arg7[%swap3A_1100, %swap3A_1101, %swap3A_1102] {strides = array<i32>} : memref<2x16x64xf32, #tpu.memory_space<vmem>>, vector<1x1x16xf32>,
      %swap3A_1104 = vector.shape_cast %swap3A_1103 : vector<1x1x16xf32> to vector<16xf32>
      %swap3A_1105 = vector.shape_cast %get3A_1097 : vector<16xf32> to vector<1x1x16xf32>
      tpu.vector_store %arg7[%swap3A_1100, %swap3A_1101, %swap3A_1102], %swap3A_1105 {strides = array<i32>} : memref<2x16x64xf32, #tpu.memory_space<vmem>>, vector<1x1x16xf32>,
      %get3A_1106 = arith.constant 2 : i32
      %get3A_1107 = arith.index_cast %get3A_1106 : i32 to index
      %get3A_1108 = arith.index_cast %and3A_1063 : i32 to index
      %get3A_1109 = arith.constant 48 : index
      %get3A_1110 = tpu.vector_load %arg6[%get3A_1107, %get3A_1108, %get3A_1109] {strides = array<i32>} : memref<32x8x64xf32, #tpu.memory_space<vmem>>, vector<1x1x16xf32>,
      %get3A_1111 = vector.shape_cast %get3A_1110 : vector<1x1x16xf32> to vector<16xf32>
      %swap3A_1112 = arith.constant 0 : i32
      %swap3A_1113 = arith.constant 2 : i32
      %swap3A_1114 = arith.index_cast %swap3A_1112 : i32 to index
      %swap3A_1115 = arith.index_cast %swap3A_1113 : i32 to index
      %swap3A_1116 = arith.constant 48 : index
      %swap3A_1117 = tpu.vector_load %arg7[%swap3A_1114, %swap3A_1115, %swap3A_1116] {strides = array<i32>} : memref<2x16x64xf32, #tpu.memory_space<vmem>>, vector<1x1x16xf32>,
      %swap3A_1118 = vector.shape_cast %swap3A_1117 : vector<1x1x16xf32> to vector<16xf32>
      %swap3A_1119 = vector.shape_cast %get3A_1111 : vector<16xf32> to vector<1x1x16xf32>
      tpu.vector_store %arg7[%swap3A_1114, %swap3A_1115, %swap3A_1116], %swap3A_1119 {strides = array<i32>} : memref<2x16x64xf32, #tpu.memory_space<vmem>>, vector<1x1x16xf32>,
      %slice3A_1120 = vector.extract_strided_slice %get3A_700 {offsets = [3], sizes = [1], strides = [1]} : vector<16xi32> to vector<1xi32>
      %squeeze3A_1121 = vector.extract %slice3A_1120[0] : i32 from vector<1xi32>
      %and3A_1122 = arith.constant 7 : i32
      %and3A_1123 = arith.andi %squeeze3A_1121, %and3A_1122 : i32
      %get3A_1124 = arith.constant 3 : i32
      %get3A_1125 = arith.index_cast %get3A_1124 : i32 to index
      %get3A_1126 = arith.index_cast %and3A_1123 : i32 to index
      %get3A_1127 = arith.constant 0 : index
      %get3A_1128 = tpu.vector_load %arg6[%get3A_1125, %get3A_1126, %get3A_1127] {strides = array<i32>} : memref<32x8x64xf32, #tpu.memory_space<vmem>>, vector<1x1x16xf32>,
      %get3A_1129 = vector.shape_cast %get3A_1128 : vector<1x1x16xf32> to vector<16xf32>
      %swap3A_1130 = arith.constant 0 : i32
      %swap3A_1131 = arith.constant 3 : i32
      %swap3A_1132 = arith.index_cast %swap3A_1130 : i32 to index
      %swap3A_1133 = arith.index_cast %swap3A_1131 : i32 to index
      %swap3A_1134 = arith.constant 0 : index
      %swap3A_1135 = tpu.vector_load %arg7[%swap3A_1132, %swap3A_1133, %swap3A_1134] {strides = array<i32>} : memref<2x16x64xf32, #tpu.memory_space<vmem>>, vector<1x1x16xf32>,
      %swap3A_1136 = vector.shape_cast %swap3A_1135 : vector<1x1x16xf32> to vector<16xf32>
      %swap3A_1137 = vector.shape_cast %get3A_1129 : vector<16xf32> to vector<1x1x16xf32>
      tpu.vector_store %arg7[%swap3A_1132, %swap3A_1133, %swap3A_1134], %swap3A_1137 {strides = array<i32>} : memref<2x16x64xf32, #tpu.memory_space<vmem>>, vector<1x1x16xf32>,
      %get3A_1138 = arith.constant 3 : i32
      %get3A_1139 = arith.index_cast %get3A_1138 : i32 to index
      %get3A_1140 = arith.index_cast %and3A_1123 : i32 to index
      %get3A_1141 = arith.constant 16 : index
      %get3A_1142 = tpu.vector_load %arg6[%get3A_1139, %get3A_1140, %get3A_1141] {strides = array<i32>} : memref<32x8x64xf32, #tpu.memory_space<vmem>>, vector<1x1x16xf32>,
      %get3A_1143 = vector.shape_cast %get3A_1142 : vector<1x1x16xf32> to vector<16xf32>
      %swap3A_1144 = arith.constant 0 : i32
      %swap3A_1145 = arith.constant 3 : i32
      %swap3A_1146 = arith.index_cast %swap3A_1144 : i32 to index
      %swap3A_1147 = arith.index_cast %swap3A_1145 : i32 to index
      %swap3A_1148 = arith.constant 16 : index
      %swap3A_1149 = tpu.vector_load %arg7[%swap3A_1146, %swap3A_1147, %swap3A_1148] {strides = array<i32>} : memref<2x16x64xf32, #tpu.memory_space<vmem>>, vector<1x1x16xf32>,
      %swap3A_1150 = vector.shape_cast %swap3A_1149 : vector<1x1x16xf32> to vector<16xf32>
      %swap3A_1151 = vector.shape_cast %get3A_1143 : vector<16xf32> to vector<1x1x16xf32>
      tpu.vector_store %arg7[%swap3A_1146, %swap3A_1147, %swap3A_1148], %swap3A_1151 {strides = array<i32>} : memref<2x16x64xf32, #tpu.memory_space<vmem>>, vector<1x1x16xf32>,
      %get3A_1152 = arith.constant 3 : i32
      %get3A_1153 = arith.index_cast %get3A_1152 : i32 to index
      %get3A_1154 = arith.index_cast %and3A_1123 : i32 to index
      %get3A_1155 = arith.constant 32 : index
      %get3A_1156 = tpu.vector_load %arg6[%get3A_1153, %get3A_1154, %get3A_1155] {strides = array<i32>} : memref<32x8x64xf32, #tpu.memory_space<vmem>>, vector<1x1x16xf32>,
      %get3A_1157 = vector.shape_cast %get3A_1156 : vector<1x1x16xf32> to vector<16xf32>
      %swap3A_1158 = arith.constant 0 : i32
      %swap3A_1159 = arith.constant 3 : i32
      %swap3A_1160 = arith.index_cast %swap3A_1158 : i32 to index
      %swap3A_1161 = arith.index_cast %swap3A_1159 : i32 to index
      %swap3A_1162 = arith.constant 32 : index
      %swap3A_1163 = tpu.vector_load %arg7[%swap3A_1160, %swap3A_1161, %swap3A_1162] {strides = array<i32>} : memref<2x16x64xf32, #tpu.memory_space<vmem>>, vector<1x1x16xf32>,
      %swap3A_1164 = vector.shape_cast %swap3A_1163 : vector<1x1x16xf32> to vector<16xf32>
      %swap3A_1165 = vector.shape_cast %get3A_1157 : vector<16xf32> to vector<1x1x16xf32>
      tpu.vector_store %arg7[%swap3A_1160, %swap3A_1161, %swap3A_1162], %swap3A_1165 {strides = array<i32>} : memref<2x16x64xf32, #tpu.memory_space<vmem>>, vector<1x1x16xf32>,
      %get3A_1166 = arith.constant 3 : i32
      %get3A_1167 = arith.index_cast %get3A_1166 : i32 to index
      %get3A_1168 = arith.index_cast %and3A_1123 : i32 to index
      %get3A_1169 = arith.constant 48 : index
      %get3A_1170 = tpu.vector_load %arg6[%get3A_1167, %get3A_1168, %get3A_1169] {strides = array<i32>} : memref<32x8x64xf32, #tpu.memory_space<vmem>>, vector<1x1x16xf32>,
      %get3A_1171 = vector.shape_cast %get3A_1170 : vector<1x1x16xf32> to vector<16xf32>
      %swap3A_1172 = arith.constant 0 : i32
      %swap3A_1173 = arith.constant 3 : i32
      %swap3A_1174 = arith.index_cast %swap3A_1172 : i32 to index
      %swap3A_1175 = arith.index_cast %swap3A_1173 : i32 to index
      %swap3A_1176 = arith.constant 48 : index
      %swap3A_1177 = tpu.vector_load %arg7[%swap3A_1174, %swap3A_1175, %swap3A_1176] {strides = array<i32>} : memref<2x16x64xf32, #tpu.memory_space<vmem>>, vector<1x1x16xf32>,
      %swap3A_1178 = vector.shape_cast %swap3A_1177 : vector<1x1x16xf32> to vector<16xf32>
      %swap3A_1179 = vector.shape_cast %get3A_1171 : vector<16xf32> to vector<1x1x16xf32>
      tpu.vector_store %arg7[%swap3A_1174, %swap3A_1175, %swap3A_1176], %swap3A_1179 {strides = array<i32>} : memref<2x16x64xf32, #tpu.memory_space<vmem>>, vector<1x1x16xf32>,
      %slice3A_1180 = vector.extract_strided_slice %get3A_700 {offsets = [4], sizes = [1], strides = [1]} : vector<16xi32> to vector<1xi32>
      %squeeze3A_1181 = vector.extract %slice3A_1180[0] : i32 from vector<1xi32>
      %and3A_1182 = arith.constant 7 : i32
      %and3A_1183 = arith.andi %squeeze3A_1181, %and3A_1182 : i32
      %get3A_1184 = arith.constant 4 : i32
      %get3A_1185 = arith.index_cast %get3A_1184 : i32 to index
      %get3A_1186 = arith.index_cast %and3A_1183 : i32 to index
      %get3A_1187 = arith.constant 0 : index
      %get3A_1188 = tpu.vector_load %arg6[%get3A_1185, %get3A_1186, %get3A_1187] {strides = array<i32>} : memref<32x8x64xf32, #tpu.memory_space<vmem>>, vector<1x1x16xf32>,
      %get3A_1189 = vector.shape_cast %get3A_1188 : vector<1x1x16xf32> to vector<16xf32>
      %swap3A_1190 = arith.constant 0 : i32
      %swap3A_1191 = arith.constant 4 : i32
      %swap3A_1192 = arith.index_cast %swap3A_1190 : i32 to index
      %swap3A_1193 = arith.index_cast %swap3A_1191 : i32 to index
      %swap3A_1194 = arith.constant 0 : index
      %swap3A_1195 = tpu.vector_load %arg7[%swap3A_1192, %swap3A_1193, %swap3A_1194] {strides = array<i32>} : memref<2x16x64xf32, #tpu.memory_space<vmem>>, vector<1x1x16xf32>,
      %swap3A_1196 = vector.shape_cast %swap3A_1195 : vector<1x1x16xf32> to vector<16xf32>
      %swap3A_1197 = vector.shape_cast %get3A_1189 : vector<16xf32> to vector<1x1x16xf32>
      tpu.vector_store %arg7[%swap3A_1192, %swap3A_1193, %swap3A_1194], %swap3A_1197 {strides = array<i32>} : memref<2x16x64xf32, #tpu.memory_space<vmem>>, vector<1x1x16xf32>,
      %get3A_1198 = arith.constant 4 : i32
      %get3A_1199 = arith.index_cast %get3A_1198 : i32 to index
      %get3A_1200 = arith.index_cast %and3A_1183 : i32 to index
      %get3A_1201 = arith.constant 16 : index
      %get3A_1202 = tpu.vector_load %arg6[%get3A_1199, %get3A_1200, %get3A_1201] {strides = array<i32>} : memref<32x8x64xf32, #tpu.memory_space<vmem>>, vector<1x1x16xf32>,
      %get3A_1203 = vector.shape_cast %get3A_1202 : vector<1x1x16xf32> to vector<16xf32>
      %swap3A_1204 = arith.constant 0 : i32
      %swap3A_1205 = arith.constant 4 : i32
      %swap3A_1206 = arith.index_cast %swap3A_1204 : i32 to index
      %swap3A_1207 = arith.index_cast %swap3A_1205 : i32 to index
      %swap3A_1208 = arith.constant 16 : index
      %swap3A_1209 = tpu.vector_load %arg7[%swap3A_1206, %swap3A_1207, %swap3A_1208] {strides = array<i32>} : memref<2x16x64xf32, #tpu.memory_space<vmem>>, vector<1x1x16xf32>,
      %swap3A_1210 = vector.shape_cast %swap3A_1209 : vector<1x1x16xf32> to vector<16xf32>
      %swap3A_1211 = vector.shape_cast %get3A_1203 : vector<16xf32> to vector<1x1x16xf32>
      tpu.vector_store %arg7[%swap3A_1206, %swap3A_1207, %swap3A_1208], %swap3A_1211 {strides = array<i32>} : memref<2x16x64xf32, #tpu.memory_space<vmem>>, vector<1x1x16xf32>,
      %get3A_1212 = arith.constant 4 : i32
      %get3A_1213 = arith.index_cast %get3A_1212 : i32 to index
      %get3A_1214 = arith.index_cast %and3A_1183 : i32 to index
      %get3A_1215 = arith.constant 32 : index
      %get3A_1216 = tpu.vector_load %arg6[%get3A_1213, %get3A_1214, %get3A_1215] {strides = array<i32>} : memref<32x8x64xf32, #tpu.memory_space<vmem>>, vector<1x1x16xf32>,
      %get3A_1217 = vector.shape_cast %get3A_1216 : vector<1x1x16xf32> to vector<16xf32>
      %swap3A_1218 = arith.constant 0 : i32
      %swap3A_1219 = arith.constant 4 : i32
      %swap3A_1220 = arith.index_cast %swap3A_1218 : i32 to index
      %swap3A_1221 = arith.index_cast %swap3A_1219 : i32 to index
      %swap3A_1222 = arith.constant 32 : index
      %swap3A_1223 = tpu.vector_load %arg7[%swap3A_1220, %swap3A_1221, %swap3A_1222] {strides = array<i32>} : memref<2x16x64xf32, #tpu.memory_space<vmem>>, vector<1x1x16xf32>,
      %swap3A_1224 = vector.shape_cast %swap3A_1223 : vector<1x1x16xf32> to vector<16xf32>
      %swap3A_1225 = vector.shape_cast %get3A_1217 : vector<16xf32> to vector<1x1x16xf32>
      tpu.vector_store %arg7[%swap3A_1220, %swap3A_1221, %swap3A_1222], %swap3A_1225 {strides = array<i32>} : memref<2x16x64xf32, #tpu.memory_space<vmem>>, vector<1x1x16xf32>,
      %get3A_1226 = arith.constant 4 : i32
      %get3A_1227 = arith.index_cast %get3A_1226 : i32 to index
      %get3A_1228 = arith.index_cast %and3A_1183 : i32 to index
      %get3A_1229 = arith.constant 48 : index
      %get3A_1230 = tpu.vector_load %arg6[%get3A_1227, %get3A_1228, %get3A_1229] {strides = array<i32>} : memref<32x8x64xf32, #tpu.memory_space<vmem>>, vector<1x1x16xf32>,
      %get3A_1231 = vector.shape_cast %get3A_1230 : vector<1x1x16xf32> to vector<16xf32>
      %swap3A_1232 = arith.constant 0 : i32
      %swap3A_1233 = arith.constant 4 : i32
      %swap3A_1234 = arith.index_cast %swap3A_1232 : i32 to index
      %swap3A_1235 = arith.index_cast %swap3A_1233 : i32 to index
      %swap3A_1236 = arith.constant 48 : index
      %swap3A_1237 = tpu.vector_load %arg7[%swap3A_1234, %swap3A_1235, %swap3A_1236] {strides = array<i32>} : memref<2x16x64xf32, #tpu.memory_space<vmem>>, vector<1x1x16xf32>,
      %swap3A_1238 = vector.shape_cast %swap3A_1237 : vector<1x1x16xf32> to vector<16xf32>
      %swap3A_1239 = vector.shape_cast %get3A_1231 : vector<16xf32> to vector<1x1x16xf32>
      tpu.vector_store %arg7[%swap3A_1234, %swap3A_1235, %swap3A_1236], %swap3A_1239 {strides = array<i32>} : memref<2x16x64xf32, #tpu.memory_space<vmem>>, vector<1x1x16xf32>,
      %slice3A_1240 = vector.extract_strided_slice %get3A_700 {offsets = [5], sizes = [1], strides = [1]} : vector<16xi32> to vector<1xi32>
      %squeeze3A_1241 = vector.extract %slice3A_1240[0] : i32 from vector<1xi32>
      %and3A_1242 = arith.constant 7 : i32
      %and3A_1243 = arith.andi %squeeze3A_1241, %and3A_1242 : i32
      %get3A_1244 = arith.constant 5 : i32
      %get3A_1245 = arith.index_cast %get3A_1244 : i32 to index
      %get3A_1246 = arith.index_cast %and3A_1243 : i32 to index
      %get3A_1247 = arith.constant 0 : index
      %get3A_1248 = tpu.vector_load %arg6[%get3A_1245, %get3A_1246, %get3A_1247] {strides = array<i32>} : memref<32x8x64xf32, #tpu.memory_space<vmem>>, vector<1x1x16xf32>,
      %get3A_1249 = vector.shape_cast %get3A_1248 : vector<1x1x16xf32> to vector<16xf32>
      %swap3A_1250 = arith.constant 0 : i32
      %swap3A_1251 = arith.constant 5 : i32
      %swap3A_1252 = arith.index_cast %swap3A_1250 : i32 to index
      %swap3A_1253 = arith.index_cast %swap3A_1251 : i32 to index
      %swap3A_1254 = arith.constant 0 : index
      %swap3A_1255 = tpu.vector_load %arg7[%swap3A_1252, %swap3A_1253, %swap3A_1254] {strides = array<i32>} : memref<2x16x64xf32, #tpu.memory_space<vmem>>, vector<1x1x16xf32>,
      %swap3A_1256 = vector.shape_cast %swap3A_1255 : vector<1x1x16xf32> to vector<16xf32>
      %swap3A_1257 = vector.shape_cast %get3A_1249 : vector<16xf32> to vector<1x1x16xf32>
      tpu.vector_store %arg7[%swap3A_1252, %swap3A_1253, %swap3A_1254], %swap3A_1257 {strides = array<i32>} : memref<2x16x64xf32, #tpu.memory_space<vmem>>, vector<1x1x16xf32>,
      %get3A_1258 = arith.constant 5 : i32
      %get3A_1259 = arith.index_cast %get3A_1258 : i32 to index
      %get3A_1260 = arith.index_cast %and3A_1243 : i32 to index
      %get3A_1261 = arith.constant 16 : index
      %get3A_1262 = tpu.vector_load %arg6[%get3A_1259, %get3A_1260, %get3A_1261] {strides = array<i32>} : memref<32x8x64xf32, #tpu.memory_space<vmem>>, vector<1x1x16xf32>,
      %get3A_1263 = vector.shape_cast %get3A_1262 : vector<1x1x16xf32> to vector<16xf32>
      %swap3A_1264 = arith.constant 0 : i32
      %swap3A_1265 = arith.constant 5 : i32
      %swap3A_1266 = arith.index_cast %swap3A_1264 : i32 to index
      %swap3A_1267 = arith.index_cast %swap3A_1265 : i32 to index
      %swap3A_1268 = arith.constant 16 : index
      %swap3A_1269 = tpu.vector_load %arg7[%swap3A_1266, %swap3A_1267, %swap3A_1268] {strides = array<i32>} : memref<2x16x64xf32, #tpu.memory_space<vmem>>, vector<1x1x16xf32>,
      %swap3A_1270 = vector.shape_cast %swap3A_1269 : vector<1x1x16xf32> to vector<16xf32>
      %swap3A_1271 = vector.shape_cast %get3A_1263 : vector<16xf32> to vector<1x1x16xf32>
      tpu.vector_store %arg7[%swap3A_1266, %swap3A_1267, %swap3A_1268], %swap3A_1271 {strides = array<i32>} : memref<2x16x64xf32, #tpu.memory_space<vmem>>, vector<1x1x16xf32>,
      %get3A_1272 = arith.constant 5 : i32
      %get3A_1273 = arith.index_cast %get3A_1272 : i32 to index
      %get3A_1274 = arith.index_cast %and3A_1243 : i32 to index
      %get3A_1275 = arith.constant 32 : index
      %get3A_1276 = tpu.vector_load %arg6[%get3A_1273, %get3A_1274, %get3A_1275] {strides = array<i32>} : memref<32x8x64xf32, #tpu.memory_space<vmem>>, vector<1x1x16xf32>,
      %get3A_1277 = vector.shape_cast %get3A_1276 : vector<1x1x16xf32> to vector<16xf32>
      %swap3A_1278 = arith.constant 0 : i32
      %swap3A_1279 = arith.constant 5 : i32
      %swap3A_1280 = arith.index_cast %swap3A_1278 : i32 to index
      %swap3A_1281 = arith.index_cast %swap3A_1279 : i32 to index
      %swap3A_1282 = arith.constant 32 : index
      %swap3A_1283 = tpu.vector_load %arg7[%swap3A_1280, %swap3A_1281, %swap3A_1282] {strides = array<i32>} : memref<2x16x64xf32, #tpu.memory_space<vmem>>, vector<1x1x16xf32>,
      %swap3A_1284 = vector.shape_cast %swap3A_1283 : vector<1x1x16xf32> to vector<16xf32>
      %swap3A_1285 = vector.shape_cast %get3A_1277 : vector<16xf32> to vector<1x1x16xf32>
      tpu.vector_store %arg7[%swap3A_1280, %swap3A_1281, %swap3A_1282], %swap3A_1285 {strides = array<i32>} : memref<2x16x64xf32, #tpu.memory_space<vmem>>, vector<1x1x16xf32>,
      %get3A_1286 = arith.constant 5 : i32
      %get3A_1287 = arith.index_cast %get3A_1286 : i32 to index
      %get3A_1288 = arith.index_cast %and3A_1243 : i32 to index
      %get3A_1289 = arith.constant 48 : index
      %get3A_1290 = tpu.vector_load %arg6[%get3A_1287, %get3A_1288, %get3A_1289] {strides = array<i32>} : memref<32x8x64xf32, #tpu.memory_space<vmem>>, vector<1x1x16xf32>,
      %get3A_1291 = vector.shape_cast %get3A_1290 : vector<1x1x16xf32> to vector<16xf32>
      %swap3A_1292 = arith.constant 0 : i32
      %swap3A_1293 = arith.constant 5 : i32
      %swap3A_1294 = arith.index_cast %swap3A_1292 : i32 to index
      %swap3A_1295 = arith.index_cast %swap3A_1293 : i32 to index
      %swap3A_1296 = arith.constant 48 : index
      %swap3A_1297 = tpu.vector_load %arg7[%swap3A_1294, %swap3A_1295, %swap3A_1296] {strides = array<i32>} : memref<2x16x64xf32, #tpu.memory_space<vmem>>, vector<1x1x16xf32>,
      %swap3A_1298 = vector.shape_cast %swap3A_1297 : vector<1x1x16xf32> to vector<16xf32>
      %swap3A_1299 = vector.shape_cast %get3A_1291 : vector<16xf32> to vector<1x1x16xf32>
      tpu.vector_store %arg7[%swap3A_1294, %swap3A_1295, %swap3A_1296], %swap3A_1299 {strides = array<i32>} : memref<2x16x64xf32, #tpu.memory_space<vmem>>, vector<1x1x16xf32>,
      %slice3A_1300 = vector.extract_strided_slice %get3A_700 {offsets = [6], sizes = [1], strides = [1]} : vector<16xi32> to vector<1xi32>
      %squeeze3A_1301 = vector.extract %slice3A_1300[0] : i32 from vector<1xi32>
      %and3A_1302 = arith.constant 7 : i32
      %and3A_1303 = arith.andi %squeeze3A_1301, %and3A_1302 : i32
      %get3A_1304 = arith.constant 6 : i32
      %get3A_1305 = arith.index_cast %get3A_1304 : i32 to index
      %get3A_1306 = arith.index_cast %and3A_1303 : i32 to index
      %get3A_1307 = arith.constant 0 : index
      %get3A_1308 = tpu.vector_load %arg6[%get3A_1305, %get3A_1306, %get3A_1307] {strides = array<i32>} : memref<32x8x64xf32, #tpu.memory_space<vmem>>, vector<1x1x16xf32>,
      %get3A_1309 = vector.shape_cast %get3A_1308 : vector<1x1x16xf32> to vector<16xf32>
      %swap3A_1310 = arith.constant 0 : i32
      %swap3A_1311 = arith.constant 6 : i32
      %swap3A_1312 = arith.index_cast %swap3A_1310 : i32 to index
      %swap3A_1313 = arith.index_cast %swap3A_1311 : i32 to index
      %swap3A_1314 = arith.constant 0 : index
      %swap3A_1315 = tpu.vector_load %arg7[%swap3A_1312, %swap3A_1313, %swap3A_1314] {strides = array<i32>} : memref<2x16x64xf32, #tpu.memory_space<vmem>>, vector<1x1x16xf32>,
      %swap3A_1316 = vector.shape_cast %swap3A_1315 : vector<1x1x16xf32> to vector<16xf32>
      %swap3A_1317 = vector.shape_cast %get3A_1309 : vector<16xf32> to vector<1x1x16xf32>
      tpu.vector_store %arg7[%swap3A_1312, %swap3A_1313, %swap3A_1314], %swap3A_1317 {strides = array<i32>} : memref<2x16x64xf32, #tpu.memory_space<vmem>>, vector<1x1x16xf32>,
      %get3A_1318 = arith.constant 6 : i32
      %get3A_1319 = arith.index_cast %get3A_1318 : i32 to index
      %get3A_1320 = arith.index_cast %and3A_1303 : i32 to index
      %get3A_1321 = arith.constant 16 : index
      %get3A_1322 = tpu.vector_load %arg6[%get3A_1319, %get3A_1320, %get3A_1321] {strides = array<i32>} : memref<32x8x64xf32, #tpu.memory_space<vmem>>, vector<1x1x16xf32>,
      %get3A_1323 = vector.shape_cast %get3A_1322 : vector<1x1x16xf32> to vector<16xf32>
      %swap3A_1324 = arith.constant 0 : i32
      %swap3A_1325 = arith.constant 6 : i32
      %swap3A_1326 = arith.index_cast %swap3A_1324 : i32 to index
      %swap3A_1327 = arith.index_cast %swap3A_1325 : i32 to index
      %swap3A_1328 = arith.constant 16 : index
      %swap3A_1329 = tpu.vector_load %arg7[%swap3A_1326, %swap3A_1327, %swap3A_1328] {strides = array<i32>} : memref<2x16x64xf32, #tpu.memory_space<vmem>>, vector<1x1x16xf32>,
      %swap3A_1330 = vector.shape_cast %swap3A_1329 : vector<1x1x16xf32> to vector<16xf32>
      %swap3A_1331 = vector.shape_cast %get3A_1323 : vector<16xf32> to vector<1x1x16xf32>
      tpu.vector_store %arg7[%swap3A_1326, %swap3A_1327, %swap3A_1328], %swap3A_1331 {strides = array<i32>} : memref<2x16x64xf32, #tpu.memory_space<vmem>>, vector<1x1x16xf32>,
      %get3A_1332 = arith.constant 6 : i32
      %get3A_1333 = arith.index_cast %get3A_1332 : i32 to index
      %get3A_1334 = arith.index_cast %and3A_1303 : i32 to index
      %get3A_1335 = arith.constant 32 : index
      %get3A_1336 = tpu.vector_load %arg6[%get3A_1333, %get3A_1334, %get3A_1335] {strides = array<i32>} : memref<32x8x64xf32, #tpu.memory_space<vmem>>, vector<1x1x16xf32>,
      %get3A_1337 = vector.shape_cast %get3A_1336 : vector<1x1x16xf32> to vector<16xf32>
      %swap3A_1338 = arith.constant 0 : i32
      %swap3A_1339 = arith.constant 6 : i32
      %swap3A_1340 = arith.index_cast %swap3A_1338 : i32 to index
      %swap3A_1341 = arith.index_cast %swap3A_1339 : i32 to index
      %swap3A_1342 = arith.constant 32 : index
      %swap3A_1343 = tpu.vector_load %arg7[%swap3A_1340, %swap3A_1341, %swap3A_1342] {strides = array<i32>} : memref<2x16x64xf32, #tpu.memory_space<vmem>>, vector<1x1x16xf32>,
      %swap3A_1344 = vector.shape_cast %swap3A_1343 : vector<1x1x16xf32> to vector<16xf32>
      %swap3A_1345 = vector.shape_cast %get3A_1337 : vector<16xf32> to vector<1x1x16xf32>
      tpu.vector_store %arg7[%swap3A_1340, %swap3A_1341, %swap3A_1342], %swap3A_1345 {strides = array<i32>} : memref<2x16x64xf32, #tpu.memory_space<vmem>>, vector<1x1x16xf32>,
      %get3A_1346 = arith.constant 6 : i32
      %get3A_1347 = arith.index_cast %get3A_1346 : i32 to index
      %get3A_1348 = arith.index_cast %and3A_1303 : i32 to index
      %get3A_1349 = arith.constant 48 : index
      %get3A_1350 = tpu.vector_load %arg6[%get3A_1347, %get3A_1348, %get3A_1349] {strides = array<i32>} : memref<32x8x64xf32, #tpu.memory_space<vmem>>, vector<1x1x16xf32>,
      %get3A_1351 = vector.shape_cast %get3A_1350 : vector<1x1x16xf32> to vector<16xf32>
      %swap3A_1352 = arith.constant 0 : i32
      %swap3A_1353 = arith.constant 6 : i32
      %swap3A_1354 = arith.index_cast %swap3A_1352 : i32 to index
      %swap3A_1355 = arith.index_cast %swap3A_1353 : i32 to index
      %swap3A_1356 = arith.constant 48 : index
      %swap3A_1357 = tpu.vector_load %arg7[%swap3A_1354, %swap3A_1355, %swap3A_1356] {strides = array<i32>} : memref<2x16x64xf32, #tpu.memory_space<vmem>>, vector<1x1x16xf32>,
      %swap3A_1358 = vector.shape_cast %swap3A_1357 : vector<1x1x16xf32> to vector<16xf32>
      %swap3A_1359 = vector.shape_cast %get3A_1351 : vector<16xf32> to vector<1x1x16xf32>
      tpu.vector_store %arg7[%swap3A_1354, %swap3A_1355, %swap3A_1356], %swap3A_1359 {strides = array<i32>} : memref<2x16x64xf32, #tpu.memory_space<vmem>>, vector<1x1x16xf32>,
      %slice3A_1360 = vector.extract_strided_slice %get3A_700 {offsets = [7], sizes = [1], strides = [1]} : vector<16xi32> to vector<1xi32>
      %squeeze3A_1361 = vector.extract %slice3A_1360[0] : i32 from vector<1xi32>
      %and3A_1362 = arith.constant 7 : i32
      %and3A_1363 = arith.andi %squeeze3A_1361, %and3A_1362 : i32
      %get3A_1364 = arith.constant 7 : i32
      %get3A_1365 = arith.index_cast %get3A_1364 : i32 to index
      %get3A_1366 = arith.index_cast %and3A_1363 : i32 to index
      %get3A_1367 = arith.constant 0 : index
      %get3A_1368 = tpu.vector_load %arg6[%get3A_1365, %get3A_1366, %get3A_1367] {strides = array<i32>} : memref<32x8x64xf32, #tpu.memory_space<vmem>>, vector<1x1x16xf32>,
      %get3A_1369 = vector.shape_cast %get3A_1368 : vector<1x1x16xf32> to vector<16xf32>
      %swap3A_1370 = arith.constant 0 : i32
      %swap3A_1371 = arith.constant 7 : i32
      %swap3A_1372 = arith.index_cast %swap3A_1370 : i32 to index
      %swap3A_1373 = arith.index_cast %swap3A_1371 : i32 to index
      %swap3A_1374 = arith.constant 0 : index
      %swap3A_1375 = tpu.vector_load %arg7[%swap3A_1372, %swap3A_1373, %swap3A_1374] {strides = array<i32>} : memref<2x16x64xf32, #tpu.memory_space<vmem>>, vector<1x1x16xf32>,
      %swap3A_1376 = vector.shape_cast %swap3A_1375 : vector<1x1x16xf32> to vector<16xf32>
      %swap3A_1377 = vector.shape_cast %get3A_1369 : vector<16xf32> to vector<1x1x16xf32>
      tpu.vector_store %arg7[%swap3A_1372, %swap3A_1373, %swap3A_1374], %swap3A_1377 {strides = array<i32>} : memref<2x16x64xf32, #tpu.memory_space<vmem>>, vector<1x1x16xf32>,
      %get3A_1378 = arith.constant 7 : i32
      %get3A_1379 = arith.index_cast %get3A_1378 : i32 to index
      %get3A_1380 = arith.index_cast %and3A_1363 : i32 to index
      %get3A_1381 = arith.constant 16 : index
      %get3A_1382 = tpu.vector_load %arg6[%get3A_1379, %get3A_1380, %get3A_1381] {strides = array<i32>} : memref<32x8x64xf32, #tpu.memory_space<vmem>>, vector<1x1x16xf32>,
      %get3A_1383 = vector.shape_cast %get3A_1382 : vector<1x1x16xf32> to vector<16xf32>
      %swap3A_1384 = arith.constant 0 : i32
      %swap3A_1385 = arith.constant 7 : i32
      %swap3A_1386 = arith.index_cast %swap3A_1384 : i32 to index
      %swap3A_1387 = arith.index_cast %swap3A_1385 : i32 to index
      %swap3A_1388 = arith.constant 16 : index
      %swap3A_1389 = tpu.vector_load %arg7[%swap3A_1386, %swap3A_1387, %swap3A_1388] {strides = array<i32>} : memref<2x16x64xf32, #tpu.memory_space<vmem>>, vector<1x1x16xf32>,
      %swap3A_1390 = vector.shape_cast %swap3A_1389 : vector<1x1x16xf32> to vector<16xf32>
      %swap3A_1391 = vector.shape_cast %get3A_1383 : vector<16xf32> to vector<1x1x16xf32>
      tpu.vector_store %arg7[%swap3A_1386, %swap3A_1387, %swap3A_1388], %swap3A_1391 {strides = array<i32>} : memref<2x16x64xf32, #tpu.memory_space<vmem>>, vector<1x1x16xf32>,
      %get3A_1392 = arith.constant 7 : i32
      %get3A_1393 = arith.index_cast %get3A_1392 : i32 to index
      %get3A_1394 = arith.index_cast %and3A_1363 : i32 to index
      %get3A_1395 = arith.constant 32 : index
      %get3A_1396 = tpu.vector_load %arg6[%get3A_1393, %get3A_1394, %get3A_1395] {strides = array<i32>} : memref<32x8x64xf32, #tpu.memory_space<vmem>>, vector<1x1x16xf32>,
      %get3A_1397 = vector.shape_cast %get3A_1396 : vector<1x1x16xf32> to vector<16xf32>
      %swap3A_1398 = arith.constant 0 : i32
      %swap3A_1399 = arith.constant 7 : i32
      %swap3A_1400 = arith.index_cast %swap3A_1398 : i32 to index
      %swap3A_1401 = arith.index_cast %swap3A_1399 : i32 to index
      %swap3A_1402 = arith.constant 32 : index
      %swap3A_1403 = tpu.vector_load %arg7[%swap3A_1400, %swap3A_1401, %swap3A_1402] {strides = array<i32>} : memref<2x16x64xf32, #tpu.memory_space<vmem>>, vector<1x1x16xf32>,
      %swap3A_1404 = vector.shape_cast %swap3A_1403 : vector<1x1x16xf32> to vector<16xf32>
      %swap3A_1405 = vector.shape_cast %get3A_1397 : vector<16xf32> to vector<1x1x16xf32>
      tpu.vector_store %arg7[%swap3A_1400, %swap3A_1401, %swap3A_1402], %swap3A_1405 {strides = array<i32>} : memref<2x16x64xf32, #tpu.memory_space<vmem>>, vector<1x1x16xf32>,
      %get3A_1406 = arith.constant 7 : i32
      %get3A_1407 = arith.index_cast %get3A_1406 : i32 to index
      %get3A_1408 = arith.index_cast %and3A_1363 : i32 to index
      %get3A_1409 = arith.constant 48 : index
      %get3A_1410 = tpu.vector_load %arg6[%get3A_1407, %get3A_1408, %get3A_1409] {strides = array<i32>} : memref<32x8x64xf32, #tpu.memory_space<vmem>>, vector<1x1x16xf32>,
      %get3A_1411 = vector.shape_cast %get3A_1410 : vector<1x1x16xf32> to vector<16xf32>
      %swap3A_1412 = arith.constant 0 : i32
      %swap3A_1413 = arith.constant 7 : i32
      %swap3A_1414 = arith.index_cast %swap3A_1412 : i32 to index
      %swap3A_1415 = arith.index_cast %swap3A_1413 : i32 to index
      %swap3A_1416 = arith.constant 48 : index
      %swap3A_1417 = tpu.vector_load %arg7[%swap3A_1414, %swap3A_1415, %swap3A_1416] {strides = array<i32>} : memref<2x16x64xf32, #tpu.memory_space<vmem>>, vector<1x1x16xf32>,
      %swap3A_1418 = vector.shape_cast %swap3A_1417 : vector<1x1x16xf32> to vector<16xf32>
      %swap3A_1419 = vector.shape_cast %get3A_1411 : vector<16xf32> to vector<1x1x16xf32>
      tpu.vector_store %arg7[%swap3A_1414, %swap3A_1415, %swap3A_1416], %swap3A_1419 {strides = array<i32>} : memref<2x16x64xf32, #tpu.memory_space<vmem>>, vector<1x1x16xf32>,
      %slice3A_1420 = vector.extract_strided_slice %get3A_700 {offsets = [8], sizes = [1], strides = [1]} : vector<16xi32> to vector<1xi32>
      %squeeze3A_1421 = vector.extract %slice3A_1420[0] : i32 from vector<1xi32>
      %and3A_1422 = arith.constant 7 : i32
      %and3A_1423 = arith.andi %squeeze3A_1421, %and3A_1422 : i32
      %get3A_1424 = arith.constant 8 : i32
      %get3A_1425 = arith.index_cast %get3A_1424 : i32 to index
      %get3A_1426 = arith.index_cast %and3A_1423 : i32 to index
      %get3A_1427 = arith.constant 0 : index
      %get3A_1428 = tpu.vector_load %arg6[%get3A_1425, %get3A_1426, %get3A_1427] {strides = array<i32>} : memref<32x8x64xf32, #tpu.memory_space<vmem>>, vector<1x1x16xf32>,
      %get3A_1429 = vector.shape_cast %get3A_1428 : vector<1x1x16xf32> to vector<16xf32>
      %swap3A_1430 = arith.constant 0 : i32
      %swap3A_1431 = arith.constant 8 : i32
      %swap3A_1432 = arith.index_cast %swap3A_1430 : i32 to index
      %swap3A_1433 = arith.index_cast %swap3A_1431 : i32 to index
      %swap3A_1434 = arith.constant 0 : index
      %swap3A_1435 = tpu.vector_load %arg7[%swap3A_1432, %swap3A_1433, %swap3A_1434] {strides = array<i32>} : memref<2x16x64xf32, #tpu.memory_space<vmem>>, vector<1x1x16xf32>,
      %swap3A_1436 = vector.shape_cast %swap3A_1435 : vector<1x1x16xf32> to vector<16xf32>
      %swap3A_1437 = vector.shape_cast %get3A_1429 : vector<16xf32> to vector<1x1x16xf32>
      tpu.vector_store %arg7[%swap3A_1432, %swap3A_1433, %swap3A_1434], %swap3A_1437 {strides = array<i32>} : memref<2x16x64xf32, #tpu.memory_space<vmem>>, vector<1x1x16xf32>,
      %get3A_1438 = arith.constant 8 : i32
      %get3A_1439 = arith.index_cast %get3A_1438 : i32 to index
      %get3A_1440 = arith.index_cast %and3A_1423 : i32 to index
      %get3A_1441 = arith.constant 16 : index
      %get3A_1442 = tpu.vector_load %arg6[%get3A_1439, %get3A_1440, %get3A_1441] {strides = array<i32>} : memref<32x8x64xf32, #tpu.memory_space<vmem>>, vector<1x1x16xf32>,
      %get3A_1443 = vector.shape_cast %get3A_1442 : vector<1x1x16xf32> to vector<16xf32>
      %swap3A_1444 = arith.constant 0 : i32
      %swap3A_1445 = arith.constant 8 : i32
      %swap3A_1446 = arith.index_cast %swap3A_1444 : i32 to index
      %swap3A_1447 = arith.index_cast %swap3A_1445 : i32 to index
      %swap3A_1448 = arith.constant 16 : index
      %swap3A_1449 = tpu.vector_load %arg7[%swap3A_1446, %swap3A_1447, %swap3A_1448] {strides = array<i32>} : memref<2x16x64xf32, #tpu.memory_space<vmem>>, vector<1x1x16xf32>,
      %swap3A_1450 = vector.shape_cast %swap3A_1449 : vector<1x1x16xf32> to vector<16xf32>
      %swap3A_1451 = vector.shape_cast %get3A_1443 : vector<16xf32> to vector<1x1x16xf32>
      tpu.vector_store %arg7[%swap3A_1446, %swap3A_1447, %swap3A_1448], %swap3A_1451 {strides = array<i32>} : memref<2x16x64xf32, #tpu.memory_space<vmem>>, vector<1x1x16xf32>,
      %get3A_1452 = arith.constant 8 : i32
      %get3A_1453 = arith.index_cast %get3A_1452 : i32 to index
      %get3A_1454 = arith.index_cast %and3A_1423 : i32 to index
      %get3A_1455 = arith.constant 32 : index
      %get3A_1456 = tpu.vector_load %arg6[%get3A_1453, %get3A_1454, %get3A_1455] {strides = array<i32>} : memref<32x8x64xf32, #tpu.memory_space<vmem>>, vector<1x1x16xf32>,
      %get3A_1457 = vector.shape_cast %get3A_1456 : vector<1x1x16xf32> to vector<16xf32>
      %swap3A_1458 = arith.constant 0 : i32
      %swap3A_1459 = arith.constant 8 : i32
      %swap3A_1460 = arith.index_cast %swap3A_1458 : i32 to index
      %swap3A_1461 = arith.index_cast %swap3A_1459 : i32 to index
      %swap3A_1462 = arith.constant 32 : index
      %swap3A_1463 = tpu.vector_load %arg7[%swap3A_1460, %swap3A_1461, %swap3A_1462] {strides = array<i32>} : memref<2x16x64xf32, #tpu.memory_space<vmem>>, vector<1x1x16xf32>,
      %swap3A_1464 = vector.shape_cast %swap3A_1463 : vector<1x1x16xf32> to vector<16xf32>
      %swap3A_1465 = vector.shape_cast %get3A_1457 : vector<16xf32> to vector<1x1x16xf32>
      tpu.vector_store %arg7[%swap3A_1460, %swap3A_1461, %swap3A_1462], %swap3A_1465 {strides = array<i32>} : memref<2x16x64xf32, #tpu.memory_space<vmem>>, vector<1x1x16xf32>,
      %get3A_1466 = arith.constant 8 : i32
      %get3A_1467 = arith.index_cast %get3A_1466 : i32 to index
      %get3A_1468 = arith.index_cast %and3A_1423 : i32 to index
      %get3A_1469 = arith.constant 48 : index
      %get3A_1470 = tpu.vector_load %arg6[%get3A_1467, %get3A_1468, %get3A_1469] {strides = array<i32>} : memref<32x8x64xf32, #tpu.memory_space<vmem>>, vector<1x1x16xf32>,
      %get3A_1471 = vector.shape_cast %get3A_1470 : vector<1x1x16xf32> to vector<16xf32>
      %swap3A_1472 = arith.constant 0 : i32
      %swap3A_1473 = arith.constant 8 : i32
      %swap3A_1474 = arith.index_cast %swap3A_1472 : i32 to index
      %swap3A_1475 = arith.index_cast %swap3A_1473 : i32 to index
      %swap3A_1476 = arith.constant 48 : index
      %swap3A_1477 = tpu.vector_load %arg7[%swap3A_1474, %swap3A_1475, %swap3A_1476] {strides = array<i32>} : memref<2x16x64xf32, #tpu.memory_space<vmem>>, vector<1x1x16xf32>,
      %swap3A_1478 = vector.shape_cast %swap3A_1477 : vector<1x1x16xf32> to vector<16xf32>
      %swap3A_1479 = vector.shape_cast %get3A_1471 : vector<16xf32> to vector<1x1x16xf32>
      tpu.vector_store %arg7[%swap3A_1474, %swap3A_1475, %swap3A_1476], %swap3A_1479 {strides = array<i32>} : memref<2x16x64xf32, #tpu.memory_space<vmem>>, vector<1x1x16xf32>,
      %slice3A_1480 = vector.extract_strided_slice %get3A_700 {offsets = [9], sizes = [1], strides = [1]} : vector<16xi32> to vector<1xi32>
      %squeeze3A_1481 = vector.extract %slice3A_1480[0] : i32 from vector<1xi32>
      %and3A_1482 = arith.constant 7 : i32
      %and3A_1483 = arith.andi %squeeze3A_1481, %and3A_1482 : i32
      %get3A_1484 = arith.constant 9 : i32
      %get3A_1485 = arith.index_cast %get3A_1484 : i32 to index
      %get3A_1486 = arith.index_cast %and3A_1483 : i32 to index
      %get3A_1487 = arith.constant 0 : index
      %get3A_1488 = tpu.vector_load %arg6[%get3A_1485, %get3A_1486, %get3A_1487] {strides = array<i32>} : memref<32x8x64xf32, #tpu.memory_space<vmem>>, vector<1x1x16xf32>,
      %get3A_1489 = vector.shape_cast %get3A_1488 : vector<1x1x16xf32> to vector<16xf32>
      %swap3A_1490 = arith.constant 0 : i32
      %swap3A_1491 = arith.constant 9 : i32
      %swap3A_1492 = arith.index_cast %swap3A_1490 : i32 to index
      %swap3A_1493 = arith.index_cast %swap3A_1491 : i32 to index
      %swap3A_1494 = arith.constant 0 : index
      %swap3A_1495 = tpu.vector_load %arg7[%swap3A_1492, %swap3A_1493, %swap3A_1494] {strides = array<i32>} : memref<2x16x64xf32, #tpu.memory_space<vmem>>, vector<1x1x16xf32>,
      %swap3A_1496 = vector.shape_cast %swap3A_1495 : vector<1x1x16xf32> to vector<16xf32>
      %swap3A_1497 = vector.shape_cast %get3A_1489 : vector<16xf32> to vector<1x1x16xf32>
      tpu.vector_store %arg7[%swap3A_1492, %swap3A_1493, %swap3A_1494], %swap3A_1497 {strides = array<i32>} : memref<2x16x64xf32, #tpu.memory_space<vmem>>, vector<1x1x16xf32>,
      %get3A_1498 = arith.constant 9 : i32
      %get3A_1499 = arith.index_cast %get3A_1498 : i32 to index
      %get3A_1500 = arith.index_cast %and3A_1483 : i32 to index
      %get3A_1501 = arith.constant 16 : index
      %get3A_1502 = tpu.vector_load %arg6[%get3A_1499, %get3A_1500, %get3A_1501] {strides = array<i32>} : memref<32x8x64xf32, #tpu.memory_space<vmem>>, vector<1x1x16xf32>,
      %get3A_1503 = vector.shape_cast %get3A_1502 : vector<1x1x16xf32> to vector<16xf32>
      %swap3A_1504 = arith.constant 0 : i32
      %swap3A_1505 = arith.constant 9 : i32
      %swap3A_1506 = arith.index_cast %swap3A_1504 : i32 to index
      %swap3A_1507 = arith.index_cast %swap3A_1505 : i32 to index
      %swap3A_1508 = arith.constant 16 : index
      %swap3A_1509 = tpu.vector_load %arg7[%swap3A_1506, %swap3A_1507, %swap3A_1508] {strides = array<i32>} : memref<2x16x64xf32, #tpu.memory_space<vmem>>, vector<1x1x16xf32>,
      %swap3A_1510 = vector.shape_cast %swap3A_1509 : vector<1x1x16xf32> to vector<16xf32>
      %swap3A_1511 = vector.shape_cast %get3A_1503 : vector<16xf32> to vector<1x1x16xf32>
      tpu.vector_store %arg7[%swap3A_1506, %swap3A_1507, %swap3A_1508], %swap3A_1511 {strides = array<i32>} : memref<2x16x64xf32, #tpu.memory_space<vmem>>, vector<1x1x16xf32>,
      %get3A_1512 = arith.constant 9 : i32
      %get3A_1513 = arith.index_cast %get3A_1512 : i32 to index
      %get3A_1514 = arith.index_cast %and3A_1483 : i32 to index
      %get3A_1515 = arith.constant 32 : index
      %get3A_1516 = tpu.vector_load %arg6[%get3A_1513, %get3A_1514, %get3A_1515] {strides = array<i32>} : memref<32x8x64xf32, #tpu.memory_space<vmem>>, vector<1x1x16xf32>,
      %get3A_1517 = vector.shape_cast %get3A_1516 : vector<1x1x16xf32> to vector<16xf32>
      %swap3A_1518 = arith.constant 0 : i32
      %swap3A_1519 = arith.constant 9 : i32
      %swap3A_1520 = arith.index_cast %swap3A_1518 : i32 to index
      %swap3A_1521 = arith.index_cast %swap3A_1519 : i32 to index
      %swap3A_1522 = arith.constant 32 : index
      %swap3A_1523 = tpu.vector_load %arg7[%swap3A_1520, %swap3A_1521, %swap3A_1522] {strides = array<i32>} : memref<2x16x64xf32, #tpu.memory_space<vmem>>, vector<1x1x16xf32>,
      %swap3A_1524 = vector.shape_cast %swap3A_1523 : vector<1x1x16xf32> to vector<16xf32>
      %swap3A_1525 = vector.shape_cast %get3A_1517 : vector<16xf32> to vector<1x1x16xf32>
      tpu.vector_store %arg7[%swap3A_1520, %swap3A_1521, %swap3A_1522], %swap3A_1525 {strides = array<i32>} : memref<2x16x64xf32, #tpu.memory_space<vmem>>, vector<1x1x16xf32>,
      %get3A_1526 = arith.constant 9 : i32
      %get3A_1527 = arith.index_cast %get3A_1526 : i32 to index
      %get3A_1528 = arith.index_cast %and3A_1483 : i32 to index
      %get3A_1529 = arith.constant 48 : index
      %get3A_1530 = tpu.vector_load %arg6[%get3A_1527, %get3A_1528, %get3A_1529] {strides = array<i32>} : memref<32x8x64xf32, #tpu.memory_space<vmem>>, vector<1x1x16xf32>,
      %get3A_1531 = vector.shape_cast %get3A_1530 : vector<1x1x16xf32> to vector<16xf32>
      %swap3A_1532 = arith.constant 0 : i32
      %swap3A_1533 = arith.constant 9 : i32
      %swap3A_1534 = arith.index_cast %swap3A_1532 : i32 to index
      %swap3A_1535 = arith.index_cast %swap3A_1533 : i32 to index
      %swap3A_1536 = arith.constant 48 : index
      %swap3A_1537 = tpu.vector_load %arg7[%swap3A_1534, %swap3A_1535, %swap3A_1536] {strides = array<i32>} : memref<2x16x64xf32, #tpu.memory_space<vmem>>, vector<1x1x16xf32>,
      %swap3A_1538 = vector.shape_cast %swap3A_1537 : vector<1x1x16xf32> to vector<16xf32>
      %swap3A_1539 = vector.shape_cast %get3A_1531 : vector<16xf32> to vector<1x1x16xf32>
      tpu.vector_store %arg7[%swap3A_1534, %swap3A_1535, %swap3A_1536], %swap3A_1539 {strides = array<i32>} : memref<2x16x64xf32, #tpu.memory_space<vmem>>, vector<1x1x16xf32>,
      %slice3A_1540 = vector.extract_strided_slice %get3A_700 {offsets = [10], sizes = [1], strides = [1]} : vector<16xi32> to vector<1xi32>
      %squeeze3A_1541 = vector.extract %slice3A_1540[0] : i32 from vector<1xi32>
      %and3A_1542 = arith.constant 7 : i32
      %and3A_1543 = arith.andi %squeeze3A_1541, %and3A_1542 : i32
      %get3A_1544 = arith.constant 10 : i32
      %get3A_1545 = arith.index_cast %get3A_1544 : i32 to index
      %get3A_1546 = arith.index_cast %and3A_1543 : i32 to index
      %get3A_1547 = arith.constant 0 : index
      %get3A_1548 = tpu.vector_load %arg6[%get3A_1545, %get3A_1546, %get3A_1547] {strides = array<i32>} : memref<32x8x64xf32, #tpu.memory_space<vmem>>, vector<1x1x16xf32>,
      %get3A_1549 = vector.shape_cast %get3A_1548 : vector<1x1x16xf32> to vector<16xf32>
      %swap3A_1550 = arith.constant 0 : i32
      %swap3A_1551 = arith.constant 10 : i32
      %swap3A_1552 = arith.index_cast %swap3A_1550 : i32 to index
      %swap3A_1553 = arith.index_cast %swap3A_1551 : i32 to index
      %swap3A_1554 = arith.constant 0 : index
      %swap3A_1555 = tpu.vector_load %arg7[%swap3A_1552, %swap3A_1553, %swap3A_1554] {strides = array<i32>} : memref<2x16x64xf32, #tpu.memory_space<vmem>>, vector<1x1x16xf32>,
      %swap3A_1556 = vector.shape_cast %swap3A_1555 : vector<1x1x16xf32> to vector<16xf32>
      %swap3A_1557 = vector.shape_cast %get3A_1549 : vector<16xf32> to vector<1x1x16xf32>
      tpu.vector_store %arg7[%swap3A_1552, %swap3A_1553, %swap3A_1554], %swap3A_1557 {strides = array<i32>} : memref<2x16x64xf32, #tpu.memory_space<vmem>>, vector<1x1x16xf32>,
      %get3A_1558 = arith.constant 10 : i32
      %get3A_1559 = arith.index_cast %get3A_1558 : i32 to index
      %get3A_1560 = arith.index_cast %and3A_1543 : i32 to index
      %get3A_1561 = arith.constant 16 : index
      %get3A_1562 = tpu.vector_load %arg6[%get3A_1559, %get3A_1560, %get3A_1561] {strides = array<i32>} : memref<32x8x64xf32, #tpu.memory_space<vmem>>, vector<1x1x16xf32>,
      %get3A_1563 = vector.shape_cast %get3A_1562 : vector<1x1x16xf32> to vector<16xf32>
      %swap3A_1564 = arith.constant 0 : i32
      %swap3A_1565 = arith.constant 10 : i32
      %swap3A_1566 = arith.index_cast %swap3A_1564 : i32 to index
      %swap3A_1567 = arith.index_cast %swap3A_1565 : i32 to index
      %swap3A_1568 = arith.constant 16 : index
      %swap3A_1569 = tpu.vector_load %arg7[%swap3A_1566, %swap3A_1567, %swap3A_1568] {strides = array<i32>} : memref<2x16x64xf32, #tpu.memory_space<vmem>>, vector<1x1x16xf32>,
      %swap3A_1570 = vector.shape_cast %swap3A_1569 : vector<1x1x16xf32> to vector<16xf32>
      %swap3A_1571 = vector.shape_cast %get3A_1563 : vector<16xf32> to vector<1x1x16xf32>
      tpu.vector_store %arg7[%swap3A_1566, %swap3A_1567, %swap3A_1568], %swap3A_1571 {strides = array<i32>} : memref<2x16x64xf32, #tpu.memory_space<vmem>>, vector<1x1x16xf32>,
      %get3A_1572 = arith.constant 10 : i32
      %get3A_1573 = arith.index_cast %get3A_1572 : i32 to index
      %get3A_1574 = arith.index_cast %and3A_1543 : i32 to index
      %get3A_1575 = arith.constant 32 : index
      %get3A_1576 = tpu.vector_load %arg6[%get3A_1573, %get3A_1574, %get3A_1575] {strides = array<i32>} : memref<32x8x64xf32, #tpu.memory_space<vmem>>, vector<1x1x16xf32>,
      %get3A_1577 = vector.shape_cast %get3A_1576 : vector<1x1x16xf32> to vector<16xf32>
      %swap3A_1578 = arith.constant 0 : i32
      %swap3A_1579 = arith.constant 10 : i32
      %swap3A_1580 = arith.index_cast %swap3A_1578 : i32 to index
      %swap3A_1581 = arith.index_cast %swap3A_1579 : i32 to index
      %swap3A_1582 = arith.constant 32 : index
      %swap3A_1583 = tpu.vector_load %arg7[%swap3A_1580, %swap3A_1581, %swap3A_1582] {strides = array<i32>} : memref<2x16x64xf32, #tpu.memory_space<vmem>>, vector<1x1x16xf32>,
      %swap3A_1584 = vector.shape_cast %swap3A_1583 : vector<1x1x16xf32> to vector<16xf32>
      %swap3A_1585 = vector.shape_cast %get3A_1577 : vector<16xf32> to vector<1x1x16xf32>
      tpu.vector_store %arg7[%swap3A_1580, %swap3A_1581, %swap3A_1582], %swap3A_1585 {strides = array<i32>} : memref<2x16x64xf32, #tpu.memory_space<vmem>>, vector<1x1x16xf32>,
      %get3A_1586 = arith.constant 10 : i32
      %get3A_1587 = arith.index_cast %get3A_1586 : i32 to index
      %get3A_1588 = arith.index_cast %and3A_1543 : i32 to index
      %get3A_1589 = arith.constant 48 : index
      %get3A_1590 = tpu.vector_load %arg6[%get3A_1587, %get3A_1588, %get3A_1589] {strides = array<i32>} : memref<32x8x64xf32, #tpu.memory_space<vmem>>, vector<1x1x16xf32>,
      %get3A_1591 = vector.shape_cast %get3A_1590 : vector<1x1x16xf32> to vector<16xf32>
      %swap3A_1592 = arith.constant 0 : i32
      %swap3A_1593 = arith.constant 10 : i32
      %swap3A_1594 = arith.index_cast %swap3A_1592 : i32 to index
      %swap3A_1595 = arith.index_cast %swap3A_1593 : i32 to index
      %swap3A_1596 = arith.constant 48 : index
      %swap3A_1597 = tpu.vector_load %arg7[%swap3A_1594, %swap3A_1595, %swap3A_1596] {strides = array<i32>} : memref<2x16x64xf32, #tpu.memory_space<vmem>>, vector<1x1x16xf32>,
      %swap3A_1598 = vector.shape_cast %swap3A_1597 : vector<1x1x16xf32> to vector<16xf32>
      %swap3A_1599 = vector.shape_cast %get3A_1591 : vector<16xf32> to vector<1x1x16xf32>
      tpu.vector_store %arg7[%swap3A_1594, %swap3A_1595, %swap3A_1596], %swap3A_1599 {strides = array<i32>} : memref<2x16x64xf32, #tpu.memory_space<vmem>>, vector<1x1x16xf32>,
      %slice3A_1600 = vector.extract_strided_slice %get3A_700 {offsets = [11], sizes = [1], strides = [1]} : vector<16xi32> to vector<1xi32>
      %squeeze3A_1601 = vector.extract %slice3A_1600[0] : i32 from vector<1xi32>
      %and3A_1602 = arith.constant 7 : i32
      %and3A_1603 = arith.andi %squeeze3A_1601, %and3A_1602 : i32
      %get3A_1604 = arith.constant 11 : i32
      %get3A_1605 = arith.index_cast %get3A_1604 : i32 to index
      %get3A_1606 = arith.index_cast %and3A_1603 : i32 to index
      %get3A_1607 = arith.constant 0 : index
      %get3A_1608 = tpu.vector_load %arg6[%get3A_1605, %get3A_1606, %get3A_1607] {strides = array<i32>} : memref<32x8x64xf32, #tpu.memory_space<vmem>>, vector<1x1x16xf32>,
      %get3A_1609 = vector.shape_cast %get3A_1608 : vector<1x1x16xf32> to vector<16xf32>
      %swap3A_1610 = arith.constant 0 : i32
      %swap3A_1611 = arith.constant 11 : i32
      %swap3A_1612 = arith.index_cast %swap3A_1610 : i32 to index
      %swap3A_1613 = arith.index_cast %swap3A_1611 : i32 to index
      %swap3A_1614 = arith.constant 0 : index
      %swap3A_1615 = tpu.vector_load %arg7[%swap3A_1612, %swap3A_1613, %swap3A_1614] {strides = array<i32>} : memref<2x16x64xf32, #tpu.memory_space<vmem>>, vector<1x1x16xf32>,
      %swap3A_1616 = vector.shape_cast %swap3A_1615 : vector<1x1x16xf32> to vector<16xf32>
      %swap3A_1617 = vector.shape_cast %get3A_1609 : vector<16xf32> to vector<1x1x16xf32>
      tpu.vector_store %arg7[%swap3A_1612, %swap3A_1613, %swap3A_1614], %swap3A_1617 {strides = array<i32>} : memref<2x16x64xf32, #tpu.memory_space<vmem>>, vector<1x1x16xf32>,
      %get3A_1618 = arith.constant 11 : i32
      %get3A_1619 = arith.index_cast %get3A_1618 : i32 to index
      %get3A_1620 = arith.index_cast %and3A_1603 : i32 to index
      %get3A_1621 = arith.constant 16 : index
      %get3A_1622 = tpu.vector_load %arg6[%get3A_1619, %get3A_1620, %get3A_1621] {strides = array<i32>} : memref<32x8x64xf32, #tpu.memory_space<vmem>>, vector<1x1x16xf32>,
      %get3A_1623 = vector.shape_cast %get3A_1622 : vector<1x1x16xf32> to vector<16xf32>
      %swap3A_1624 = arith.constant 0 : i32
      %swap3A_1625 = arith.constant 11 : i32
      %swap3A_1626 = arith.index_cast %swap3A_1624 : i32 to index
      %swap3A_1627 = arith.index_cast %swap3A_1625 : i32 to index
      %swap3A_1628 = arith.constant 16 : index
      %swap3A_1629 = tpu.vector_load %arg7[%swap3A_1626, %swap3A_1627, %swap3A_1628] {strides = array<i32>} : memref<2x16x64xf32, #tpu.memory_space<vmem>>, vector<1x1x16xf32>,
      %swap3A_1630 = vector.shape_cast %swap3A_1629 : vector<1x1x16xf32> to vector<16xf32>
      %swap3A_1631 = vector.shape_cast %get3A_1623 : vector<16xf32> to vector<1x1x16xf32>
      tpu.vector_store %arg7[%swap3A_1626, %swap3A_1627, %swap3A_1628], %swap3A_1631 {strides = array<i32>} : memref<2x16x64xf32, #tpu.memory_space<vmem>>, vector<1x1x16xf32>,
      %get3A_1632 = arith.constant 11 : i32
      %get3A_1633 = arith.index_cast %get3A_1632 : i32 to index
      %get3A_1634 = arith.index_cast %and3A_1603 : i32 to index
      %get3A_1635 = arith.constant 32 : index
      %get3A_1636 = tpu.vector_load %arg6[%get3A_1633, %get3A_1634, %get3A_1635] {strides = array<i32>} : memref<32x8x64xf32, #tpu.memory_space<vmem>>, vector<1x1x16xf32>,
      %get3A_1637 = vector.shape_cast %get3A_1636 : vector<1x1x16xf32> to vector<16xf32>
      %swap3A_1638 = arith.constant 0 : i32
      %swap3A_1639 = arith.constant 11 : i32
      %swap3A_1640 = arith.index_cast %swap3A_1638 : i32 to index
      %swap3A_1641 = arith.index_cast %swap3A_1639 : i32 to index
      %swap3A_1642 = arith.constant 32 : index
      %swap3A_1643 = tpu.vector_load %arg7[%swap3A_1640, %swap3A_1641, %swap3A_1642] {strides = array<i32>} : memref<2x16x64xf32, #tpu.memory_space<vmem>>, vector<1x1x16xf32>,
      %swap3A_1644 = vector.shape_cast %swap3A_1643 : vector<1x1x16xf32> to vector<16xf32>
      %swap3A_1645 = vector.shape_cast %get3A_1637 : vector<16xf32> to vector<1x1x16xf32>
      tpu.vector_store %arg7[%swap3A_1640, %swap3A_1641, %swap3A_1642], %swap3A_1645 {strides = array<i32>} : memref<2x16x64xf32, #tpu.memory_space<vmem>>, vector<1x1x16xf32>,
      %get3A_1646 = arith.constant 11 : i32
      %get3A_1647 = arith.index_cast %get3A_1646 : i32 to index
      %get3A_1648 = arith.index_cast %and3A_1603 : i32 to index
      %get3A_1649 = arith.constant 48 : index
      %get3A_1650 = tpu.vector_load %arg6[%get3A_1647, %get3A_1648, %get3A_1649] {strides = array<i32>} : memref<32x8x64xf32, #tpu.memory_space<vmem>>, vector<1x1x16xf32>,
      %get3A_1651 = vector.shape_cast %get3A_1650 : vector<1x1x16xf32> to vector<16xf32>
      %swap3A_1652 = arith.constant 0 : i32
      %swap3A_1653 = arith.constant 11 : i32
      %swap3A_1654 = arith.index_cast %swap3A_1652 : i32 to index
      %swap3A_1655 = arith.index_cast %swap3A_1653 : i32 to index
      %swap3A_1656 = arith.constant 48 : index
      %swap3A_1657 = tpu.vector_load %arg7[%swap3A_1654, %swap3A_1655, %swap3A_1656] {strides = array<i32>} : memref<2x16x64xf32, #tpu.memory_space<vmem>>, vector<1x1x16xf32>,
      %swap3A_1658 = vector.shape_cast %swap3A_1657 : vector<1x1x16xf32> to vector<16xf32>
      %swap3A_1659 = vector.shape_cast %get3A_1651 : vector<16xf32> to vector<1x1x16xf32>
      tpu.vector_store %arg7[%swap3A_1654, %swap3A_1655, %swap3A_1656], %swap3A_1659 {strides = array<i32>} : memref<2x16x64xf32, #tpu.memory_space<vmem>>, vector<1x1x16xf32>,
      %slice3A_1660 = vector.extract_strided_slice %get3A_700 {offsets = [12], sizes = [1], strides = [1]} : vector<16xi32> to vector<1xi32>
      %squeeze3A_1661 = vector.extract %slice3A_1660[0] : i32 from vector<1xi32>
      %and3A_1662 = arith.constant 7 : i32
      %and3A_1663 = arith.andi %squeeze3A_1661, %and3A_1662 : i32
      %get3A_1664 = arith.constant 12 : i32
      %get3A_1665 = arith.index_cast %get3A_1664 : i32 to index
      %get3A_1666 = arith.index_cast %and3A_1663 : i32 to index
      %get3A_1667 = arith.constant 0 : index
      %get3A_1668 = tpu.vector_load %arg6[%get3A_1665, %get3A_1666, %get3A_1667] {strides = array<i32>} : memref<32x8x64xf32, #tpu.memory_space<vmem>>, vector<1x1x16xf32>,
      %get3A_1669 = vector.shape_cast %get3A_1668 : vector<1x1x16xf32> to vector<16xf32>
      %swap3A_1670 = arith.constant 0 : i32
      %swap3A_1671 = arith.constant 12 : i32
      %swap3A_1672 = arith.index_cast %swap3A_1670 : i32 to index
      %swap3A_1673 = arith.index_cast %swap3A_1671 : i32 to index
      %swap3A_1674 = arith.constant 0 : index
      %swap3A_1675 = tpu.vector_load %arg7[%swap3A_1672, %swap3A_1673, %swap3A_1674] {strides = array<i32>} : memref<2x16x64xf32, #tpu.memory_space<vmem>>, vector<1x1x16xf32>,
      %swap3A_1676 = vector.shape_cast %swap3A_1675 : vector<1x1x16xf32> to vector<16xf32>
      %swap3A_1677 = vector.shape_cast %get3A_1669 : vector<16xf32> to vector<1x1x16xf32>
      tpu.vector_store %arg7[%swap3A_1672, %swap3A_1673, %swap3A_1674], %swap3A_1677 {strides = array<i32>} : memref<2x16x64xf32, #tpu.memory_space<vmem>>, vector<1x1x16xf32>,
      %get3A_1678 = arith.constant 12 : i32
      %get3A_1679 = arith.index_cast %get3A_1678 : i32 to index
      %get3A_1680 = arith.index_cast %and3A_1663 : i32 to index
      %get3A_1681 = arith.constant 16 : index
      %get3A_1682 = tpu.vector_load %arg6[%get3A_1679, %get3A_1680, %get3A_1681] {strides = array<i32>} : memref<32x8x64xf32, #tpu.memory_space<vmem>>, vector<1x1x16xf32>,
      %get3A_1683 = vector.shape_cast %get3A_1682 : vector<1x1x16xf32> to vector<16xf32>
      %swap3A_1684 = arith.constant 0 : i32
      %swap3A_1685 = arith.constant 12 : i32
      %swap3A_1686 = arith.index_cast %swap3A_1684 : i32 to index
      %swap3A_1687 = arith.index_cast %swap3A_1685 : i32 to index
      %swap3A_1688 = arith.constant 16 : index
      %swap3A_1689 = tpu.vector_load %arg7[%swap3A_1686, %swap3A_1687, %swap3A_1688] {strides = array<i32>} : memref<2x16x64xf32, #tpu.memory_space<vmem>>, vector<1x1x16xf32>,
      %swap3A_1690 = vector.shape_cast %swap3A_1689 : vector<1x1x16xf32> to vector<16xf32>
      %swap3A_1691 = vector.shape_cast %get3A_1683 : vector<16xf32> to vector<1x1x16xf32>
      tpu.vector_store %arg7[%swap3A_1686, %swap3A_1687, %swap3A_1688], %swap3A_1691 {strides = array<i32>} : memref<2x16x64xf32, #tpu.memory_space<vmem>>, vector<1x1x16xf32>,
      %get3A_1692 = arith.constant 12 : i32
      %get3A_1693 = arith.index_cast %get3A_1692 : i32 to index
      %get3A_1694 = arith.index_cast %and3A_1663 : i32 to index
      %get3A_1695 = arith.constant 32 : index
      %get3A_1696 = tpu.vector_load %arg6[%get3A_1693, %get3A_1694, %get3A_1695] {strides = array<i32>} : memref<32x8x64xf32, #tpu.memory_space<vmem>>, vector<1x1x16xf32>,
      %get3A_1697 = vector.shape_cast %get3A_1696 : vector<1x1x16xf32> to vector<16xf32>
      %swap3A_1698 = arith.constant 0 : i32
      %swap3A_1699 = arith.constant 12 : i32
      %swap3A_1700 = arith.index_cast %swap3A_1698 : i32 to index
      %swap3A_1701 = arith.index_cast %swap3A_1699 : i32 to index
      %swap3A_1702 = arith.constant 32 : index
      %swap3A_1703 = tpu.vector_load %arg7[%swap3A_1700, %swap3A_1701, %swap3A_1702] {strides = array<i32>} : memref<2x16x64xf32, #tpu.memory_space<vmem>>, vector<1x1x16xf32>,
      %swap3A_1704 = vector.shape_cast %swap3A_1703 : vector<1x1x16xf32> to vector<16xf32>
      %swap3A_1705 = vector.shape_cast %get3A_1697 : vector<16xf32> to vector<1x1x16xf32>
      tpu.vector_store %arg7[%swap3A_1700, %swap3A_1701, %swap3A_1702], %swap3A_1705 {strides = array<i32>} : memref<2x16x64xf32, #tpu.memory_space<vmem>>, vector<1x1x16xf32>,
      %get3A_1706 = arith.constant 12 : i32
      %get3A_1707 = arith.index_cast %get3A_1706 : i32 to index
      %get3A_1708 = arith.index_cast %and3A_1663 : i32 to index
      %get3A_1709 = arith.constant 48 : index
      %get3A_1710 = tpu.vector_load %arg6[%get3A_1707, %get3A_1708, %get3A_1709] {strides = array<i32>} : memref<32x8x64xf32, #tpu.memory_space<vmem>>, vector<1x1x16xf32>,
      %get3A_1711 = vector.shape_cast %get3A_1710 : vector<1x1x16xf32> to vector<16xf32>
      %swap3A_1712 = arith.constant 0 : i32
      %swap3A_1713 = arith.constant 12 : i32
      %swap3A_1714 = arith.index_cast %swap3A_1712 : i32 to index
      %swap3A_1715 = arith.index_cast %swap3A_1713 : i32 to index
      %swap3A_1716 = arith.constant 48 : index
      %swap3A_1717 = tpu.vector_load %arg7[%swap3A_1714, %swap3A_1715, %swap3A_1716] {strides = array<i32>} : memref<2x16x64xf32, #tpu.memory_space<vmem>>, vector<1x1x16xf32>,
      %swap3A_1718 = vector.shape_cast %swap3A_1717 : vector<1x1x16xf32> to vector<16xf32>
      %swap3A_1719 = vector.shape_cast %get3A_1711 : vector<16xf32> to vector<1x1x16xf32>
      tpu.vector_store %arg7[%swap3A_1714, %swap3A_1715, %swap3A_1716], %swap3A_1719 {strides = array<i32>} : memref<2x16x64xf32, #tpu.memory_space<vmem>>, vector<1x1x16xf32>,
      %slice3A_1720 = vector.extract_strided_slice %get3A_700 {offsets = [13], sizes = [1], strides = [1]} : vector<16xi32> to vector<1xi32>
      %squeeze3A_1721 = vector.extract %slice3A_1720[0] : i32 from vector<1xi32>
      %and3A_1722 = arith.constant 7 : i32
      %and3A_1723 = arith.andi %squeeze3A_1721, %and3A_1722 : i32
      %get3A_1724 = arith.constant 13 : i32
      %get3A_1725 = arith.index_cast %get3A_1724 : i32 to index
      %get3A_1726 = arith.index_cast %and3A_1723 : i32 to index
      %get3A_1727 = arith.constant 0 : index
      %get3A_1728 = tpu.vector_load %arg6[%get3A_1725, %get3A_1726, %get3A_1727] {strides = array<i32>} : memref<32x8x64xf32, #tpu.memory_space<vmem>>, vector<1x1x16xf32>,
      %get3A_1729 = vector.shape_cast %get3A_1728 : vector<1x1x16xf32> to vector<16xf32>
      %swap3A_1730 = arith.constant 0 : i32
      %swap3A_1731 = arith.constant 13 : i32
      %swap3A_1732 = arith.index_cast %swap3A_1730 : i32 to index
      %swap3A_1733 = arith.index_cast %swap3A_1731 : i32 to index
      %swap3A_1734 = arith.constant 0 : index
      %swap3A_1735 = tpu.vector_load %arg7[%swap3A_1732, %swap3A_1733, %swap3A_1734] {strides = array<i32>} : memref<2x16x64xf32, #tpu.memory_space<vmem>>, vector<1x1x16xf32>,
      %swap3A_1736 = vector.shape_cast %swap3A_1735 : vector<1x1x16xf32> to vector<16xf32>
      %swap3A_1737 = vector.shape_cast %get3A_1729 : vector<16xf32> to vector<1x1x16xf32>
      tpu.vector_store %arg7[%swap3A_1732, %swap3A_1733, %swap3A_1734], %swap3A_1737 {strides = array<i32>} : memref<2x16x64xf32, #tpu.memory_space<vmem>>, vector<1x1x16xf32>,
      %get3A_1738 = arith.constant 13 : i32
      %get3A_1739 = arith.index_cast %get3A_1738 : i32 to index
      %get3A_1740 = arith.index_cast %and3A_1723 : i32 to index
      %get3A_1741 = arith.constant 16 : index
      %get3A_1742 = tpu.vector_load %arg6[%get3A_1739, %get3A_1740, %get3A_1741] {strides = array<i32>} : memref<32x8x64xf32, #tpu.memory_space<vmem>>, vector<1x1x16xf32>,
      %get3A_1743 = vector.shape_cast %get3A_1742 : vector<1x1x16xf32> to vector<16xf32>
      %swap3A_1744 = arith.constant 0 : i32
      %swap3A_1745 = arith.constant 13 : i32
      %swap3A_1746 = arith.index_cast %swap3A_1744 : i32 to index
      %swap3A_1747 = arith.index_cast %swap3A_1745 : i32 to index
      %swap3A_1748 = arith.constant 16 : index
      %swap3A_1749 = tpu.vector_load %arg7[%swap3A_1746, %swap3A_1747, %swap3A_1748] {strides = array<i32>} : memref<2x16x64xf32, #tpu.memory_space<vmem>>, vector<1x1x16xf32>,
      %swap3A_1750 = vector.shape_cast %swap3A_1749 : vector<1x1x16xf32> to vector<16xf32>
      %swap3A_1751 = vector.shape_cast %get3A_1743 : vector<16xf32> to vector<1x1x16xf32>
      tpu.vector_store %arg7[%swap3A_1746, %swap3A_1747, %swap3A_1748], %swap3A_1751 {strides = array<i32>} : memref<2x16x64xf32, #tpu.memory_space<vmem>>, vector<1x1x16xf32>,
      %get3A_1752 = arith.constant 13 : i32
      %get3A_1753 = arith.index_cast %get3A_1752 : i32 to index
      %get3A_1754 = arith.index_cast %and3A_1723 : i32 to index
      %get3A_1755 = arith.constant 32 : index
      %get3A_1756 = tpu.vector_load %arg6[%get3A_1753, %get3A_1754, %get3A_1755] {strides = array<i32>} : memref<32x8x64xf32, #tpu.memory_space<vmem>>, vector<1x1x16xf32>,
      %get3A_1757 = vector.shape_cast %get3A_1756 : vector<1x1x16xf32> to vector<16xf32>
      %swap3A_1758 = arith.constant 0 : i32
      %swap3A_1759 = arith.constant 13 : i32
      %swap3A_1760 = arith.index_cast %swap3A_1758 : i32 to index
      %swap3A_1761 = arith.index_cast %swap3A_1759 : i32 to index
      %swap3A_1762 = arith.constant 32 : index
      %swap3A_1763 = tpu.vector_load %arg7[%swap3A_1760, %swap3A_1761, %swap3A_1762] {strides = array<i32>} : memref<2x16x64xf32, #tpu.memory_space<vmem>>, vector<1x1x16xf32>,
      %swap3A_1764 = vector.shape_cast %swap3A_1763 : vector<1x1x16xf32> to vector<16xf32>
      %swap3A_1765 = vector.shape_cast %get3A_1757 : vector<16xf32> to vector<1x1x16xf32>
      tpu.vector_store %arg7[%swap3A_1760, %swap3A_1761, %swap3A_1762], %swap3A_1765 {strides = array<i32>} : memref<2x16x64xf32, #tpu.memory_space<vmem>>, vector<1x1x16xf32>,
      %get3A_1766 = arith.constant 13 : i32
      %get3A_1767 = arith.index_cast %get3A_1766 : i32 to index
      %get3A_1768 = arith.index_cast %and3A_1723 : i32 to index
      %get3A_1769 = arith.constant 48 : index
      %get3A_1770 = tpu.vector_load %arg6[%get3A_1767, %get3A_1768, %get3A_1769] {strides = array<i32>} : memref<32x8x64xf32, #tpu.memory_space<vmem>>, vector<1x1x16xf32>,
      %get3A_1771 = vector.shape_cast %get3A_1770 : vector<1x1x16xf32> to vector<16xf32>
      %swap3A_1772 = arith.constant 0 : i32
      %swap3A_1773 = arith.constant 13 : i32
      %swap3A_1774 = arith.index_cast %swap3A_1772 : i32 to index
      %swap3A_1775 = arith.index_cast %swap3A_1773 : i32 to index
      %swap3A_1776 = arith.constant 48 : index
      %swap3A_1777 = tpu.vector_load %arg7[%swap3A_1774, %swap3A_1775, %swap3A_1776] {strides = array<i32>} : memref<2x16x64xf32, #tpu.memory_space<vmem>>, vector<1x1x16xf32>,
      %swap3A_1778 = vector.shape_cast %swap3A_1777 : vector<1x1x16xf32> to vector<16xf32>
      %swap3A_1779 = vector.shape_cast %get3A_1771 : vector<16xf32> to vector<1x1x16xf32>
      tpu.vector_store %arg7[%swap3A_1774, %swap3A_1775, %swap3A_1776], %swap3A_1779 {strides = array<i32>} : memref<2x16x64xf32, #tpu.memory_space<vmem>>, vector<1x1x16xf32>,
      %slice3A_1780 = vector.extract_strided_slice %get3A_700 {offsets = [14], sizes = [1], strides = [1]} : vector<16xi32> to vector<1xi32>
      %squeeze3A_1781 = vector.extract %slice3A_1780[0] : i32 from vector<1xi32>
      %and3A_1782 = arith.constant 7 : i32
      %and3A_1783 = arith.andi %squeeze3A_1781, %and3A_1782 : i32
      %get3A_1784 = arith.constant 14 : i32
      %get3A_1785 = arith.index_cast %get3A_1784 : i32 to index
      %get3A_1786 = arith.index_cast %and3A_1783 : i32 to index
      %get3A_1787 = arith.constant 0 : index
      %get3A_1788 = tpu.vector_load %arg6[%get3A_1785, %get3A_1786, %get3A_1787] {strides = array<i32>} : memref<32x8x64xf32, #tpu.memory_space<vmem>>, vector<1x1x16xf32>,
      %get3A_1789 = vector.shape_cast %get3A_1788 : vector<1x1x16xf32> to vector<16xf32>
      %swap3A_1790 = arith.constant 0 : i32
      %swap3A_1791 = arith.constant 14 : i32
      %swap3A_1792 = arith.index_cast %swap3A_1790 : i32 to index
      %swap3A_1793 = arith.index_cast %swap3A_1791 : i32 to index
      %swap3A_1794 = arith.constant 0 : index
      %swap3A_1795 = tpu.vector_load %arg7[%swap3A_1792, %swap3A_1793, %swap3A_1794] {strides = array<i32>} : memref<2x16x64xf32, #tpu.memory_space<vmem>>, vector<1x1x16xf32>,
      %swap3A_1796 = vector.shape_cast %swap3A_1795 : vector<1x1x16xf32> to vector<16xf32>
      %swap3A_1797 = vector.shape_cast %get3A_1789 : vector<16xf32> to vector<1x1x16xf32>
      tpu.vector_store %arg7[%swap3A_1792, %swap3A_1793, %swap3A_1794], %swap3A_1797 {strides = array<i32>} : memref<2x16x64xf32, #tpu.memory_space<vmem>>, vector<1x1x16xf32>,
      %get3A_1798 = arith.constant 14 : i32
      %get3A_1799 = arith.index_cast %get3A_1798 : i32 to index
      %get3A_1800 = arith.index_cast %and3A_1783 : i32 to index
      %get3A_1801 = arith.constant 16 : index
      %get3A_1802 = tpu.vector_load %arg6[%get3A_1799, %get3A_1800, %get3A_1801] {strides = array<i32>} : memref<32x8x64xf32, #tpu.memory_space<vmem>>, vector<1x1x16xf32>,
      %get3A_1803 = vector.shape_cast %get3A_1802 : vector<1x1x16xf32> to vector<16xf32>
      %swap3A_1804 = arith.constant 0 : i32
      %swap3A_1805 = arith.constant 14 : i32
      %swap3A_1806 = arith.index_cast %swap3A_1804 : i32 to index
      %swap3A_1807 = arith.index_cast %swap3A_1805 : i32 to index
      %swap3A_1808 = arith.constant 16 : index
      %swap3A_1809 = tpu.vector_load %arg7[%swap3A_1806, %swap3A_1807, %swap3A_1808] {strides = array<i32>} : memref<2x16x64xf32, #tpu.memory_space<vmem>>, vector<1x1x16xf32>,
      %swap3A_1810 = vector.shape_cast %swap3A_1809 : vector<1x1x16xf32> to vector<16xf32>
      %swap3A_1811 = vector.shape_cast %get3A_1803 : vector<16xf32> to vector<1x1x16xf32>
      tpu.vector_store %arg7[%swap3A_1806, %swap3A_1807, %swap3A_1808], %swap3A_1811 {strides = array<i32>} : memref<2x16x64xf32, #tpu.memory_space<vmem>>, vector<1x1x16xf32>,
      %get3A_1812 = arith.constant 14 : i32
      %get3A_1813 = arith.index_cast %get3A_1812 : i32 to index
      %get3A_1814 = arith.index_cast %and3A_1783 : i32 to index
      %get3A_1815 = arith.constant 32 : index
      %get3A_1816 = tpu.vector_load %arg6[%get3A_1813, %get3A_1814, %get3A_1815] {strides = array<i32>} : memref<32x8x64xf32, #tpu.memory_space<vmem>>, vector<1x1x16xf32>,
      %get3A_1817 = vector.shape_cast %get3A_1816 : vector<1x1x16xf32> to vector<16xf32>
      %swap3A_1818 = arith.constant 0 : i32
      %swap3A_1819 = arith.constant 14 : i32
      %swap3A_1820 = arith.index_cast %swap3A_1818 : i32 to index
      %swap3A_1821 = arith.index_cast %swap3A_1819 : i32 to index
      %swap3A_1822 = arith.constant 32 : index
      %swap3A_1823 = tpu.vector_load %arg7[%swap3A_1820, %swap3A_1821, %swap3A_1822] {strides = array<i32>} : memref<2x16x64xf32, #tpu.memory_space<vmem>>, vector<1x1x16xf32>,
      %swap3A_1824 = vector.shape_cast %swap3A_1823 : vector<1x1x16xf32> to vector<16xf32>
      %swap3A_1825 = vector.shape_cast %get3A_1817 : vector<16xf32> to vector<1x1x16xf32>
      tpu.vector_store %arg7[%swap3A_1820, %swap3A_1821, %swap3A_1822], %swap3A_1825 {strides = array<i32>} : memref<2x16x64xf32, #tpu.memory_space<vmem>>, vector<1x1x16xf32>,
      %get3A_1826 = arith.constant 14 : i32
      %get3A_1827 = arith.index_cast %get3A_1826 : i32 to index
      %get3A_1828 = arith.index_cast %and3A_1783 : i32 to index
      %get3A_1829 = arith.constant 48 : index
      %get3A_1830 = tpu.vector_load %arg6[%get3A_1827, %get3A_1828, %get3A_1829] {strides = array<i32>} : memref<32x8x64xf32, #tpu.memory_space<vmem>>, vector<1x1x16xf32>,
      %get3A_1831 = vector.shape_cast %get3A_1830 : vector<1x1x16xf32> to vector<16xf32>
      %swap3A_1832 = arith.constant 0 : i32
      %swap3A_1833 = arith.constant 14 : i32
      %swap3A_1834 = arith.index_cast %swap3A_1832 : i32 to index
      %swap3A_1835 = arith.index_cast %swap3A_1833 : i32 to index
      %swap3A_1836 = arith.constant 48 : index
      %swap3A_1837 = tpu.vector_load %arg7[%swap3A_1834, %swap3A_1835, %swap3A_1836] {strides = array<i32>} : memref<2x16x64xf32, #tpu.memory_space<vmem>>, vector<1x1x16xf32>,
      %swap3A_1838 = vector.shape_cast %swap3A_1837 : vector<1x1x16xf32> to vector<16xf32>
      %swap3A_1839 = vector.shape_cast %get3A_1831 : vector<16xf32> to vector<1x1x16xf32>
      tpu.vector_store %arg7[%swap3A_1834, %swap3A_1835, %swap3A_1836], %swap3A_1839 {strides = array<i32>} : memref<2x16x64xf32, #tpu.memory_space<vmem>>, vector<1x1x16xf32>,
      %slice3A_1840 = vector.extract_strided_slice %get3A_700 {offsets = [15], sizes = [1], strides = [1]} : vector<16xi32> to vector<1xi32>
      %squeeze3A_1841 = vector.extract %slice3A_1840[0] : i32 from vector<1xi32>
      %and3A_1842 = arith.constant 7 : i32
      %and3A_1843 = arith.andi %squeeze3A_1841, %and3A_1842 : i32
      %get3A_1844 = arith.constant 15 : i32
      %get3A_1845 = arith.index_cast %get3A_1844 : i32 to index
      %get3A_1846 = arith.index_cast %and3A_1843 : i32 to index
      %get3A_1847 = arith.constant 0 : index
      %get3A_1848 = tpu.vector_load %arg6[%get3A_1845, %get3A_1846, %get3A_1847] {strides = array<i32>} : memref<32x8x64xf32, #tpu.memory_space<vmem>>, vector<1x1x16xf32>,
      %get3A_1849 = vector.shape_cast %get3A_1848 : vector<1x1x16xf32> to vector<16xf32>
      %swap3A_1850 = arith.constant 0 : i32
      %swap3A_1851 = arith.constant 15 : i32
      %swap3A_1852 = arith.index_cast %swap3A_1850 : i32 to index
      %swap3A_1853 = arith.index_cast %swap3A_1851 : i32 to index
      %swap3A_1854 = arith.constant 0 : index
      %swap3A_1855 = tpu.vector_load %arg7[%swap3A_1852, %swap3A_1853, %swap3A_1854] {strides = array<i32>} : memref<2x16x64xf32, #tpu.memory_space<vmem>>, vector<1x1x16xf32>,
      %swap3A_1856 = vector.shape_cast %swap3A_1855 : vector<1x1x16xf32> to vector<16xf32>
      %swap3A_1857 = vector.shape_cast %get3A_1849 : vector<16xf32> to vector<1x1x16xf32>
      tpu.vector_store %arg7[%swap3A_1852, %swap3A_1853, %swap3A_1854], %swap3A_1857 {strides = array<i32>} : memref<2x16x64xf32, #tpu.memory_space<vmem>>, vector<1x1x16xf32>,
      %get3A_1858 = arith.constant 15 : i32
      %get3A_1859 = arith.index_cast %get3A_1858 : i32 to index
      %get3A_1860 = arith.index_cast %and3A_1843 : i32 to index
      %get3A_1861 = arith.constant 16 : index
      %get3A_1862 = tpu.vector_load %arg6[%get3A_1859, %get3A_1860, %get3A_1861] {strides = array<i32>} : memref<32x8x64xf32, #tpu.memory_space<vmem>>, vector<1x1x16xf32>,
      %get3A_1863 = vector.shape_cast %get3A_1862 : vector<1x1x16xf32> to vector<16xf32>
      %swap3A_1864 = arith.constant 0 : i32
      %swap3A_1865 = arith.constant 15 : i32
      %swap3A_1866 = arith.index_cast %swap3A_1864 : i32 to index
      %swap3A_1867 = arith.index_cast %swap3A_1865 : i32 to index
      %swap3A_1868 = arith.constant 16 : index
      %swap3A_1869 = tpu.vector_load %arg7[%swap3A_1866, %swap3A_1867, %swap3A_1868] {strides = array<i32>} : memref<2x16x64xf32, #tpu.memory_space<vmem>>, vector<1x1x16xf32>,
      %swap3A_1870 = vector.shape_cast %swap3A_1869 : vector<1x1x16xf32> to vector<16xf32>
      %swap3A_1871 = vector.shape_cast %get3A_1863 : vector<16xf32> to vector<1x1x16xf32>
      tpu.vector_store %arg7[%swap3A_1866, %swap3A_1867, %swap3A_1868], %swap3A_1871 {strides = array<i32>} : memref<2x16x64xf32, #tpu.memory_space<vmem>>, vector<1x1x16xf32>,
      %get3A_1872 = arith.constant 15 : i32
      %get3A_1873 = arith.index_cast %get3A_1872 : i32 to index
      %get3A_1874 = arith.index_cast %and3A_1843 : i32 to index
      %get3A_1875 = arith.constant 32 : index
      %get3A_1876 = tpu.vector_load %arg6[%get3A_1873, %get3A_1874, %get3A_1875] {strides = array<i32>} : memref<32x8x64xf32, #tpu.memory_space<vmem>>, vector<1x1x16xf32>,
      %get3A_1877 = vector.shape_cast %get3A_1876 : vector<1x1x16xf32> to vector<16xf32>
      %swap3A_1878 = arith.constant 0 : i32
      %swap3A_1879 = arith.constant 15 : i32
      %swap3A_1880 = arith.index_cast %swap3A_1878 : i32 to index
      %swap3A_1881 = arith.index_cast %swap3A_1879 : i32 to index
      %swap3A_1882 = arith.constant 32 : index
      %swap3A_1883 = tpu.vector_load %arg7[%swap3A_1880, %swap3A_1881, %swap3A_1882] {strides = array<i32>} : memref<2x16x64xf32, #tpu.memory_space<vmem>>, vector<1x1x16xf32>,
      %swap3A_1884 = vector.shape_cast %swap3A_1883 : vector<1x1x16xf32> to vector<16xf32>
      %swap3A_1885 = vector.shape_cast %get3A_1877 : vector<16xf32> to vector<1x1x16xf32>
      tpu.vector_store %arg7[%swap3A_1880, %swap3A_1881, %swap3A_1882], %swap3A_1885 {strides = array<i32>} : memref<2x16x64xf32, #tpu.memory_space<vmem>>, vector<1x1x16xf32>,
      %get3A_1886 = arith.constant 15 : i32
      %get3A_1887 = arith.index_cast %get3A_1886 : i32 to index
      %get3A_1888 = arith.index_cast %and3A_1843 : i32 to index
      %get3A_1889 = arith.constant 48 : index
      %get3A_1890 = tpu.vector_load %arg6[%get3A_1887, %get3A_1888, %get3A_1889] {strides = array<i32>} : memref<32x8x64xf32, #tpu.memory_space<vmem>>, vector<1x1x16xf32>,
      %get3A_1891 = vector.shape_cast %get3A_1890 : vector<1x1x16xf32> to vector<16xf32>
      %swap3A_1892 = arith.constant 0 : i32
      %swap3A_1893 = arith.constant 15 : i32
      %swap3A_1894 = arith.index_cast %swap3A_1892 : i32 to index
      %swap3A_1895 = arith.index_cast %swap3A_1893 : i32 to index
      %swap3A_1896 = arith.constant 48 : index
      %swap3A_1897 = tpu.vector_load %arg7[%swap3A_1894, %swap3A_1895, %swap3A_1896] {strides = array<i32>} : memref<2x16x64xf32, #tpu.memory_space<vmem>>, vector<1x1x16xf32>,
      %swap3A_1898 = vector.shape_cast %swap3A_1897 : vector<1x1x16xf32> to vector<16xf32>
      %swap3A_1899 = vector.shape_cast %get3A_1891 : vector<16xf32> to vector<1x1x16xf32>
      tpu.vector_store %arg7[%swap3A_1894, %swap3A_1895, %swap3A_1896], %swap3A_1899 {strides = array<i32>} : memref<2x16x64xf32, #tpu.memory_space<vmem>>, vector<1x1x16xf32>,
      %mul3A_1900 = arith.constant 16 : i32
      %mul3A_1901 = arith.muli %mul3A_325, %mul3A_1900 : i32
      %add3A_1902 = arith.addi %mul3A_2, %mul3A_1901 : i32
      %dma_start3A_1903 = arith.constant 0 : i32
      %dma_start3A_1904 = arith.constant 0 : i32
      %dma_start3A_1905 = arith.constant 0 : i32
      %dma_start3A_1906 = tpu.memref_slice %arg7[%dma_start3A_1903, %dma_start3A_1904, %dma_start3A_1905] : memref<2x16x64xf32, #tpu.memory_space<vmem>> -> memref<1x16x64xf32, #tpu.memory_space<vmem>>
      %dma_start3A_1907 = tpu.memref_squeeze %dma_start3A_1906 : memref<1x16x64xf32, #tpu.memory_space<vmem>> -> memref<16x64xf32, #tpu.memory_space<vmem>>
      %dma_start3A_1908 = arith.constant 0 : i32
      %dma_start3A_1909 = tpu.memref_slice %arg4[%add3A_1902, %dma_start3A_1908] : memref<65536x64xf32, #tpu.memory_space<hbm>> -> memref<16x64xf32, #tpu.memory_space<hbm>>
      %dma_start3A_1910 = arith.constant 0 : i32
      %dma_start3A_1911 = tpu.memref_slice %arg4[%add3A_1902, %dma_start3A_1910] : memref<65536x64xf32, #tpu.memory_space<hbm>> -> memref<16x64xf32, #tpu.memory_space<hbm>>
      %dma_start3A_1912 = arith.constant 0 : i32
      %dma_start3A_1913 = arith.constant 0 : i32
      %dma_start3A_1914 = tpu.memref_slice %arg7[%dma_start3A_1903, %dma_start3A_1912, %dma_start3A_1913] : memref<2x16x64xf32, #tpu.memory_space<vmem>> -> memref<1x16x64xf32, #tpu.memory_space<vmem>>
      %dma_start3A_1915 = tpu.memref_squeeze %dma_start3A_1914 : memref<1x16x64xf32, #tpu.memory_space<vmem>> -> memref<16x64xf32, #tpu.memory_space<vmem>>
      tpu.enqueue_dma source(%dma_start3A_1915 : memref<16x64xf32, #tpu.memory_space<vmem>>) target(%dma_start3A_1911 : memref<16x64xf32, #tpu.memory_space<hbm>>) target_semaphore(%arg10 : memref<!tpu.dma_semaphore, #tpu.memory_space<semaphore_mem>>)
      %ge3A_1916 = arith.constant 1 : i32
      %ge3A_1917 = arith.cmpi sge, %mul3A_325, %ge3A_1916 : i32
      %convert_element_type3A_1918 = arith.extui %ge3A_1917 : i1 to i32
      %cond3A_1919 = arith.constant 0 : i32
      %cond3A_1920 = arith.cmpi ne, %convert_element_type3A_1918, %cond3A_1919 : i32
      scf.if %cond3A_1920 {
        %dma_wait3A_3194 = arith.constant 1 : i32
        %dma_wait3A_3195 = arith.constant 0 : i32
        %dma_wait3A_3196 = arith.constant 0 : i32
        %dma_wait3A_3197 = tpu.memref_slice %arg7[%dma_wait3A_3194, %dma_wait3A_3195, %dma_wait3A_3196] : memref<2x16x64xf32, #tpu.memory_space<vmem>> -> memref<1x16x64xf32, #tpu.memory_space<vmem>>
        %dma_wait3A_3198 = tpu.memref_squeeze %dma_wait3A_3197 : memref<1x16x64xf32, #tpu.memory_space<vmem>> -> memref<16x64xf32, #tpu.memory_space<vmem>>
        %dma_wait3A_3199 = arith.constant 0 : i32
        %dma_wait3A_3200 = tpu.memref_slice %arg4[%mul3A_2, %dma_wait3A_3199] : memref<65536x64xf32, #tpu.memory_space<hbm>> -> memref<16x64xf32, #tpu.memory_space<hbm>>
        %dma_wait3A_3201 = arith.constant 0 : i32
        %dma_wait3A_3202 = tpu.memref_slice %arg4[%mul3A_2, %dma_wait3A_3201] : memref<65536x64xf32, #tpu.memory_space<hbm>> -> memref<16x64xf32, #tpu.memory_space<hbm>>
        %dma_wait3A_3203 = arith.constant 0 : i32
        %dma_wait3A_3204 = arith.constant 0 : i32
        %dma_wait3A_3205 = tpu.memref_slice %arg7[%dma_wait3A_3194, %dma_wait3A_3203, %dma_wait3A_3204] : memref<2x16x64xf32, #tpu.memory_space<vmem>> -> memref<1x16x64xf32, #tpu.memory_space<vmem>>
        %dma_wait3A_3206 = tpu.memref_squeeze %dma_wait3A_3205 : memref<1x16x64xf32, #tpu.memory_space<vmem>> -> memref<16x64xf32, #tpu.memory_space<vmem>>
        tpu.wait_dma2 semaphore(%arg11 : memref<!tpu.dma_semaphore, #tpu.memory_space<semaphore_mem>>) src(%dma_wait3A_3206 : memref<16x64xf32, #tpu.memory_space<vmem>>) dst(%dma_wait3A_3202 : memref<16x64xf32, #tpu.memory_space<hbm>>)
      } else {
      }
      %add3A_1921 = arith.constant 2 : i32
      %add3A_1922 = arith.addi %mul3A_325, %add3A_1921 : i32
      %lt3A_1923 = arith.constant 128 : i32
      %lt3A_1924 = arith.cmpi slt, %add3A_1922, %lt3A_1923 : i32
      %convert_element_type3A_1925 = arith.extui %lt3A_1924 : i1 to i32
      %cond3A_1926 = arith.constant 0 : i32
      %cond3A_1927 = arith.cmpi ne, %convert_element_type3A_1925, %cond3A_1926 : i32
      scf.if %cond3A_1927 {
        %add3A_3194 = arith.constant 2 : i32
        %add3A_3195 = arith.addi %mul3A_325, %add3A_3194 : i32
        %jit3A_3196 = arith.constant 8 : i32
        %div3A_3197 = arith.divsi %add3A_3195, %jit3A_3196 : i32
        %sign3A_3198 = arith.constant 0 : i32
        %sign3A_3199 = arith.cmpi sgt, %add3A_3195, %sign3A_3198 : i32
        %sign3A_3200 = arith.extui %sign3A_3199 : i1 to i32
        %sign3A_3201 = arith.constant 0 : i32
        %sign3A_3202 = arith.cmpi slt, %add3A_3195, %sign3A_3201 : i32
        %sign3A_3203 = arith.extui %sign3A_3202 : i1 to i32
        %sign3A_3204 = arith.subi %sign3A_3200, %sign3A_3203 : i32
        %sign3A_3205 = arith.constant 0 : i32
        %sign3A_3206 = arith.cmpi sgt, %jit3A_3196, %sign3A_3205 : i32
        %sign3A_3207 = arith.extui %sign3A_3206 : i1 to i32
        %sign3A_3208 = arith.constant 0 : i32
        %sign3A_3209 = arith.cmpi slt, %jit3A_3196, %sign3A_3208 : i32
        %sign3A_3210 = arith.extui %sign3A_3209 : i1 to i32
        %sign3A_3211 = arith.subi %sign3A_3207, %sign3A_3210 : i32
        %ne3A_3212 = arith.cmpi ne, %sign3A_3204, %sign3A_3211 : i32
        %rem3A_3213 = arith.remsi %add3A_3195, %jit3A_3196 : i32
        %ne3A_3214 = arith.constant 0 : i32
        %ne3A_3215 = arith.cmpi ne, %rem3A_3213, %ne3A_3214 : i32
        %and3A_3216 = arith.andi %ne3A_3212, %ne3A_3215 : i1
        %sub3A_3217 = arith.constant 1 : i32
        %sub3A_3218 = arith.subi %div3A_3197, %sub3A_3217 : i32
        %select_n3A_3219 = arith.select %and3A_3216, %sub3A_3218, %div3A_3197 : i32
        %jit3A_3220 = arith.constant 8 : i32
        %eq3A_3221 = arith.constant 0 : i32
        %eq3A_3222 = arith.cmpi eq, %jit3A_3220, %eq3A_3221 : i32
        %jit3A_3223 = arith.constant 1 : i32
        %select_n3A_3224 = arith.select %eq3A_3222, %jit3A_3223, %jit3A_3220 : i32
        %rem3A_3225 = arith.remsi %add3A_3195, %select_n3A_3224 : i32
        %ne3A_3226 = arith.constant 0 : i32
        %ne3A_3227 = arith.cmpi ne, %rem3A_3225, %ne3A_3226 : i32
        %lt3A_3228 = arith.constant 0 : i32
        %lt3A_3229 = arith.cmpi slt, %rem3A_3225, %lt3A_3228 : i32
        %lt3A_3230 = arith.constant 0 : i32
        %lt3A_3231 = arith.cmpi slt, %select_n3A_3224, %lt3A_3230 : i32
        %ne3A_3232 = arith.xori %lt3A_3229, %lt3A_3231 : i1
        %and3A_3233 = arith.andi %ne3A_3232, %ne3A_3227 : i1
        %add3A_3234 = arith.addi %rem3A_3225, %select_n3A_3224 : i32
        %select_n3A_3235 = arith.select %and3A_3233, %add3A_3234, %rem3A_3225 : i32
        %mul3A_3236 = arith.constant 16 : i32
        %mul3A_3237 = arith.muli %select_n3A_3235, %mul3A_3236 : i32
        %get3A_3238 = arith.index_cast %select_n3A_3219 : i32 to index
        %get3A_3239 = arith.index_cast %mul3A_3237 : i32 to index
        %get3A_3240 = tpu.vector_load %arg5[%get3A_3238, %get3A_3239] {strides = array<i32>} : memref<16x128xi32, #tpu.memory_space<vmem>>, vector<1x16xi32>,
        %get3A_3241 = vector.shape_cast %get3A_3240 : vector<1x16xi32> to vector<16xi32>
        %slice3A_3242 = vector.extract_strided_slice %get3A_3241 {offsets = [0], sizes = [1], strides = [1]} : vector<16xi32> to vector<1xi32>
        %squeeze3A_3243 = vector.extract %slice3A_3242[0] : i32 from vector<1xi32>
        %and3A_3244 = arith.constant -8 : i32
        %and3A_3245 = arith.andi %squeeze3A_3243, %and3A_3244 : i32
        %multiple_of3A_3246 = tpu.assume_multiple %and3A_3245, 8 : i32
        %dma_start3A_3247 = arith.constant 0 : i32
        %dma_start3A_3248 = arith.constant 0 : i32
        %dma_start3A_3249 = arith.constant 0 : i32
        %dma_start3A_3250 = tpu.memref_slice %arg6[%dma_start3A_3247, %dma_start3A_3248, %dma_start3A_3249] : memref<32x8x64xf32, #tpu.memory_space<vmem>> -> memref<1x8x64xf32, #tpu.memory_space<vmem>>
        %dma_start3A_3251 = tpu.memref_squeeze %dma_start3A_3250 : memref<1x8x64xf32, #tpu.memory_space<vmem>> -> memref<8x64xf32, #tpu.memory_space<vmem>>
        %dma_start3A_3252 = arith.constant 0 : i32
        %dma_start3A_3253 = tpu.memref_slice %arg2[%multiple_of3A_3246, %dma_start3A_3252] : memref<1000000x64xf32, #tpu.memory_space<hbm>> -> memref<8x64xf32, #tpu.memory_space<hbm>>
        %dma_start3A_3254 = arith.constant 0 : i32
        %dma_start3A_3255 = arith.constant 0 : i32
        %dma_start3A_3256 = tpu.memref_slice %arg6[%dma_start3A_3247, %dma_start3A_3254, %dma_start3A_3255] : memref<32x8x64xf32, #tpu.memory_space<vmem>> -> memref<1x8x64xf32, #tpu.memory_space<vmem>>
        %dma_start3A_3257 = tpu.memref_squeeze %dma_start3A_3256 : memref<1x8x64xf32, #tpu.memory_space<vmem>> -> memref<8x64xf32, #tpu.memory_space<vmem>>
        %dma_start3A_3258 = arith.constant 0 : i32
        %dma_start3A_3259 = tpu.memref_slice %arg2[%multiple_of3A_3246, %dma_start3A_3258] : memref<1000000x64xf32, #tpu.memory_space<hbm>> -> memref<8x64xf32, #tpu.memory_space<hbm>>
        tpu.enqueue_dma source(%dma_start3A_3259 : memref<8x64xf32, #tpu.memory_space<hbm>>) target(%dma_start3A_3257 : memref<8x64xf32, #tpu.memory_space<vmem>>) target_semaphore(%arg8 : memref<!tpu.dma_semaphore, #tpu.memory_space<semaphore_mem>>)
        %slice3A_3260 = vector.extract_strided_slice %get3A_3241 {offsets = [1], sizes = [1], strides = [1]} : vector<16xi32> to vector<1xi32>
        %squeeze3A_3261 = vector.extract %slice3A_3260[0] : i32 from vector<1xi32>
        %and3A_3262 = arith.constant -8 : i32
        %and3A_3263 = arith.andi %squeeze3A_3261, %and3A_3262 : i32
        %multiple_of3A_3264 = tpu.assume_multiple %and3A_3263, 8 : i32
        %dma_start3A_3265 = arith.constant 1 : i32
        %dma_start3A_3266 = arith.constant 0 : i32
        %dma_start3A_3267 = arith.constant 0 : i32
        %dma_start3A_3268 = tpu.memref_slice %arg6[%dma_start3A_3265, %dma_start3A_3266, %dma_start3A_3267] : memref<32x8x64xf32, #tpu.memory_space<vmem>> -> memref<1x8x64xf32, #tpu.memory_space<vmem>>
        %dma_start3A_3269 = tpu.memref_squeeze %dma_start3A_3268 : memref<1x8x64xf32, #tpu.memory_space<vmem>> -> memref<8x64xf32, #tpu.memory_space<vmem>>
        %dma_start3A_3270 = arith.constant 0 : i32
        %dma_start3A_3271 = tpu.memref_slice %arg2[%multiple_of3A_3264, %dma_start3A_3270] : memref<1000000x64xf32, #tpu.memory_space<hbm>> -> memref<8x64xf32, #tpu.memory_space<hbm>>
        %dma_start3A_3272 = arith.constant 0 : i32
        %dma_start3A_3273 = arith.constant 0 : i32
        %dma_start3A_3274 = tpu.memref_slice %arg6[%dma_start3A_3265, %dma_start3A_3272, %dma_start3A_3273] : memref<32x8x64xf32, #tpu.memory_space<vmem>> -> memref<1x8x64xf32, #tpu.memory_space<vmem>>
        %dma_start3A_3275 = tpu.memref_squeeze %dma_start3A_3274 : memref<1x8x64xf32, #tpu.memory_space<vmem>> -> memref<8x64xf32, #tpu.memory_space<vmem>>
        %dma_start3A_3276 = arith.constant 0 : i32
        %dma_start3A_3277 = tpu.memref_slice %arg2[%multiple_of3A_3264, %dma_start3A_3276] : memref<1000000x64xf32, #tpu.memory_space<hbm>> -> memref<8x64xf32, #tpu.memory_space<hbm>>
        tpu.enqueue_dma source(%dma_start3A_3277 : memref<8x64xf32, #tpu.memory_space<hbm>>) target(%dma_start3A_3275 : memref<8x64xf32, #tpu.memory_space<vmem>>) target_semaphore(%arg8 : memref<!tpu.dma_semaphore, #tpu.memory_space<semaphore_mem>>)
        %slice3A_3278 = vector.extract_strided_slice %get3A_3241 {offsets = [2], sizes = [1], strides = [1]} : vector<16xi32> to vector<1xi32>
        %squeeze3A_3279 = vector.extract %slice3A_3278[0] : i32 from vector<1xi32>
        %and3A_3280 = arith.constant -8 : i32
        %and3A_3281 = arith.andi %squeeze3A_3279, %and3A_3280 : i32
        %multiple_of3A_3282 = tpu.assume_multiple %and3A_3281, 8 : i32
        %dma_start3A_3283 = arith.constant 2 : i32
        %dma_start3A_3284 = arith.constant 0 : i32
        %dma_start3A_3285 = arith.constant 0 : i32
        %dma_start3A_3286 = tpu.memref_slice %arg6[%dma_start3A_3283, %dma_start3A_3284, %dma_start3A_3285] : memref<32x8x64xf32, #tpu.memory_space<vmem>> -> memref<1x8x64xf32, #tpu.memory_space<vmem>>
        %dma_start3A_3287 = tpu.memref_squeeze %dma_start3A_3286 : memref<1x8x64xf32, #tpu.memory_space<vmem>> -> memref<8x64xf32, #tpu.memory_space<vmem>>
        %dma_start3A_3288 = arith.constant 0 : i32
        %dma_start3A_3289 = tpu.memref_slice %arg2[%multiple_of3A_3282, %dma_start3A_3288] : memref<1000000x64xf32, #tpu.memory_space<hbm>> -> memref<8x64xf32, #tpu.memory_space<hbm>>
        %dma_start3A_3290 = arith.constant 0 : i32
        %dma_start3A_3291 = arith.constant 0 : i32
        %dma_start3A_3292 = tpu.memref_slice %arg6[%dma_start3A_3283, %dma_start3A_3290, %dma_start3A_3291] : memref<32x8x64xf32, #tpu.memory_space<vmem>> -> memref<1x8x64xf32, #tpu.memory_space<vmem>>
        %dma_start3A_3293 = tpu.memref_squeeze %dma_start3A_3292 : memref<1x8x64xf32, #tpu.memory_space<vmem>> -> memref<8x64xf32, #tpu.memory_space<vmem>>
        %dma_start3A_3294 = arith.constant 0 : i32
        %dma_start3A_3295 = tpu.memref_slice %arg2[%multiple_of3A_3282, %dma_start3A_3294] : memref<1000000x64xf32, #tpu.memory_space<hbm>> -> memref<8x64xf32, #tpu.memory_space<hbm>>
        tpu.enqueue_dma source(%dma_start3A_3295 : memref<8x64xf32, #tpu.memory_space<hbm>>) target(%dma_start3A_3293 : memref<8x64xf32, #tpu.memory_space<vmem>>) target_semaphore(%arg8 : memref<!tpu.dma_semaphore, #tpu.memory_space<semaphore_mem>>)
        %slice3A_3296 = vector.extract_strided_slice %get3A_3241 {offsets = [3], sizes = [1], strides = [1]} : vector<16xi32> to vector<1xi32>
        %squeeze3A_3297 = vector.extract %slice3A_3296[0] : i32 from vector<1xi32>
        %and3A_3298 = arith.constant -8 : i32
        %and3A_3299 = arith.andi %squeeze3A_3297, %and3A_3298 : i32
        %multiple_of3A_3300 = tpu.assume_multiple %and3A_3299, 8 : i32
        %dma_start3A_3301 = arith.constant 3 : i32
        %dma_start3A_3302 = arith.constant 0 : i32
        %dma_start3A_3303 = arith.constant 0 : i32
        %dma_start3A_3304 = tpu.memref_slice %arg6[%dma_start3A_3301, %dma_start3A_3302, %dma_start3A_3303] : memref<32x8x64xf32, #tpu.memory_space<vmem>> -> memref<1x8x64xf32, #tpu.memory_space<vmem>>
        %dma_start3A_3305 = tpu.memref_squeeze %dma_start3A_3304 : memref<1x8x64xf32, #tpu.memory_space<vmem>> -> memref<8x64xf32, #tpu.memory_space<vmem>>
        %dma_start3A_3306 = arith.constant 0 : i32
        %dma_start3A_3307 = tpu.memref_slice %arg2[%multiple_of3A_3300, %dma_start3A_3306] : memref<1000000x64xf32, #tpu.memory_space<hbm>> -> memref<8x64xf32, #tpu.memory_space<hbm>>
        %dma_start3A_3308 = arith.constant 0 : i32
        %dma_start3A_3309 = arith.constant 0 : i32
        %dma_start3A_3310 = tpu.memref_slice %arg6[%dma_start3A_3301, %dma_start3A_3308, %dma_start3A_3309] : memref<32x8x64xf32, #tpu.memory_space<vmem>> -> memref<1x8x64xf32, #tpu.memory_space<vmem>>
        %dma_start3A_3311 = tpu.memref_squeeze %dma_start3A_3310 : memref<1x8x64xf32, #tpu.memory_space<vmem>> -> memref<8x64xf32, #tpu.memory_space<vmem>>
        %dma_start3A_3312 = arith.constant 0 : i32
        %dma_start3A_3313 = tpu.memref_slice %arg2[%multiple_of3A_3300, %dma_start3A_3312] : memref<1000000x64xf32, #tpu.memory_space<hbm>> -> memref<8x64xf32, #tpu.memory_space<hbm>>
        tpu.enqueue_dma source(%dma_start3A_3313 : memref<8x64xf32, #tpu.memory_space<hbm>>) target(%dma_start3A_3311 : memref<8x64xf32, #tpu.memory_space<vmem>>) target_semaphore(%arg8 : memref<!tpu.dma_semaphore, #tpu.memory_space<semaphore_mem>>)
        %slice3A_3314 = vector.extract_strided_slice %get3A_3241 {offsets = [4], sizes = [1], strides = [1]} : vector<16xi32> to vector<1xi32>
        %squeeze3A_3315 = vector.extract %slice3A_3314[0] : i32 from vector<1xi32>
        %and3A_3316 = arith.constant -8 : i32
        %and3A_3317 = arith.andi %squeeze3A_3315, %and3A_3316 : i32
        %multiple_of3A_3318 = tpu.assume_multiple %and3A_3317, 8 : i32
        %dma_start3A_3319 = arith.constant 4 : i32
        %dma_start3A_3320 = arith.constant 0 : i32
        %dma_start3A_3321 = arith.constant 0 : i32
        %dma_start3A_3322 = tpu.memref_slice %arg6[%dma_start3A_3319, %dma_start3A_3320, %dma_start3A_3321] : memref<32x8x64xf32, #tpu.memory_space<vmem>> -> memref<1x8x64xf32, #tpu.memory_space<vmem>>
        %dma_start3A_3323 = tpu.memref_squeeze %dma_start3A_3322 : memref<1x8x64xf32, #tpu.memory_space<vmem>> -> memref<8x64xf32, #tpu.memory_space<vmem>>
        %dma_start3A_3324 = arith.constant 0 : i32
        %dma_start3A_3325 = tpu.memref_slice %arg2[%multiple_of3A_3318, %dma_start3A_3324] : memref<1000000x64xf32, #tpu.memory_space<hbm>> -> memref<8x64xf32, #tpu.memory_space<hbm>>
        %dma_start3A_3326 = arith.constant 0 : i32
        %dma_start3A_3327 = arith.constant 0 : i32
        %dma_start3A_3328 = tpu.memref_slice %arg6[%dma_start3A_3319, %dma_start3A_3326, %dma_start3A_3327] : memref<32x8x64xf32, #tpu.memory_space<vmem>> -> memref<1x8x64xf32, #tpu.memory_space<vmem>>
        %dma_start3A_3329 = tpu.memref_squeeze %dma_start3A_3328 : memref<1x8x64xf32, #tpu.memory_space<vmem>> -> memref<8x64xf32, #tpu.memory_space<vmem>>
        %dma_start3A_3330 = arith.constant 0 : i32
        %dma_start3A_3331 = tpu.memref_slice %arg2[%multiple_of3A_3318, %dma_start3A_3330] : memref<1000000x64xf32, #tpu.memory_space<hbm>> -> memref<8x64xf32, #tpu.memory_space<hbm>>
        tpu.enqueue_dma source(%dma_start3A_3331 : memref<8x64xf32, #tpu.memory_space<hbm>>) target(%dma_start3A_3329 : memref<8x64xf32, #tpu.memory_space<vmem>>) target_semaphore(%arg8 : memref<!tpu.dma_semaphore, #tpu.memory_space<semaphore_mem>>)
        %slice3A_3332 = vector.extract_strided_slice %get3A_3241 {offsets = [5], sizes = [1], strides = [1]} : vector<16xi32> to vector<1xi32>
        %squeeze3A_3333 = vector.extract %slice3A_3332[0] : i32 from vector<1xi32>
        %and3A_3334 = arith.constant -8 : i32
        %and3A_3335 = arith.andi %squeeze3A_3333, %and3A_3334 : i32
        %multiple_of3A_3336 = tpu.assume_multiple %and3A_3335, 8 : i32
        %dma_start3A_3337 = arith.constant 5 : i32
        %dma_start3A_3338 = arith.constant 0 : i32
        %dma_start3A_3339 = arith.constant 0 : i32
        %dma_start3A_3340 = tpu.memref_slice %arg6[%dma_start3A_3337, %dma_start3A_3338, %dma_start3A_3339] : memref<32x8x64xf32, #tpu.memory_space<vmem>> -> memref<1x8x64xf32, #tpu.memory_space<vmem>>
        %dma_start3A_3341 = tpu.memref_squeeze %dma_start3A_3340 : memref<1x8x64xf32, #tpu.memory_space<vmem>> -> memref<8x64xf32, #tpu.memory_space<vmem>>
        %dma_start3A_3342 = arith.constant 0 : i32
        %dma_start3A_3343 = tpu.memref_slice %arg2[%multiple_of3A_3336, %dma_start3A_3342] : memref<1000000x64xf32, #tpu.memory_space<hbm>> -> memref<8x64xf32, #tpu.memory_space<hbm>>
        %dma_start3A_3344 = arith.constant 0 : i32
        %dma_start3A_3345 = arith.constant 0 : i32
        %dma_start3A_3346 = tpu.memref_slice %arg6[%dma_start3A_3337, %dma_start3A_3344, %dma_start3A_3345] : memref<32x8x64xf32, #tpu.memory_space<vmem>> -> memref<1x8x64xf32, #tpu.memory_space<vmem>>
        %dma_start3A_3347 = tpu.memref_squeeze %dma_start3A_3346 : memref<1x8x64xf32, #tpu.memory_space<vmem>> -> memref<8x64xf32, #tpu.memory_space<vmem>>
        %dma_start3A_3348 = arith.constant 0 : i32
        %dma_start3A_3349 = tpu.memref_slice %arg2[%multiple_of3A_3336, %dma_start3A_3348] : memref<1000000x64xf32, #tpu.memory_space<hbm>> -> memref<8x64xf32, #tpu.memory_space<hbm>>
        tpu.enqueue_dma source(%dma_start3A_3349 : memref<8x64xf32, #tpu.memory_space<hbm>>) target(%dma_start3A_3347 : memref<8x64xf32, #tpu.memory_space<vmem>>) target_semaphore(%arg8 : memref<!tpu.dma_semaphore, #tpu.memory_space<semaphore_mem>>)
        %slice3A_3350 = vector.extract_strided_slice %get3A_3241 {offsets = [6], sizes = [1], strides = [1]} : vector<16xi32> to vector<1xi32>
        %squeeze3A_3351 = vector.extract %slice3A_3350[0] : i32 from vector<1xi32>
        %and3A_3352 = arith.constant -8 : i32
        %and3A_3353 = arith.andi %squeeze3A_3351, %and3A_3352 : i32
        %multiple_of3A_3354 = tpu.assume_multiple %and3A_3353, 8 : i32
        %dma_start3A_3355 = arith.constant 6 : i32
        %dma_start3A_3356 = arith.constant 0 : i32
        %dma_start3A_3357 = arith.constant 0 : i32
        %dma_start3A_3358 = tpu.memref_slice %arg6[%dma_start3A_3355, %dma_start3A_3356, %dma_start3A_3357] : memref<32x8x64xf32, #tpu.memory_space<vmem>> -> memref<1x8x64xf32, #tpu.memory_space<vmem>>
        %dma_start3A_3359 = tpu.memref_squeeze %dma_start3A_3358 : memref<1x8x64xf32, #tpu.memory_space<vmem>> -> memref<8x64xf32, #tpu.memory_space<vmem>>
        %dma_start3A_3360 = arith.constant 0 : i32
        %dma_start3A_3361 = tpu.memref_slice %arg2[%multiple_of3A_3354, %dma_start3A_3360] : memref<1000000x64xf32, #tpu.memory_space<hbm>> -> memref<8x64xf32, #tpu.memory_space<hbm>>
        %dma_start3A_3362 = arith.constant 0 : i32
        %dma_start3A_3363 = arith.constant 0 : i32
        %dma_start3A_3364 = tpu.memref_slice %arg6[%dma_start3A_3355, %dma_start3A_3362, %dma_start3A_3363] : memref<32x8x64xf32, #tpu.memory_space<vmem>> -> memref<1x8x64xf32, #tpu.memory_space<vmem>>
        %dma_start3A_3365 = tpu.memref_squeeze %dma_start3A_3364 : memref<1x8x64xf32, #tpu.memory_space<vmem>> -> memref<8x64xf32, #tpu.memory_space<vmem>>
        %dma_start3A_3366 = arith.constant 0 : i32
        %dma_start3A_3367 = tpu.memref_slice %arg2[%multiple_of3A_3354, %dma_start3A_3366] : memref<1000000x64xf32, #tpu.memory_space<hbm>> -> memref<8x64xf32, #tpu.memory_space<hbm>>
        tpu.enqueue_dma source(%dma_start3A_3367 : memref<8x64xf32, #tpu.memory_space<hbm>>) target(%dma_start3A_3365 : memref<8x64xf32, #tpu.memory_space<vmem>>) target_semaphore(%arg8 : memref<!tpu.dma_semaphore, #tpu.memory_space<semaphore_mem>>)
        %slice3A_3368 = vector.extract_strided_slice %get3A_3241 {offsets = [7], sizes = [1], strides = [1]} : vector<16xi32> to vector<1xi32>
        %squeeze3A_3369 = vector.extract %slice3A_3368[0] : i32 from vector<1xi32>
        %and3A_3370 = arith.constant -8 : i32
        %and3A_3371 = arith.andi %squeeze3A_3369, %and3A_3370 : i32
        %multiple_of3A_3372 = tpu.assume_multiple %and3A_3371, 8 : i32
        %dma_start3A_3373 = arith.constant 7 : i32
        %dma_start3A_3374 = arith.constant 0 : i32
        %dma_start3A_3375 = arith.constant 0 : i32
        %dma_start3A_3376 = tpu.memref_slice %arg6[%dma_start3A_3373, %dma_start3A_3374, %dma_start3A_3375] : memref<32x8x64xf32, #tpu.memory_space<vmem>> -> memref<1x8x64xf32, #tpu.memory_space<vmem>>
        %dma_start3A_3377 = tpu.memref_squeeze %dma_start3A_3376 : memref<1x8x64xf32, #tpu.memory_space<vmem>> -> memref<8x64xf32, #tpu.memory_space<vmem>>
        %dma_start3A_3378 = arith.constant 0 : i32
        %dma_start3A_3379 = tpu.memref_slice %arg2[%multiple_of3A_3372, %dma_start3A_3378] : memref<1000000x64xf32, #tpu.memory_space<hbm>> -> memref<8x64xf32, #tpu.memory_space<hbm>>
        %dma_start3A_3380 = arith.constant 0 : i32
        %dma_start3A_3381 = arith.constant 0 : i32
        %dma_start3A_3382 = tpu.memref_slice %arg6[%dma_start3A_3373, %dma_start3A_3380, %dma_start3A_3381] : memref<32x8x64xf32, #tpu.memory_space<vmem>> -> memref<1x8x64xf32, #tpu.memory_space<vmem>>
        %dma_start3A_3383 = tpu.memref_squeeze %dma_start3A_3382 : memref<1x8x64xf32, #tpu.memory_space<vmem>> -> memref<8x64xf32, #tpu.memory_space<vmem>>
        %dma_start3A_3384 = arith.constant 0 : i32
        %dma_start3A_3385 = tpu.memref_slice %arg2[%multiple_of3A_3372, %dma_start3A_3384] : memref<1000000x64xf32, #tpu.memory_space<hbm>> -> memref<8x64xf32, #tpu.memory_space<hbm>>
        tpu.enqueue_dma source(%dma_start3A_3385 : memref<8x64xf32, #tpu.memory_space<hbm>>) target(%dma_start3A_3383 : memref<8x64xf32, #tpu.memory_space<vmem>>) target_semaphore(%arg8 : memref<!tpu.dma_semaphore, #tpu.memory_space<semaphore_mem>>)
        %slice3A_3386 = vector.extract_strided_slice %get3A_3241 {offsets = [8], sizes = [1], strides = [1]} : vector<16xi32> to vector<1xi32>
        %squeeze3A_3387 = vector.extract %slice3A_3386[0] : i32 from vector<1xi32>
        %and3A_3388 = arith.constant -8 : i32
        %and3A_3389 = arith.andi %squeeze3A_3387, %and3A_3388 : i32
        %multiple_of3A_3390 = tpu.assume_multiple %and3A_3389, 8 : i32
        %dma_start3A_3391 = arith.constant 8 : i32
        %dma_start3A_3392 = arith.constant 0 : i32
        %dma_start3A_3393 = arith.constant 0 : i32
        %dma_start3A_3394 = tpu.memref_slice %arg6[%dma_start3A_3391, %dma_start3A_3392, %dma_start3A_3393] : memref<32x8x64xf32, #tpu.memory_space<vmem>> -> memref<1x8x64xf32, #tpu.memory_space<vmem>>
        %dma_start3A_3395 = tpu.memref_squeeze %dma_start3A_3394 : memref<1x8x64xf32, #tpu.memory_space<vmem>> -> memref<8x64xf32, #tpu.memory_space<vmem>>
        %dma_start3A_3396 = arith.constant 0 : i32
        %dma_start3A_3397 = tpu.memref_slice %arg2[%multiple_of3A_3390, %dma_start3A_3396] : memref<1000000x64xf32, #tpu.memory_space<hbm>> -> memref<8x64xf32, #tpu.memory_space<hbm>>
        %dma_start3A_3398 = arith.constant 0 : i32
        %dma_start3A_3399 = arith.constant 0 : i32
        %dma_start3A_3400 = tpu.memref_slice %arg6[%dma_start3A_3391, %dma_start3A_3398, %dma_start3A_3399] : memref<32x8x64xf32, #tpu.memory_space<vmem>> -> memref<1x8x64xf32, #tpu.memory_space<vmem>>
        %dma_start3A_3401 = tpu.memref_squeeze %dma_start3A_3400 : memref<1x8x64xf32, #tpu.memory_space<vmem>> -> memref<8x64xf32, #tpu.memory_space<vmem>>
        %dma_start3A_3402 = arith.constant 0 : i32
        %dma_start3A_3403 = tpu.memref_slice %arg2[%multiple_of3A_3390, %dma_start3A_3402] : memref<1000000x64xf32, #tpu.memory_space<hbm>> -> memref<8x64xf32, #tpu.memory_space<hbm>>
        tpu.enqueue_dma source(%dma_start3A_3403 : memref<8x64xf32, #tpu.memory_space<hbm>>) target(%dma_start3A_3401 : memref<8x64xf32, #tpu.memory_space<vmem>>) target_semaphore(%arg8 : memref<!tpu.dma_semaphore, #tpu.memory_space<semaphore_mem>>)
        %slice3A_3404 = vector.extract_strided_slice %get3A_3241 {offsets = [9], sizes = [1], strides = [1]} : vector<16xi32> to vector<1xi32>
        %squeeze3A_3405 = vector.extract %slice3A_3404[0] : i32 from vector<1xi32>
        %and3A_3406 = arith.constant -8 : i32
        %and3A_3407 = arith.andi %squeeze3A_3405, %and3A_3406 : i32
        %multiple_of3A_3408 = tpu.assume_multiple %and3A_3407, 8 : i32
        %dma_start3A_3409 = arith.constant 9 : i32
        %dma_start3A_3410 = arith.constant 0 : i32
        %dma_start3A_3411 = arith.constant 0 : i32
        %dma_start3A_3412 = tpu.memref_slice %arg6[%dma_start3A_3409, %dma_start3A_3410, %dma_start3A_3411] : memref<32x8x64xf32, #tpu.memory_space<vmem>> -> memref<1x8x64xf32, #tpu.memory_space<vmem>>
        %dma_start3A_3413 = tpu.memref_squeeze %dma_start3A_3412 : memref<1x8x64xf32, #tpu.memory_space<vmem>> -> memref<8x64xf32, #tpu.memory_space<vmem>>
        %dma_start3A_3414 = arith.constant 0 : i32
        %dma_start3A_3415 = tpu.memref_slice %arg2[%multiple_of3A_3408, %dma_start3A_3414] : memref<1000000x64xf32, #tpu.memory_space<hbm>> -> memref<8x64xf32, #tpu.memory_space<hbm>>
        %dma_start3A_3416 = arith.constant 0 : i32
        %dma_start3A_3417 = arith.constant 0 : i32
        %dma_start3A_3418 = tpu.memref_slice %arg6[%dma_start3A_3409, %dma_start3A_3416, %dma_start3A_3417] : memref<32x8x64xf32, #tpu.memory_space<vmem>> -> memref<1x8x64xf32, #tpu.memory_space<vmem>>
        %dma_start3A_3419 = tpu.memref_squeeze %dma_start3A_3418 : memref<1x8x64xf32, #tpu.memory_space<vmem>> -> memref<8x64xf32, #tpu.memory_space<vmem>>
        %dma_start3A_3420 = arith.constant 0 : i32
        %dma_start3A_3421 = tpu.memref_slice %arg2[%multiple_of3A_3408, %dma_start3A_3420] : memref<1000000x64xf32, #tpu.memory_space<hbm>> -> memref<8x64xf32, #tpu.memory_space<hbm>>
        tpu.enqueue_dma source(%dma_start3A_3421 : memref<8x64xf32, #tpu.memory_space<hbm>>) target(%dma_start3A_3419 : memref<8x64xf32, #tpu.memory_space<vmem>>) target_semaphore(%arg8 : memref<!tpu.dma_semaphore, #tpu.memory_space<semaphore_mem>>)
        %slice3A_3422 = vector.extract_strided_slice %get3A_3241 {offsets = [10], sizes = [1], strides = [1]} : vector<16xi32> to vector<1xi32>
        %squeeze3A_3423 = vector.extract %slice3A_3422[0] : i32 from vector<1xi32>
        %and3A_3424 = arith.constant -8 : i32
        %and3A_3425 = arith.andi %squeeze3A_3423, %and3A_3424 : i32
        %multiple_of3A_3426 = tpu.assume_multiple %and3A_3425, 8 : i32
        %dma_start3A_3427 = arith.constant 10 : i32
        %dma_start3A_3428 = arith.constant 0 : i32
        %dma_start3A_3429 = arith.constant 0 : i32
        %dma_start3A_3430 = tpu.memref_slice %arg6[%dma_start3A_3427, %dma_start3A_3428, %dma_start3A_3429] : memref<32x8x64xf32, #tpu.memory_space<vmem>> -> memref<1x8x64xf32, #tpu.memory_space<vmem>>
        %dma_start3A_3431 = tpu.memref_squeeze %dma_start3A_3430 : memref<1x8x64xf32, #tpu.memory_space<vmem>> -> memref<8x64xf32, #tpu.memory_space<vmem>>
        %dma_start3A_3432 = arith.constant 0 : i32
        %dma_start3A_3433 = tpu.memref_slice %arg2[%multiple_of3A_3426, %dma_start3A_3432] : memref<1000000x64xf32, #tpu.memory_space<hbm>> -> memref<8x64xf32, #tpu.memory_space<hbm>>
        %dma_start3A_3434 = arith.constant 0 : i32
        %dma_start3A_3435 = arith.constant 0 : i32
        %dma_start3A_3436 = tpu.memref_slice %arg6[%dma_start3A_3427, %dma_start3A_3434, %dma_start3A_3435] : memref<32x8x64xf32, #tpu.memory_space<vmem>> -> memref<1x8x64xf32, #tpu.memory_space<vmem>>
        %dma_start3A_3437 = tpu.memref_squeeze %dma_start3A_3436 : memref<1x8x64xf32, #tpu.memory_space<vmem>> -> memref<8x64xf32, #tpu.memory_space<vmem>>
        %dma_start3A_3438 = arith.constant 0 : i32
        %dma_start3A_3439 = tpu.memref_slice %arg2[%multiple_of3A_3426, %dma_start3A_3438] : memref<1000000x64xf32, #tpu.memory_space<hbm>> -> memref<8x64xf32, #tpu.memory_space<hbm>>
        tpu.enqueue_dma source(%dma_start3A_3439 : memref<8x64xf32, #tpu.memory_space<hbm>>) target(%dma_start3A_3437 : memref<8x64xf32, #tpu.memory_space<vmem>>) target_semaphore(%arg8 : memref<!tpu.dma_semaphore, #tpu.memory_space<semaphore_mem>>)
        %slice3A_3440 = vector.extract_strided_slice %get3A_3241 {offsets = [11], sizes = [1], strides = [1]} : vector<16xi32> to vector<1xi32>
        %squeeze3A_3441 = vector.extract %slice3A_3440[0] : i32 from vector<1xi32>
        %and3A_3442 = arith.constant -8 : i32
        %and3A_3443 = arith.andi %squeeze3A_3441, %and3A_3442 : i32
        %multiple_of3A_3444 = tpu.assume_multiple %and3A_3443, 8 : i32
        %dma_start3A_3445 = arith.constant 11 : i32
        %dma_start3A_3446 = arith.constant 0 : i32
        %dma_start3A_3447 = arith.constant 0 : i32
        %dma_start3A_3448 = tpu.memref_slice %arg6[%dma_start3A_3445, %dma_start3A_3446, %dma_start3A_3447] : memref<32x8x64xf32, #tpu.memory_space<vmem>> -> memref<1x8x64xf32, #tpu.memory_space<vmem>>
        %dma_start3A_3449 = tpu.memref_squeeze %dma_start3A_3448 : memref<1x8x64xf32, #tpu.memory_space<vmem>> -> memref<8x64xf32, #tpu.memory_space<vmem>>
        %dma_start3A_3450 = arith.constant 0 : i32
        %dma_start3A_3451 = tpu.memref_slice %arg2[%multiple_of3A_3444, %dma_start3A_3450] : memref<1000000x64xf32, #tpu.memory_space<hbm>> -> memref<8x64xf32, #tpu.memory_space<hbm>>
        %dma_start3A_3452 = arith.constant 0 : i32
        %dma_start3A_3453 = arith.constant 0 : i32
        %dma_start3A_3454 = tpu.memref_slice %arg6[%dma_start3A_3445, %dma_start3A_3452, %dma_start3A_3453] : memref<32x8x64xf32, #tpu.memory_space<vmem>> -> memref<1x8x64xf32, #tpu.memory_space<vmem>>
        %dma_start3A_3455 = tpu.memref_squeeze %dma_start3A_3454 : memref<1x8x64xf32, #tpu.memory_space<vmem>> -> memref<8x64xf32, #tpu.memory_space<vmem>>
        %dma_start3A_3456 = arith.constant 0 : i32
        %dma_start3A_3457 = tpu.memref_slice %arg2[%multiple_of3A_3444, %dma_start3A_3456] : memref<1000000x64xf32, #tpu.memory_space<hbm>> -> memref<8x64xf32, #tpu.memory_space<hbm>>
        tpu.enqueue_dma source(%dma_start3A_3457 : memref<8x64xf32, #tpu.memory_space<hbm>>) target(%dma_start3A_3455 : memref<8x64xf32, #tpu.memory_space<vmem>>) target_semaphore(%arg8 : memref<!tpu.dma_semaphore, #tpu.memory_space<semaphore_mem>>)
        %slice3A_3458 = vector.extract_strided_slice %get3A_3241 {offsets = [12], sizes = [1], strides = [1]} : vector<16xi32> to vector<1xi32>
        %squeeze3A_3459 = vector.extract %slice3A_3458[0] : i32 from vector<1xi32>
        %and3A_3460 = arith.constant -8 : i32
        %and3A_3461 = arith.andi %squeeze3A_3459, %and3A_3460 : i32
        %multiple_of3A_3462 = tpu.assume_multiple %and3A_3461, 8 : i32
        %dma_start3A_3463 = arith.constant 12 : i32
        %dma_start3A_3464 = arith.constant 0 : i32
        %dma_start3A_3465 = arith.constant 0 : i32
        %dma_start3A_3466 = tpu.memref_slice %arg6[%dma_start3A_3463, %dma_start3A_3464, %dma_start3A_3465] : memref<32x8x64xf32, #tpu.memory_space<vmem>> -> memref<1x8x64xf32, #tpu.memory_space<vmem>>
        %dma_start3A_3467 = tpu.memref_squeeze %dma_start3A_3466 : memref<1x8x64xf32, #tpu.memory_space<vmem>> -> memref<8x64xf32, #tpu.memory_space<vmem>>
        %dma_start3A_3468 = arith.constant 0 : i32
        %dma_start3A_3469 = tpu.memref_slice %arg2[%multiple_of3A_3462, %dma_start3A_3468] : memref<1000000x64xf32, #tpu.memory_space<hbm>> -> memref<8x64xf32, #tpu.memory_space<hbm>>
        %dma_start3A_3470 = arith.constant 0 : i32
        %dma_start3A_3471 = arith.constant 0 : i32
        %dma_start3A_3472 = tpu.memref_slice %arg6[%dma_start3A_3463, %dma_start3A_3470, %dma_start3A_3471] : memref<32x8x64xf32, #tpu.memory_space<vmem>> -> memref<1x8x64xf32, #tpu.memory_space<vmem>>
        %dma_start3A_3473 = tpu.memref_squeeze %dma_start3A_3472 : memref<1x8x64xf32, #tpu.memory_space<vmem>> -> memref<8x64xf32, #tpu.memory_space<vmem>>
        %dma_start3A_3474 = arith.constant 0 : i32
        %dma_start3A_3475 = tpu.memref_slice %arg2[%multiple_of3A_3462, %dma_start3A_3474] : memref<1000000x64xf32, #tpu.memory_space<hbm>> -> memref<8x64xf32, #tpu.memory_space<hbm>>
        tpu.enqueue_dma source(%dma_start3A_3475 : memref<8x64xf32, #tpu.memory_space<hbm>>) target(%dma_start3A_3473 : memref<8x64xf32, #tpu.memory_space<vmem>>) target_semaphore(%arg8 : memref<!tpu.dma_semaphore, #tpu.memory_space<semaphore_mem>>)
        %slice3A_3476 = vector.extract_strided_slice %get3A_3241 {offsets = [13], sizes = [1], strides = [1]} : vector<16xi32> to vector<1xi32>
        %squeeze3A_3477 = vector.extract %slice3A_3476[0] : i32 from vector<1xi32>
        %and3A_3478 = arith.constant -8 : i32
        %and3A_3479 = arith.andi %squeeze3A_3477, %and3A_3478 : i32
        %multiple_of3A_3480 = tpu.assume_multiple %and3A_3479, 8 : i32
        %dma_start3A_3481 = arith.constant 13 : i32
        %dma_start3A_3482 = arith.constant 0 : i32
        %dma_start3A_3483 = arith.constant 0 : i32
        %dma_start3A_3484 = tpu.memref_slice %arg6[%dma_start3A_3481, %dma_start3A_3482, %dma_start3A_3483] : memref<32x8x64xf32, #tpu.memory_space<vmem>> -> memref<1x8x64xf32, #tpu.memory_space<vmem>>
        %dma_start3A_3485 = tpu.memref_squeeze %dma_start3A_3484 : memref<1x8x64xf32, #tpu.memory_space<vmem>> -> memref<8x64xf32, #tpu.memory_space<vmem>>
        %dma_start3A_3486 = arith.constant 0 : i32
        %dma_start3A_3487 = tpu.memref_slice %arg2[%multiple_of3A_3480, %dma_start3A_3486] : memref<1000000x64xf32, #tpu.memory_space<hbm>> -> memref<8x64xf32, #tpu.memory_space<hbm>>
        %dma_start3A_3488 = arith.constant 0 : i32
        %dma_start3A_3489 = arith.constant 0 : i32
        %dma_start3A_3490 = tpu.memref_slice %arg6[%dma_start3A_3481, %dma_start3A_3488, %dma_start3A_3489] : memref<32x8x64xf32, #tpu.memory_space<vmem>> -> memref<1x8x64xf32, #tpu.memory_space<vmem>>
        %dma_start3A_3491 = tpu.memref_squeeze %dma_start3A_3490 : memref<1x8x64xf32, #tpu.memory_space<vmem>> -> memref<8x64xf32, #tpu.memory_space<vmem>>
        %dma_start3A_3492 = arith.constant 0 : i32
        %dma_start3A_3493 = tpu.memref_slice %arg2[%multiple_of3A_3480, %dma_start3A_3492] : memref<1000000x64xf32, #tpu.memory_space<hbm>> -> memref<8x64xf32, #tpu.memory_space<hbm>>
        tpu.enqueue_dma source(%dma_start3A_3493 : memref<8x64xf32, #tpu.memory_space<hbm>>) target(%dma_start3A_3491 : memref<8x64xf32, #tpu.memory_space<vmem>>) target_semaphore(%arg8 : memref<!tpu.dma_semaphore, #tpu.memory_space<semaphore_mem>>)
        %slice3A_3494 = vector.extract_strided_slice %get3A_3241 {offsets = [14], sizes = [1], strides = [1]} : vector<16xi32> to vector<1xi32>
        %squeeze3A_3495 = vector.extract %slice3A_3494[0] : i32 from vector<1xi32>
        %and3A_3496 = arith.constant -8 : i32
        %and3A_3497 = arith.andi %squeeze3A_3495, %and3A_3496 : i32
        %multiple_of3A_3498 = tpu.assume_multiple %and3A_3497, 8 : i32
        %dma_start3A_3499 = arith.constant 14 : i32
        %dma_start3A_3500 = arith.constant 0 : i32
        %dma_start3A_3501 = arith.constant 0 : i32
        %dma_start3A_3502 = tpu.memref_slice %arg6[%dma_start3A_3499, %dma_start3A_3500, %dma_start3A_3501] : memref<32x8x64xf32, #tpu.memory_space<vmem>> -> memref<1x8x64xf32, #tpu.memory_space<vmem>>
        %dma_start3A_3503 = tpu.memref_squeeze %dma_start3A_3502 : memref<1x8x64xf32, #tpu.memory_space<vmem>> -> memref<8x64xf32, #tpu.memory_space<vmem>>
        %dma_start3A_3504 = arith.constant 0 : i32
        %dma_start3A_3505 = tpu.memref_slice %arg2[%multiple_of3A_3498, %dma_start3A_3504] : memref<1000000x64xf32, #tpu.memory_space<hbm>> -> memref<8x64xf32, #tpu.memory_space<hbm>>
        %dma_start3A_3506 = arith.constant 0 : i32
        %dma_start3A_3507 = arith.constant 0 : i32
        %dma_start3A_3508 = tpu.memref_slice %arg6[%dma_start3A_3499, %dma_start3A_3506, %dma_start3A_3507] : memref<32x8x64xf32, #tpu.memory_space<vmem>> -> memref<1x8x64xf32, #tpu.memory_space<vmem>>
        %dma_start3A_3509 = tpu.memref_squeeze %dma_start3A_3508 : memref<1x8x64xf32, #tpu.memory_space<vmem>> -> memref<8x64xf32, #tpu.memory_space<vmem>>
        %dma_start3A_3510 = arith.constant 0 : i32
        %dma_start3A_3511 = tpu.memref_slice %arg2[%multiple_of3A_3498, %dma_start3A_3510] : memref<1000000x64xf32, #tpu.memory_space<hbm>> -> memref<8x64xf32, #tpu.memory_space<hbm>>
        tpu.enqueue_dma source(%dma_start3A_3511 : memref<8x64xf32, #tpu.memory_space<hbm>>) target(%dma_start3A_3509 : memref<8x64xf32, #tpu.memory_space<vmem>>) target_semaphore(%arg8 : memref<!tpu.dma_semaphore, #tpu.memory_space<semaphore_mem>>)
        %slice3A_3512 = vector.extract_strided_slice %get3A_3241 {offsets = [15], sizes = [1], strides = [1]} : vector<16xi32> to vector<1xi32>
        %squeeze3A_3513 = vector.extract %slice3A_3512[0] : i32 from vector<1xi32>
        %and3A_3514 = arith.constant -8 : i32
        %and3A_3515 = arith.andi %squeeze3A_3513, %and3A_3514 : i32
        %multiple_of3A_3516 = tpu.assume_multiple %and3A_3515, 8 : i32
        %dma_start3A_3517 = arith.constant 15 : i32
        %dma_start3A_3518 = arith.constant 0 : i32
        %dma_start3A_3519 = arith.constant 0 : i32
        %dma_start3A_3520 = tpu.memref_slice %arg6[%dma_start3A_3517, %dma_start3A_3518, %dma_start3A_3519] : memref<32x8x64xf32, #tpu.memory_space<vmem>> -> memref<1x8x64xf32, #tpu.memory_space<vmem>>
        %dma_start3A_3521 = tpu.memref_squeeze %dma_start3A_3520 : memref<1x8x64xf32, #tpu.memory_space<vmem>> -> memref<8x64xf32, #tpu.memory_space<vmem>>
        %dma_start3A_3522 = arith.constant 0 : i32
        %dma_start3A_3523 = tpu.memref_slice %arg2[%multiple_of3A_3516, %dma_start3A_3522] : memref<1000000x64xf32, #tpu.memory_space<hbm>> -> memref<8x64xf32, #tpu.memory_space<hbm>>
        %dma_start3A_3524 = arith.constant 0 : i32
        %dma_start3A_3525 = arith.constant 0 : i32
        %dma_start3A_3526 = tpu.memref_slice %arg6[%dma_start3A_3517, %dma_start3A_3524, %dma_start3A_3525] : memref<32x8x64xf32, #tpu.memory_space<vmem>> -> memref<1x8x64xf32, #tpu.memory_space<vmem>>
        %dma_start3A_3527 = tpu.memref_squeeze %dma_start3A_3526 : memref<1x8x64xf32, #tpu.memory_space<vmem>> -> memref<8x64xf32, #tpu.memory_space<vmem>>
        %dma_start3A_3528 = arith.constant 0 : i32
        %dma_start3A_3529 = tpu.memref_slice %arg2[%multiple_of3A_3516, %dma_start3A_3528] : memref<1000000x64xf32, #tpu.memory_space<hbm>> -> memref<8x64xf32, #tpu.memory_space<hbm>>
        tpu.enqueue_dma source(%dma_start3A_3529 : memref<8x64xf32, #tpu.memory_space<hbm>>) target(%dma_start3A_3527 : memref<8x64xf32, #tpu.memory_space<vmem>>) target_semaphore(%arg8 : memref<!tpu.dma_semaphore, #tpu.memory_space<semaphore_mem>>)
      } else {
      }
      %add3A_1928 = arith.constant 1 : i32
      %add3A_1929 = arith.addi %mul3A_325, %add3A_1928 : i32
      %jit3A_1930 = arith.constant 8 : i32
      %div3A_1931 = arith.divsi %add3A_1929, %jit3A_1930 : i32
      %sign3A_1932 = arith.constant 0 : i32
      %sign3A_1933 = arith.cmpi sgt, %add3A_1929, %sign3A_1932 : i32
      %sign3A_1934 = arith.extui %sign3A_1933 : i1 to i32
      %sign3A_1935 = arith.constant 0 : i32
      %sign3A_1936 = arith.cmpi slt, %add3A_1929, %sign3A_1935 : i32
      %sign3A_1937 = arith.extui %sign3A_1936 : i1 to i32
      %sign3A_1938 = arith.subi %sign3A_1934, %sign3A_1937 : i32
      %sign3A_1939 = arith.constant 0 : i32
      %sign3A_1940 = arith.cmpi sgt, %jit3A_1930, %sign3A_1939 : i32
      %sign3A_1941 = arith.extui %sign3A_1940 : i1 to i32
      %sign3A_1942 = arith.constant 0 : i32
      %sign3A_1943 = arith.cmpi slt, %jit3A_1930, %sign3A_1942 : i32
      %sign3A_1944 = arith.extui %sign3A_1943 : i1 to i32
      %sign3A_1945 = arith.subi %sign3A_1941, %sign3A_1944 : i32
      %ne3A_1946 = arith.cmpi ne, %sign3A_1938, %sign3A_1945 : i32
      %rem3A_1947 = arith.remsi %add3A_1929, %jit3A_1930 : i32
      %ne3A_1948 = arith.constant 0 : i32
      %ne3A_1949 = arith.cmpi ne, %rem3A_1947, %ne3A_1948 : i32
      %and3A_1950 = arith.andi %ne3A_1946, %ne3A_1949 : i1
      %sub3A_1951 = arith.constant 1 : i32
      %sub3A_1952 = arith.subi %div3A_1931, %sub3A_1951 : i32
      %select_n3A_1953 = arith.select %and3A_1950, %sub3A_1952, %div3A_1931 : i32
      %jit3A_1954 = arith.constant 8 : i32
      %eq3A_1955 = arith.constant 0 : i32
      %eq3A_1956 = arith.cmpi eq, %jit3A_1954, %eq3A_1955 : i32
      %jit3A_1957 = arith.constant 1 : i32
      %select_n3A_1958 = arith.select %eq3A_1956, %jit3A_1957, %jit3A_1954 : i32
      %rem3A_1959 = arith.remsi %add3A_1929, %select_n3A_1958 : i32
      %ne3A_1960 = arith.constant 0 : i32
      %ne3A_1961 = arith.cmpi ne, %rem3A_1959, %ne3A_1960 : i32
      %lt3A_1962 = arith.constant 0 : i32
      %lt3A_1963 = arith.cmpi slt, %rem3A_1959, %lt3A_1962 : i32
      %lt3A_1964 = arith.constant 0 : i32
      %lt3A_1965 = arith.cmpi slt, %select_n3A_1958, %lt3A_1964 : i32
      %ne3A_1966 = arith.xori %lt3A_1963, %lt3A_1965 : i1
      %and3A_1967 = arith.andi %ne3A_1966, %ne3A_1961 : i1
      %add3A_1968 = arith.addi %rem3A_1959, %select_n3A_1958 : i32
      %select_n3A_1969 = arith.select %and3A_1967, %add3A_1968, %rem3A_1959 : i32
      %mul3A_1970 = arith.constant 16 : i32
      %mul3A_1971 = arith.muli %select_n3A_1969, %mul3A_1970 : i32
      %get3A_1972 = arith.index_cast %select_n3A_1953 : i32 to index
      %get3A_1973 = arith.index_cast %mul3A_1971 : i32 to index
      %get3A_1974 = tpu.vector_load %arg5[%get3A_1972, %get3A_1973] {strides = array<i32>} : memref<16x128xi32, #tpu.memory_space<vmem>>, vector<1x16xi32>,
      %get3A_1975 = vector.shape_cast %get3A_1974 : vector<1x16xi32> to vector<16xi32>
      %dma_wait3A_1976 = arith.constant 16 : i32
      %dma_wait3A_1977 = arith.constant 0 : i32
      %dma_wait3A_1978 = arith.constant 0 : i32
      %dma_wait3A_1979 = tpu.memref_slice %arg6[%dma_wait3A_1976, %dma_wait3A_1977, %dma_wait3A_1978] : memref<32x8x64xf32, #tpu.memory_space<vmem>> -> memref<1x8x64xf32, #tpu.memory_space<vmem>>
      %dma_wait3A_1980 = tpu.memref_squeeze %dma_wait3A_1979 : memref<1x8x64xf32, #tpu.memory_space<vmem>> -> memref<8x64xf32, #tpu.memory_space<vmem>>
      %dma_wait3A_1981 = arith.constant 0 : i32
      %dma_wait3A_1982 = arith.constant 0 : i32
      %dma_wait3A_1983 = tpu.memref_slice %arg2[%dma_wait3A_1981, %dma_wait3A_1982] : memref<1000000x64xf32, #tpu.memory_space<hbm>> -> memref<8x64xf32, #tpu.memory_space<hbm>>
      %dma_wait3A_1984 = arith.constant 0 : i32
      %dma_wait3A_1985 = arith.constant 0 : i32
      %dma_wait3A_1986 = tpu.memref_slice %arg6[%dma_wait3A_1976, %dma_wait3A_1984, %dma_wait3A_1985] : memref<32x8x64xf32, #tpu.memory_space<vmem>> -> memref<1x8x64xf32, #tpu.memory_space<vmem>>
      %dma_wait3A_1987 = tpu.memref_squeeze %dma_wait3A_1986 : memref<1x8x64xf32, #tpu.memory_space<vmem>> -> memref<8x64xf32, #tpu.memory_space<vmem>>
      %dma_wait3A_1988 = arith.constant 0 : i32
      %dma_wait3A_1989 = arith.constant 0 : i32
      %dma_wait3A_1990 = tpu.memref_slice %arg2[%dma_wait3A_1988, %dma_wait3A_1989] : memref<1000000x64xf32, #tpu.memory_space<hbm>> -> memref<8x64xf32, #tpu.memory_space<hbm>>
      tpu.wait_dma2 semaphore(%arg9 : memref<!tpu.dma_semaphore, #tpu.memory_space<semaphore_mem>>) src(%dma_wait3A_1990 : memref<8x64xf32, #tpu.memory_space<hbm>>) dst(%dma_wait3A_1987 : memref<8x64xf32, #tpu.memory_space<vmem>>)
      %dma_wait3A_1991 = arith.constant 17 : i32
      %dma_wait3A_1992 = arith.constant 0 : i32
      %dma_wait3A_1993 = arith.constant 0 : i32
      %dma_wait3A_1994 = tpu.memref_slice %arg6[%dma_wait3A_1991, %dma_wait3A_1992, %dma_wait3A_1993] : memref<32x8x64xf32, #tpu.memory_space<vmem>> -> memref<1x8x64xf32, #tpu.memory_space<vmem>>
      %dma_wait3A_1995 = tpu.memref_squeeze %dma_wait3A_1994 : memref<1x8x64xf32, #tpu.memory_space<vmem>> -> memref<8x64xf32, #tpu.memory_space<vmem>>
      %dma_wait3A_1996 = arith.constant 0 : i32
      %dma_wait3A_1997 = arith.constant 0 : i32
      %dma_wait3A_1998 = tpu.memref_slice %arg2[%dma_wait3A_1996, %dma_wait3A_1997] : memref<1000000x64xf32, #tpu.memory_space<hbm>> -> memref<8x64xf32, #tpu.memory_space<hbm>>
      %dma_wait3A_1999 = arith.constant 0 : i32
      %dma_wait3A_2000 = arith.constant 0 : i32
      %dma_wait3A_2001 = tpu.memref_slice %arg6[%dma_wait3A_1991, %dma_wait3A_1999, %dma_wait3A_2000] : memref<32x8x64xf32, #tpu.memory_space<vmem>> -> memref<1x8x64xf32, #tpu.memory_space<vmem>>
      %dma_wait3A_2002 = tpu.memref_squeeze %dma_wait3A_2001 : memref<1x8x64xf32, #tpu.memory_space<vmem>> -> memref<8x64xf32, #tpu.memory_space<vmem>>
      %dma_wait3A_2003 = arith.constant 0 : i32
      %dma_wait3A_2004 = arith.constant 0 : i32
      %dma_wait3A_2005 = tpu.memref_slice %arg2[%dma_wait3A_2003, %dma_wait3A_2004] : memref<1000000x64xf32, #tpu.memory_space<hbm>> -> memref<8x64xf32, #tpu.memory_space<hbm>>
      tpu.wait_dma2 semaphore(%arg9 : memref<!tpu.dma_semaphore, #tpu.memory_space<semaphore_mem>>) src(%dma_wait3A_2005 : memref<8x64xf32, #tpu.memory_space<hbm>>) dst(%dma_wait3A_2002 : memref<8x64xf32, #tpu.memory_space<vmem>>)
      %dma_wait3A_2006 = arith.constant 18 : i32
      %dma_wait3A_2007 = arith.constant 0 : i32
      %dma_wait3A_2008 = arith.constant 0 : i32
      %dma_wait3A_2009 = tpu.memref_slice %arg6[%dma_wait3A_2006, %dma_wait3A_2007, %dma_wait3A_2008] : memref<32x8x64xf32, #tpu.memory_space<vmem>> -> memref<1x8x64xf32, #tpu.memory_space<vmem>>
      %dma_wait3A_2010 = tpu.memref_squeeze %dma_wait3A_2009 : memref<1x8x64xf32, #tpu.memory_space<vmem>> -> memref<8x64xf32, #tpu.memory_space<vmem>>
      %dma_wait3A_2011 = arith.constant 0 : i32
      %dma_wait3A_2012 = arith.constant 0 : i32
      %dma_wait3A_2013 = tpu.memref_slice %arg2[%dma_wait3A_2011, %dma_wait3A_2012] : memref<1000000x64xf32, #tpu.memory_space<hbm>> -> memref<8x64xf32, #tpu.memory_space<hbm>>
      %dma_wait3A_2014 = arith.constant 0 : i32
      %dma_wait3A_2015 = arith.constant 0 : i32
      %dma_wait3A_2016 = tpu.memref_slice %arg6[%dma_wait3A_2006, %dma_wait3A_2014, %dma_wait3A_2015] : memref<32x8x64xf32, #tpu.memory_space<vmem>> -> memref<1x8x64xf32, #tpu.memory_space<vmem>>
      %dma_wait3A_2017 = tpu.memref_squeeze %dma_wait3A_2016 : memref<1x8x64xf32, #tpu.memory_space<vmem>> -> memref<8x64xf32, #tpu.memory_space<vmem>>
      %dma_wait3A_2018 = arith.constant 0 : i32
      %dma_wait3A_2019 = arith.constant 0 : i32
      %dma_wait3A_2020 = tpu.memref_slice %arg2[%dma_wait3A_2018, %dma_wait3A_2019] : memref<1000000x64xf32, #tpu.memory_space<hbm>> -> memref<8x64xf32, #tpu.memory_space<hbm>>
      tpu.wait_dma2 semaphore(%arg9 : memref<!tpu.dma_semaphore, #tpu.memory_space<semaphore_mem>>) src(%dma_wait3A_2020 : memref<8x64xf32, #tpu.memory_space<hbm>>) dst(%dma_wait3A_2017 : memref<8x64xf32, #tpu.memory_space<vmem>>)
      %dma_wait3A_2021 = arith.constant 19 : i32
      %dma_wait3A_2022 = arith.constant 0 : i32
      %dma_wait3A_2023 = arith.constant 0 : i32
      %dma_wait3A_2024 = tpu.memref_slice %arg6[%dma_wait3A_2021, %dma_wait3A_2022, %dma_wait3A_2023] : memref<32x8x64xf32, #tpu.memory_space<vmem>> -> memref<1x8x64xf32, #tpu.memory_space<vmem>>
      %dma_wait3A_2025 = tpu.memref_squeeze %dma_wait3A_2024 : memref<1x8x64xf32, #tpu.memory_space<vmem>> -> memref<8x64xf32, #tpu.memory_space<vmem>>
      %dma_wait3A_2026 = arith.constant 0 : i32
      %dma_wait3A_2027 = arith.constant 0 : i32
      %dma_wait3A_2028 = tpu.memref_slice %arg2[%dma_wait3A_2026, %dma_wait3A_2027] : memref<1000000x64xf32, #tpu.memory_space<hbm>> -> memref<8x64xf32, #tpu.memory_space<hbm>>
      %dma_wait3A_2029 = arith.constant 0 : i32
      %dma_wait3A_2030 = arith.constant 0 : i32
      %dma_wait3A_2031 = tpu.memref_slice %arg6[%dma_wait3A_2021, %dma_wait3A_2029, %dma_wait3A_2030] : memref<32x8x64xf32, #tpu.memory_space<vmem>> -> memref<1x8x64xf32, #tpu.memory_space<vmem>>
      %dma_wait3A_2032 = tpu.memref_squeeze %dma_wait3A_2031 : memref<1x8x64xf32, #tpu.memory_space<vmem>> -> memref<8x64xf32, #tpu.memory_space<vmem>>
      %dma_wait3A_2033 = arith.constant 0 : i32
      %dma_wait3A_2034 = arith.constant 0 : i32
      %dma_wait3A_2035 = tpu.memref_slice %arg2[%dma_wait3A_2033, %dma_wait3A_2034] : memref<1000000x64xf32, #tpu.memory_space<hbm>> -> memref<8x64xf32, #tpu.memory_space<hbm>>
      tpu.wait_dma2 semaphore(%arg9 : memref<!tpu.dma_semaphore, #tpu.memory_space<semaphore_mem>>) src(%dma_wait3A_2035 : memref<8x64xf32, #tpu.memory_space<hbm>>) dst(%dma_wait3A_2032 : memref<8x64xf32, #tpu.memory_space<vmem>>)
      %dma_wait3A_2036 = arith.constant 20 : i32
      %dma_wait3A_2037 = arith.constant 0 : i32
      %dma_wait3A_2038 = arith.constant 0 : i32
      %dma_wait3A_2039 = tpu.memref_slice %arg6[%dma_wait3A_2036, %dma_wait3A_2037, %dma_wait3A_2038] : memref<32x8x64xf32, #tpu.memory_space<vmem>> -> memref<1x8x64xf32, #tpu.memory_space<vmem>>
      %dma_wait3A_2040 = tpu.memref_squeeze %dma_wait3A_2039 : memref<1x8x64xf32, #tpu.memory_space<vmem>> -> memref<8x64xf32, #tpu.memory_space<vmem>>
      %dma_wait3A_2041 = arith.constant 0 : i32
      %dma_wait3A_2042 = arith.constant 0 : i32
      %dma_wait3A_2043 = tpu.memref_slice %arg2[%dma_wait3A_2041, %dma_wait3A_2042] : memref<1000000x64xf32, #tpu.memory_space<hbm>> -> memref<8x64xf32, #tpu.memory_space<hbm>>
      %dma_wait3A_2044 = arith.constant 0 : i32
      %dma_wait3A_2045 = arith.constant 0 : i32
      %dma_wait3A_2046 = tpu.memref_slice %arg6[%dma_wait3A_2036, %dma_wait3A_2044, %dma_wait3A_2045] : memref<32x8x64xf32, #tpu.memory_space<vmem>> -> memref<1x8x64xf32, #tpu.memory_space<vmem>>
      %dma_wait3A_2047 = tpu.memref_squeeze %dma_wait3A_2046 : memref<1x8x64xf32, #tpu.memory_space<vmem>> -> memref<8x64xf32, #tpu.memory_space<vmem>>
      %dma_wait3A_2048 = arith.constant 0 : i32
      %dma_wait3A_2049 = arith.constant 0 : i32
      %dma_wait3A_2050 = tpu.memref_slice %arg2[%dma_wait3A_2048, %dma_wait3A_2049] : memref<1000000x64xf32, #tpu.memory_space<hbm>> -> memref<8x64xf32, #tpu.memory_space<hbm>>
      tpu.wait_dma2 semaphore(%arg9 : memref<!tpu.dma_semaphore, #tpu.memory_space<semaphore_mem>>) src(%dma_wait3A_2050 : memref<8x64xf32, #tpu.memory_space<hbm>>) dst(%dma_wait3A_2047 : memref<8x64xf32, #tpu.memory_space<vmem>>)
      %dma_wait3A_2051 = arith.constant 21 : i32
      %dma_wait3A_2052 = arith.constant 0 : i32
      %dma_wait3A_2053 = arith.constant 0 : i32
      %dma_wait3A_2054 = tpu.memref_slice %arg6[%dma_wait3A_2051, %dma_wait3A_2052, %dma_wait3A_2053] : memref<32x8x64xf32, #tpu.memory_space<vmem>> -> memref<1x8x64xf32, #tpu.memory_space<vmem>>
      %dma_wait3A_2055 = tpu.memref_squeeze %dma_wait3A_2054 : memref<1x8x64xf32, #tpu.memory_space<vmem>> -> memref<8x64xf32, #tpu.memory_space<vmem>>
      %dma_wait3A_2056 = arith.constant 0 : i32
      %dma_wait3A_2057 = arith.constant 0 : i32
      %dma_wait3A_2058 = tpu.memref_slice %arg2[%dma_wait3A_2056, %dma_wait3A_2057] : memref<1000000x64xf32, #tpu.memory_space<hbm>> -> memref<8x64xf32, #tpu.memory_space<hbm>>
      %dma_wait3A_2059 = arith.constant 0 : i32
      %dma_wait3A_2060 = arith.constant 0 : i32
      %dma_wait3A_2061 = tpu.memref_slice %arg6[%dma_wait3A_2051, %dma_wait3A_2059, %dma_wait3A_2060] : memref<32x8x64xf32, #tpu.memory_space<vmem>> -> memref<1x8x64xf32, #tpu.memory_space<vmem>>
      %dma_wait3A_2062 = tpu.memref_squeeze %dma_wait3A_2061 : memref<1x8x64xf32, #tpu.memory_space<vmem>> -> memref<8x64xf32, #tpu.memory_space<vmem>>
      %dma_wait3A_2063 = arith.constant 0 : i32
      %dma_wait3A_2064 = arith.constant 0 : i32
      %dma_wait3A_2065 = tpu.memref_slice %arg2[%dma_wait3A_2063, %dma_wait3A_2064] : memref<1000000x64xf32, #tpu.memory_space<hbm>> -> memref<8x64xf32, #tpu.memory_space<hbm>>
      tpu.wait_dma2 semaphore(%arg9 : memref<!tpu.dma_semaphore, #tpu.memory_space<semaphore_mem>>) src(%dma_wait3A_2065 : memref<8x64xf32, #tpu.memory_space<hbm>>) dst(%dma_wait3A_2062 : memref<8x64xf32, #tpu.memory_space<vmem>>)
      %dma_wait3A_2066 = arith.constant 22 : i32
      %dma_wait3A_2067 = arith.constant 0 : i32
      %dma_wait3A_2068 = arith.constant 0 : i32
      %dma_wait3A_2069 = tpu.memref_slice %arg6[%dma_wait3A_2066, %dma_wait3A_2067, %dma_wait3A_2068] : memref<32x8x64xf32, #tpu.memory_space<vmem>> -> memref<1x8x64xf32, #tpu.memory_space<vmem>>
      %dma_wait3A_2070 = tpu.memref_squeeze %dma_wait3A_2069 : memref<1x8x64xf32, #tpu.memory_space<vmem>> -> memref<8x64xf32, #tpu.memory_space<vmem>>
      %dma_wait3A_2071 = arith.constant 0 : i32
      %dma_wait3A_2072 = arith.constant 0 : i32
      %dma_wait3A_2073 = tpu.memref_slice %arg2[%dma_wait3A_2071, %dma_wait3A_2072] : memref<1000000x64xf32, #tpu.memory_space<hbm>> -> memref<8x64xf32, #tpu.memory_space<hbm>>
      %dma_wait3A_2074 = arith.constant 0 : i32
      %dma_wait3A_2075 = arith.constant 0 : i32
      %dma_wait3A_2076 = tpu.memref_slice %arg6[%dma_wait3A_2066, %dma_wait3A_2074, %dma_wait3A_2075] : memref<32x8x64xf32, #tpu.memory_space<vmem>> -> memref<1x8x64xf32, #tpu.memory_space<vmem>>
      %dma_wait3A_2077 = tpu.memref_squeeze %dma_wait3A_2076 : memref<1x8x64xf32, #tpu.memory_space<vmem>> -> memref<8x64xf32, #tpu.memory_space<vmem>>
      %dma_wait3A_2078 = arith.constant 0 : i32
      %dma_wait3A_2079 = arith.constant 0 : i32
      %dma_wait3A_2080 = tpu.memref_slice %arg2[%dma_wait3A_2078, %dma_wait3A_2079] : memref<1000000x64xf32, #tpu.memory_space<hbm>> -> memref<8x64xf32, #tpu.memory_space<hbm>>
      tpu.wait_dma2 semaphore(%arg9 : memref<!tpu.dma_semaphore, #tpu.memory_space<semaphore_mem>>) src(%dma_wait3A_2080 : memref<8x64xf32, #tpu.memory_space<hbm>>) dst(%dma_wait3A_2077 : memref<8x64xf32, #tpu.memory_space<vmem>>)
      %dma_wait3A_2081 = arith.constant 23 : i32
      %dma_wait3A_2082 = arith.constant 0 : i32
      %dma_wait3A_2083 = arith.constant 0 : i32
      %dma_wait3A_2084 = tpu.memref_slice %arg6[%dma_wait3A_2081, %dma_wait3A_2082, %dma_wait3A_2083] : memref<32x8x64xf32, #tpu.memory_space<vmem>> -> memref<1x8x64xf32, #tpu.memory_space<vmem>>
      %dma_wait3A_2085 = tpu.memref_squeeze %dma_wait3A_2084 : memref<1x8x64xf32, #tpu.memory_space<vmem>> -> memref<8x64xf32, #tpu.memory_space<vmem>>
      %dma_wait3A_2086 = arith.constant 0 : i32
      %dma_wait3A_2087 = arith.constant 0 : i32
      %dma_wait3A_2088 = tpu.memref_slice %arg2[%dma_wait3A_2086, %dma_wait3A_2087] : memref<1000000x64xf32, #tpu.memory_space<hbm>> -> memref<8x64xf32, #tpu.memory_space<hbm>>
      %dma_wait3A_2089 = arith.constant 0 : i32
      %dma_wait3A_2090 = arith.constant 0 : i32
      %dma_wait3A_2091 = tpu.memref_slice %arg6[%dma_wait3A_2081, %dma_wait3A_2089, %dma_wait3A_2090] : memref<32x8x64xf32, #tpu.memory_space<vmem>> -> memref<1x8x64xf32, #tpu.memory_space<vmem>>
      %dma_wait3A_2092 = tpu.memref_squeeze %dma_wait3A_2091 : memref<1x8x64xf32, #tpu.memory_space<vmem>> -> memref<8x64xf32, #tpu.memory_space<vmem>>
      %dma_wait3A_2093 = arith.constant 0 : i32
      %dma_wait3A_2094 = arith.constant 0 : i32
      %dma_wait3A_2095 = tpu.memref_slice %arg2[%dma_wait3A_2093, %dma_wait3A_2094] : memref<1000000x64xf32, #tpu.memory_space<hbm>> -> memref<8x64xf32, #tpu.memory_space<hbm>>
      tpu.wait_dma2 semaphore(%arg9 : memref<!tpu.dma_semaphore, #tpu.memory_space<semaphore_mem>>) src(%dma_wait3A_2095 : memref<8x64xf32, #tpu.memory_space<hbm>>) dst(%dma_wait3A_2092 : memref<8x64xf32, #tpu.memory_space<vmem>>)
      %dma_wait3A_2096 = arith.constant 24 : i32
      %dma_wait3A_2097 = arith.constant 0 : i32
      %dma_wait3A_2098 = arith.constant 0 : i32
      %dma_wait3A_2099 = tpu.memref_slice %arg6[%dma_wait3A_2096, %dma_wait3A_2097, %dma_wait3A_2098] : memref<32x8x64xf32, #tpu.memory_space<vmem>> -> memref<1x8x64xf32, #tpu.memory_space<vmem>>
      %dma_wait3A_2100 = tpu.memref_squeeze %dma_wait3A_2099 : memref<1x8x64xf32, #tpu.memory_space<vmem>> -> memref<8x64xf32, #tpu.memory_space<vmem>>
      %dma_wait3A_2101 = arith.constant 0 : i32
      %dma_wait3A_2102 = arith.constant 0 : i32
      %dma_wait3A_2103 = tpu.memref_slice %arg2[%dma_wait3A_2101, %dma_wait3A_2102] : memref<1000000x64xf32, #tpu.memory_space<hbm>> -> memref<8x64xf32, #tpu.memory_space<hbm>>
      %dma_wait3A_2104 = arith.constant 0 : i32
      %dma_wait3A_2105 = arith.constant 0 : i32
      %dma_wait3A_2106 = tpu.memref_slice %arg6[%dma_wait3A_2096, %dma_wait3A_2104, %dma_wait3A_2105] : memref<32x8x64xf32, #tpu.memory_space<vmem>> -> memref<1x8x64xf32, #tpu.memory_space<vmem>>
      %dma_wait3A_2107 = tpu.memref_squeeze %dma_wait3A_2106 : memref<1x8x64xf32, #tpu.memory_space<vmem>> -> memref<8x64xf32, #tpu.memory_space<vmem>>
      %dma_wait3A_2108 = arith.constant 0 : i32
      %dma_wait3A_2109 = arith.constant 0 : i32
      %dma_wait3A_2110 = tpu.memref_slice %arg2[%dma_wait3A_2108, %dma_wait3A_2109] : memref<1000000x64xf32, #tpu.memory_space<hbm>> -> memref<8x64xf32, #tpu.memory_space<hbm>>
      tpu.wait_dma2 semaphore(%arg9 : memref<!tpu.dma_semaphore, #tpu.memory_space<semaphore_mem>>) src(%dma_wait3A_2110 : memref<8x64xf32, #tpu.memory_space<hbm>>) dst(%dma_wait3A_2107 : memref<8x64xf32, #tpu.memory_space<vmem>>)
      %dma_wait3A_2111 = arith.constant 25 : i32
      %dma_wait3A_2112 = arith.constant 0 : i32
      %dma_wait3A_2113 = arith.constant 0 : i32
      %dma_wait3A_2114 = tpu.memref_slice %arg6[%dma_wait3A_2111, %dma_wait3A_2112, %dma_wait3A_2113] : memref<32x8x64xf32, #tpu.memory_space<vmem>> -> memref<1x8x64xf32, #tpu.memory_space<vmem>>
      %dma_wait3A_2115 = tpu.memref_squeeze %dma_wait3A_2114 : memref<1x8x64xf32, #tpu.memory_space<vmem>> -> memref<8x64xf32, #tpu.memory_space<vmem>>
      %dma_wait3A_2116 = arith.constant 0 : i32
      %dma_wait3A_2117 = arith.constant 0 : i32
      %dma_wait3A_2118 = tpu.memref_slice %arg2[%dma_wait3A_2116, %dma_wait3A_2117] : memref<1000000x64xf32, #tpu.memory_space<hbm>> -> memref<8x64xf32, #tpu.memory_space<hbm>>
      %dma_wait3A_2119 = arith.constant 0 : i32
      %dma_wait3A_2120 = arith.constant 0 : i32
      %dma_wait3A_2121 = tpu.memref_slice %arg6[%dma_wait3A_2111, %dma_wait3A_2119, %dma_wait3A_2120] : memref<32x8x64xf32, #tpu.memory_space<vmem>> -> memref<1x8x64xf32, #tpu.memory_space<vmem>>
      %dma_wait3A_2122 = tpu.memref_squeeze %dma_wait3A_2121 : memref<1x8x64xf32, #tpu.memory_space<vmem>> -> memref<8x64xf32, #tpu.memory_space<vmem>>
      %dma_wait3A_2123 = arith.constant 0 : i32
      %dma_wait3A_2124 = arith.constant 0 : i32
      %dma_wait3A_2125 = tpu.memref_slice %arg2[%dma_wait3A_2123, %dma_wait3A_2124] : memref<1000000x64xf32, #tpu.memory_space<hbm>> -> memref<8x64xf32, #tpu.memory_space<hbm>>
      tpu.wait_dma2 semaphore(%arg9 : memref<!tpu.dma_semaphore, #tpu.memory_space<semaphore_mem>>) src(%dma_wait3A_2125 : memref<8x64xf32, #tpu.memory_space<hbm>>) dst(%dma_wait3A_2122 : memref<8x64xf32, #tpu.memory_space<vmem>>)
      %dma_wait3A_2126 = arith.constant 26 : i32
      %dma_wait3A_2127 = arith.constant 0 : i32
      %dma_wait3A_2128 = arith.constant 0 : i32
      %dma_wait3A_2129 = tpu.memref_slice %arg6[%dma_wait3A_2126, %dma_wait3A_2127, %dma_wait3A_2128] : memref<32x8x64xf32, #tpu.memory_space<vmem>> -> memref<1x8x64xf32, #tpu.memory_space<vmem>>
      %dma_wait3A_2130 = tpu.memref_squeeze %dma_wait3A_2129 : memref<1x8x64xf32, #tpu.memory_space<vmem>> -> memref<8x64xf32, #tpu.memory_space<vmem>>
      %dma_wait3A_2131 = arith.constant 0 : i32
      %dma_wait3A_2132 = arith.constant 0 : i32
      %dma_wait3A_2133 = tpu.memref_slice %arg2[%dma_wait3A_2131, %dma_wait3A_2132] : memref<1000000x64xf32, #tpu.memory_space<hbm>> -> memref<8x64xf32, #tpu.memory_space<hbm>>
      %dma_wait3A_2134 = arith.constant 0 : i32
      %dma_wait3A_2135 = arith.constant 0 : i32
      %dma_wait3A_2136 = tpu.memref_slice %arg6[%dma_wait3A_2126, %dma_wait3A_2134, %dma_wait3A_2135] : memref<32x8x64xf32, #tpu.memory_space<vmem>> -> memref<1x8x64xf32, #tpu.memory_space<vmem>>
      %dma_wait3A_2137 = tpu.memref_squeeze %dma_wait3A_2136 : memref<1x8x64xf32, #tpu.memory_space<vmem>> -> memref<8x64xf32, #tpu.memory_space<vmem>>
      %dma_wait3A_2138 = arith.constant 0 : i32
      %dma_wait3A_2139 = arith.constant 0 : i32
      %dma_wait3A_2140 = tpu.memref_slice %arg2[%dma_wait3A_2138, %dma_wait3A_2139] : memref<1000000x64xf32, #tpu.memory_space<hbm>> -> memref<8x64xf32, #tpu.memory_space<hbm>>
      tpu.wait_dma2 semaphore(%arg9 : memref<!tpu.dma_semaphore, #tpu.memory_space<semaphore_mem>>) src(%dma_wait3A_2140 : memref<8x64xf32, #tpu.memory_space<hbm>>) dst(%dma_wait3A_2137 : memref<8x64xf32, #tpu.memory_space<vmem>>)
      %dma_wait3A_2141 = arith.constant 27 : i32
      %dma_wait3A_2142 = arith.constant 0 : i32
      %dma_wait3A_2143 = arith.constant 0 : i32
      %dma_wait3A_2144 = tpu.memref_slice %arg6[%dma_wait3A_2141, %dma_wait3A_2142, %dma_wait3A_2143] : memref<32x8x64xf32, #tpu.memory_space<vmem>> -> memref<1x8x64xf32, #tpu.memory_space<vmem>>
      %dma_wait3A_2145 = tpu.memref_squeeze %dma_wait3A_2144 : memref<1x8x64xf32, #tpu.memory_space<vmem>> -> memref<8x64xf32, #tpu.memory_space<vmem>>
      %dma_wait3A_2146 = arith.constant 0 : i32
      %dma_wait3A_2147 = arith.constant 0 : i32
      %dma_wait3A_2148 = tpu.memref_slice %arg2[%dma_wait3A_2146, %dma_wait3A_2147] : memref<1000000x64xf32, #tpu.memory_space<hbm>> -> memref<8x64xf32, #tpu.memory_space<hbm>>
      %dma_wait3A_2149 = arith.constant 0 : i32
      %dma_wait3A_2150 = arith.constant 0 : i32
      %dma_wait3A_2151 = tpu.memref_slice %arg6[%dma_wait3A_2141, %dma_wait3A_2149, %dma_wait3A_2150] : memref<32x8x64xf32, #tpu.memory_space<vmem>> -> memref<1x8x64xf32, #tpu.memory_space<vmem>>
      %dma_wait3A_2152 = tpu.memref_squeeze %dma_wait3A_2151 : memref<1x8x64xf32, #tpu.memory_space<vmem>> -> memref<8x64xf32, #tpu.memory_space<vmem>>
      %dma_wait3A_2153 = arith.constant 0 : i32
      %dma_wait3A_2154 = arith.constant 0 : i32
      %dma_wait3A_2155 = tpu.memref_slice %arg2[%dma_wait3A_2153, %dma_wait3A_2154] : memref<1000000x64xf32, #tpu.memory_space<hbm>> -> memref<8x64xf32, #tpu.memory_space<hbm>>
      tpu.wait_dma2 semaphore(%arg9 : memref<!tpu.dma_semaphore, #tpu.memory_space<semaphore_mem>>) src(%dma_wait3A_2155 : memref<8x64xf32, #tpu.memory_space<hbm>>) dst(%dma_wait3A_2152 : memref<8x64xf32, #tpu.memory_space<vmem>>)
      %dma_wait3A_2156 = arith.constant 28 : i32
      %dma_wait3A_2157 = arith.constant 0 : i32
      %dma_wait3A_2158 = arith.constant 0 : i32
      %dma_wait3A_2159 = tpu.memref_slice %arg6[%dma_wait3A_2156, %dma_wait3A_2157, %dma_wait3A_2158] : memref<32x8x64xf32, #tpu.memory_space<vmem>> -> memref<1x8x64xf32, #tpu.memory_space<vmem>>
      %dma_wait3A_2160 = tpu.memref_squeeze %dma_wait3A_2159 : memref<1x8x64xf32, #tpu.memory_space<vmem>> -> memref<8x64xf32, #tpu.memory_space<vmem>>
      %dma_wait3A_2161 = arith.constant 0 : i32
      %dma_wait3A_2162 = arith.constant 0 : i32
      %dma_wait3A_2163 = tpu.memref_slice %arg2[%dma_wait3A_2161, %dma_wait3A_2162] : memref<1000000x64xf32, #tpu.memory_space<hbm>> -> memref<8x64xf32, #tpu.memory_space<hbm>>
      %dma_wait3A_2164 = arith.constant 0 : i32
      %dma_wait3A_2165 = arith.constant 0 : i32
      %dma_wait3A_2166 = tpu.memref_slice %arg6[%dma_wait3A_2156, %dma_wait3A_2164, %dma_wait3A_2165] : memref<32x8x64xf32, #tpu.memory_space<vmem>> -> memref<1x8x64xf32, #tpu.memory_space<vmem>>
      %dma_wait3A_2167 = tpu.memref_squeeze %dma_wait3A_2166 : memref<1x8x64xf32, #tpu.memory_space<vmem>> -> memref<8x64xf32, #tpu.memory_space<vmem>>
      %dma_wait3A_2168 = arith.constant 0 : i32
      %dma_wait3A_2169 = arith.constant 0 : i32
      %dma_wait3A_2170 = tpu.memref_slice %arg2[%dma_wait3A_2168, %dma_wait3A_2169] : memref<1000000x64xf32, #tpu.memory_space<hbm>> -> memref<8x64xf32, #tpu.memory_space<hbm>>
      tpu.wait_dma2 semaphore(%arg9 : memref<!tpu.dma_semaphore, #tpu.memory_space<semaphore_mem>>) src(%dma_wait3A_2170 : memref<8x64xf32, #tpu.memory_space<hbm>>) dst(%dma_wait3A_2167 : memref<8x64xf32, #tpu.memory_space<vmem>>)
      %dma_wait3A_2171 = arith.constant 29 : i32
      %dma_wait3A_2172 = arith.constant 0 : i32
      %dma_wait3A_2173 = arith.constant 0 : i32
      %dma_wait3A_2174 = tpu.memref_slice %arg6[%dma_wait3A_2171, %dma_wait3A_2172, %dma_wait3A_2173] : memref<32x8x64xf32, #tpu.memory_space<vmem>> -> memref<1x8x64xf32, #tpu.memory_space<vmem>>
      %dma_wait3A_2175 = tpu.memref_squeeze %dma_wait3A_2174 : memref<1x8x64xf32, #tpu.memory_space<vmem>> -> memref<8x64xf32, #tpu.memory_space<vmem>>
      %dma_wait3A_2176 = arith.constant 0 : i32
      %dma_wait3A_2177 = arith.constant 0 : i32
      %dma_wait3A_2178 = tpu.memref_slice %arg2[%dma_wait3A_2176, %dma_wait3A_2177] : memref<1000000x64xf32, #tpu.memory_space<hbm>> -> memref<8x64xf32, #tpu.memory_space<hbm>>
      %dma_wait3A_2179 = arith.constant 0 : i32
      %dma_wait3A_2180 = arith.constant 0 : i32
      %dma_wait3A_2181 = tpu.memref_slice %arg6[%dma_wait3A_2171, %dma_wait3A_2179, %dma_wait3A_2180] : memref<32x8x64xf32, #tpu.memory_space<vmem>> -> memref<1x8x64xf32, #tpu.memory_space<vmem>>
      %dma_wait3A_2182 = tpu.memref_squeeze %dma_wait3A_2181 : memref<1x8x64xf32, #tpu.memory_space<vmem>> -> memref<8x64xf32, #tpu.memory_space<vmem>>
      %dma_wait3A_2183 = arith.constant 0 : i32
      %dma_wait3A_2184 = arith.constant 0 : i32
      %dma_wait3A_2185 = tpu.memref_slice %arg2[%dma_wait3A_2183, %dma_wait3A_2184] : memref<1000000x64xf32, #tpu.memory_space<hbm>> -> memref<8x64xf32, #tpu.memory_space<hbm>>
      tpu.wait_dma2 semaphore(%arg9 : memref<!tpu.dma_semaphore, #tpu.memory_space<semaphore_mem>>) src(%dma_wait3A_2185 : memref<8x64xf32, #tpu.memory_space<hbm>>) dst(%dma_wait3A_2182 : memref<8x64xf32, #tpu.memory_space<vmem>>)
      %dma_wait3A_2186 = arith.constant 30 : i32
      %dma_wait3A_2187 = arith.constant 0 : i32
      %dma_wait3A_2188 = arith.constant 0 : i32
      %dma_wait3A_2189 = tpu.memref_slice %arg6[%dma_wait3A_2186, %dma_wait3A_2187, %dma_wait3A_2188] : memref<32x8x64xf32, #tpu.memory_space<vmem>> -> memref<1x8x64xf32, #tpu.memory_space<vmem>>
      %dma_wait3A_2190 = tpu.memref_squeeze %dma_wait3A_2189 : memref<1x8x64xf32, #tpu.memory_space<vmem>> -> memref<8x64xf32, #tpu.memory_space<vmem>>
      %dma_wait3A_2191 = arith.constant 0 : i32
      %dma_wait3A_2192 = arith.constant 0 : i32
      %dma_wait3A_2193 = tpu.memref_slice %arg2[%dma_wait3A_2191, %dma_wait3A_2192] : memref<1000000x64xf32, #tpu.memory_space<hbm>> -> memref<8x64xf32, #tpu.memory_space<hbm>>
      %dma_wait3A_2194 = arith.constant 0 : i32
      %dma_wait3A_2195 = arith.constant 0 : i32
      %dma_wait3A_2196 = tpu.memref_slice %arg6[%dma_wait3A_2186, %dma_wait3A_2194, %dma_wait3A_2195] : memref<32x8x64xf32, #tpu.memory_space<vmem>> -> memref<1x8x64xf32, #tpu.memory_space<vmem>>
      %dma_wait3A_2197 = tpu.memref_squeeze %dma_wait3A_2196 : memref<1x8x64xf32, #tpu.memory_space<vmem>> -> memref<8x64xf32, #tpu.memory_space<vmem>>
      %dma_wait3A_2198 = arith.constant 0 : i32
      %dma_wait3A_2199 = arith.constant 0 : i32
      %dma_wait3A_2200 = tpu.memref_slice %arg2[%dma_wait3A_2198, %dma_wait3A_2199] : memref<1000000x64xf32, #tpu.memory_space<hbm>> -> memref<8x64xf32, #tpu.memory_space<hbm>>
      tpu.wait_dma2 semaphore(%arg9 : memref<!tpu.dma_semaphore, #tpu.memory_space<semaphore_mem>>) src(%dma_wait3A_2200 : memref<8x64xf32, #tpu.memory_space<hbm>>) dst(%dma_wait3A_2197 : memref<8x64xf32, #tpu.memory_space<vmem>>)
      %dma_wait3A_2201 = arith.constant 31 : i32
      %dma_wait3A_2202 = arith.constant 0 : i32
      %dma_wait3A_2203 = arith.constant 0 : i32
      %dma_wait3A_2204 = tpu.memref_slice %arg6[%dma_wait3A_2201, %dma_wait3A_2202, %dma_wait3A_2203] : memref<32x8x64xf32, #tpu.memory_space<vmem>> -> memref<1x8x64xf32, #tpu.memory_space<vmem>>
      %dma_wait3A_2205 = tpu.memref_squeeze %dma_wait3A_2204 : memref<1x8x64xf32, #tpu.memory_space<vmem>> -> memref<8x64xf32, #tpu.memory_space<vmem>>
      %dma_wait3A_2206 = arith.constant 0 : i32
      %dma_wait3A_2207 = arith.constant 0 : i32
      %dma_wait3A_2208 = tpu.memref_slice %arg2[%dma_wait3A_2206, %dma_wait3A_2207] : memref<1000000x64xf32, #tpu.memory_space<hbm>> -> memref<8x64xf32, #tpu.memory_space<hbm>>
      %dma_wait3A_2209 = arith.constant 0 : i32
      %dma_wait3A_2210 = arith.constant 0 : i32
      %dma_wait3A_2211 = tpu.memref_slice %arg6[%dma_wait3A_2201, %dma_wait3A_2209, %dma_wait3A_2210] : memref<32x8x64xf32, #tpu.memory_space<vmem>> -> memref<1x8x64xf32, #tpu.memory_space<vmem>>
      %dma_wait3A_2212 = tpu.memref_squeeze %dma_wait3A_2211 : memref<1x8x64xf32, #tpu.memory_space<vmem>> -> memref<8x64xf32, #tpu.memory_space<vmem>>
      %dma_wait3A_2213 = arith.constant 0 : i32
      %dma_wait3A_2214 = arith.constant 0 : i32
      %dma_wait3A_2215 = tpu.memref_slice %arg2[%dma_wait3A_2213, %dma_wait3A_2214] : memref<1000000x64xf32, #tpu.memory_space<hbm>> -> memref<8x64xf32, #tpu.memory_space<hbm>>
      tpu.wait_dma2 semaphore(%arg9 : memref<!tpu.dma_semaphore, #tpu.memory_space<semaphore_mem>>) src(%dma_wait3A_2215 : memref<8x64xf32, #tpu.memory_space<hbm>>) dst(%dma_wait3A_2212 : memref<8x64xf32, #tpu.memory_space<vmem>>)
      %slice3A_2216 = vector.extract_strided_slice %get3A_1975 {offsets = [0], sizes = [1], strides = [1]} : vector<16xi32> to vector<1xi32>
      %squeeze3A_2217 = vector.extract %slice3A_2216[0] : i32 from vector<1xi32>
      %and3A_2218 = arith.constant 7 : i32
      %and3A_2219 = arith.andi %squeeze3A_2217, %and3A_2218 : i32
      %get3A_2220 = arith.constant 16 : i32
      %get3A_2221 = arith.index_cast %get3A_2220 : i32 to index
      %get3A_2222 = arith.index_cast %and3A_2219 : i32 to index
      %get3A_2223 = arith.constant 0 : index
      %get3A_2224 = tpu.vector_load %arg6[%get3A_2221, %get3A_2222, %get3A_2223] {strides = array<i32>} : memref<32x8x64xf32, #tpu.memory_space<vmem>>, vector<1x1x16xf32>,
      %get3A_2225 = vector.shape_cast %get3A_2224 : vector<1x1x16xf32> to vector<16xf32>
      %swap3A_2226 = arith.constant 1 : i32
      %swap3A_2227 = arith.constant 0 : i32
      %swap3A_2228 = arith.index_cast %swap3A_2226 : i32 to index
      %swap3A_2229 = arith.index_cast %swap3A_2227 : i32 to index
      %swap3A_2230 = arith.constant 0 : index
      %swap3A_2231 = tpu.vector_load %arg7[%swap3A_2228, %swap3A_2229, %swap3A_2230] {strides = array<i32>} : memref<2x16x64xf32, #tpu.memory_space<vmem>>, vector<1x1x16xf32>,
      %swap3A_2232 = vector.shape_cast %swap3A_2231 : vector<1x1x16xf32> to vector<16xf32>
      %swap3A_2233 = vector.shape_cast %get3A_2225 : vector<16xf32> to vector<1x1x16xf32>
      tpu.vector_store %arg7[%swap3A_2228, %swap3A_2229, %swap3A_2230], %swap3A_2233 {strides = array<i32>} : memref<2x16x64xf32, #tpu.memory_space<vmem>>, vector<1x1x16xf32>,
      %get3A_2234 = arith.constant 16 : i32
      %get3A_2235 = arith.index_cast %get3A_2234 : i32 to index
      %get3A_2236 = arith.index_cast %and3A_2219 : i32 to index
      %get3A_2237 = arith.constant 16 : index
      %get3A_2238 = tpu.vector_load %arg6[%get3A_2235, %get3A_2236, %get3A_2237] {strides = array<i32>} : memref<32x8x64xf32, #tpu.memory_space<vmem>>, vector<1x1x16xf32>,
      %get3A_2239 = vector.shape_cast %get3A_2238 : vector<1x1x16xf32> to vector<16xf32>
      %swap3A_2240 = arith.constant 1 : i32
      %swap3A_2241 = arith.constant 0 : i32
      %swap3A_2242 = arith.index_cast %swap3A_2240 : i32 to index
      %swap3A_2243 = arith.index_cast %swap3A_2241 : i32 to index
      %swap3A_2244 = arith.constant 16 : index
      %swap3A_2245 = tpu.vector_load %arg7[%swap3A_2242, %swap3A_2243, %swap3A_2244] {strides = array<i32>} : memref<2x16x64xf32, #tpu.memory_space<vmem>>, vector<1x1x16xf32>,
      %swap3A_2246 = vector.shape_cast %swap3A_2245 : vector<1x1x16xf32> to vector<16xf32>
      %swap3A_2247 = vector.shape_cast %get3A_2239 : vector<16xf32> to vector<1x1x16xf32>
      tpu.vector_store %arg7[%swap3A_2242, %swap3A_2243, %swap3A_2244], %swap3A_2247 {strides = array<i32>} : memref<2x16x64xf32, #tpu.memory_space<vmem>>, vector<1x1x16xf32>,
      %get3A_2248 = arith.constant 16 : i32
      %get3A_2249 = arith.index_cast %get3A_2248 : i32 to index
      %get3A_2250 = arith.index_cast %and3A_2219 : i32 to index
      %get3A_2251 = arith.constant 32 : index
      %get3A_2252 = tpu.vector_load %arg6[%get3A_2249, %get3A_2250, %get3A_2251] {strides = array<i32>} : memref<32x8x64xf32, #tpu.memory_space<vmem>>, vector<1x1x16xf32>,
      %get3A_2253 = vector.shape_cast %get3A_2252 : vector<1x1x16xf32> to vector<16xf32>
      %swap3A_2254 = arith.constant 1 : i32
      %swap3A_2255 = arith.constant 0 : i32
      %swap3A_2256 = arith.index_cast %swap3A_2254 : i32 to index
      %swap3A_2257 = arith.index_cast %swap3A_2255 : i32 to index
      %swap3A_2258 = arith.constant 32 : index
      %swap3A_2259 = tpu.vector_load %arg7[%swap3A_2256, %swap3A_2257, %swap3A_2258] {strides = array<i32>} : memref<2x16x64xf32, #tpu.memory_space<vmem>>, vector<1x1x16xf32>,
      %swap3A_2260 = vector.shape_cast %swap3A_2259 : vector<1x1x16xf32> to vector<16xf32>
      %swap3A_2261 = vector.shape_cast %get3A_2253 : vector<16xf32> to vector<1x1x16xf32>
      tpu.vector_store %arg7[%swap3A_2256, %swap3A_2257, %swap3A_2258], %swap3A_2261 {strides = array<i32>} : memref<2x16x64xf32, #tpu.memory_space<vmem>>, vector<1x1x16xf32>,
      %get3A_2262 = arith.constant 16 : i32
      %get3A_2263 = arith.index_cast %get3A_2262 : i32 to index
      %get3A_2264 = arith.index_cast %and3A_2219 : i32 to index
      %get3A_2265 = arith.constant 48 : index
      %get3A_2266 = tpu.vector_load %arg6[%get3A_2263, %get3A_2264, %get3A_2265] {strides = array<i32>} : memref<32x8x64xf32, #tpu.memory_space<vmem>>, vector<1x1x16xf32>,
      %get3A_2267 = vector.shape_cast %get3A_2266 : vector<1x1x16xf32> to vector<16xf32>
      %swap3A_2268 = arith.constant 1 : i32
      %swap3A_2269 = arith.constant 0 : i32
      %swap3A_2270 = arith.index_cast %swap3A_2268 : i32 to index
      %swap3A_2271 = arith.index_cast %swap3A_2269 : i32 to index
      %swap3A_2272 = arith.constant 48 : index
      %swap3A_2273 = tpu.vector_load %arg7[%swap3A_2270, %swap3A_2271, %swap3A_2272] {strides = array<i32>} : memref<2x16x64xf32, #tpu.memory_space<vmem>>, vector<1x1x16xf32>,
      %swap3A_2274 = vector.shape_cast %swap3A_2273 : vector<1x1x16xf32> to vector<16xf32>
      %swap3A_2275 = vector.shape_cast %get3A_2267 : vector<16xf32> to vector<1x1x16xf32>
      tpu.vector_store %arg7[%swap3A_2270, %swap3A_2271, %swap3A_2272], %swap3A_2275 {strides = array<i32>} : memref<2x16x64xf32, #tpu.memory_space<vmem>>, vector<1x1x16xf32>,
      %slice3A_2276 = vector.extract_strided_slice %get3A_1975 {offsets = [1], sizes = [1], strides = [1]} : vector<16xi32> to vector<1xi32>
      %squeeze3A_2277 = vector.extract %slice3A_2276[0] : i32 from vector<1xi32>
      %and3A_2278 = arith.constant 7 : i32
      %and3A_2279 = arith.andi %squeeze3A_2277, %and3A_2278 : i32
      %get3A_2280 = arith.constant 17 : i32
      %get3A_2281 = arith.index_cast %get3A_2280 : i32 to index
      %get3A_2282 = arith.index_cast %and3A_2279 : i32 to index
      %get3A_2283 = arith.constant 0 : index
      %get3A_2284 = tpu.vector_load %arg6[%get3A_2281, %get3A_2282, %get3A_2283] {strides = array<i32>} : memref<32x8x64xf32, #tpu.memory_space<vmem>>, vector<1x1x16xf32>,
      %get3A_2285 = vector.shape_cast %get3A_2284 : vector<1x1x16xf32> to vector<16xf32>
      %swap3A_2286 = arith.constant 1 : i32
      %swap3A_2287 = arith.constant 1 : i32
      %swap3A_2288 = arith.index_cast %swap3A_2286 : i32 to index
      %swap3A_2289 = arith.index_cast %swap3A_2287 : i32 to index
      %swap3A_2290 = arith.constant 0 : index
      %swap3A_2291 = tpu.vector_load %arg7[%swap3A_2288, %swap3A_2289, %swap3A_2290] {strides = array<i32>} : memref<2x16x64xf32, #tpu.memory_space<vmem>>, vector<1x1x16xf32>,
      %swap3A_2292 = vector.shape_cast %swap3A_2291 : vector<1x1x16xf32> to vector<16xf32>
      %swap3A_2293 = vector.shape_cast %get3A_2285 : vector<16xf32> to vector<1x1x16xf32>
      tpu.vector_store %arg7[%swap3A_2288, %swap3A_2289, %swap3A_2290], %swap3A_2293 {strides = array<i32>} : memref<2x16x64xf32, #tpu.memory_space<vmem>>, vector<1x1x16xf32>,
      %get3A_2294 = arith.constant 17 : i32
      %get3A_2295 = arith.index_cast %get3A_2294 : i32 to index
      %get3A_2296 = arith.index_cast %and3A_2279 : i32 to index
      %get3A_2297 = arith.constant 16 : index
      %get3A_2298 = tpu.vector_load %arg6[%get3A_2295, %get3A_2296, %get3A_2297] {strides = array<i32>} : memref<32x8x64xf32, #tpu.memory_space<vmem>>, vector<1x1x16xf32>,
      %get3A_2299 = vector.shape_cast %get3A_2298 : vector<1x1x16xf32> to vector<16xf32>
      %swap3A_2300 = arith.constant 1 : i32
      %swap3A_2301 = arith.constant 1 : i32
      %swap3A_2302 = arith.index_cast %swap3A_2300 : i32 to index
      %swap3A_2303 = arith.index_cast %swap3A_2301 : i32 to index
      %swap3A_2304 = arith.constant 16 : index
      %swap3A_2305 = tpu.vector_load %arg7[%swap3A_2302, %swap3A_2303, %swap3A_2304] {strides = array<i32>} : memref<2x16x64xf32, #tpu.memory_space<vmem>>, vector<1x1x16xf32>,
      %swap3A_2306 = vector.shape_cast %swap3A_2305 : vector<1x1x16xf32> to vector<16xf32>
      %swap3A_2307 = vector.shape_cast %get3A_2299 : vector<16xf32> to vector<1x1x16xf32>
      tpu.vector_store %arg7[%swap3A_2302, %swap3A_2303, %swap3A_2304], %swap3A_2307 {strides = array<i32>} : memref<2x16x64xf32, #tpu.memory_space<vmem>>, vector<1x1x16xf32>,
      %get3A_2308 = arith.constant 17 : i32
      %get3A_2309 = arith.index_cast %get3A_2308 : i32 to index
      %get3A_2310 = arith.index_cast %and3A_2279 : i32 to index
      %get3A_2311 = arith.constant 32 : index
      %get3A_2312 = tpu.vector_load %arg6[%get3A_2309, %get3A_2310, %get3A_2311] {strides = array<i32>} : memref<32x8x64xf32, #tpu.memory_space<vmem>>, vector<1x1x16xf32>,
      %get3A_2313 = vector.shape_cast %get3A_2312 : vector<1x1x16xf32> to vector<16xf32>
      %swap3A_2314 = arith.constant 1 : i32
      %swap3A_2315 = arith.constant 1 : i32
      %swap3A_2316 = arith.index_cast %swap3A_2314 : i32 to index
      %swap3A_2317 = arith.index_cast %swap3A_2315 : i32 to index
      %swap3A_2318 = arith.constant 32 : index
      %swap3A_2319 = tpu.vector_load %arg7[%swap3A_2316, %swap3A_2317, %swap3A_2318] {strides = array<i32>} : memref<2x16x64xf32, #tpu.memory_space<vmem>>, vector<1x1x16xf32>,
      %swap3A_2320 = vector.shape_cast %swap3A_2319 : vector<1x1x16xf32> to vector<16xf32>
      %swap3A_2321 = vector.shape_cast %get3A_2313 : vector<16xf32> to vector<1x1x16xf32>
      tpu.vector_store %arg7[%swap3A_2316, %swap3A_2317, %swap3A_2318], %swap3A_2321 {strides = array<i32>} : memref<2x16x64xf32, #tpu.memory_space<vmem>>, vector<1x1x16xf32>,
      %get3A_2322 = arith.constant 17 : i32
      %get3A_2323 = arith.index_cast %get3A_2322 : i32 to index
      %get3A_2324 = arith.index_cast %and3A_2279 : i32 to index
      %get3A_2325 = arith.constant 48 : index
      %get3A_2326 = tpu.vector_load %arg6[%get3A_2323, %get3A_2324, %get3A_2325] {strides = array<i32>} : memref<32x8x64xf32, #tpu.memory_space<vmem>>, vector<1x1x16xf32>,
      %get3A_2327 = vector.shape_cast %get3A_2326 : vector<1x1x16xf32> to vector<16xf32>
      %swap3A_2328 = arith.constant 1 : i32
      %swap3A_2329 = arith.constant 1 : i32
      %swap3A_2330 = arith.index_cast %swap3A_2328 : i32 to index
      %swap3A_2331 = arith.index_cast %swap3A_2329 : i32 to index
      %swap3A_2332 = arith.constant 48 : index
      %swap3A_2333 = tpu.vector_load %arg7[%swap3A_2330, %swap3A_2331, %swap3A_2332] {strides = array<i32>} : memref<2x16x64xf32, #tpu.memory_space<vmem>>, vector<1x1x16xf32>,
      %swap3A_2334 = vector.shape_cast %swap3A_2333 : vector<1x1x16xf32> to vector<16xf32>
      %swap3A_2335 = vector.shape_cast %get3A_2327 : vector<16xf32> to vector<1x1x16xf32>
      tpu.vector_store %arg7[%swap3A_2330, %swap3A_2331, %swap3A_2332], %swap3A_2335 {strides = array<i32>} : memref<2x16x64xf32, #tpu.memory_space<vmem>>, vector<1x1x16xf32>,
      %slice3A_2336 = vector.extract_strided_slice %get3A_1975 {offsets = [2], sizes = [1], strides = [1]} : vector<16xi32> to vector<1xi32>
      %squeeze3A_2337 = vector.extract %slice3A_2336[0] : i32 from vector<1xi32>
      %and3A_2338 = arith.constant 7 : i32
      %and3A_2339 = arith.andi %squeeze3A_2337, %and3A_2338 : i32
      %get3A_2340 = arith.constant 18 : i32
      %get3A_2341 = arith.index_cast %get3A_2340 : i32 to index
      %get3A_2342 = arith.index_cast %and3A_2339 : i32 to index
      %get3A_2343 = arith.constant 0 : index
      %get3A_2344 = tpu.vector_load %arg6[%get3A_2341, %get3A_2342, %get3A_2343] {strides = array<i32>} : memref<32x8x64xf32, #tpu.memory_space<vmem>>, vector<1x1x16xf32>,
      %get3A_2345 = vector.shape_cast %get3A_2344 : vector<1x1x16xf32> to vector<16xf32>
      %swap3A_2346 = arith.constant 1 : i32
      %swap3A_2347 = arith.constant 2 : i32
      %swap3A_2348 = arith.index_cast %swap3A_2346 : i32 to index
      %swap3A_2349 = arith.index_cast %swap3A_2347 : i32 to index
      %swap3A_2350 = arith.constant 0 : index
      %swap3A_2351 = tpu.vector_load %arg7[%swap3A_2348, %swap3A_2349, %swap3A_2350] {strides = array<i32>} : memref<2x16x64xf32, #tpu.memory_space<vmem>>, vector<1x1x16xf32>,
      %swap3A_2352 = vector.shape_cast %swap3A_2351 : vector<1x1x16xf32> to vector<16xf32>
      %swap3A_2353 = vector.shape_cast %get3A_2345 : vector<16xf32> to vector<1x1x16xf32>
      tpu.vector_store %arg7[%swap3A_2348, %swap3A_2349, %swap3A_2350], %swap3A_2353 {strides = array<i32>} : memref<2x16x64xf32, #tpu.memory_space<vmem>>, vector<1x1x16xf32>,
      %get3A_2354 = arith.constant 18 : i32
      %get3A_2355 = arith.index_cast %get3A_2354 : i32 to index
      %get3A_2356 = arith.index_cast %and3A_2339 : i32 to index
      %get3A_2357 = arith.constant 16 : index
      %get3A_2358 = tpu.vector_load %arg6[%get3A_2355, %get3A_2356, %get3A_2357] {strides = array<i32>} : memref<32x8x64xf32, #tpu.memory_space<vmem>>, vector<1x1x16xf32>,
      %get3A_2359 = vector.shape_cast %get3A_2358 : vector<1x1x16xf32> to vector<16xf32>
      %swap3A_2360 = arith.constant 1 : i32
      %swap3A_2361 = arith.constant 2 : i32
      %swap3A_2362 = arith.index_cast %swap3A_2360 : i32 to index
      %swap3A_2363 = arith.index_cast %swap3A_2361 : i32 to index
      %swap3A_2364 = arith.constant 16 : index
      %swap3A_2365 = tpu.vector_load %arg7[%swap3A_2362, %swap3A_2363, %swap3A_2364] {strides = array<i32>} : memref<2x16x64xf32, #tpu.memory_space<vmem>>, vector<1x1x16xf32>,
      %swap3A_2366 = vector.shape_cast %swap3A_2365 : vector<1x1x16xf32> to vector<16xf32>
      %swap3A_2367 = vector.shape_cast %get3A_2359 : vector<16xf32> to vector<1x1x16xf32>
      tpu.vector_store %arg7[%swap3A_2362, %swap3A_2363, %swap3A_2364], %swap3A_2367 {strides = array<i32>} : memref<2x16x64xf32, #tpu.memory_space<vmem>>, vector<1x1x16xf32>,
      %get3A_2368 = arith.constant 18 : i32
      %get3A_2369 = arith.index_cast %get3A_2368 : i32 to index
      %get3A_2370 = arith.index_cast %and3A_2339 : i32 to index
      %get3A_2371 = arith.constant 32 : index
      %get3A_2372 = tpu.vector_load %arg6[%get3A_2369, %get3A_2370, %get3A_2371] {strides = array<i32>} : memref<32x8x64xf32, #tpu.memory_space<vmem>>, vector<1x1x16xf32>,
      %get3A_2373 = vector.shape_cast %get3A_2372 : vector<1x1x16xf32> to vector<16xf32>
      %swap3A_2374 = arith.constant 1 : i32
      %swap3A_2375 = arith.constant 2 : i32
      %swap3A_2376 = arith.index_cast %swap3A_2374 : i32 to index
      %swap3A_2377 = arith.index_cast %swap3A_2375 : i32 to index
      %swap3A_2378 = arith.constant 32 : index
      %swap3A_2379 = tpu.vector_load %arg7[%swap3A_2376, %swap3A_2377, %swap3A_2378] {strides = array<i32>} : memref<2x16x64xf32, #tpu.memory_space<vmem>>, vector<1x1x16xf32>,
      %swap3A_2380 = vector.shape_cast %swap3A_2379 : vector<1x1x16xf32> to vector<16xf32>
      %swap3A_2381 = vector.shape_cast %get3A_2373 : vector<16xf32> to vector<1x1x16xf32>
      tpu.vector_store %arg7[%swap3A_2376, %swap3A_2377, %swap3A_2378], %swap3A_2381 {strides = array<i32>} : memref<2x16x64xf32, #tpu.memory_space<vmem>>, vector<1x1x16xf32>,
      %get3A_2382 = arith.constant 18 : i32
      %get3A_2383 = arith.index_cast %get3A_2382 : i32 to index
      %get3A_2384 = arith.index_cast %and3A_2339 : i32 to index
      %get3A_2385 = arith.constant 48 : index
      %get3A_2386 = tpu.vector_load %arg6[%get3A_2383, %get3A_2384, %get3A_2385] {strides = array<i32>} : memref<32x8x64xf32, #tpu.memory_space<vmem>>, vector<1x1x16xf32>,
      %get3A_2387 = vector.shape_cast %get3A_2386 : vector<1x1x16xf32> to vector<16xf32>
      %swap3A_2388 = arith.constant 1 : i32
      %swap3A_2389 = arith.constant 2 : i32
      %swap3A_2390 = arith.index_cast %swap3A_2388 : i32 to index
      %swap3A_2391 = arith.index_cast %swap3A_2389 : i32 to index
      %swap3A_2392 = arith.constant 48 : index
      %swap3A_2393 = tpu.vector_load %arg7[%swap3A_2390, %swap3A_2391, %swap3A_2392] {strides = array<i32>} : memref<2x16x64xf32, #tpu.memory_space<vmem>>, vector<1x1x16xf32>,
      %swap3A_2394 = vector.shape_cast %swap3A_2393 : vector<1x1x16xf32> to vector<16xf32>
      %swap3A_2395 = vector.shape_cast %get3A_2387 : vector<16xf32> to vector<1x1x16xf32>
      tpu.vector_store %arg7[%swap3A_2390, %swap3A_2391, %swap3A_2392], %swap3A_2395 {strides = array<i32>} : memref<2x16x64xf32, #tpu.memory_space<vmem>>, vector<1x1x16xf32>,
      %slice3A_2396 = vector.extract_strided_slice %get3A_1975 {offsets = [3], sizes = [1], strides = [1]} : vector<16xi32> to vector<1xi32>
      %squeeze3A_2397 = vector.extract %slice3A_2396[0] : i32 from vector<1xi32>
      %and3A_2398 = arith.constant 7 : i32
      %and3A_2399 = arith.andi %squeeze3A_2397, %and3A_2398 : i32
      %get3A_2400 = arith.constant 19 : i32
      %get3A_2401 = arith.index_cast %get3A_2400 : i32 to index
      %get3A_2402 = arith.index_cast %and3A_2399 : i32 to index
      %get3A_2403 = arith.constant 0 : index
      %get3A_2404 = tpu.vector_load %arg6[%get3A_2401, %get3A_2402, %get3A_2403] {strides = array<i32>} : memref<32x8x64xf32, #tpu.memory_space<vmem>>, vector<1x1x16xf32>,
      %get3A_2405 = vector.shape_cast %get3A_2404 : vector<1x1x16xf32> to vector<16xf32>
      %swap3A_2406 = arith.constant 1 : i32
      %swap3A_2407 = arith.constant 3 : i32
      %swap3A_2408 = arith.index_cast %swap3A_2406 : i32 to index
      %swap3A_2409 = arith.index_cast %swap3A_2407 : i32 to index
      %swap3A_2410 = arith.constant 0 : index
      %swap3A_2411 = tpu.vector_load %arg7[%swap3A_2408, %swap3A_2409, %swap3A_2410] {strides = array<i32>} : memref<2x16x64xf32, #tpu.memory_space<vmem>>, vector<1x1x16xf32>,
      %swap3A_2412 = vector.shape_cast %swap3A_2411 : vector<1x1x16xf32> to vector<16xf32>
      %swap3A_2413 = vector.shape_cast %get3A_2405 : vector<16xf32> to vector<1x1x16xf32>
      tpu.vector_store %arg7[%swap3A_2408, %swap3A_2409, %swap3A_2410], %swap3A_2413 {strides = array<i32>} : memref<2x16x64xf32, #tpu.memory_space<vmem>>, vector<1x1x16xf32>,
      %get3A_2414 = arith.constant 19 : i32
      %get3A_2415 = arith.index_cast %get3A_2414 : i32 to index
      %get3A_2416 = arith.index_cast %and3A_2399 : i32 to index
      %get3A_2417 = arith.constant 16 : index
      %get3A_2418 = tpu.vector_load %arg6[%get3A_2415, %get3A_2416, %get3A_2417] {strides = array<i32>} : memref<32x8x64xf32, #tpu.memory_space<vmem>>, vector<1x1x16xf32>,
      %get3A_2419 = vector.shape_cast %get3A_2418 : vector<1x1x16xf32> to vector<16xf32>
      %swap3A_2420 = arith.constant 1 : i32
      %swap3A_2421 = arith.constant 3 : i32
      %swap3A_2422 = arith.index_cast %swap3A_2420 : i32 to index
      %swap3A_2423 = arith.index_cast %swap3A_2421 : i32 to index
      %swap3A_2424 = arith.constant 16 : index
      %swap3A_2425 = tpu.vector_load %arg7[%swap3A_2422, %swap3A_2423, %swap3A_2424] {strides = array<i32>} : memref<2x16x64xf32, #tpu.memory_space<vmem>>, vector<1x1x16xf32>,
      %swap3A_2426 = vector.shape_cast %swap3A_2425 : vector<1x1x16xf32> to vector<16xf32>
      %swap3A_2427 = vector.shape_cast %get3A_2419 : vector<16xf32> to vector<1x1x16xf32>
      tpu.vector_store %arg7[%swap3A_2422, %swap3A_2423, %swap3A_2424], %swap3A_2427 {strides = array<i32>} : memref<2x16x64xf32, #tpu.memory_space<vmem>>, vector<1x1x16xf32>,
      %get3A_2428 = arith.constant 19 : i32
      %get3A_2429 = arith.index_cast %get3A_2428 : i32 to index
      %get3A_2430 = arith.index_cast %and3A_2399 : i32 to index
      %get3A_2431 = arith.constant 32 : index
      %get3A_2432 = tpu.vector_load %arg6[%get3A_2429, %get3A_2430, %get3A_2431] {strides = array<i32>} : memref<32x8x64xf32, #tpu.memory_space<vmem>>, vector<1x1x16xf32>,
      %get3A_2433 = vector.shape_cast %get3A_2432 : vector<1x1x16xf32> to vector<16xf32>
      %swap3A_2434 = arith.constant 1 : i32
      %swap3A_2435 = arith.constant 3 : i32
      %swap3A_2436 = arith.index_cast %swap3A_2434 : i32 to index
      %swap3A_2437 = arith.index_cast %swap3A_2435 : i32 to index
      %swap3A_2438 = arith.constant 32 : index
      %swap3A_2439 = tpu.vector_load %arg7[%swap3A_2436, %swap3A_2437, %swap3A_2438] {strides = array<i32>} : memref<2x16x64xf32, #tpu.memory_space<vmem>>, vector<1x1x16xf32>,
      %swap3A_2440 = vector.shape_cast %swap3A_2439 : vector<1x1x16xf32> to vector<16xf32>
      %swap3A_2441 = vector.shape_cast %get3A_2433 : vector<16xf32> to vector<1x1x16xf32>
      tpu.vector_store %arg7[%swap3A_2436, %swap3A_2437, %swap3A_2438], %swap3A_2441 {strides = array<i32>} : memref<2x16x64xf32, #tpu.memory_space<vmem>>, vector<1x1x16xf32>,
      %get3A_2442 = arith.constant 19 : i32
      %get3A_2443 = arith.index_cast %get3A_2442 : i32 to index
      %get3A_2444 = arith.index_cast %and3A_2399 : i32 to index
      %get3A_2445 = arith.constant 48 : index
      %get3A_2446 = tpu.vector_load %arg6[%get3A_2443, %get3A_2444, %get3A_2445] {strides = array<i32>} : memref<32x8x64xf32, #tpu.memory_space<vmem>>, vector<1x1x16xf32>,
      %get3A_2447 = vector.shape_cast %get3A_2446 : vector<1x1x16xf32> to vector<16xf32>
      %swap3A_2448 = arith.constant 1 : i32
      %swap3A_2449 = arith.constant 3 : i32
      %swap3A_2450 = arith.index_cast %swap3A_2448 : i32 to index
      %swap3A_2451 = arith.index_cast %swap3A_2449 : i32 to index
      %swap3A_2452 = arith.constant 48 : index
      %swap3A_2453 = tpu.vector_load %arg7[%swap3A_2450, %swap3A_2451, %swap3A_2452] {strides = array<i32>} : memref<2x16x64xf32, #tpu.memory_space<vmem>>, vector<1x1x16xf32>,
      %swap3A_2454 = vector.shape_cast %swap3A_2453 : vector<1x1x16xf32> to vector<16xf32>
      %swap3A_2455 = vector.shape_cast %get3A_2447 : vector<16xf32> to vector<1x1x16xf32>
      tpu.vector_store %arg7[%swap3A_2450, %swap3A_2451, %swap3A_2452], %swap3A_2455 {strides = array<i32>} : memref<2x16x64xf32, #tpu.memory_space<vmem>>, vector<1x1x16xf32>,
      %slice3A_2456 = vector.extract_strided_slice %get3A_1975 {offsets = [4], sizes = [1], strides = [1]} : vector<16xi32> to vector<1xi32>
      %squeeze3A_2457 = vector.extract %slice3A_2456[0] : i32 from vector<1xi32>
      %and3A_2458 = arith.constant 7 : i32
      %and3A_2459 = arith.andi %squeeze3A_2457, %and3A_2458 : i32
      %get3A_2460 = arith.constant 20 : i32
      %get3A_2461 = arith.index_cast %get3A_2460 : i32 to index
      %get3A_2462 = arith.index_cast %and3A_2459 : i32 to index
      %get3A_2463 = arith.constant 0 : index
      %get3A_2464 = tpu.vector_load %arg6[%get3A_2461, %get3A_2462, %get3A_2463] {strides = array<i32>} : memref<32x8x64xf32, #tpu.memory_space<vmem>>, vector<1x1x16xf32>,
      %get3A_2465 = vector.shape_cast %get3A_2464 : vector<1x1x16xf32> to vector<16xf32>
      %swap3A_2466 = arith.constant 1 : i32
      %swap3A_2467 = arith.constant 4 : i32
      %swap3A_2468 = arith.index_cast %swap3A_2466 : i32 to index
      %swap3A_2469 = arith.index_cast %swap3A_2467 : i32 to index
      %swap3A_2470 = arith.constant 0 : index
      %swap3A_2471 = tpu.vector_load %arg7[%swap3A_2468, %swap3A_2469, %swap3A_2470] {strides = array<i32>} : memref<2x16x64xf32, #tpu.memory_space<vmem>>, vector<1x1x16xf32>,
      %swap3A_2472 = vector.shape_cast %swap3A_2471 : vector<1x1x16xf32> to vector<16xf32>
      %swap3A_2473 = vector.shape_cast %get3A_2465 : vector<16xf32> to vector<1x1x16xf32>
      tpu.vector_store %arg7[%swap3A_2468, %swap3A_2469, %swap3A_2470], %swap3A_2473 {strides = array<i32>} : memref<2x16x64xf32, #tpu.memory_space<vmem>>, vector<1x1x16xf32>,
      %get3A_2474 = arith.constant 20 : i32
      %get3A_2475 = arith.index_cast %get3A_2474 : i32 to index
      %get3A_2476 = arith.index_cast %and3A_2459 : i32 to index
      %get3A_2477 = arith.constant 16 : index
      %get3A_2478 = tpu.vector_load %arg6[%get3A_2475, %get3A_2476, %get3A_2477] {strides = array<i32>} : memref<32x8x64xf32, #tpu.memory_space<vmem>>, vector<1x1x16xf32>,
      %get3A_2479 = vector.shape_cast %get3A_2478 : vector<1x1x16xf32> to vector<16xf32>
      %swap3A_2480 = arith.constant 1 : i32
      %swap3A_2481 = arith.constant 4 : i32
      %swap3A_2482 = arith.index_cast %swap3A_2480 : i32 to index
      %swap3A_2483 = arith.index_cast %swap3A_2481 : i32 to index
      %swap3A_2484 = arith.constant 16 : index
      %swap3A_2485 = tpu.vector_load %arg7[%swap3A_2482, %swap3A_2483, %swap3A_2484] {strides = array<i32>} : memref<2x16x64xf32, #tpu.memory_space<vmem>>, vector<1x1x16xf32>,
      %swap3A_2486 = vector.shape_cast %swap3A_2485 : vector<1x1x16xf32> to vector<16xf32>
      %swap3A_2487 = vector.shape_cast %get3A_2479 : vector<16xf32> to vector<1x1x16xf32>
      tpu.vector_store %arg7[%swap3A_2482, %swap3A_2483, %swap3A_2484], %swap3A_2487 {strides = array<i32>} : memref<2x16x64xf32, #tpu.memory_space<vmem>>, vector<1x1x16xf32>,
      %get3A_2488 = arith.constant 20 : i32
      %get3A_2489 = arith.index_cast %get3A_2488 : i32 to index
      %get3A_2490 = arith.index_cast %and3A_2459 : i32 to index
      %get3A_2491 = arith.constant 32 : index
      %get3A_2492 = tpu.vector_load %arg6[%get3A_2489, %get3A_2490, %get3A_2491] {strides = array<i32>} : memref<32x8x64xf32, #tpu.memory_space<vmem>>, vector<1x1x16xf32>,
      %get3A_2493 = vector.shape_cast %get3A_2492 : vector<1x1x16xf32> to vector<16xf32>
      %swap3A_2494 = arith.constant 1 : i32
      %swap3A_2495 = arith.constant 4 : i32
      %swap3A_2496 = arith.index_cast %swap3A_2494 : i32 to index
      %swap3A_2497 = arith.index_cast %swap3A_2495 : i32 to index
      %swap3A_2498 = arith.constant 32 : index
      %swap3A_2499 = tpu.vector_load %arg7[%swap3A_2496, %swap3A_2497, %swap3A_2498] {strides = array<i32>} : memref<2x16x64xf32, #tpu.memory_space<vmem>>, vector<1x1x16xf32>,
      %swap3A_2500 = vector.shape_cast %swap3A_2499 : vector<1x1x16xf32> to vector<16xf32>
      %swap3A_2501 = vector.shape_cast %get3A_2493 : vector<16xf32> to vector<1x1x16xf32>
      tpu.vector_store %arg7[%swap3A_2496, %swap3A_2497, %swap3A_2498], %swap3A_2501 {strides = array<i32>} : memref<2x16x64xf32, #tpu.memory_space<vmem>>, vector<1x1x16xf32>,
      %get3A_2502 = arith.constant 20 : i32
      %get3A_2503 = arith.index_cast %get3A_2502 : i32 to index
      %get3A_2504 = arith.index_cast %and3A_2459 : i32 to index
      %get3A_2505 = arith.constant 48 : index
      %get3A_2506 = tpu.vector_load %arg6[%get3A_2503, %get3A_2504, %get3A_2505] {strides = array<i32>} : memref<32x8x64xf32, #tpu.memory_space<vmem>>, vector<1x1x16xf32>,
      %get3A_2507 = vector.shape_cast %get3A_2506 : vector<1x1x16xf32> to vector<16xf32>
      %swap3A_2508 = arith.constant 1 : i32
      %swap3A_2509 = arith.constant 4 : i32
      %swap3A_2510 = arith.index_cast %swap3A_2508 : i32 to index
      %swap3A_2511 = arith.index_cast %swap3A_2509 : i32 to index
      %swap3A_2512 = arith.constant 48 : index
      %swap3A_2513 = tpu.vector_load %arg7[%swap3A_2510, %swap3A_2511, %swap3A_2512] {strides = array<i32>} : memref<2x16x64xf32, #tpu.memory_space<vmem>>, vector<1x1x16xf32>,
      %swap3A_2514 = vector.shape_cast %swap3A_2513 : vector<1x1x16xf32> to vector<16xf32>
      %swap3A_2515 = vector.shape_cast %get3A_2507 : vector<16xf32> to vector<1x1x16xf32>
      tpu.vector_store %arg7[%swap3A_2510, %swap3A_2511, %swap3A_2512], %swap3A_2515 {strides = array<i32>} : memref<2x16x64xf32, #tpu.memory_space<vmem>>, vector<1x1x16xf32>,
      %slice3A_2516 = vector.extract_strided_slice %get3A_1975 {offsets = [5], sizes = [1], strides = [1]} : vector<16xi32> to vector<1xi32>
      %squeeze3A_2517 = vector.extract %slice3A_2516[0] : i32 from vector<1xi32>
      %and3A_2518 = arith.constant 7 : i32
      %and3A_2519 = arith.andi %squeeze3A_2517, %and3A_2518 : i32
      %get3A_2520 = arith.constant 21 : i32
      %get3A_2521 = arith.index_cast %get3A_2520 : i32 to index
      %get3A_2522 = arith.index_cast %and3A_2519 : i32 to index
      %get3A_2523 = arith.constant 0 : index
      %get3A_2524 = tpu.vector_load %arg6[%get3A_2521, %get3A_2522, %get3A_2523] {strides = array<i32>} : memref<32x8x64xf32, #tpu.memory_space<vmem>>, vector<1x1x16xf32>,
      %get3A_2525 = vector.shape_cast %get3A_2524 : vector<1x1x16xf32> to vector<16xf32>
      %swap3A_2526 = arith.constant 1 : i32
      %swap3A_2527 = arith.constant 5 : i32
      %swap3A_2528 = arith.index_cast %swap3A_2526 : i32 to index
      %swap3A_2529 = arith.index_cast %swap3A_2527 : i32 to index
      %swap3A_2530 = arith.constant 0 : index
      %swap3A_2531 = tpu.vector_load %arg7[%swap3A_2528, %swap3A_2529, %swap3A_2530] {strides = array<i32>} : memref<2x16x64xf32, #tpu.memory_space<vmem>>, vector<1x1x16xf32>,
      %swap3A_2532 = vector.shape_cast %swap3A_2531 : vector<1x1x16xf32> to vector<16xf32>
      %swap3A_2533 = vector.shape_cast %get3A_2525 : vector<16xf32> to vector<1x1x16xf32>
      tpu.vector_store %arg7[%swap3A_2528, %swap3A_2529, %swap3A_2530], %swap3A_2533 {strides = array<i32>} : memref<2x16x64xf32, #tpu.memory_space<vmem>>, vector<1x1x16xf32>,
      %get3A_2534 = arith.constant 21 : i32
      %get3A_2535 = arith.index_cast %get3A_2534 : i32 to index
      %get3A_2536 = arith.index_cast %and3A_2519 : i32 to index
      %get3A_2537 = arith.constant 16 : index
      %get3A_2538 = tpu.vector_load %arg6[%get3A_2535, %get3A_2536, %get3A_2537] {strides = array<i32>} : memref<32x8x64xf32, #tpu.memory_space<vmem>>, vector<1x1x16xf32>,
      %get3A_2539 = vector.shape_cast %get3A_2538 : vector<1x1x16xf32> to vector<16xf32>
      %swap3A_2540 = arith.constant 1 : i32
      %swap3A_2541 = arith.constant 5 : i32
      %swap3A_2542 = arith.index_cast %swap3A_2540 : i32 to index
      %swap3A_2543 = arith.index_cast %swap3A_2541 : i32 to index
      %swap3A_2544 = arith.constant 16 : index
      %swap3A_2545 = tpu.vector_load %arg7[%swap3A_2542, %swap3A_2543, %swap3A_2544] {strides = array<i32>} : memref<2x16x64xf32, #tpu.memory_space<vmem>>, vector<1x1x16xf32>,
      %swap3A_2546 = vector.shape_cast %swap3A_2545 : vector<1x1x16xf32> to vector<16xf32>
      %swap3A_2547 = vector.shape_cast %get3A_2539 : vector<16xf32> to vector<1x1x16xf32>
      tpu.vector_store %arg7[%swap3A_2542, %swap3A_2543, %swap3A_2544], %swap3A_2547 {strides = array<i32>} : memref<2x16x64xf32, #tpu.memory_space<vmem>>, vector<1x1x16xf32>,
      %get3A_2548 = arith.constant 21 : i32
      %get3A_2549 = arith.index_cast %get3A_2548 : i32 to index
      %get3A_2550 = arith.index_cast %and3A_2519 : i32 to index
      %get3A_2551 = arith.constant 32 : index
      %get3A_2552 = tpu.vector_load %arg6[%get3A_2549, %get3A_2550, %get3A_2551] {strides = array<i32>} : memref<32x8x64xf32, #tpu.memory_space<vmem>>, vector<1x1x16xf32>,
      %get3A_2553 = vector.shape_cast %get3A_2552 : vector<1x1x16xf32> to vector<16xf32>
      %swap3A_2554 = arith.constant 1 : i32
      %swap3A_2555 = arith.constant 5 : i32
      %swap3A_2556 = arith.index_cast %swap3A_2554 : i32 to index
      %swap3A_2557 = arith.index_cast %swap3A_2555 : i32 to index
      %swap3A_2558 = arith.constant 32 : index
      %swap3A_2559 = tpu.vector_load %arg7[%swap3A_2556, %swap3A_2557, %swap3A_2558] {strides = array<i32>} : memref<2x16x64xf32, #tpu.memory_space<vmem>>, vector<1x1x16xf32>,
      %swap3A_2560 = vector.shape_cast %swap3A_2559 : vector<1x1x16xf32> to vector<16xf32>
      %swap3A_2561 = vector.shape_cast %get3A_2553 : vector<16xf32> to vector<1x1x16xf32>
      tpu.vector_store %arg7[%swap3A_2556, %swap3A_2557, %swap3A_2558], %swap3A_2561 {strides = array<i32>} : memref<2x16x64xf32, #tpu.memory_space<vmem>>, vector<1x1x16xf32>,
      %get3A_2562 = arith.constant 21 : i32
      %get3A_2563 = arith.index_cast %get3A_2562 : i32 to index
      %get3A_2564 = arith.index_cast %and3A_2519 : i32 to index
      %get3A_2565 = arith.constant 48 : index
      %get3A_2566 = tpu.vector_load %arg6[%get3A_2563, %get3A_2564, %get3A_2565] {strides = array<i32>} : memref<32x8x64xf32, #tpu.memory_space<vmem>>, vector<1x1x16xf32>,
      %get3A_2567 = vector.shape_cast %get3A_2566 : vector<1x1x16xf32> to vector<16xf32>
      %swap3A_2568 = arith.constant 1 : i32
      %swap3A_2569 = arith.constant 5 : i32
      %swap3A_2570 = arith.index_cast %swap3A_2568 : i32 to index
      %swap3A_2571 = arith.index_cast %swap3A_2569 : i32 to index
      %swap3A_2572 = arith.constant 48 : index
      %swap3A_2573 = tpu.vector_load %arg7[%swap3A_2570, %swap3A_2571, %swap3A_2572] {strides = array<i32>} : memref<2x16x64xf32, #tpu.memory_space<vmem>>, vector<1x1x16xf32>,
      %swap3A_2574 = vector.shape_cast %swap3A_2573 : vector<1x1x16xf32> to vector<16xf32>
      %swap3A_2575 = vector.shape_cast %get3A_2567 : vector<16xf32> to vector<1x1x16xf32>
      tpu.vector_store %arg7[%swap3A_2570, %swap3A_2571, %swap3A_2572], %swap3A_2575 {strides = array<i32>} : memref<2x16x64xf32, #tpu.memory_space<vmem>>, vector<1x1x16xf32>,
      %slice3A_2576 = vector.extract_strided_slice %get3A_1975 {offsets = [6], sizes = [1], strides = [1]} : vector<16xi32> to vector<1xi32>
      %squeeze3A_2577 = vector.extract %slice3A_2576[0] : i32 from vector<1xi32>
      %and3A_2578 = arith.constant 7 : i32
      %and3A_2579 = arith.andi %squeeze3A_2577, %and3A_2578 : i32
      %get3A_2580 = arith.constant 22 : i32
      %get3A_2581 = arith.index_cast %get3A_2580 : i32 to index
      %get3A_2582 = arith.index_cast %and3A_2579 : i32 to index
      %get3A_2583 = arith.constant 0 : index
      %get3A_2584 = tpu.vector_load %arg6[%get3A_2581, %get3A_2582, %get3A_2583] {strides = array<i32>} : memref<32x8x64xf32, #tpu.memory_space<vmem>>, vector<1x1x16xf32>,
      %get3A_2585 = vector.shape_cast %get3A_2584 : vector<1x1x16xf32> to vector<16xf32>
      %swap3A_2586 = arith.constant 1 : i32
      %swap3A_2587 = arith.constant 6 : i32
      %swap3A_2588 = arith.index_cast %swap3A_2586 : i32 to index
      %swap3A_2589 = arith.index_cast %swap3A_2587 : i32 to index
      %swap3A_2590 = arith.constant 0 : index
      %swap3A_2591 = tpu.vector_load %arg7[%swap3A_2588, %swap3A_2589, %swap3A_2590] {strides = array<i32>} : memref<2x16x64xf32, #tpu.memory_space<vmem>>, vector<1x1x16xf32>,
      %swap3A_2592 = vector.shape_cast %swap3A_2591 : vector<1x1x16xf32> to vector<16xf32>
      %swap3A_2593 = vector.shape_cast %get3A_2585 : vector<16xf32> to vector<1x1x16xf32>
      tpu.vector_store %arg7[%swap3A_2588, %swap3A_2589, %swap3A_2590], %swap3A_2593 {strides = array<i32>} : memref<2x16x64xf32, #tpu.memory_space<vmem>>, vector<1x1x16xf32>,
      %get3A_2594 = arith.constant 22 : i32
      %get3A_2595 = arith.index_cast %get3A_2594 : i32 to index
      %get3A_2596 = arith.index_cast %and3A_2579 : i32 to index
      %get3A_2597 = arith.constant 16 : index
      %get3A_2598 = tpu.vector_load %arg6[%get3A_2595, %get3A_2596, %get3A_2597] {strides = array<i32>} : memref<32x8x64xf32, #tpu.memory_space<vmem>>, vector<1x1x16xf32>,
      %get3A_2599 = vector.shape_cast %get3A_2598 : vector<1x1x16xf32> to vector<16xf32>
      %swap3A_2600 = arith.constant 1 : i32
      %swap3A_2601 = arith.constant 6 : i32
      %swap3A_2602 = arith.index_cast %swap3A_2600 : i32 to index
      %swap3A_2603 = arith.index_cast %swap3A_2601 : i32 to index
      %swap3A_2604 = arith.constant 16 : index
      %swap3A_2605 = tpu.vector_load %arg7[%swap3A_2602, %swap3A_2603, %swap3A_2604] {strides = array<i32>} : memref<2x16x64xf32, #tpu.memory_space<vmem>>, vector<1x1x16xf32>,
      %swap3A_2606 = vector.shape_cast %swap3A_2605 : vector<1x1x16xf32> to vector<16xf32>
      %swap3A_2607 = vector.shape_cast %get3A_2599 : vector<16xf32> to vector<1x1x16xf32>
      tpu.vector_store %arg7[%swap3A_2602, %swap3A_2603, %swap3A_2604], %swap3A_2607 {strides = array<i32>} : memref<2x16x64xf32, #tpu.memory_space<vmem>>, vector<1x1x16xf32>,
      %get3A_2608 = arith.constant 22 : i32
      %get3A_2609 = arith.index_cast %get3A_2608 : i32 to index
      %get3A_2610 = arith.index_cast %and3A_2579 : i32 to index
      %get3A_2611 = arith.constant 32 : index
      %get3A_2612 = tpu.vector_load %arg6[%get3A_2609, %get3A_2610, %get3A_2611] {strides = array<i32>} : memref<32x8x64xf32, #tpu.memory_space<vmem>>, vector<1x1x16xf32>,
      %get3A_2613 = vector.shape_cast %get3A_2612 : vector<1x1x16xf32> to vector<16xf32>
      %swap3A_2614 = arith.constant 1 : i32
      %swap3A_2615 = arith.constant 6 : i32
      %swap3A_2616 = arith.index_cast %swap3A_2614 : i32 to index
      %swap3A_2617 = arith.index_cast %swap3A_2615 : i32 to index
      %swap3A_2618 = arith.constant 32 : index
      %swap3A_2619 = tpu.vector_load %arg7[%swap3A_2616, %swap3A_2617, %swap3A_2618] {strides = array<i32>} : memref<2x16x64xf32, #tpu.memory_space<vmem>>, vector<1x1x16xf32>,
      %swap3A_2620 = vector.shape_cast %swap3A_2619 : vector<1x1x16xf32> to vector<16xf32>
      %swap3A_2621 = vector.shape_cast %get3A_2613 : vector<16xf32> to vector<1x1x16xf32>
      tpu.vector_store %arg7[%swap3A_2616, %swap3A_2617, %swap3A_2618], %swap3A_2621 {strides = array<i32>} : memref<2x16x64xf32, #tpu.memory_space<vmem>>, vector<1x1x16xf32>,
      %get3A_2622 = arith.constant 22 : i32
      %get3A_2623 = arith.index_cast %get3A_2622 : i32 to index
      %get3A_2624 = arith.index_cast %and3A_2579 : i32 to index
      %get3A_2625 = arith.constant 48 : index
      %get3A_2626 = tpu.vector_load %arg6[%get3A_2623, %get3A_2624, %get3A_2625] {strides = array<i32>} : memref<32x8x64xf32, #tpu.memory_space<vmem>>, vector<1x1x16xf32>,
      %get3A_2627 = vector.shape_cast %get3A_2626 : vector<1x1x16xf32> to vector<16xf32>
      %swap3A_2628 = arith.constant 1 : i32
      %swap3A_2629 = arith.constant 6 : i32
      %swap3A_2630 = arith.index_cast %swap3A_2628 : i32 to index
      %swap3A_2631 = arith.index_cast %swap3A_2629 : i32 to index
      %swap3A_2632 = arith.constant 48 : index
      %swap3A_2633 = tpu.vector_load %arg7[%swap3A_2630, %swap3A_2631, %swap3A_2632] {strides = array<i32>} : memref<2x16x64xf32, #tpu.memory_space<vmem>>, vector<1x1x16xf32>,
      %swap3A_2634 = vector.shape_cast %swap3A_2633 : vector<1x1x16xf32> to vector<16xf32>
      %swap3A_2635 = vector.shape_cast %get3A_2627 : vector<16xf32> to vector<1x1x16xf32>
      tpu.vector_store %arg7[%swap3A_2630, %swap3A_2631, %swap3A_2632], %swap3A_2635 {strides = array<i32>} : memref<2x16x64xf32, #tpu.memory_space<vmem>>, vector<1x1x16xf32>,
      %slice3A_2636 = vector.extract_strided_slice %get3A_1975 {offsets = [7], sizes = [1], strides = [1]} : vector<16xi32> to vector<1xi32>
      %squeeze3A_2637 = vector.extract %slice3A_2636[0] : i32 from vector<1xi32>
      %and3A_2638 = arith.constant 7 : i32
      %and3A_2639 = arith.andi %squeeze3A_2637, %and3A_2638 : i32
      %get3A_2640 = arith.constant 23 : i32
      %get3A_2641 = arith.index_cast %get3A_2640 : i32 to index
      %get3A_2642 = arith.index_cast %and3A_2639 : i32 to index
      %get3A_2643 = arith.constant 0 : index
      %get3A_2644 = tpu.vector_load %arg6[%get3A_2641, %get3A_2642, %get3A_2643] {strides = array<i32>} : memref<32x8x64xf32, #tpu.memory_space<vmem>>, vector<1x1x16xf32>,
      %get3A_2645 = vector.shape_cast %get3A_2644 : vector<1x1x16xf32> to vector<16xf32>
      %swap3A_2646 = arith.constant 1 : i32
      %swap3A_2647 = arith.constant 7 : i32
      %swap3A_2648 = arith.index_cast %swap3A_2646 : i32 to index
      %swap3A_2649 = arith.index_cast %swap3A_2647 : i32 to index
      %swap3A_2650 = arith.constant 0 : index
      %swap3A_2651 = tpu.vector_load %arg7[%swap3A_2648, %swap3A_2649, %swap3A_2650] {strides = array<i32>} : memref<2x16x64xf32, #tpu.memory_space<vmem>>, vector<1x1x16xf32>,
      %swap3A_2652 = vector.shape_cast %swap3A_2651 : vector<1x1x16xf32> to vector<16xf32>
      %swap3A_2653 = vector.shape_cast %get3A_2645 : vector<16xf32> to vector<1x1x16xf32>
      tpu.vector_store %arg7[%swap3A_2648, %swap3A_2649, %swap3A_2650], %swap3A_2653 {strides = array<i32>} : memref<2x16x64xf32, #tpu.memory_space<vmem>>, vector<1x1x16xf32>,
      %get3A_2654 = arith.constant 23 : i32
      %get3A_2655 = arith.index_cast %get3A_2654 : i32 to index
      %get3A_2656 = arith.index_cast %and3A_2639 : i32 to index
      %get3A_2657 = arith.constant 16 : index
      %get3A_2658 = tpu.vector_load %arg6[%get3A_2655, %get3A_2656, %get3A_2657] {strides = array<i32>} : memref<32x8x64xf32, #tpu.memory_space<vmem>>, vector<1x1x16xf32>,
      %get3A_2659 = vector.shape_cast %get3A_2658 : vector<1x1x16xf32> to vector<16xf32>
      %swap3A_2660 = arith.constant 1 : i32
      %swap3A_2661 = arith.constant 7 : i32
      %swap3A_2662 = arith.index_cast %swap3A_2660 : i32 to index
      %swap3A_2663 = arith.index_cast %swap3A_2661 : i32 to index
      %swap3A_2664 = arith.constant 16 : index
      %swap3A_2665 = tpu.vector_load %arg7[%swap3A_2662, %swap3A_2663, %swap3A_2664] {strides = array<i32>} : memref<2x16x64xf32, #tpu.memory_space<vmem>>, vector<1x1x16xf32>,
      %swap3A_2666 = vector.shape_cast %swap3A_2665 : vector<1x1x16xf32> to vector<16xf32>
      %swap3A_2667 = vector.shape_cast %get3A_2659 : vector<16xf32> to vector<1x1x16xf32>
      tpu.vector_store %arg7[%swap3A_2662, %swap3A_2663, %swap3A_2664], %swap3A_2667 {strides = array<i32>} : memref<2x16x64xf32, #tpu.memory_space<vmem>>, vector<1x1x16xf32>,
      %get3A_2668 = arith.constant 23 : i32
      %get3A_2669 = arith.index_cast %get3A_2668 : i32 to index
      %get3A_2670 = arith.index_cast %and3A_2639 : i32 to index
      %get3A_2671 = arith.constant 32 : index
      %get3A_2672 = tpu.vector_load %arg6[%get3A_2669, %get3A_2670, %get3A_2671] {strides = array<i32>} : memref<32x8x64xf32, #tpu.memory_space<vmem>>, vector<1x1x16xf32>,
      %get3A_2673 = vector.shape_cast %get3A_2672 : vector<1x1x16xf32> to vector<16xf32>
      %swap3A_2674 = arith.constant 1 : i32
      %swap3A_2675 = arith.constant 7 : i32
      %swap3A_2676 = arith.index_cast %swap3A_2674 : i32 to index
      %swap3A_2677 = arith.index_cast %swap3A_2675 : i32 to index
      %swap3A_2678 = arith.constant 32 : index
      %swap3A_2679 = tpu.vector_load %arg7[%swap3A_2676, %swap3A_2677, %swap3A_2678] {strides = array<i32>} : memref<2x16x64xf32, #tpu.memory_space<vmem>>, vector<1x1x16xf32>,
      %swap3A_2680 = vector.shape_cast %swap3A_2679 : vector<1x1x16xf32> to vector<16xf32>
      %swap3A_2681 = vector.shape_cast %get3A_2673 : vector<16xf32> to vector<1x1x16xf32>
      tpu.vector_store %arg7[%swap3A_2676, %swap3A_2677, %swap3A_2678], %swap3A_2681 {strides = array<i32>} : memref<2x16x64xf32, #tpu.memory_space<vmem>>, vector<1x1x16xf32>,
      %get3A_2682 = arith.constant 23 : i32
      %get3A_2683 = arith.index_cast %get3A_2682 : i32 to index
      %get3A_2684 = arith.index_cast %and3A_2639 : i32 to index
      %get3A_2685 = arith.constant 48 : index
      %get3A_2686 = tpu.vector_load %arg6[%get3A_2683, %get3A_2684, %get3A_2685] {strides = array<i32>} : memref<32x8x64xf32, #tpu.memory_space<vmem>>, vector<1x1x16xf32>,
      %get3A_2687 = vector.shape_cast %get3A_2686 : vector<1x1x16xf32> to vector<16xf32>
      %swap3A_2688 = arith.constant 1 : i32
      %swap3A_2689 = arith.constant 7 : i32
      %swap3A_2690 = arith.index_cast %swap3A_2688 : i32 to index
      %swap3A_2691 = arith.index_cast %swap3A_2689 : i32 to index
      %swap3A_2692 = arith.constant 48 : index
      %swap3A_2693 = tpu.vector_load %arg7[%swap3A_2690, %swap3A_2691, %swap3A_2692] {strides = array<i32>} : memref<2x16x64xf32, #tpu.memory_space<vmem>>, vector<1x1x16xf32>,
      %swap3A_2694 = vector.shape_cast %swap3A_2693 : vector<1x1x16xf32> to vector<16xf32>
      %swap3A_2695 = vector.shape_cast %get3A_2687 : vector<16xf32> to vector<1x1x16xf32>
      tpu.vector_store %arg7[%swap3A_2690, %swap3A_2691, %swap3A_2692], %swap3A_2695 {strides = array<i32>} : memref<2x16x64xf32, #tpu.memory_space<vmem>>, vector<1x1x16xf32>,
      %slice3A_2696 = vector.extract_strided_slice %get3A_1975 {offsets = [8], sizes = [1], strides = [1]} : vector<16xi32> to vector<1xi32>
      %squeeze3A_2697 = vector.extract %slice3A_2696[0] : i32 from vector<1xi32>
      %and3A_2698 = arith.constant 7 : i32
      %and3A_2699 = arith.andi %squeeze3A_2697, %and3A_2698 : i32
      %get3A_2700 = arith.constant 24 : i32
      %get3A_2701 = arith.index_cast %get3A_2700 : i32 to index
      %get3A_2702 = arith.index_cast %and3A_2699 : i32 to index
      %get3A_2703 = arith.constant 0 : index
      %get3A_2704 = tpu.vector_load %arg6[%get3A_2701, %get3A_2702, %get3A_2703] {strides = array<i32>} : memref<32x8x64xf32, #tpu.memory_space<vmem>>, vector<1x1x16xf32>,
      %get3A_2705 = vector.shape_cast %get3A_2704 : vector<1x1x16xf32> to vector<16xf32>
      %swap3A_2706 = arith.constant 1 : i32
      %swap3A_2707 = arith.constant 8 : i32
      %swap3A_2708 = arith.index_cast %swap3A_2706 : i32 to index
      %swap3A_2709 = arith.index_cast %swap3A_2707 : i32 to index
      %swap3A_2710 = arith.constant 0 : index
      %swap3A_2711 = tpu.vector_load %arg7[%swap3A_2708, %swap3A_2709, %swap3A_2710] {strides = array<i32>} : memref<2x16x64xf32, #tpu.memory_space<vmem>>, vector<1x1x16xf32>,
      %swap3A_2712 = vector.shape_cast %swap3A_2711 : vector<1x1x16xf32> to vector<16xf32>
      %swap3A_2713 = vector.shape_cast %get3A_2705 : vector<16xf32> to vector<1x1x16xf32>
      tpu.vector_store %arg7[%swap3A_2708, %swap3A_2709, %swap3A_2710], %swap3A_2713 {strides = array<i32>} : memref<2x16x64xf32, #tpu.memory_space<vmem>>, vector<1x1x16xf32>,
      %get3A_2714 = arith.constant 24 : i32
      %get3A_2715 = arith.index_cast %get3A_2714 : i32 to index
      %get3A_2716 = arith.index_cast %and3A_2699 : i32 to index
      %get3A_2717 = arith.constant 16 : index
      %get3A_2718 = tpu.vector_load %arg6[%get3A_2715, %get3A_2716, %get3A_2717] {strides = array<i32>} : memref<32x8x64xf32, #tpu.memory_space<vmem>>, vector<1x1x16xf32>,
      %get3A_2719 = vector.shape_cast %get3A_2718 : vector<1x1x16xf32> to vector<16xf32>
      %swap3A_2720 = arith.constant 1 : i32
      %swap3A_2721 = arith.constant 8 : i32
      %swap3A_2722 = arith.index_cast %swap3A_2720 : i32 to index
      %swap3A_2723 = arith.index_cast %swap3A_2721 : i32 to index
      %swap3A_2724 = arith.constant 16 : index
      %swap3A_2725 = tpu.vector_load %arg7[%swap3A_2722, %swap3A_2723, %swap3A_2724] {strides = array<i32>} : memref<2x16x64xf32, #tpu.memory_space<vmem>>, vector<1x1x16xf32>,
      %swap3A_2726 = vector.shape_cast %swap3A_2725 : vector<1x1x16xf32> to vector<16xf32>
      %swap3A_2727 = vector.shape_cast %get3A_2719 : vector<16xf32> to vector<1x1x16xf32>
      tpu.vector_store %arg7[%swap3A_2722, %swap3A_2723, %swap3A_2724], %swap3A_2727 {strides = array<i32>} : memref<2x16x64xf32, #tpu.memory_space<vmem>>, vector<1x1x16xf32>,
      %get3A_2728 = arith.constant 24 : i32
      %get3A_2729 = arith.index_cast %get3A_2728 : i32 to index
      %get3A_2730 = arith.index_cast %and3A_2699 : i32 to index
      %get3A_2731 = arith.constant 32 : index
      %get3A_2732 = tpu.vector_load %arg6[%get3A_2729, %get3A_2730, %get3A_2731] {strides = array<i32>} : memref<32x8x64xf32, #tpu.memory_space<vmem>>, vector<1x1x16xf32>,
      %get3A_2733 = vector.shape_cast %get3A_2732 : vector<1x1x16xf32> to vector<16xf32>
      %swap3A_2734 = arith.constant 1 : i32
      %swap3A_2735 = arith.constant 8 : i32
      %swap3A_2736 = arith.index_cast %swap3A_2734 : i32 to index
      %swap3A_2737 = arith.index_cast %swap3A_2735 : i32 to index
      %swap3A_2738 = arith.constant 32 : index
      %swap3A_2739 = tpu.vector_load %arg7[%swap3A_2736, %swap3A_2737, %swap3A_2738] {strides = array<i32>} : memref<2x16x64xf32, #tpu.memory_space<vmem>>, vector<1x1x16xf32>,
      %swap3A_2740 = vector.shape_cast %swap3A_2739 : vector<1x1x16xf32> to vector<16xf32>
      %swap3A_2741 = vector.shape_cast %get3A_2733 : vector<16xf32> to vector<1x1x16xf32>
      tpu.vector_store %arg7[%swap3A_2736, %swap3A_2737, %swap3A_2738], %swap3A_2741 {strides = array<i32>} : memref<2x16x64xf32, #tpu.memory_space<vmem>>, vector<1x1x16xf32>,
      %get3A_2742 = arith.constant 24 : i32
      %get3A_2743 = arith.index_cast %get3A_2742 : i32 to index
      %get3A_2744 = arith.index_cast %and3A_2699 : i32 to index
      %get3A_2745 = arith.constant 48 : index
      %get3A_2746 = tpu.vector_load %arg6[%get3A_2743, %get3A_2744, %get3A_2745] {strides = array<i32>} : memref<32x8x64xf32, #tpu.memory_space<vmem>>, vector<1x1x16xf32>,
      %get3A_2747 = vector.shape_cast %get3A_2746 : vector<1x1x16xf32> to vector<16xf32>
      %swap3A_2748 = arith.constant 1 : i32
      %swap3A_2749 = arith.constant 8 : i32
      %swap3A_2750 = arith.index_cast %swap3A_2748 : i32 to index
      %swap3A_2751 = arith.index_cast %swap3A_2749 : i32 to index
      %swap3A_2752 = arith.constant 48 : index
      %swap3A_2753 = tpu.vector_load %arg7[%swap3A_2750, %swap3A_2751, %swap3A_2752] {strides = array<i32>} : memref<2x16x64xf32, #tpu.memory_space<vmem>>, vector<1x1x16xf32>,
      %swap3A_2754 = vector.shape_cast %swap3A_2753 : vector<1x1x16xf32> to vector<16xf32>
      %swap3A_2755 = vector.shape_cast %get3A_2747 : vector<16xf32> to vector<1x1x16xf32>
      tpu.vector_store %arg7[%swap3A_2750, %swap3A_2751, %swap3A_2752], %swap3A_2755 {strides = array<i32>} : memref<2x16x64xf32, #tpu.memory_space<vmem>>, vector<1x1x16xf32>,
      %slice3A_2756 = vector.extract_strided_slice %get3A_1975 {offsets = [9], sizes = [1], strides = [1]} : vector<16xi32> to vector<1xi32>
      %squeeze3A_2757 = vector.extract %slice3A_2756[0] : i32 from vector<1xi32>
      %and3A_2758 = arith.constant 7 : i32
      %and3A_2759 = arith.andi %squeeze3A_2757, %and3A_2758 : i32
      %get3A_2760 = arith.constant 25 : i32
      %get3A_2761 = arith.index_cast %get3A_2760 : i32 to index
      %get3A_2762 = arith.index_cast %and3A_2759 : i32 to index
      %get3A_2763 = arith.constant 0 : index
      %get3A_2764 = tpu.vector_load %arg6[%get3A_2761, %get3A_2762, %get3A_2763] {strides = array<i32>} : memref<32x8x64xf32, #tpu.memory_space<vmem>>, vector<1x1x16xf32>,
      %get3A_2765 = vector.shape_cast %get3A_2764 : vector<1x1x16xf32> to vector<16xf32>
      %swap3A_2766 = arith.constant 1 : i32
      %swap3A_2767 = arith.constant 9 : i32
      %swap3A_2768 = arith.index_cast %swap3A_2766 : i32 to index
      %swap3A_2769 = arith.index_cast %swap3A_2767 : i32 to index
      %swap3A_2770 = arith.constant 0 : index
      %swap3A_2771 = tpu.vector_load %arg7[%swap3A_2768, %swap3A_2769, %swap3A_2770] {strides = array<i32>} : memref<2x16x64xf32, #tpu.memory_space<vmem>>, vector<1x1x16xf32>,
      %swap3A_2772 = vector.shape_cast %swap3A_2771 : vector<1x1x16xf32> to vector<16xf32>
      %swap3A_2773 = vector.shape_cast %get3A_2765 : vector<16xf32> to vector<1x1x16xf32>
      tpu.vector_store %arg7[%swap3A_2768, %swap3A_2769, %swap3A_2770], %swap3A_2773 {strides = array<i32>} : memref<2x16x64xf32, #tpu.memory_space<vmem>>, vector<1x1x16xf32>,
      %get3A_2774 = arith.constant 25 : i32
      %get3A_2775 = arith.index_cast %get3A_2774 : i32 to index
      %get3A_2776 = arith.index_cast %and3A_2759 : i32 to index
      %get3A_2777 = arith.constant 16 : index
      %get3A_2778 = tpu.vector_load %arg6[%get3A_2775, %get3A_2776, %get3A_2777] {strides = array<i32>} : memref<32x8x64xf32, #tpu.memory_space<vmem>>, vector<1x1x16xf32>,
      %get3A_2779 = vector.shape_cast %get3A_2778 : vector<1x1x16xf32> to vector<16xf32>
      %swap3A_2780 = arith.constant 1 : i32
      %swap3A_2781 = arith.constant 9 : i32
      %swap3A_2782 = arith.index_cast %swap3A_2780 : i32 to index
      %swap3A_2783 = arith.index_cast %swap3A_2781 : i32 to index
      %swap3A_2784 = arith.constant 16 : index
      %swap3A_2785 = tpu.vector_load %arg7[%swap3A_2782, %swap3A_2783, %swap3A_2784] {strides = array<i32>} : memref<2x16x64xf32, #tpu.memory_space<vmem>>, vector<1x1x16xf32>,
      %swap3A_2786 = vector.shape_cast %swap3A_2785 : vector<1x1x16xf32> to vector<16xf32>
      %swap3A_2787 = vector.shape_cast %get3A_2779 : vector<16xf32> to vector<1x1x16xf32>
      tpu.vector_store %arg7[%swap3A_2782, %swap3A_2783, %swap3A_2784], %swap3A_2787 {strides = array<i32>} : memref<2x16x64xf32, #tpu.memory_space<vmem>>, vector<1x1x16xf32>,
      %get3A_2788 = arith.constant 25 : i32
      %get3A_2789 = arith.index_cast %get3A_2788 : i32 to index
      %get3A_2790 = arith.index_cast %and3A_2759 : i32 to index
      %get3A_2791 = arith.constant 32 : index
      %get3A_2792 = tpu.vector_load %arg6[%get3A_2789, %get3A_2790, %get3A_2791] {strides = array<i32>} : memref<32x8x64xf32, #tpu.memory_space<vmem>>, vector<1x1x16xf32>,
      %get3A_2793 = vector.shape_cast %get3A_2792 : vector<1x1x16xf32> to vector<16xf32>
      %swap3A_2794 = arith.constant 1 : i32
      %swap3A_2795 = arith.constant 9 : i32
      %swap3A_2796 = arith.index_cast %swap3A_2794 : i32 to index
      %swap3A_2797 = arith.index_cast %swap3A_2795 : i32 to index
      %swap3A_2798 = arith.constant 32 : index
      %swap3A_2799 = tpu.vector_load %arg7[%swap3A_2796, %swap3A_2797, %swap3A_2798] {strides = array<i32>} : memref<2x16x64xf32, #tpu.memory_space<vmem>>, vector<1x1x16xf32>,
      %swap3A_2800 = vector.shape_cast %swap3A_2799 : vector<1x1x16xf32> to vector<16xf32>
      %swap3A_2801 = vector.shape_cast %get3A_2793 : vector<16xf32> to vector<1x1x16xf32>
      tpu.vector_store %arg7[%swap3A_2796, %swap3A_2797, %swap3A_2798], %swap3A_2801 {strides = array<i32>} : memref<2x16x64xf32, #tpu.memory_space<vmem>>, vector<1x1x16xf32>,
      %get3A_2802 = arith.constant 25 : i32
      %get3A_2803 = arith.index_cast %get3A_2802 : i32 to index
      %get3A_2804 = arith.index_cast %and3A_2759 : i32 to index
      %get3A_2805 = arith.constant 48 : index
      %get3A_2806 = tpu.vector_load %arg6[%get3A_2803, %get3A_2804, %get3A_2805] {strides = array<i32>} : memref<32x8x64xf32, #tpu.memory_space<vmem>>, vector<1x1x16xf32>,
      %get3A_2807 = vector.shape_cast %get3A_2806 : vector<1x1x16xf32> to vector<16xf32>
      %swap3A_2808 = arith.constant 1 : i32
      %swap3A_2809 = arith.constant 9 : i32
      %swap3A_2810 = arith.index_cast %swap3A_2808 : i32 to index
      %swap3A_2811 = arith.index_cast %swap3A_2809 : i32 to index
      %swap3A_2812 = arith.constant 48 : index
      %swap3A_2813 = tpu.vector_load %arg7[%swap3A_2810, %swap3A_2811, %swap3A_2812] {strides = array<i32>} : memref<2x16x64xf32, #tpu.memory_space<vmem>>, vector<1x1x16xf32>,
      %swap3A_2814 = vector.shape_cast %swap3A_2813 : vector<1x1x16xf32> to vector<16xf32>
      %swap3A_2815 = vector.shape_cast %get3A_2807 : vector<16xf32> to vector<1x1x16xf32>
      tpu.vector_store %arg7[%swap3A_2810, %swap3A_2811, %swap3A_2812], %swap3A_2815 {strides = array<i32>} : memref<2x16x64xf32, #tpu.memory_space<vmem>>, vector<1x1x16xf32>,
      %slice3A_2816 = vector.extract_strided_slice %get3A_1975 {offsets = [10], sizes = [1], strides = [1]} : vector<16xi32> to vector<1xi32>
      %squeeze3A_2817 = vector.extract %slice3A_2816[0] : i32 from vector<1xi32>
      %and3A_2818 = arith.constant 7 : i32
      %and3A_2819 = arith.andi %squeeze3A_2817, %and3A_2818 : i32
      %get3A_2820 = arith.constant 26 : i32
      %get3A_2821 = arith.index_cast %get3A_2820 : i32 to index
      %get3A_2822 = arith.index_cast %and3A_2819 : i32 to index
      %get3A_2823 = arith.constant 0 : index
      %get3A_2824 = tpu.vector_load %arg6[%get3A_2821, %get3A_2822, %get3A_2823] {strides = array<i32>} : memref<32x8x64xf32, #tpu.memory_space<vmem>>, vector<1x1x16xf32>,
      %get3A_2825 = vector.shape_cast %get3A_2824 : vector<1x1x16xf32> to vector<16xf32>
      %swap3A_2826 = arith.constant 1 : i32
      %swap3A_2827 = arith.constant 10 : i32
      %swap3A_2828 = arith.index_cast %swap3A_2826 : i32 to index
      %swap3A_2829 = arith.index_cast %swap3A_2827 : i32 to index
      %swap3A_2830 = arith.constant 0 : index
      %swap3A_2831 = tpu.vector_load %arg7[%swap3A_2828, %swap3A_2829, %swap3A_2830] {strides = array<i32>} : memref<2x16x64xf32, #tpu.memory_space<vmem>>, vector<1x1x16xf32>,
      %swap3A_2832 = vector.shape_cast %swap3A_2831 : vector<1x1x16xf32> to vector<16xf32>
      %swap3A_2833 = vector.shape_cast %get3A_2825 : vector<16xf32> to vector<1x1x16xf32>
      tpu.vector_store %arg7[%swap3A_2828, %swap3A_2829, %swap3A_2830], %swap3A_2833 {strides = array<i32>} : memref<2x16x64xf32, #tpu.memory_space<vmem>>, vector<1x1x16xf32>,
      %get3A_2834 = arith.constant 26 : i32
      %get3A_2835 = arith.index_cast %get3A_2834 : i32 to index
      %get3A_2836 = arith.index_cast %and3A_2819 : i32 to index
      %get3A_2837 = arith.constant 16 : index
      %get3A_2838 = tpu.vector_load %arg6[%get3A_2835, %get3A_2836, %get3A_2837] {strides = array<i32>} : memref<32x8x64xf32, #tpu.memory_space<vmem>>, vector<1x1x16xf32>,
      %get3A_2839 = vector.shape_cast %get3A_2838 : vector<1x1x16xf32> to vector<16xf32>
      %swap3A_2840 = arith.constant 1 : i32
      %swap3A_2841 = arith.constant 10 : i32
      %swap3A_2842 = arith.index_cast %swap3A_2840 : i32 to index
      %swap3A_2843 = arith.index_cast %swap3A_2841 : i32 to index
      %swap3A_2844 = arith.constant 16 : index
      %swap3A_2845 = tpu.vector_load %arg7[%swap3A_2842, %swap3A_2843, %swap3A_2844] {strides = array<i32>} : memref<2x16x64xf32, #tpu.memory_space<vmem>>, vector<1x1x16xf32>,
      %swap3A_2846 = vector.shape_cast %swap3A_2845 : vector<1x1x16xf32> to vector<16xf32>
      %swap3A_2847 = vector.shape_cast %get3A_2839 : vector<16xf32> to vector<1x1x16xf32>
      tpu.vector_store %arg7[%swap3A_2842, %swap3A_2843, %swap3A_2844], %swap3A_2847 {strides = array<i32>} : memref<2x16x64xf32, #tpu.memory_space<vmem>>, vector<1x1x16xf32>,
      %get3A_2848 = arith.constant 26 : i32
      %get3A_2849 = arith.index_cast %get3A_2848 : i32 to index
      %get3A_2850 = arith.index_cast %and3A_2819 : i32 to index
      %get3A_2851 = arith.constant 32 : index
      %get3A_2852 = tpu.vector_load %arg6[%get3A_2849, %get3A_2850, %get3A_2851] {strides = array<i32>} : memref<32x8x64xf32, #tpu.memory_space<vmem>>, vector<1x1x16xf32>,
      %get3A_2853 = vector.shape_cast %get3A_2852 : vector<1x1x16xf32> to vector<16xf32>
      %swap3A_2854 = arith.constant 1 : i32
      %swap3A_2855 = arith.constant 10 : i32
      %swap3A_2856 = arith.index_cast %swap3A_2854 : i32 to index
      %swap3A_2857 = arith.index_cast %swap3A_2855 : i32 to index
      %swap3A_2858 = arith.constant 32 : index
      %swap3A_2859 = tpu.vector_load %arg7[%swap3A_2856, %swap3A_2857, %swap3A_2858] {strides = array<i32>} : memref<2x16x64xf32, #tpu.memory_space<vmem>>, vector<1x1x16xf32>,
      %swap3A_2860 = vector.shape_cast %swap3A_2859 : vector<1x1x16xf32> to vector<16xf32>
      %swap3A_2861 = vector.shape_cast %get3A_2853 : vector<16xf32> to vector<1x1x16xf32>
      tpu.vector_store %arg7[%swap3A_2856, %swap3A_2857, %swap3A_2858], %swap3A_2861 {strides = array<i32>} : memref<2x16x64xf32, #tpu.memory_space<vmem>>, vector<1x1x16xf32>,
      %get3A_2862 = arith.constant 26 : i32
      %get3A_2863 = arith.index_cast %get3A_2862 : i32 to index
      %get3A_2864 = arith.index_cast %and3A_2819 : i32 to index
      %get3A_2865 = arith.constant 48 : index
      %get3A_2866 = tpu.vector_load %arg6[%get3A_2863, %get3A_2864, %get3A_2865] {strides = array<i32>} : memref<32x8x64xf32, #tpu.memory_space<vmem>>, vector<1x1x16xf32>,
      %get3A_2867 = vector.shape_cast %get3A_2866 : vector<1x1x16xf32> to vector<16xf32>
      %swap3A_2868 = arith.constant 1 : i32
      %swap3A_2869 = arith.constant 10 : i32
      %swap3A_2870 = arith.index_cast %swap3A_2868 : i32 to index
      %swap3A_2871 = arith.index_cast %swap3A_2869 : i32 to index
      %swap3A_2872 = arith.constant 48 : index
      %swap3A_2873 = tpu.vector_load %arg7[%swap3A_2870, %swap3A_2871, %swap3A_2872] {strides = array<i32>} : memref<2x16x64xf32, #tpu.memory_space<vmem>>, vector<1x1x16xf32>,
      %swap3A_2874 = vector.shape_cast %swap3A_2873 : vector<1x1x16xf32> to vector<16xf32>
      %swap3A_2875 = vector.shape_cast %get3A_2867 : vector<16xf32> to vector<1x1x16xf32>
      tpu.vector_store %arg7[%swap3A_2870, %swap3A_2871, %swap3A_2872], %swap3A_2875 {strides = array<i32>} : memref<2x16x64xf32, #tpu.memory_space<vmem>>, vector<1x1x16xf32>,
      %slice3A_2876 = vector.extract_strided_slice %get3A_1975 {offsets = [11], sizes = [1], strides = [1]} : vector<16xi32> to vector<1xi32>
      %squeeze3A_2877 = vector.extract %slice3A_2876[0] : i32 from vector<1xi32>
      %and3A_2878 = arith.constant 7 : i32
      %and3A_2879 = arith.andi %squeeze3A_2877, %and3A_2878 : i32
      %get3A_2880 = arith.constant 27 : i32
      %get3A_2881 = arith.index_cast %get3A_2880 : i32 to index
      %get3A_2882 = arith.index_cast %and3A_2879 : i32 to index
      %get3A_2883 = arith.constant 0 : index
      %get3A_2884 = tpu.vector_load %arg6[%get3A_2881, %get3A_2882, %get3A_2883] {strides = array<i32>} : memref<32x8x64xf32, #tpu.memory_space<vmem>>, vector<1x1x16xf32>,
      %get3A_2885 = vector.shape_cast %get3A_2884 : vector<1x1x16xf32> to vector<16xf32>
      %swap3A_2886 = arith.constant 1 : i32
      %swap3A_2887 = arith.constant 11 : i32
      %swap3A_2888 = arith.index_cast %swap3A_2886 : i32 to index
      %swap3A_2889 = arith.index_cast %swap3A_2887 : i32 to index
      %swap3A_2890 = arith.constant 0 : index
      %swap3A_2891 = tpu.vector_load %arg7[%swap3A_2888, %swap3A_2889, %swap3A_2890] {strides = array<i32>} : memref<2x16x64xf32, #tpu.memory_space<vmem>>, vector<1x1x16xf32>,
      %swap3A_2892 = vector.shape_cast %swap3A_2891 : vector<1x1x16xf32> to vector<16xf32>
      %swap3A_2893 = vector.shape_cast %get3A_2885 : vector<16xf32> to vector<1x1x16xf32>
      tpu.vector_store %arg7[%swap3A_2888, %swap3A_2889, %swap3A_2890], %swap3A_2893 {strides = array<i32>} : memref<2x16x64xf32, #tpu.memory_space<vmem>>, vector<1x1x16xf32>,
      %get3A_2894 = arith.constant 27 : i32
      %get3A_2895 = arith.index_cast %get3A_2894 : i32 to index
      %get3A_2896 = arith.index_cast %and3A_2879 : i32 to index
      %get3A_2897 = arith.constant 16 : index
      %get3A_2898 = tpu.vector_load %arg6[%get3A_2895, %get3A_2896, %get3A_2897] {strides = array<i32>} : memref<32x8x64xf32, #tpu.memory_space<vmem>>, vector<1x1x16xf32>,
      %get3A_2899 = vector.shape_cast %get3A_2898 : vector<1x1x16xf32> to vector<16xf32>
      %swap3A_2900 = arith.constant 1 : i32
      %swap3A_2901 = arith.constant 11 : i32
      %swap3A_2902 = arith.index_cast %swap3A_2900 : i32 to index
      %swap3A_2903 = arith.index_cast %swap3A_2901 : i32 to index
      %swap3A_2904 = arith.constant 16 : index
      %swap3A_2905 = tpu.vector_load %arg7[%swap3A_2902, %swap3A_2903, %swap3A_2904] {strides = array<i32>} : memref<2x16x64xf32, #tpu.memory_space<vmem>>, vector<1x1x16xf32>,
      %swap3A_2906 = vector.shape_cast %swap3A_2905 : vector<1x1x16xf32> to vector<16xf32>
      %swap3A_2907 = vector.shape_cast %get3A_2899 : vector<16xf32> to vector<1x1x16xf32>
      tpu.vector_store %arg7[%swap3A_2902, %swap3A_2903, %swap3A_2904], %swap3A_2907 {strides = array<i32>} : memref<2x16x64xf32, #tpu.memory_space<vmem>>, vector<1x1x16xf32>,
      %get3A_2908 = arith.constant 27 : i32
      %get3A_2909 = arith.index_cast %get3A_2908 : i32 to index
      %get3A_2910 = arith.index_cast %and3A_2879 : i32 to index
      %get3A_2911 = arith.constant 32 : index
      %get3A_2912 = tpu.vector_load %arg6[%get3A_2909, %get3A_2910, %get3A_2911] {strides = array<i32>} : memref<32x8x64xf32, #tpu.memory_space<vmem>>, vector<1x1x16xf32>,
      %get3A_2913 = vector.shape_cast %get3A_2912 : vector<1x1x16xf32> to vector<16xf32>
      %swap3A_2914 = arith.constant 1 : i32
      %swap3A_2915 = arith.constant 11 : i32
      %swap3A_2916 = arith.index_cast %swap3A_2914 : i32 to index
      %swap3A_2917 = arith.index_cast %swap3A_2915 : i32 to index
      %swap3A_2918 = arith.constant 32 : index
      %swap3A_2919 = tpu.vector_load %arg7[%swap3A_2916, %swap3A_2917, %swap3A_2918] {strides = array<i32>} : memref<2x16x64xf32, #tpu.memory_space<vmem>>, vector<1x1x16xf32>,
      %swap3A_2920 = vector.shape_cast %swap3A_2919 : vector<1x1x16xf32> to vector<16xf32>
      %swap3A_2921 = vector.shape_cast %get3A_2913 : vector<16xf32> to vector<1x1x16xf32>
      tpu.vector_store %arg7[%swap3A_2916, %swap3A_2917, %swap3A_2918], %swap3A_2921 {strides = array<i32>} : memref<2x16x64xf32, #tpu.memory_space<vmem>>, vector<1x1x16xf32>,
      %get3A_2922 = arith.constant 27 : i32
      %get3A_2923 = arith.index_cast %get3A_2922 : i32 to index
      %get3A_2924 = arith.index_cast %and3A_2879 : i32 to index
      %get3A_2925 = arith.constant 48 : index
      %get3A_2926 = tpu.vector_load %arg6[%get3A_2923, %get3A_2924, %get3A_2925] {strides = array<i32>} : memref<32x8x64xf32, #tpu.memory_space<vmem>>, vector<1x1x16xf32>,
      %get3A_2927 = vector.shape_cast %get3A_2926 : vector<1x1x16xf32> to vector<16xf32>
      %swap3A_2928 = arith.constant 1 : i32
      %swap3A_2929 = arith.constant 11 : i32
      %swap3A_2930 = arith.index_cast %swap3A_2928 : i32 to index
      %swap3A_2931 = arith.index_cast %swap3A_2929 : i32 to index
      %swap3A_2932 = arith.constant 48 : index
      %swap3A_2933 = tpu.vector_load %arg7[%swap3A_2930, %swap3A_2931, %swap3A_2932] {strides = array<i32>} : memref<2x16x64xf32, #tpu.memory_space<vmem>>, vector<1x1x16xf32>,
      %swap3A_2934 = vector.shape_cast %swap3A_2933 : vector<1x1x16xf32> to vector<16xf32>
      %swap3A_2935 = vector.shape_cast %get3A_2927 : vector<16xf32> to vector<1x1x16xf32>
      tpu.vector_store %arg7[%swap3A_2930, %swap3A_2931, %swap3A_2932], %swap3A_2935 {strides = array<i32>} : memref<2x16x64xf32, #tpu.memory_space<vmem>>, vector<1x1x16xf32>,
      %slice3A_2936 = vector.extract_strided_slice %get3A_1975 {offsets = [12], sizes = [1], strides = [1]} : vector<16xi32> to vector<1xi32>
      %squeeze3A_2937 = vector.extract %slice3A_2936[0] : i32 from vector<1xi32>
      %and3A_2938 = arith.constant 7 : i32
      %and3A_2939 = arith.andi %squeeze3A_2937, %and3A_2938 : i32
      %get3A_2940 = arith.constant 28 : i32
      %get3A_2941 = arith.index_cast %get3A_2940 : i32 to index
      %get3A_2942 = arith.index_cast %and3A_2939 : i32 to index
      %get3A_2943 = arith.constant 0 : index
      %get3A_2944 = tpu.vector_load %arg6[%get3A_2941, %get3A_2942, %get3A_2943] {strides = array<i32>} : memref<32x8x64xf32, #tpu.memory_space<vmem>>, vector<1x1x16xf32>,
      %get3A_2945 = vector.shape_cast %get3A_2944 : vector<1x1x16xf32> to vector<16xf32>
      %swap3A_2946 = arith.constant 1 : i32
      %swap3A_2947 = arith.constant 12 : i32
      %swap3A_2948 = arith.index_cast %swap3A_2946 : i32 to index
      %swap3A_2949 = arith.index_cast %swap3A_2947 : i32 to index
      %swap3A_2950 = arith.constant 0 : index
      %swap3A_2951 = tpu.vector_load %arg7[%swap3A_2948, %swap3A_2949, %swap3A_2950] {strides = array<i32>} : memref<2x16x64xf32, #tpu.memory_space<vmem>>, vector<1x1x16xf32>,
      %swap3A_2952 = vector.shape_cast %swap3A_2951 : vector<1x1x16xf32> to vector<16xf32>
      %swap3A_2953 = vector.shape_cast %get3A_2945 : vector<16xf32> to vector<1x1x16xf32>
      tpu.vector_store %arg7[%swap3A_2948, %swap3A_2949, %swap3A_2950], %swap3A_2953 {strides = array<i32>} : memref<2x16x64xf32, #tpu.memory_space<vmem>>, vector<1x1x16xf32>,
      %get3A_2954 = arith.constant 28 : i32
      %get3A_2955 = arith.index_cast %get3A_2954 : i32 to index
      %get3A_2956 = arith.index_cast %and3A_2939 : i32 to index
      %get3A_2957 = arith.constant 16 : index
      %get3A_2958 = tpu.vector_load %arg6[%get3A_2955, %get3A_2956, %get3A_2957] {strides = array<i32>} : memref<32x8x64xf32, #tpu.memory_space<vmem>>, vector<1x1x16xf32>,
      %get3A_2959 = vector.shape_cast %get3A_2958 : vector<1x1x16xf32> to vector<16xf32>
      %swap3A_2960 = arith.constant 1 : i32
      %swap3A_2961 = arith.constant 12 : i32
      %swap3A_2962 = arith.index_cast %swap3A_2960 : i32 to index
      %swap3A_2963 = arith.index_cast %swap3A_2961 : i32 to index
      %swap3A_2964 = arith.constant 16 : index
      %swap3A_2965 = tpu.vector_load %arg7[%swap3A_2962, %swap3A_2963, %swap3A_2964] {strides = array<i32>} : memref<2x16x64xf32, #tpu.memory_space<vmem>>, vector<1x1x16xf32>,
      %swap3A_2966 = vector.shape_cast %swap3A_2965 : vector<1x1x16xf32> to vector<16xf32>
      %swap3A_2967 = vector.shape_cast %get3A_2959 : vector<16xf32> to vector<1x1x16xf32>
      tpu.vector_store %arg7[%swap3A_2962, %swap3A_2963, %swap3A_2964], %swap3A_2967 {strides = array<i32>} : memref<2x16x64xf32, #tpu.memory_space<vmem>>, vector<1x1x16xf32>,
      %get3A_2968 = arith.constant 28 : i32
      %get3A_2969 = arith.index_cast %get3A_2968 : i32 to index
      %get3A_2970 = arith.index_cast %and3A_2939 : i32 to index
      %get3A_2971 = arith.constant 32 : index
      %get3A_2972 = tpu.vector_load %arg6[%get3A_2969, %get3A_2970, %get3A_2971] {strides = array<i32>} : memref<32x8x64xf32, #tpu.memory_space<vmem>>, vector<1x1x16xf32>,
      %get3A_2973 = vector.shape_cast %get3A_2972 : vector<1x1x16xf32> to vector<16xf32>
      %swap3A_2974 = arith.constant 1 : i32
      %swap3A_2975 = arith.constant 12 : i32
      %swap3A_2976 = arith.index_cast %swap3A_2974 : i32 to index
      %swap3A_2977 = arith.index_cast %swap3A_2975 : i32 to index
      %swap3A_2978 = arith.constant 32 : index
      %swap3A_2979 = tpu.vector_load %arg7[%swap3A_2976, %swap3A_2977, %swap3A_2978] {strides = array<i32>} : memref<2x16x64xf32, #tpu.memory_space<vmem>>, vector<1x1x16xf32>,
      %swap3A_2980 = vector.shape_cast %swap3A_2979 : vector<1x1x16xf32> to vector<16xf32>
      %swap3A_2981 = vector.shape_cast %get3A_2973 : vector<16xf32> to vector<1x1x16xf32>
      tpu.vector_store %arg7[%swap3A_2976, %swap3A_2977, %swap3A_2978], %swap3A_2981 {strides = array<i32>} : memref<2x16x64xf32, #tpu.memory_space<vmem>>, vector<1x1x16xf32>,
      %get3A_2982 = arith.constant 28 : i32
      %get3A_2983 = arith.index_cast %get3A_2982 : i32 to index
      %get3A_2984 = arith.index_cast %and3A_2939 : i32 to index
      %get3A_2985 = arith.constant 48 : index
      %get3A_2986 = tpu.vector_load %arg6[%get3A_2983, %get3A_2984, %get3A_2985] {strides = array<i32>} : memref<32x8x64xf32, #tpu.memory_space<vmem>>, vector<1x1x16xf32>,
      %get3A_2987 = vector.shape_cast %get3A_2986 : vector<1x1x16xf32> to vector<16xf32>
      %swap3A_2988 = arith.constant 1 : i32
      %swap3A_2989 = arith.constant 12 : i32
      %swap3A_2990 = arith.index_cast %swap3A_2988 : i32 to index
      %swap3A_2991 = arith.index_cast %swap3A_2989 : i32 to index
      %swap3A_2992 = arith.constant 48 : index
      %swap3A_2993 = tpu.vector_load %arg7[%swap3A_2990, %swap3A_2991, %swap3A_2992] {strides = array<i32>} : memref<2x16x64xf32, #tpu.memory_space<vmem>>, vector<1x1x16xf32>,
      %swap3A_2994 = vector.shape_cast %swap3A_2993 : vector<1x1x16xf32> to vector<16xf32>
      %swap3A_2995 = vector.shape_cast %get3A_2987 : vector<16xf32> to vector<1x1x16xf32>
      tpu.vector_store %arg7[%swap3A_2990, %swap3A_2991, %swap3A_2992], %swap3A_2995 {strides = array<i32>} : memref<2x16x64xf32, #tpu.memory_space<vmem>>, vector<1x1x16xf32>,
      %slice3A_2996 = vector.extract_strided_slice %get3A_1975 {offsets = [13], sizes = [1], strides = [1]} : vector<16xi32> to vector<1xi32>
      %squeeze3A_2997 = vector.extract %slice3A_2996[0] : i32 from vector<1xi32>
      %and3A_2998 = arith.constant 7 : i32
      %and3A_2999 = arith.andi %squeeze3A_2997, %and3A_2998 : i32
      %get3A_3000 = arith.constant 29 : i32
      %get3A_3001 = arith.index_cast %get3A_3000 : i32 to index
      %get3A_3002 = arith.index_cast %and3A_2999 : i32 to index
      %get3A_3003 = arith.constant 0 : index
      %get3A_3004 = tpu.vector_load %arg6[%get3A_3001, %get3A_3002, %get3A_3003] {strides = array<i32>} : memref<32x8x64xf32, #tpu.memory_space<vmem>>, vector<1x1x16xf32>,
      %get3A_3005 = vector.shape_cast %get3A_3004 : vector<1x1x16xf32> to vector<16xf32>
      %swap3A_3006 = arith.constant 1 : i32
      %swap3A_3007 = arith.constant 13 : i32
      %swap3A_3008 = arith.index_cast %swap3A_3006 : i32 to index
      %swap3A_3009 = arith.index_cast %swap3A_3007 : i32 to index
      %swap3A_3010 = arith.constant 0 : index
      %swap3A_3011 = tpu.vector_load %arg7[%swap3A_3008, %swap3A_3009, %swap3A_3010] {strides = array<i32>} : memref<2x16x64xf32, #tpu.memory_space<vmem>>, vector<1x1x16xf32>,
      %swap3A_3012 = vector.shape_cast %swap3A_3011 : vector<1x1x16xf32> to vector<16xf32>
      %swap3A_3013 = vector.shape_cast %get3A_3005 : vector<16xf32> to vector<1x1x16xf32>
      tpu.vector_store %arg7[%swap3A_3008, %swap3A_3009, %swap3A_3010], %swap3A_3013 {strides = array<i32>} : memref<2x16x64xf32, #tpu.memory_space<vmem>>, vector<1x1x16xf32>,
      %get3A_3014 = arith.constant 29 : i32
      %get3A_3015 = arith.index_cast %get3A_3014 : i32 to index
      %get3A_3016 = arith.index_cast %and3A_2999 : i32 to index
      %get3A_3017 = arith.constant 16 : index
      %get3A_3018 = tpu.vector_load %arg6[%get3A_3015, %get3A_3016, %get3A_3017] {strides = array<i32>} : memref<32x8x64xf32, #tpu.memory_space<vmem>>, vector<1x1x16xf32>,
      %get3A_3019 = vector.shape_cast %get3A_3018 : vector<1x1x16xf32> to vector<16xf32>
      %swap3A_3020 = arith.constant 1 : i32
      %swap3A_3021 = arith.constant 13 : i32
      %swap3A_3022 = arith.index_cast %swap3A_3020 : i32 to index
      %swap3A_3023 = arith.index_cast %swap3A_3021 : i32 to index
      %swap3A_3024 = arith.constant 16 : index
      %swap3A_3025 = tpu.vector_load %arg7[%swap3A_3022, %swap3A_3023, %swap3A_3024] {strides = array<i32>} : memref<2x16x64xf32, #tpu.memory_space<vmem>>, vector<1x1x16xf32>,
      %swap3A_3026 = vector.shape_cast %swap3A_3025 : vector<1x1x16xf32> to vector<16xf32>
      %swap3A_3027 = vector.shape_cast %get3A_3019 : vector<16xf32> to vector<1x1x16xf32>
      tpu.vector_store %arg7[%swap3A_3022, %swap3A_3023, %swap3A_3024], %swap3A_3027 {strides = array<i32>} : memref<2x16x64xf32, #tpu.memory_space<vmem>>, vector<1x1x16xf32>,
      %get3A_3028 = arith.constant 29 : i32
      %get3A_3029 = arith.index_cast %get3A_3028 : i32 to index
      %get3A_3030 = arith.index_cast %and3A_2999 : i32 to index
      %get3A_3031 = arith.constant 32 : index
      %get3A_3032 = tpu.vector_load %arg6[%get3A_3029, %get3A_3030, %get3A_3031] {strides = array<i32>} : memref<32x8x64xf32, #tpu.memory_space<vmem>>, vector<1x1x16xf32>,
      %get3A_3033 = vector.shape_cast %get3A_3032 : vector<1x1x16xf32> to vector<16xf32>
      %swap3A_3034 = arith.constant 1 : i32
      %swap3A_3035 = arith.constant 13 : i32
      %swap3A_3036 = arith.index_cast %swap3A_3034 : i32 to index
      %swap3A_3037 = arith.index_cast %swap3A_3035 : i32 to index
      %swap3A_3038 = arith.constant 32 : index
      %swap3A_3039 = tpu.vector_load %arg7[%swap3A_3036, %swap3A_3037, %swap3A_3038] {strides = array<i32>} : memref<2x16x64xf32, #tpu.memory_space<vmem>>, vector<1x1x16xf32>,
      %swap3A_3040 = vector.shape_cast %swap3A_3039 : vector<1x1x16xf32> to vector<16xf32>
      %swap3A_3041 = vector.shape_cast %get3A_3033 : vector<16xf32> to vector<1x1x16xf32>
      tpu.vector_store %arg7[%swap3A_3036, %swap3A_3037, %swap3A_3038], %swap3A_3041 {strides = array<i32>} : memref<2x16x64xf32, #tpu.memory_space<vmem>>, vector<1x1x16xf32>,
      %get3A_3042 = arith.constant 29 : i32
      %get3A_3043 = arith.index_cast %get3A_3042 : i32 to index
      %get3A_3044 = arith.index_cast %and3A_2999 : i32 to index
      %get3A_3045 = arith.constant 48 : index
      %get3A_3046 = tpu.vector_load %arg6[%get3A_3043, %get3A_3044, %get3A_3045] {strides = array<i32>} : memref<32x8x64xf32, #tpu.memory_space<vmem>>, vector<1x1x16xf32>,
      %get3A_3047 = vector.shape_cast %get3A_3046 : vector<1x1x16xf32> to vector<16xf32>
      %swap3A_3048 = arith.constant 1 : i32
      %swap3A_3049 = arith.constant 13 : i32
      %swap3A_3050 = arith.index_cast %swap3A_3048 : i32 to index
      %swap3A_3051 = arith.index_cast %swap3A_3049 : i32 to index
      %swap3A_3052 = arith.constant 48 : index
      %swap3A_3053 = tpu.vector_load %arg7[%swap3A_3050, %swap3A_3051, %swap3A_3052] {strides = array<i32>} : memref<2x16x64xf32, #tpu.memory_space<vmem>>, vector<1x1x16xf32>,
      %swap3A_3054 = vector.shape_cast %swap3A_3053 : vector<1x1x16xf32> to vector<16xf32>
      %swap3A_3055 = vector.shape_cast %get3A_3047 : vector<16xf32> to vector<1x1x16xf32>
      tpu.vector_store %arg7[%swap3A_3050, %swap3A_3051, %swap3A_3052], %swap3A_3055 {strides = array<i32>} : memref<2x16x64xf32, #tpu.memory_space<vmem>>, vector<1x1x16xf32>,
      %slice3A_3056 = vector.extract_strided_slice %get3A_1975 {offsets = [14], sizes = [1], strides = [1]} : vector<16xi32> to vector<1xi32>
      %squeeze3A_3057 = vector.extract %slice3A_3056[0] : i32 from vector<1xi32>
      %and3A_3058 = arith.constant 7 : i32
      %and3A_3059 = arith.andi %squeeze3A_3057, %and3A_3058 : i32
      %get3A_3060 = arith.constant 30 : i32
      %get3A_3061 = arith.index_cast %get3A_3060 : i32 to index
      %get3A_3062 = arith.index_cast %and3A_3059 : i32 to index
      %get3A_3063 = arith.constant 0 : index
      %get3A_3064 = tpu.vector_load %arg6[%get3A_3061, %get3A_3062, %get3A_3063] {strides = array<i32>} : memref<32x8x64xf32, #tpu.memory_space<vmem>>, vector<1x1x16xf32>,
      %get3A_3065 = vector.shape_cast %get3A_3064 : vector<1x1x16xf32> to vector<16xf32>
      %swap3A_3066 = arith.constant 1 : i32
      %swap3A_3067 = arith.constant 14 : i32
      %swap3A_3068 = arith.index_cast %swap3A_3066 : i32 to index
      %swap3A_3069 = arith.index_cast %swap3A_3067 : i32 to index
      %swap3A_3070 = arith.constant 0 : index
      %swap3A_3071 = tpu.vector_load %arg7[%swap3A_3068, %swap3A_3069, %swap3A_3070] {strides = array<i32>} : memref<2x16x64xf32, #tpu.memory_space<vmem>>, vector<1x1x16xf32>,
      %swap3A_3072 = vector.shape_cast %swap3A_3071 : vector<1x1x16xf32> to vector<16xf32>
      %swap3A_3073 = vector.shape_cast %get3A_3065 : vector<16xf32> to vector<1x1x16xf32>
      tpu.vector_store %arg7[%swap3A_3068, %swap3A_3069, %swap3A_3070], %swap3A_3073 {strides = array<i32>} : memref<2x16x64xf32, #tpu.memory_space<vmem>>, vector<1x1x16xf32>,
      %get3A_3074 = arith.constant 30 : i32
      %get3A_3075 = arith.index_cast %get3A_3074 : i32 to index
      %get3A_3076 = arith.index_cast %and3A_3059 : i32 to index
      %get3A_3077 = arith.constant 16 : index
      %get3A_3078 = tpu.vector_load %arg6[%get3A_3075, %get3A_3076, %get3A_3077] {strides = array<i32>} : memref<32x8x64xf32, #tpu.memory_space<vmem>>, vector<1x1x16xf32>,
      %get3A_3079 = vector.shape_cast %get3A_3078 : vector<1x1x16xf32> to vector<16xf32>
      %swap3A_3080 = arith.constant 1 : i32
      %swap3A_3081 = arith.constant 14 : i32
      %swap3A_3082 = arith.index_cast %swap3A_3080 : i32 to index
      %swap3A_3083 = arith.index_cast %swap3A_3081 : i32 to index
      %swap3A_3084 = arith.constant 16 : index
      %swap3A_3085 = tpu.vector_load %arg7[%swap3A_3082, %swap3A_3083, %swap3A_3084] {strides = array<i32>} : memref<2x16x64xf32, #tpu.memory_space<vmem>>, vector<1x1x16xf32>,
      %swap3A_3086 = vector.shape_cast %swap3A_3085 : vector<1x1x16xf32> to vector<16xf32>
      %swap3A_3087 = vector.shape_cast %get3A_3079 : vector<16xf32> to vector<1x1x16xf32>
      tpu.vector_store %arg7[%swap3A_3082, %swap3A_3083, %swap3A_3084], %swap3A_3087 {strides = array<i32>} : memref<2x16x64xf32, #tpu.memory_space<vmem>>, vector<1x1x16xf32>,
      %get3A_3088 = arith.constant 30 : i32
      %get3A_3089 = arith.index_cast %get3A_3088 : i32 to index
      %get3A_3090 = arith.index_cast %and3A_3059 : i32 to index
      %get3A_3091 = arith.constant 32 : index
      %get3A_3092 = tpu.vector_load %arg6[%get3A_3089, %get3A_3090, %get3A_3091] {strides = array<i32>} : memref<32x8x64xf32, #tpu.memory_space<vmem>>, vector<1x1x16xf32>,
      %get3A_3093 = vector.shape_cast %get3A_3092 : vector<1x1x16xf32> to vector<16xf32>
      %swap3A_3094 = arith.constant 1 : i32
      %swap3A_3095 = arith.constant 14 : i32
      %swap3A_3096 = arith.index_cast %swap3A_3094 : i32 to index
      %swap3A_3097 = arith.index_cast %swap3A_3095 : i32 to index
      %swap3A_3098 = arith.constant 32 : index
      %swap3A_3099 = tpu.vector_load %arg7[%swap3A_3096, %swap3A_3097, %swap3A_3098] {strides = array<i32>} : memref<2x16x64xf32, #tpu.memory_space<vmem>>, vector<1x1x16xf32>,
      %swap3A_3100 = vector.shape_cast %swap3A_3099 : vector<1x1x16xf32> to vector<16xf32>
      %swap3A_3101 = vector.shape_cast %get3A_3093 : vector<16xf32> to vector<1x1x16xf32>
      tpu.vector_store %arg7[%swap3A_3096, %swap3A_3097, %swap3A_3098], %swap3A_3101 {strides = array<i32>} : memref<2x16x64xf32, #tpu.memory_space<vmem>>, vector<1x1x16xf32>,
      %get3A_3102 = arith.constant 30 : i32
      %get3A_3103 = arith.index_cast %get3A_3102 : i32 to index
      %get3A_3104 = arith.index_cast %and3A_3059 : i32 to index
      %get3A_3105 = arith.constant 48 : index
      %get3A_3106 = tpu.vector_load %arg6[%get3A_3103, %get3A_3104, %get3A_3105] {strides = array<i32>} : memref<32x8x64xf32, #tpu.memory_space<vmem>>, vector<1x1x16xf32>,
      %get3A_3107 = vector.shape_cast %get3A_3106 : vector<1x1x16xf32> to vector<16xf32>
      %swap3A_3108 = arith.constant 1 : i32
      %swap3A_3109 = arith.constant 14 : i32
      %swap3A_3110 = arith.index_cast %swap3A_3108 : i32 to index
      %swap3A_3111 = arith.index_cast %swap3A_3109 : i32 to index
      %swap3A_3112 = arith.constant 48 : index
      %swap3A_3113 = tpu.vector_load %arg7[%swap3A_3110, %swap3A_3111, %swap3A_3112] {strides = array<i32>} : memref<2x16x64xf32, #tpu.memory_space<vmem>>, vector<1x1x16xf32>,
      %swap3A_3114 = vector.shape_cast %swap3A_3113 : vector<1x1x16xf32> to vector<16xf32>
      %swap3A_3115 = vector.shape_cast %get3A_3107 : vector<16xf32> to vector<1x1x16xf32>
      tpu.vector_store %arg7[%swap3A_3110, %swap3A_3111, %swap3A_3112], %swap3A_3115 {strides = array<i32>} : memref<2x16x64xf32, #tpu.memory_space<vmem>>, vector<1x1x16xf32>,
      %slice3A_3116 = vector.extract_strided_slice %get3A_1975 {offsets = [15], sizes = [1], strides = [1]} : vector<16xi32> to vector<1xi32>
      %squeeze3A_3117 = vector.extract %slice3A_3116[0] : i32 from vector<1xi32>
      %and3A_3118 = arith.constant 7 : i32
      %and3A_3119 = arith.andi %squeeze3A_3117, %and3A_3118 : i32
      %get3A_3120 = arith.constant 31 : i32
      %get3A_3121 = arith.index_cast %get3A_3120 : i32 to index
      %get3A_3122 = arith.index_cast %and3A_3119 : i32 to index
      %get3A_3123 = arith.constant 0 : index
      %get3A_3124 = tpu.vector_load %arg6[%get3A_3121, %get3A_3122, %get3A_3123] {strides = array<i32>} : memref<32x8x64xf32, #tpu.memory_space<vmem>>, vector<1x1x16xf32>,
      %get3A_3125 = vector.shape_cast %get3A_3124 : vector<1x1x16xf32> to vector<16xf32>
      %swap3A_3126 = arith.constant 1 : i32
      %swap3A_3127 = arith.constant 15 : i32
      %swap3A_3128 = arith.index_cast %swap3A_3126 : i32 to index
      %swap3A_3129 = arith.index_cast %swap3A_3127 : i32 to index
      %swap3A_3130 = arith.constant 0 : index
      %swap3A_3131 = tpu.vector_load %arg7[%swap3A_3128, %swap3A_3129, %swap3A_3130] {strides = array<i32>} : memref<2x16x64xf32, #tpu.memory_space<vmem>>, vector<1x1x16xf32>,
      %swap3A_3132 = vector.shape_cast %swap3A_3131 : vector<1x1x16xf32> to vector<16xf32>
      %swap3A_3133 = vector.shape_cast %get3A_3125 : vector<16xf32> to vector<1x1x16xf32>
      tpu.vector_store %arg7[%swap3A_3128, %swap3A_3129, %swap3A_3130], %swap3A_3133 {strides = array<i32>} : memref<2x16x64xf32, #tpu.memory_space<vmem>>, vector<1x1x16xf32>,
      %get3A_3134 = arith.constant 31 : i32
      %get3A_3135 = arith.index_cast %get3A_3134 : i32 to index
      %get3A_3136 = arith.index_cast %and3A_3119 : i32 to index
      %get3A_3137 = arith.constant 16 : index
      %get3A_3138 = tpu.vector_load %arg6[%get3A_3135, %get3A_3136, %get3A_3137] {strides = array<i32>} : memref<32x8x64xf32, #tpu.memory_space<vmem>>, vector<1x1x16xf32>,
      %get3A_3139 = vector.shape_cast %get3A_3138 : vector<1x1x16xf32> to vector<16xf32>
      %swap3A_3140 = arith.constant 1 : i32
      %swap3A_3141 = arith.constant 15 : i32
      %swap3A_3142 = arith.index_cast %swap3A_3140 : i32 to index
      %swap3A_3143 = arith.index_cast %swap3A_3141 : i32 to index
      %swap3A_3144 = arith.constant 16 : index
      %swap3A_3145 = tpu.vector_load %arg7[%swap3A_3142, %swap3A_3143, %swap3A_3144] {strides = array<i32>} : memref<2x16x64xf32, #tpu.memory_space<vmem>>, vector<1x1x16xf32>,
      %swap3A_3146 = vector.shape_cast %swap3A_3145 : vector<1x1x16xf32> to vector<16xf32>
      %swap3A_3147 = vector.shape_cast %get3A_3139 : vector<16xf32> to vector<1x1x16xf32>
      tpu.vector_store %arg7[%swap3A_3142, %swap3A_3143, %swap3A_3144], %swap3A_3147 {strides = array<i32>} : memref<2x16x64xf32, #tpu.memory_space<vmem>>, vector<1x1x16xf32>,
      %get3A_3148 = arith.constant 31 : i32
      %get3A_3149 = arith.index_cast %get3A_3148 : i32 to index
      %get3A_3150 = arith.index_cast %and3A_3119 : i32 to index
      %get3A_3151 = arith.constant 32 : index
      %get3A_3152 = tpu.vector_load %arg6[%get3A_3149, %get3A_3150, %get3A_3151] {strides = array<i32>} : memref<32x8x64xf32, #tpu.memory_space<vmem>>, vector<1x1x16xf32>,
      %get3A_3153 = vector.shape_cast %get3A_3152 : vector<1x1x16xf32> to vector<16xf32>
      %swap3A_3154 = arith.constant 1 : i32
      %swap3A_3155 = arith.constant 15 : i32
      %swap3A_3156 = arith.index_cast %swap3A_3154 : i32 to index
      %swap3A_3157 = arith.index_cast %swap3A_3155 : i32 to index
      %swap3A_3158 = arith.constant 32 : index
      %swap3A_3159 = tpu.vector_load %arg7[%swap3A_3156, %swap3A_3157, %swap3A_3158] {strides = array<i32>} : memref<2x16x64xf32, #tpu.memory_space<vmem>>, vector<1x1x16xf32>,
      %swap3A_3160 = vector.shape_cast %swap3A_3159 : vector<1x1x16xf32> to vector<16xf32>
      %swap3A_3161 = vector.shape_cast %get3A_3153 : vector<16xf32> to vector<1x1x16xf32>
      tpu.vector_store %arg7[%swap3A_3156, %swap3A_3157, %swap3A_3158], %swap3A_3161 {strides = array<i32>} : memref<2x16x64xf32, #tpu.memory_space<vmem>>, vector<1x1x16xf32>,
      %get3A_3162 = arith.constant 31 : i32
      %get3A_3163 = arith.index_cast %get3A_3162 : i32 to index
      %get3A_3164 = arith.index_cast %and3A_3119 : i32 to index
      %get3A_3165 = arith.constant 48 : index
      %get3A_3166 = tpu.vector_load %arg6[%get3A_3163, %get3A_3164, %get3A_3165] {strides = array<i32>} : memref<32x8x64xf32, #tpu.memory_space<vmem>>, vector<1x1x16xf32>,
      %get3A_3167 = vector.shape_cast %get3A_3166 : vector<1x1x16xf32> to vector<16xf32>
      %swap3A_3168 = arith.constant 1 : i32
      %swap3A_3169 = arith.constant 15 : i32
      %swap3A_3170 = arith.index_cast %swap3A_3168 : i32 to index
      %swap3A_3171 = arith.index_cast %swap3A_3169 : i32 to index
      %swap3A_3172 = arith.constant 48 : index
      %swap3A_3173 = tpu.vector_load %arg7[%swap3A_3170, %swap3A_3171, %swap3A_3172] {strides = array<i32>} : memref<2x16x64xf32, #tpu.memory_space<vmem>>, vector<1x1x16xf32>,
      %swap3A_3174 = vector.shape_cast %swap3A_3173 : vector<1x1x16xf32> to vector<16xf32>
      %swap3A_3175 = vector.shape_cast %get3A_3167 : vector<16xf32> to vector<1x1x16xf32>
      tpu.vector_store %arg7[%swap3A_3170, %swap3A_3171, %swap3A_3172], %swap3A_3175 {strides = array<i32>} : memref<2x16x64xf32, #tpu.memory_space<vmem>>, vector<1x1x16xf32>,
      %add3A_3176 = arith.constant 1 : i32
      %add3A_3177 = arith.addi %mul3A_325, %add3A_3176 : i32
      %mul3A_3178 = arith.constant 16 : i32
      %mul3A_3179 = arith.muli %add3A_3177, %mul3A_3178 : i32
      %add3A_3180 = arith.addi %mul3A_2, %mul3A_3179 : i32
      %dma_start3A_3181 = arith.constant 1 : i32
      %dma_start3A_3182 = arith.constant 0 : i32
      %dma_start3A_3183 = arith.constant 0 : i32
      %dma_start3A_3184 = tpu.memref_slice %arg7[%dma_start3A_3181, %dma_start3A_3182, %dma_start3A_3183] : memref<2x16x64xf32, #tpu.memory_space<vmem>> -> memref<1x16x64xf32, #tpu.memory_space<vmem>>
      %dma_start3A_3185 = tpu.memref_squeeze %dma_start3A_3184 : memref<1x16x64xf32, #tpu.memory_space<vmem>> -> memref<16x64xf32, #tpu.memory_space<vmem>>
      %dma_start3A_3186 = arith.constant 0 : i32
      %dma_start3A_3187 = tpu.memref_slice %arg4[%add3A_3180, %dma_start3A_3186] : memref<65536x64xf32, #tpu.memory_space<hbm>> -> memref<16x64xf32, #tpu.memory_space<hbm>>
      %dma_start3A_3188 = arith.constant 0 : i32
      %dma_start3A_3189 = tpu.memref_slice %arg4[%add3A_3180, %dma_start3A_3188] : memref<65536x64xf32, #tpu.memory_space<hbm>> -> memref<16x64xf32, #tpu.memory_space<hbm>>
      %dma_start3A_3190 = arith.constant 0 : i32
      %dma_start3A_3191 = arith.constant 0 : i32
      %dma_start3A_3192 = tpu.memref_slice %arg7[%dma_start3A_3181, %dma_start3A_3190, %dma_start3A_3191] : memref<2x16x64xf32, #tpu.memory_space<vmem>> -> memref<1x16x64xf32, #tpu.memory_space<vmem>>
      %dma_start3A_3193 = tpu.memref_squeeze %dma_start3A_3192 : memref<1x16x64xf32, #tpu.memory_space<vmem>> -> memref<16x64xf32, #tpu.memory_space<vmem>>
      tpu.enqueue_dma source(%dma_start3A_3193 : memref<16x64xf32, #tpu.memory_space<vmem>>) target(%dma_start3A_3189 : memref<16x64xf32, #tpu.memory_space<hbm>>) target_semaphore(%arg11 : memref<!tpu.dma_semaphore, #tpu.memory_space<semaphore_mem>>)
    }
    %scan3A_293 = arith.constant 64 : i32
    %dma_wait3A = arith.constant 0 : i32
    %dma_wait3A_294 = arith.constant 0 : i32
    %dma_wait3A_295 = arith.constant 0 : i32
    %dma_wait3A_296 = tpu.memref_slice %arg7[%dma_wait3A, %dma_wait3A_294, %dma_wait3A_295] : memref<2x16x64xf32, #tpu.memory_space<vmem>> -> memref<1x16x64xf32, #tpu.memory_space<vmem>>
    %dma_wait3A_297 = tpu.memref_squeeze %dma_wait3A_296 : memref<1x16x64xf32, #tpu.memory_space<vmem>> -> memref<16x64xf32, #tpu.memory_space<vmem>>
    %dma_wait3A_298 = arith.constant 0 : i32
    %dma_wait3A_299 = tpu.memref_slice %arg4[%mul3A_2, %dma_wait3A_298] : memref<65536x64xf32, #tpu.memory_space<hbm>> -> memref<16x64xf32, #tpu.memory_space<hbm>>
    %dma_wait3A_300 = arith.constant 0 : i32
    %dma_wait3A_301 = tpu.memref_slice %arg4[%mul3A_2, %dma_wait3A_300] : memref<65536x64xf32, #tpu.memory_space<hbm>> -> memref<16x64xf32, #tpu.memory_space<hbm>>
    %dma_wait3A_302 = arith.constant 0 : i32
    %dma_wait3A_303 = arith.constant 0 : i32
    %dma_wait3A_304 = tpu.memref_slice %arg7[%dma_wait3A, %dma_wait3A_302, %dma_wait3A_303] : memref<2x16x64xf32, #tpu.memory_space<vmem>> -> memref<1x16x64xf32, #tpu.memory_space<vmem>>
    %dma_wait3A_305 = tpu.memref_squeeze %dma_wait3A_304 : memref<1x16x64xf32, #tpu.memory_space<vmem>> -> memref<16x64xf32, #tpu.memory_space<vmem>>
    tpu.wait_dma2 semaphore(%arg10 : memref<!tpu.dma_semaphore, #tpu.memory_space<semaphore_mem>>) src(%dma_wait3A_305 : memref<16x64xf32, #tpu.memory_space<vmem>>) dst(%dma_wait3A_301 : memref<16x64xf32, #tpu.memory_space<hbm>>)
    %dma_wait3A_306 = arith.constant 1 : i32
    %dma_wait3A_307 = arith.constant 0 : i32
    %dma_wait3A_308 = arith.constant 0 : i32
    %dma_wait3A_309 = tpu.memref_slice %arg7[%dma_wait3A_306, %dma_wait3A_307, %dma_wait3A_308] : memref<2x16x64xf32, #tpu.memory_space<vmem>> -> memref<1x16x64xf32, #tpu.memory_space<vmem>>
    %dma_wait3A_310 = tpu.memref_squeeze %dma_wait3A_309 : memref<1x16x64xf32, #tpu.memory_space<vmem>> -> memref<16x64xf32, #tpu.memory_space<vmem>>
    %dma_wait3A_311 = arith.constant 0 : i32
    %dma_wait3A_312 = tpu.memref_slice %arg4[%mul3A_2, %dma_wait3A_311] : memref<65536x64xf32, #tpu.memory_space<hbm>> -> memref<16x64xf32, #tpu.memory_space<hbm>>
    %dma_wait3A_313 = arith.constant 0 : i32
    %dma_wait3A_314 = tpu.memref_slice %arg4[%mul3A_2, %dma_wait3A_313] : memref<65536x64xf32, #tpu.memory_space<hbm>> -> memref<16x64xf32, #tpu.memory_space<hbm>>
    %dma_wait3A_315 = arith.constant 0 : i32
    %dma_wait3A_316 = arith.constant 0 : i32
    %dma_wait3A_317 = tpu.memref_slice %arg7[%dma_wait3A_306, %dma_wait3A_315, %dma_wait3A_316] : memref<2x16x64xf32, #tpu.memory_space<vmem>> -> memref<1x16x64xf32, #tpu.memory_space<vmem>>
    %dma_wait3A_318 = tpu.memref_squeeze %dma_wait3A_317 : memref<1x16x64xf32, #tpu.memory_space<vmem>> -> memref<16x64xf32, #tpu.memory_space<vmem>>
    tpu.wait_dma2 semaphore(%arg11 : memref<!tpu.dma_semaphore, #tpu.memory_space<semaphore_mem>>) src(%dma_wait3A_318 : memref<16x64xf32, #tpu.memory_space<vmem>>) dst(%dma_wait3A_314 : memref<16x64xf32, #tpu.memory_space<hbm>>)
    return
  }
}

module attributes {stable_mosaic.version = 14 : i64} {
  func.func @body(%arg0: i32, %arg1: memref<4096x64xf32, #tpu.memory_space<vmem>>, %arg2: memref<64x64xf32, #tpu.memory_space<vmem>>, %arg3: memref<1x64xf32, #tpu.memory_space<vmem>>, %arg4: memref<64x64xf32, #tpu.memory_space<vmem>>, %arg5: memref<1x64xf32, #tpu.memory_space<vmem>>, %arg6: memref<4096x64xf32, #tpu.memory_space<vmem>>) attributes {dimension_semantics = [#tpu.dimension_semantics<arbitrary>], iteration_bounds = array<i64: 16>, scalar_prefetch = 0 : i64, scratch_operands = 0 : i64, tpu.core_type = #tpu.core_type<tc>, window_params = [{transform_indices = @transform_0, window_bounds = array<i64: 4096, 64>}, {pipeline_mode = #tpu.pipeline_mode<synchronous>, transform_indices = @transform_1, window_bounds = array<i64: 64, 64>}, {pipeline_mode = #tpu.pipeline_mode<synchronous>, transform_indices = @transform_2, window_bounds = array<i64: 1, 64>}, {pipeline_mode = #tpu.pipeline_mode<synchronous>, transform_indices = @transform_3, window_bounds = array<i64: 64, 64>}, {pipeline_mode = #tpu.pipeline_mode<synchronous>, transform_indices = @transform_4, window_bounds = array<i64: 1, 64>}, {transform_indices = @transform_5, window_bounds = array<i64: 4096, 64>}]} {
    %get3A = arith.constant 0 : index
    %get3A_0 = arith.constant 0 : index
    %get3A_1 = vector.load %arg1[%get3A, %get3A_0] : memref<4096x64xf32, #tpu.memory_space<vmem>>, vector<4096x64xf32>
    %get3A_2 = arith.constant 0 : index
    %get3A_3 = arith.constant 0 : index
    %get3A_4 = vector.load %arg2[%get3A_2, %get3A_3] : memref<64x64xf32, #tpu.memory_space<vmem>>, vector<64x64xf32>
    %dot_general3A = arith.constant dense<0.000000e+00> : vector<4096x64xf32>
    %dot_general3A_5 = tpu.matmul %get3A_1, %get3A_4, %dot_general3A {dimension_numbers = #tpu.dot_dimension_numbers<[1], [0], [0], [1], [0, 0, 1, 1], [], []>, transpose_lhs_hint = false} : vector<4096x64xf32>, vector<64x64xf32>, vector<4096x64xf32> -> vector<4096x64xf32>
    %get3A_6 = arith.constant 0 : index
    %get3A_7 = arith.constant 0 : index
    %get3A_8 = vector.load %arg3[%get3A_6, %get3A_7] : memref<1x64xf32, #tpu.memory_space<vmem>>, vector<1x64xf32>
    %add3A = vector.broadcast %get3A_8 : vector<1x64xf32> to vector<4096x64xf32>
    %add3A_9 = arith.addf %dot_general3A_5, %add3A : vector<4096x64xf32>
    %max3A = arith.constant 0.000000e+00 : f32
    %max3A_10 = vector.broadcast %max3A : f32 to vector<4096x64xf32>
    %max3A_11 = arith.maximumf %add3A_9, %max3A_10 : vector<4096x64xf32>
    %get3A_12 = arith.constant 0 : index
    %get3A_13 = arith.constant 0 : index
    %get3A_14 = vector.load %arg4[%get3A_12, %get3A_13] : memref<64x64xf32, #tpu.memory_space<vmem>>, vector<64x64xf32>
    %dot_general3A_15 = arith.constant dense<0.000000e+00> : vector<4096x64xf32>
    %dot_general3A_16 = tpu.matmul %max3A_11, %get3A_14, %dot_general3A_15 {dimension_numbers = #tpu.dot_dimension_numbers<[1], [0], [0], [1], [0, 0, 1, 1], [], []>, transpose_lhs_hint = false} : vector<4096x64xf32>, vector<64x64xf32>, vector<4096x64xf32> -> vector<4096x64xf32>
    %get3A_17 = arith.constant 0 : index
    %get3A_18 = arith.constant 0 : index
    %get3A_19 = vector.load %arg5[%get3A_17, %get3A_18] : memref<1x64xf32, #tpu.memory_space<vmem>>, vector<1x64xf32>
    %add3A_20 = vector.broadcast %get3A_19 : vector<1x64xf32> to vector<4096x64xf32>
    %add3A_21 = arith.addf %dot_general3A_16, %add3A_20 : vector<4096x64xf32>
    %swap3A = arith.constant 0 : index
    %swap3A_22 = arith.constant 0 : index
    %swap3A_23 = vector.load %arg6[%swap3A, %swap3A_22] : memref<4096x64xf32, #tpu.memory_space<vmem>>, vector<4096x64xf32>
    tpu.vector_store %arg6[%swap3A, %swap3A_22], %add3A_21 {strides = array<i32>} : memref<4096x64xf32, #tpu.memory_space<vmem>>, vector<4096x64xf32>,
    return
  }
  func.func @transform_0(%arg0: i32) -> (i32, i32) {
    %c0_i32 = arith.constant 0 : i32
    %c0_i32_0 = arith.constant 0 : i32
    return %arg0, %c0_i32 : i32, i32
  }
  func.func @transform_1(%arg0: i32) -> (i32, i32) {
    %c0_i32 = arith.constant 0 : i32
    %c0_i32_0 = arith.constant 0 : i32
    %c0_i32_1 = arith.constant 0 : i32
    return %c0_i32, %c0_i32_0 : i32, i32
  }
  func.func @transform_2(%arg0: i32) -> (i32, i32) {
    %c0_i32 = arith.constant 0 : i32
    %c0_i32_0 = arith.constant 0 : i32
    %c0_i32_1 = arith.constant 0 : i32
    return %c0_i32, %c0_i32_0 : i32, i32
  }
  func.func @transform_3(%arg0: i32) -> (i32, i32) {
    %c0_i32 = arith.constant 0 : i32
    %c0_i32_0 = arith.constant 0 : i32
    %c0_i32_1 = arith.constant 0 : i32
    return %c0_i32, %c0_i32_0 : i32, i32
  }
  func.func @transform_4(%arg0: i32) -> (i32, i32) {
    %c0_i32 = arith.constant 0 : i32
    %c0_i32_0 = arith.constant 0 : i32
    %c0_i32_1 = arith.constant 0 : i32
    return %c0_i32, %c0_i32_0 : i32, i32
  }
  func.func @transform_5(%arg0: i32) -> (i32, i32) {
    %c0_i32 = arith.constant 0 : i32
    %c0_i32_0 = arith.constant 0 : i32
    return %arg0, %c0_i32 : i32, i32
  }
}

</mosaic_0001>

<sc_bundles>
// kernel: kernel.4.cloned.1.call-start
scs
__scs_entry_jumppad:
0x0: {  	(pc) =	sbr.rel $0x88, $3  }
0x1: {  	(tag) =	ssettag $0x0;
	lr =	simm.s32 $0x1  }
0x2: {  	[smem:$0x3F9B] =	sst lr;
	_ =	strace $0xD0000000  }
0x3: {  	_ = 	snop  }
0x4: {  	_ = 	snop  }
0x5: {  	_ = 	snop  }
0x6: {  	_ = 	snop  }
0x7: {  	_ = 	snop  }
__scs_overlays_trampoline_lowered:
0x8: {  	[smem:$0x3FAA] =	sst s0  }
0x9: {  	[smem:$0x3FAB] =	sst s1  }
0xa: {  	[smem:$0x3FAC] =	sst s2  }
0xb: {  	[smem:$0x3FAD] =	sst s3  }
0xc: {  	[smem:$0x3FAE] =	sst s4  }
0xd: {  	[smem:$0x3FAF] =	sst s5  }
0xe: {  	[smem:$0x3FB0] =	sst s6  }
0xf: {  	[smem:$0x3FB1] =	sst s7  }
0x10: {  	[smem:$0x3FB2] =	sst s8  }
0x11: {  	[smem:$0x3FB3] =	sst s9;
	s0 =	simm.s32 @!p0 $0x0  }
0x12: {  	s1 =	sld [smem:$0x3F99];
	s0 =	simm.s32 @p0 $0x1  }
0x13: {  	[smem:$0x3FB4] =	sst s0;
	s0 =	simm.s32 @!p1 $0x0  }
0x14: {  	s2 =	sld [smem:$0x3F98];
	s0 =	simm.s32 @p1 $0x1  }
0x15: {  	[smem:$0x3FB5] =	sst s0;
	s0 =	simm.s32 @!p2 $0x0  }
0x16: {  	s3 =	sld [smem:$0x3FDB];
	s0 =	simm.s32 @p2 $0x1  }
0x17: {  	s4 =	simm.s32 $0x1BF5;
	[smem:$0x3FB7] =	sst s0  }
0x18: {  	s0 =	sld [smem:$0x3F9A];
	_ =	swait.ge [sflag:s4], $0x0  }
0x19: {  	s7 =	sld [smem:$0x3F9B]  }
0x1a: {  	s8 =	sadd.s32 $0xFFFFE003, lr  }
0x1b: {  	s9 =	sadd.s32 $0xFFFFFEF7, lr;
	s5 =	simm.s32 $0xFFFFFFFF;
	p2 =	slt.u32 s8, $0xFFFFF086  }
0x1c: {  	p1 =	slt.u32 s9, $0xF7A;
	s5 =	simm.s32 @!p2 $0x0  }
0x1d: {  	s5 =	simm.s32 @p1 $0x1;
	p0 =	seq.s32 s7, s2  }
0x1e: {  	s7 =	smul.u32 @!p0 $0xF7A, s2;
	p2 =	seq.s32 @!p0 s5, $0x0  }
0x1f: {  	s9 =	smul.u32 $0xF7A, s1;
	s8 =	simm.s32 @!p0 $0x1BF5;
	p2 =	por !p2, p0  }
0x20: {  	[sflag:s8] =	ssyncset.s32 @!p0 $0xFFFFF086;
	s6 =	sadd.s32 @!p0 s3, s7;
	s7 =	simm.s32 @!p0 $0x108  }
0x21: {  	s3 =	sadd.s32 s3, s9;
	s6 =	sadd.s32 @!p0 $0x88, s6;
	s7 =	simm.s32 @p2 $0x1082  }
0x22: {  	[simem:s7], [sflag:s8] =	dma.local @!p0 [hbm:s6], $0xF7A  }
0x23: {  	s9 =	sor.u32 $0xD0000000, s2;
	s6 =	simm.s32 $0x108;
	_ =	swait.ge @!p0 [sflag:s8], $0x0  }
0x24: {  	s3 =	sadd.s32 $0x88, s3;
	s6 =	simm.s32 @!p1 $0x1082;
	[sflag:s4] =	ssyncset.s32 $0xFFFFF086  }
0x25: {  	[simem:s6], [sflag:s4] =	dma.local [hbm:s3], $0xF7A  }
0x26: {  	[smem:$0x3F9B] =	sst s1;
	(tag) =	ssettag s2;
	_ =	strace s9  }
0x27: {  	s1 =	sld [smem:$0x3FAB]  }
0x28: {  	s2 =	sld [smem:$0x3FAC]  }
0x29: {  	s4 =	sld [smem:$0x3FAE]  }
0x2a: {  	p0 =	seq.s32 s5, $0x0;
	s5 =	sld [smem:$0x3FAF]  }
0x2b: {  	s6 =	sld [smem:$0x3FB0]  }
0x2c: {  	s7 =	sld [smem:$0x3FB1]  }
0x2d: {  	s3 =	simm.s32 $0x108;
	s8 =	sld [smem:$0x3FB2]  }
0x2e: {  	s3 =	simm.s32 @!p0 $0x1082;
	s9 =	sld [smem:$0x3FB3]  }
0x2f: {  	lr =	sadd.s32 s0, s3;
	s0 =	sld [smem:$0x3FAA]  }
0x30: {  	s3 =	sld [smem:$0x3FAD]  }
0x31: {  	[smem:$0x3FB6] =	sst s10  }
0x32: {  	s10 =	sld [smem:$0x3FB4];
	_ =	sdelay $0x3  }
0x33: {  	p0 =	seq.s32 s10, $0x1;
	s10 =	sld [smem:$0x3FB6];
	_ =	sdelay $0x3  }
0x34: {  	[smem:$0x3FB6] =	sst s10  }
0x35: {  	s10 =	sld [smem:$0x3FB5];
	_ =	sdelay $0x3  }
0x36: {  	p1 =	seq.s32 s10, $0x1;
	s10 =	sld [smem:$0x3FB6];
	_ =	sdelay $0x3  }
0x37: {  	[smem:$0x3FB6] =	sst s10  }
0x38: {  	s10 =	sld [smem:$0x3FB7]  }
0x39: {  	_ = 	snop;
	(pc) =	sbr.ind lr, $3  }
0x3a: {  	_ = 	snop  }
0x3b: {  	_ = 	snop  }
0x3c: {  	p2 =	seq.s32 s10, $0x1;
	s10 =	sld [smem:$0x3FB6]  }
0x3d: {  	_ =	shalt  }
0x3e: {  	_ =	shalt  }
0x3f: {  	_ =	shalt  }
0x40: {  	_ =	shalt  }
0x41: {  	_ =	shalt  }
0x42: {  	_ =	shalt  }
0x43: {  	_ =	shalt  }
0x44: {  	_ =	shalt  }
0x45: {  	_ =	shalt  }
0x46: {  	_ =	shalt  }
0x47: {  	_ =	shalt  }
0x48: {  	_ =	shalt  }
0x49: {  	_ =	shalt  }
0x4a: {  	_ =	shalt  }
0x4b: {  	_ =	shalt  }
0x4c: {  	_ =	shalt  }
0x4d: {  	_ =	shalt  }
0x4e: {  	_ =	shalt  }
0x4f: {  	_ =	shalt  }
0x50: {  	_ =	shalt  }
0x51: {  	_ =	shalt  }
0x52: {  	_ =	shalt  }
0x53: {  	_ =	shalt  }
0x54: {  	_ =	shalt  }
0x55: {  	_ =	shalt  }
0x56: {  	_ =	shalt  }
0x57: {  	_ =	shalt  }
0x58: {  	_ =	shalt  }
0x59: {  	_ =	shalt  }
0x5a: {  	_ =	shalt  }
0x5b: {  	_ =	shalt  }
0x5c: {  	_ =	shalt  }
0x5d: {  	_ =	shalt  }
0x5e: {  	_ =	shalt  }
0x5f: {  	_ =	shalt  }
0x60: {  	_ =	shalt  }
0x61: {  	_ =	shalt  }
0x62: {  	_ =	shalt  }
0x63: {  	_ =	shalt  }
0x64: {  	_ =	shalt  }
0x65: {  	_ =	shalt  }
0x66: {  	_ =	shalt  }
0x67: {  	_ =	shalt  }
0x68: {  	_ =	shalt  }
0x69: {  	_ =	shalt  }
0x6a: {  	_ =	shalt  }
0x6b: {  	_ =	shalt  }
0x6c: {  	_ =	shalt  }
0x6d: {  	_ =	shalt  }
0x6e: {  	_ =	shalt  }
0x6f: {  	_ =	shalt  }
0x70: {  	_ =	shalt  }
0x71: {  	_ =	shalt  }
0x72: {  	_ =	shalt  }
0x73: {  	_ =	shalt  }
0x74: {  	_ =	shalt  }
0x75: {  	_ =	shalt  }
0x76: {  	_ =	shalt  }
0x77: {  	_ =	shalt  }
0x78: {  	_ =	shalt  }
0x79: {  	_ =	shalt  }
0x7a: {  	_ =	shalt  }
0x7b: {  	_ =	shalt  }
0x7c: {  	_ =	shalt  }
0x7d: {  	_ =	shalt  }
0x7e: {  	_ =	shalt  }
0x7f: {  	_ =	shalt  }
0x80: {  	_ =	shalt  }
0x81: {  	_ =	shalt  }
0x82: {  	_ =	shalt  }
0x83: {  	_ =	shalt  }
0x84: {  	_ =	shalt  }
0x85: {  	_ =	shalt  }
0x86: {  	_ =	shalt  }
0x87: {  	_ =	shalt  }
.Lfunc_end0:
.L_simem_size_0:
called_computation_lowered:
.L_overlay_start_0:
0x88: {  	s2 =	sld [smem:$0x3FD9]  }
0x89: {  	s3 =	sld [smem:$0x3FFE];
	_ =	sdelay $0x1  }
0x8a: {  	s1 =	srdreg.scid  }
0x8b: {  	s0 =	sand.u32 $0x1, s1  }
0x8c: {  	s17 =	sshll.u32 s0, $0xA;
	s2 =	sadd.s32 s3, s2  }
0x8d: {  	s2 =	sadd.s32 s2, s17  }
0x8e: {  	[smem:$0x3FC2] =	sst s2  }
0x8f: {  	_ = 	snop  }
0x90: {  	s2 =	sld [smem:$0x3FD0];
	(tm) =	ssettm $0x1  }
0x91: {  	s18 =	sld [smem:$0x3FFB];
	_ =	sdelay $0x3  }
0x92: {  	_ =	strace s18  }
0x93: {  	s3 =	sld [smem:$0x3FFC];
	_ =	sdelay $0x3  }
0x94: {  	_ =	strace s3  }
0x95: {  	s3 =	sld [smem:$0x3FFD];
	_ =	sdelay $0x3  }
0x96: {  	_ =	strace s3  }
0x97: {  	_ =	strace $0x8FFFFFFF  }
0x98: {  	s19 =	sld [smem:$0x3FDB];
	_ =	sdelay $0x1  }
0x99: {  	s4 =	simm.s32 $_scs_section_size  }
0x9a: {  	s5 =	simm.s32 $_size__tile_overlayer_lowered;
	s6 =	simm.s32 $_tile_overlayer_lowered  }
0x9b: {  	s22 =	simm.s32 $0x1BFF;
	s21 =	sshll.u32 s6, $0x1;
	s3 =	sadd.s32 s4, s19  }
0x9c: {  	s7 =	simm.s32 $0x0;
	s20 =	sshll.u32 s5, $0x1;
	s5 =	sadd.s32 s21, s3  }
0x9d: {  	[timem:s7], [sflag:s22] =	dma.local [hbm:s5], s20  }
0x9e: {  	_ =	swait.ge [sflag:s22], s20  }
0x9f: {  	s4 =	ssub.s32 $0x0, s20;
	[sflag:s22] =	ssyncset.done $0x0  }
0xa0: {  	[sflag:s22] =	ssyncadd.s32 s4;
	_ =	sdelay $0x1  }
0xa1: {  	s23 =	simm.s32 $0x1B8B  }
0xa2: {  	_ =	swait.ge [sflag:s23], $0x1  }
0xa3: {  	[sflag:s23] =	ssyncset.done $0x0  }
0xa4: {  	s25 =	simm.s32 $0x1B8E;
	s24 =	sld [smem:$0x3FFE];
	[sflag:s23] =	ssyncadd.s32 $0xFFFFFFFF  }
0xa5: {  	s26 =	simm.s32 $execute0_lowered;
	[smem:$0x3FD2] =	sst s25  }
0xa6: {  	s5 =	sshll.u32 s26, $0x1;
	_ =	strace $0x80000046;
	[dreg:$0x1] =	wrdreg $0xFFFFFFFF  }
0xa7: {  	s28 =	simm.s32 $_size_execute0_lowered;
	s3 =	sadd.s32 s3, s5;
	[dreg:$0x0] =	wrdreg $0x0  }
0xa8: {  	s5 =	sshll.u32 s28, $0x1;
	[dreg:$0x2] =	wrdreg s3  }
0xa9: {  	[dreg:$0x3] =	wrdreg s5  }
0xaa: {  	[dreg:$0x4] =	wrdreg $0xC0  }
0xab: {  	_ =	task [dreg:s7], $0x5FFFF  }
0xac: {  	[dreg:$0x1] =	wrdreg $0xFFFFFFFF  }
0xad: {  	[dreg:$0x0] =	wrdreg $0x60  }
0xae: {  	[dreg:$0x2] =	wrdreg s24  }
0xaf: {  	[dreg:$0x3] =	wrdreg s2  }
0xb0: {  	[dreg:$0x4] =	wrdreg $0x9  }
0xb1: {  	_ =	task.clear_ibuf [dreg:s7], $0x5FFFF;
	_ =	strace $0x90000046  }
0xb2: {  	s29 =	simm.s32 $0x9;
	_ =	strace $0x80000048  }
0xb3: {  	_ =	swait.ge [sflag:s29], $0x1  }
0xb4: {  	[sflag:s29] =	ssyncadd.s32 $0xFFFFFFFF  }
0xb5: {  	_ =	strace $0x90000048  }
0xb6: {  	_ =	sfence  }
0xb7: {  	s30 =	sld [smem:$0x0];
	_ =	sdelay $0x2  }
0xb8: {  	s31 =	sshll.u32 s1, $0xD;
	s1 =	sshrl.u32 s1, $0x2  }
0xb9: {  	s3 =	sand.u32 $0x4000, s31;
	s1 =	sadd.s32 s1, s30  }
0xba: {  	s0 =	sor.u32 s3, s0;
	s1 =	sshll.u32 s1, $0x11  }
0xbb: {  	s0 =	sor.u32 s1, s0  }
0xbc: {  	s0 =	sadd.s32 $0x8F2B, s0  }
0xbd: {  	[sflag:s0] =	ssyncadd.remote.s32 $0x1  }
0xbe: {  	_ =	sfence.sel $0xFFFF  }
0xbf: {  	[dreg:$0x0] =	wrdreg $0xFFFFFFFF;
	(pc) =	sbr.abs _section_cstart, $3  }
0xc0: {  	[dreg:$0x1] =	wrdreg $0xFFFFFFFF  }
0xc1: {  	_ =	task.clear_ibuf [dreg:s7], $0x2FFFF;
	_ =	strace $0x9FFFFFFF  }
0xc2: {  	(tm) =	ssettm $0x7FFFFFFF  }
0xc3: {  	_ =	shalt  }
tec
execute0_lowered:
.L_overlay_start_1:
0x0: {  	(tag) =	ssettag $0x1  }
0x1: {  	s0 =	rddreg [dreg:$0x0]  }
0x2: {  	s2 =	rddreg [dreg:$0x1]  }
0x3: {  	s1 =	simm.s32 $0x0;
	s4 =	srdreg.scid;
	s6 =	stileid.u32  }
0x4: {  	s22 =	simm.s32 $0x4000;
	s23 =	simm.s32 $0x4400;
	s28 =	simm.s32 $0x5400  }
0x5: {  	s29 =	simm.s32 $0x5800;
	s30 =	simm.s32 $0x5C00;
	s31 =	simm.s32 $0x6000  }
0x6: {  	s8 =	simm.s32 $0x7C00;
	s9 =	simm.s32 $0x8000;
	s10 =	simm.s32 $0x8400  }
0x7: {  	s11 =	simm.s32 $0x1;
	s12 =	simm.s32 $0x8800;
	s13 =	simm.s32 $0x2  }
0x8: {  	s14 =	simm.s32 $0x9000;
	s17 =	simm.s32 $0x0;
	[smem:$0x7FF] =	sst s1  }
0x9: {  	s3 =	sadd.s32 $0xC00, s0;
	s4 =	sand.u32 $0x1, s4;
	s5 =	sshll.u32 s6, $0x10  }
0xa: {  	s6 =	sshll.u32 s6, $0xC;
	_ =	strace $0x80000047;
	s7 =	sshll.u32 s4, $0xB  }
0xb: {  	s0 =	sadd.s32 s5, s0;
	s24 =	ssub.s32 $0x2, s4;
	s4 =	sshll.u32 s4, $0xF  }
0xc: {  	s6 =	sor.u32 s7, s6;
	s25 =	sshrl.u32 s24, $0x1;
	s0 =	sadd.s32 s4, s0  }
0xd: {  	s4 =	simm.s32 $0x6C00;
	s7 =	simm.s32 $0x7800;
	s6 =	sshrl.u32 s6, $0x3  }
.Ltmp0:
0xe: {  	s5 =	ssub.s32 s24, s25;
	s0 =	sadd.s32 $0xF43000, s0;
	(pc) =	sbr.rel .LBB2_1-.Ltmp0, $4  }
0xf: {  	s24 =	simm.s32 $0x4800;
	s25 =	simm.s32 $0x4C00;
	s2 =	sadd.s32 s2, s6  }
0x10: {  	s26 =	smax.u32 s5, $0x1;
	[dreg:$0x5] =	wrdreg s0;
	s0 =	simm.s32 $0x6400  }
0x11: {  	s5 =	simm.s32 $0x7000;
	s6 =	simm.s32 $0x7400;
	[dreg:$0x3] =	wrdreg s2  }
0x12: {  	[dreg:$0x4] =	wrdreg s26;
	s26 =	simm.s32 $0x5000;
	s2 =	simm.s32 $0x6800  }
.LBB2_5:
0x13: {  	s15 =	simm.s32 $0x3  }
0x14: {  	_ =	swait.ge [sflag:s15], $0x800  }
0x15: {  	[sflag:s15] =	ssyncset.done $0x0  }
0x16: {  	s16 =	simm.s32 $0x4;
	[sflag:s15] =	ssyncadd.s32 $0xFFFFF800  }
0x17: {  	_ =	swait.ge [sflag:s16], $0x800  }
0x18: {  	s17 =	rddreg [dreg:$0x6]  }
0x19: {  	s21 =	rddreg [dreg:$0x4];
	s17 =	sadd.s32 $0x1, s17  }
0x1a: {  	p0 =	sne.s32 s17, s21  }
.Ltmp1:
0x1b: {  	_ = 	snop;
	(pc) =	sbr.rel @!p0 .LBB2_6-.Ltmp1, $3  }
0x1c: {  	_ =	sdelay $0x1  }
0x1d: {  	[sflag:s16] =	ssyncset.done $0x0  }
0x1e: {  	[sflag:s16] =	ssyncadd.s32 $0xFFFFF800  }
.LBB2_1:
0x1f: {  	[dreg:$0x6] =	wrdreg s17  }
0x20: {  	s15 =	rddreg [dreg:$0x3];
	s20 =	simm.s32 $0x5  }
0x21: {  	[tilespmem:s1], [sflag:$0x5] =	stream.linear.gather [hbm4b:s15+s1], $0x800, $0x38;
	[tilespmem:$0x9800] =	vst v63  }
0x22: {  	_ =	swait.ge [sflag:s20], $0x800  }
0x23: {  	[sflag:s20] =	ssyncset.done $0x0  }
0x24: {  	[sflag:s20] =	ssyncadd.s32 $0xFFFFF800  }
0x25: {  	v0 =	vld [tilespmem:$0x0];
	_ =	sdelay $0x4  }
0x26: {  	v0 =	vshll.u32 v0, $0x4  }
0x27: {  	(v2sf) =	vpush v0, $0x0;
	_ =	sdelay $0x3  }
0x28: {  	(v2sf) =	vpush v0, $0x1;
	_ =	sdelay $0x5  }
0x29: {  	(v2sf) =	vpush v0, $0x2  }
0x2a: {  	(v2sf) =	vpush v0, $0x3;
	_ =	sdelay $0x3  }
0x2b: {  	s21 =	spop (v2sf)  }
0x2c: {  	s15 =	sand.u32 $0xFFFFF80, s21  }
0x2d: {  	s16 =	simm.s32 $0x800;
	(v2sf) =	vpush v0, $0x4;
	s15 =	sadd.s32 s3, s15  }
0x2e: {  	[tilespmem:s16], [sflag:$0x1] =	stream.linear.gather [hbm4b:s15+s1], $0x400, $0x38;
	[tilespmem:$0x9800] =	vst v63  }
0x2f: {  	s16 =	spop (v2sf);
	(v2sf) =	vpush v0, $0x5;
	_ =	sdelay $0x5  }
0x30: {  	s18 =	spop (v2sf);
	(v2sf) =	vpush v0, $0x6  }
0x31: {  	s20 =	spop (v2sf);
	(v2sf) =	vpush v0, $0x7;
	_ =	sdelay $0x1  }
0x32: {  	s15 =	sand.u32 $0xFFFFF80, s16  }
0x33: {  	s17 =	simm.s32 $0xC00;
	s15 =	sadd.s32 s3, s15  }
0x34: {  	[tilespmem:s17], [sflag:$0x1] =	stream.linear.gather [hbm4b:s15+s1], $0x400, $0x38;
	[tilespmem:$0x9800] =	vst v63  }
0x35: {  	s15 =	sand.u32 $0xFFFFF80, s18  }
0x36: {  	s19 =	simm.s32 $0x1000;
	s15 =	sadd.s32 s3, s15;
	s16 =	spop (v2sf);
	(v2sf) =	vpush v0, $0x8  }
0x37: {  	[tilespmem:s19], [sflag:$0x1] =	stream.linear.gather [hbm4b:s15+s1], $0x400, $0x38;
	[tilespmem:$0x9800] =	vst v63  }
0x38: {  	s15 =	sand.u32 $0xFFFFF80, s20;
	s18 =	spop (v2sf);
	(v2sf) =	vpush v0, $0x9  }
0x39: {  	s21 =	simm.s32 $0x1400;
	s15 =	sadd.s32 s3, s15  }
0x3a: {  	[tilespmem:s21], [sflag:$0x1] =	stream.linear.gather [hbm4b:s15+s1], $0x400, $0x38;
	[tilespmem:$0x9800] =	vst v63  }
0x3b: {  	s15 =	sand.u32 $0xFFFFF80, s16  }
0x3c: {  	s17 =	simm.s32 $0x1800;
	s15 =	sadd.s32 s3, s15;
	(v2sf) =	vpush v0, $0xA  }
0x3d: {  	[tilespmem:s17], [sflag:$0x1] =	stream.linear.gather [hbm4b:s15+s1], $0x400, $0x38;
	[tilespmem:$0x9800] =	vst v63  }
0x3e: {  	s15 =	sand.u32 $0xFFFFF80, s18;
	s20 =	spop (v2sf);
	(v2sf) =	vpush v0, $0xB  }
0x3f: {  	s19 =	simm.s32 $0x1C00;
	s15 =	sadd.s32 s3, s15;
	s16 =	spop (v2sf);
	(v2sf) =	vpush v0, $0xC  }
0x40: {  	[tilespmem:s19], [sflag:$0x1] =	stream.linear.gather [hbm4b:s15+s1], $0x400, $0x38;
	[tilespmem:$0x9800] =	vst v63  }
0x41: {  	s15 =	sand.u32 $0xFFFFF80, s20  }
0x42: {  	s21 =	simm.s32 $0x2000;
	s15 =	sadd.s32 s3, s15  }
0x43: {  	[tilespmem:s21], [sflag:$0x1] =	stream.linear.gather [hbm4b:s15+s1], $0x400, $0x38;
	[tilespmem:$0x9800] =	vst v63  }
0x44: {  	s15 =	sand.u32 $0xFFFFF80, s16  }
0x45: {  	s17 =	simm.s32 $0x2400;
	s15 =	sadd.s32 s3, s15;
	s18 =	spop (v2sf);
	(v2sf) =	vpush v0, $0xD  }
0x46: {  	[tilespmem:s17], [sflag:$0x1] =	stream.linear.gather [hbm4b:s15+s1], $0x400, $0x38;
	[tilespmem:$0x9800] =	vst v63  }
0x47: {  	s15 =	sand.u32 $0xFFFFF80, s18;
	s20 =	spop (v2sf);
	(v2sf) =	vpush v0, $0xE  }
0x48: {  	s19 =	simm.s32 $0x2800;
	s15 =	sadd.s32 s3, s15  }
0x49: {  	[tilespmem:s19], [sflag:$0x1] =	stream.linear.gather [hbm4b:s15+s1], $0x400, $0x38;
	[tilespmem:$0x9800] =	vst v63  }
0x4a: {  	s15 =	sand.u32 $0xFFFFF80, s20  }
0x4b: {  	s21 =	simm.s32 $0x2C00;
	s17 =	spop (v2sf);
	s15 =	sadd.s32 s3, s15  }
0x4c: {  	(v2sf) =	vpush v0, $0xF;
	[tilespmem:s21], [sflag:$0x1] =	stream.linear.gather [hbm4b:s15+s1], $0x400, $0x38;
	[tilespmem:$0x9800] =	vst v63  }
0x4d: {  	s19 =	simm.s32 $0x3000;
	s18 =	spop (v2sf);
	s15 =	sand.u32 $0xFFFFF80, s17  }
0x4e: {  	s20 =	sand.u32 $0xFFFFF80, s18;
	s21 =	spop (v2sf);
	s15 =	sadd.s32 s3, s15  }
0x4f: {  	[tilespmem:s19], [sflag:$0x1] =	stream.linear.gather [hbm4b:s15+s1], $0x400, $0x38;
	[tilespmem:$0x9800] =	vst v63  }
0x50: {  	s18 =	simm.s32 $0x3400;
	s15 =	sadd.s32 s3, s20;
	s19 =	sand.u32 $0xFFFFF80, s21  }
0x51: {  	[tilespmem:s18], [sflag:$0x1] =	stream.linear.gather [hbm4b:s15+s1], $0x400, $0x38;
	[tilespmem:$0x9800] =	vst v63  }
0x52: {  	s21 =	simm.s32 $0x3800;
	s15 =	sadd.s32 s3, s19  }
0x53: {  	[tilespmem:s21], [sflag:$0x1] =	stream.linear.gather [hbm4b:s15+s1], $0x400, $0x38;
	[tilespmem:$0x9800] =	vst v63  }
0x54: {  	s20 =	spop (v2sf)  }
0x55: {  	s17 =	sand.u32 $0xFFFFF80, s20  }
0x56: {  	s19 =	simm.s32 $0x3C00;
	s15 =	sadd.s32 s3, s17;
	s18 =	spop (v2sf)  }
0x57: {  	[tilespmem:s19], [sflag:$0x1] =	stream.linear.gather [hbm4b:s15+s1], $0x400, $0x38;
	[tilespmem:$0x9800] =	vst v63  }
0x58: {  	s20 =	sand.u32 $0xFFFFF80, s18  }
0x59: {  	s15 =	sadd.s32 s3, s20  }
0x5a: {  	[tilespmem:s22], [sflag:$0x1] =	stream.linear.gather [hbm4b:s15+s1], $0x400, $0x38;
	[tilespmem:$0x9800] =	vst v63  }
.Ltmp2:
0x5b: {  	s21 =	spop (v2sf);
	(pc) =	sbr.rel .LBB2_2-.Ltmp2, $4  }
0x5c: {  	s15 =	sand.u32 $0xFFFFF80, s21  }
0x5d: {  	s15 =	sadd.s32 s3, s15  }
0x5e: {  	[tilespmem:s23], [sflag:$0x1] =	stream.linear.gather [hbm4b:s15+s1], $0x400, $0x38;
	[tilespmem:$0x9800] =	vst v63  }
0x5f: {  	s16 =	simm.s32 $0x80;
	s17 =	rddreg [dreg:$0x5];
	s15 =	simm.s32 $0x20  }
.LBB2_4:
0x60: {  	v0 =	vld [tilespmem:s18+$0x0];
	_ =	swait.ge [sflag:s13], $0x400  }
0x61: {  	[sflag:s13] =	ssyncset.done $0x0  }
0x62: {  	[sflag:s13] =	ssyncadd.s32 $0xFFFFFC00  }
0x63: {  	_ =	swait.ge [sflag:s13], $0x400  }
0x64: {  	[sflag:s13] =	ssyncset.done $0x0  }
0x65: {  	[sflag:s13] =	ssyncadd.s32 $0xFFFFFC00  }
0x66: {  	_ =	swait.ge [sflag:s13], $0x400  }
0x67: {  	[sflag:s13] =	ssyncset.done $0x0  }
0x68: {  	[sflag:s13] =	ssyncadd.s32 $0xFFFFFC00  }
0x69: {  	_ =	swait.ge [sflag:s13], $0x400  }
0x6a: {  	[sflag:s13] =	ssyncset.done $0x0  }
0x6b: {  	[sflag:s13] =	ssyncadd.s32 $0xFFFFFC00  }
0x6c: {  	_ =	swait.ge [sflag:s13], $0x400  }
0x6d: {  	[sflag:s13] =	ssyncset.done $0x0  }
0x6e: {  	[sflag:s13] =	ssyncadd.s32 $0xFFFFFC00  }
0x6f: {  	_ =	swait.ge [sflag:s13], $0x400  }
0x70: {  	[sflag:s13] =	ssyncset.done $0x0  }
0x71: {  	[sflag:s13] =	ssyncadd.s32 $0xFFFFFC00  }
0x72: {  	_ =	swait.ge [sflag:s13], $0x400  }
0x73: {  	[sflag:s13] =	ssyncset.done $0x0  }
0x74: {  	[sflag:s13] =	ssyncadd.s32 $0xFFFFFC00  }
0x75: {  	_ =	swait.ge [sflag:s13], $0x400  }
0x76: {  	[sflag:s13] =	ssyncset.done $0x0  }
0x77: {  	[sflag:s13] =	ssyncadd.s32 $0xFFFFFC00  }
0x78: {  	_ =	swait.ge [sflag:s13], $0x400  }
0x79: {  	[sflag:s13] =	ssyncset.done $0x0  }
0x7a: {  	[sflag:s13] =	ssyncadd.s32 $0xFFFFFC00  }
0x7b: {  	_ =	swait.ge [sflag:s13], $0x400  }
0x7c: {  	[sflag:s13] =	ssyncset.done $0x0  }
0x7d: {  	[sflag:s13] =	ssyncadd.s32 $0xFFFFFC00  }
0x7e: {  	_ =	swait.ge [sflag:s13], $0x400  }
0x7f: {  	[sflag:s13] =	ssyncset.done $0x0  }
0x80: {  	[sflag:s13] =	ssyncadd.s32 $0xFFFFFC00  }
0x81: {  	_ =	swait.ge [sflag:s13], $0x400  }
0x82: {  	[sflag:s13] =	ssyncset.done $0x0  }
0x83: {  	[sflag:s13] =	ssyncadd.s32 $0xFFFFFC00  }
0x84: {  	_ =	swait.ge [sflag:s13], $0x400  }
0x85: {  	[sflag:s13] =	ssyncset.done $0x0  }
0x86: {  	[sflag:s13] =	ssyncadd.s32 $0xFFFFFC00  }
0x87: {  	_ =	swait.ge [sflag:s13], $0x400  }
0x88: {  	[sflag:s13] =	ssyncset.done $0x0  }
0x89: {  	[sflag:s13] =	ssyncadd.s32 $0xFFFFFC00  }
0x8a: {  	_ =	swait.ge [sflag:s13], $0x400  }
0x8b: {  	[sflag:s13] =	ssyncset.done $0x0  }
0x8c: {  	[sflag:s13] =	ssyncadd.s32 $0xFFFFFC00  }
0x8d: {  	v0 =	vshll.u32 v0, $0x7;
	_ =	swait.ge [sflag:s13], $0x400  }
0x8e: {  	(v2sf) =	vpush v0, $0x0;
	_ =	sdelay $0xe  }
0x8f: {  	[sflag:s13] =	ssyncset.done $0x0;
	s20 =	spop (v2sf)  }
0x90: {  	[sflag:s13] =	ssyncadd.s32 $0xFFFFFC00;
	s18 =	sand.u32 $0x380, s20  }
0x91: {  	v1 =	vld [tilespmem:s18+$0x4800];
	_ =	sdelay $0x4  }
0x92: {  	[tilespmem:$0x9000] =	vst v1  }
0x93: {  	v1 =	vld [tilespmem:s18+$0x4810]  }
0x94: {  	(v2sf) =	vpush v0, $0x1;
	_ =	sdelay $0x3  }
0x95: {  	[tilespmem:$0x9010] =	vst v1  }
0x96: {  	v1 =	vld [tilespmem:s18+$0x4820];
	_ =	sdelay $0x4  }
0x97: {  	[tilespmem:$0x9020] =	vst v1  }
0x98: {  	v1 =	vld [tilespmem:s18+$0x4830];
	_ =	sdelay $0x3  }
0x99: {  	s21 =	spop (v2sf)  }
0x9a: {  	s18 =	sand.u32 $0x380, s21;
	[tilespmem:$0x9030] =	vst v1  }
0x9b: {  	v1 =	vld [tilespmem:s18+$0x4C00];
	_ =	sdelay $0x4  }
0x9c: {  	[tilespmem:$0x9080] =	vst v1  }
0x9d: {  	v1 =	vld [tilespmem:s18+$0x4C10]  }
0x9e: {  	(v2sf) =	vpush v0, $0x2;
	_ =	sdelay $0x3  }
0x9f: {  	[tilespmem:$0x9090] =	vst v1  }
0xa0: {  	v1 =	vld [tilespmem:s18+$0x4C20];
	_ =	sdelay $0x4  }
0xa1: {  	[tilespmem:$0x90A0] =	vst v1  }
0xa2: {  	v1 =	vld [tilespmem:s18+$0x4C30];
	_ =	sdelay $0x3  }
0xa3: {  	s19 =	spop (v2sf)  }
0xa4: {  	s18 =	sand.u32 $0x380, s19;
	[tilespmem:$0x90B0] =	vst v1  }
0xa5: {  	v1 =	vld [tilespmem:s18+$0x5000];
	_ =	sdelay $0x4  }
0xa6: {  	[tilespmem:$0x9100] =	vst v1  }
0xa7: {  	v1 =	vld [tilespmem:s18+$0x5010]  }
0xa8: {  	(v2sf) =	vpush v0, $0x3;
	_ =	sdelay $0x3  }
0xa9: {  	[tilespmem:$0x9110] =	vst v1  }
0xaa: {  	v1 =	vld [tilespmem:s18+$0x5020];
	_ =	sdelay $0x4  }
0xab: {  	[tilespmem:$0x9120] =	vst v1  }
0xac: {  	v1 =	vld [tilespmem:s18+$0x5030];
	_ =	sdelay $0x3  }
0xad: {  	s20 =	spop (v2sf)  }
0xae: {  	s18 =	sand.u32 $0x380, s20;
	[tilespmem:$0x9130] =	vst v1  }
0xaf: {  	v1 =	vld [tilespmem:s18+$0x5400];
	_ =	sdelay $0x4  }
0xb0: {  	[tilespmem:$0x9180] =	vst v1  }
0xb1: {  	v1 =	vld [tilespmem:s18+$0x5410]  }
0xb2: {  	(v2sf) =	vpush v0, $0x4;
	_ =	sdelay $0x3  }
0xb3: {  	[tilespmem:$0x9190] =	vst v1  }
0xb4: {  	v1 =	vld [tilespmem:s18+$0x5420];
	_ =	sdelay $0x4  }
0xb5: {  	[tilespmem:$0x91A0] =	vst v1  }
0xb6: {  	v1 =	vld [tilespmem:s18+$0x5430];
	_ =	sdelay $0x3  }
0xb7: {  	s21 =	spop (v2sf)  }
0xb8: {  	s18 =	sand.u32 $0x380, s21;
	[tilespmem:$0x91B0] =	vst v1  }
0xb9: {  	v1 =	vld [tilespmem:s18+$0x5800];
	_ =	sdelay $0x4  }
0xba: {  	[tilespmem:$0x9200] =	vst v1  }
0xbb: {  	v1 =	vld [tilespmem:s18+$0x5810]  }
0xbc: {  	(v2sf) =	vpush v0, $0x5;
	_ =	sdelay $0x3  }
0xbd: {  	[tilespmem:$0x9210] =	vst v1  }
0xbe: {  	v1 =	vld [tilespmem:s18+$0x5820];
	_ =	sdelay $0x4  }
0xbf: {  	[tilespmem:$0x9220] =	vst v1  }
0xc0: {  	v1 =	vld [tilespmem:s18+$0x5830];
	_ =	sdelay $0x3  }
0xc1: {  	s19 =	spop (v2sf)  }
0xc2: {  	s18 =	sand.u32 $0x380, s19;
	[tilespmem:$0x9230] =	vst v1  }
0xc3: {  	v1 =	vld [tilespmem:s18+$0x5C00];
	_ =	sdelay $0x4  }
0xc4: {  	[tilespmem:$0x9280] =	vst v1  }
0xc5: {  	v1 =	vld [tilespmem:s18+$0x5C10]  }
0xc6: {  	(v2sf) =	vpush v0, $0x6;
	_ =	sdelay $0x3  }
0xc7: {  	[tilespmem:$0x9290] =	vst v1  }
0xc8: {  	v1 =	vld [tilespmem:s18+$0x5C20];
	_ =	sdelay $0x4  }
0xc9: {  	[tilespmem:$0x92A0] =	vst v1  }
0xca: {  	v1 =	vld [tilespmem:s18+$0x5C30];
	_ =	sdelay $0x3  }
0xcb: {  	s20 =	spop (v2sf)  }
0xcc: {  	s18 =	sand.u32 $0x380, s20;
	[tilespmem:$0x92B0] =	vst v1  }
0xcd: {  	v1 =	vld [tilespmem:s18+$0x6000];
	_ =	sdelay $0x4  }
0xce: {  	[tilespmem:$0x9300] =	vst v1  }
0xcf: {  	v1 =	vld [tilespmem:s18+$0x6010]  }
0xd0: {  	(v2sf) =	vpush v0, $0x7;
	_ =	sdelay $0x3  }
0xd1: {  	[tilespmem:$0x9310] =	vst v1  }
0xd2: {  	v1 =	vld [tilespmem:s18+$0x6020];
	_ =	sdelay $0x4  }
0xd3: {  	[tilespmem:$0x9320] =	vst v1  }
0xd4: {  	v1 =	vld [tilespmem:s18+$0x6030];
	_ =	sdelay $0x3  }
0xd5: {  	s21 =	spop (v2sf)  }
0xd6: {  	s18 =	sand.u32 $0x380, s21;
	[tilespmem:$0x9330] =	vst v1  }
0xd7: {  	v1 =	vld [tilespmem:s18+$0x6400];
	_ =	sdelay $0x4  }
0xd8: {  	[tilespmem:$0x9380] =	vst v1  }
0xd9: {  	v1 =	vld [tilespmem:s18+$0x6410]  }
0xda: {  	(v2sf) =	vpush v0, $0x8;
	_ =	sdelay $0x3  }
0xdb: {  	[tilespmem:$0x9390] =	vst v1  }
0xdc: {  	v1 =	vld [tilespmem:s18+$0x6420];
	_ =	sdelay $0x4  }
0xdd: {  	[tilespmem:$0x93A0] =	vst v1  }
0xde: {  	v1 =	vld [tilespmem:s18+$0x6430];
	_ =	sdelay $0x3  }
0xdf: {  	s19 =	spop (v2sf)  }
0xe0: {  	s18 =	sand.u32 $0x380, s19;
	[tilespmem:$0x93B0] =	vst v1  }
0xe1: {  	v1 =	vld [tilespmem:s18+$0x6800];
	_ =	sdelay $0x4  }
0xe2: {  	[tilespmem:$0x9400] =	vst v1  }
0xe3: {  	v1 =	vld [tilespmem:s18+$0x6810]  }
0xe4: {  	(v2sf) =	vpush v0, $0x9;
	_ =	sdelay $0x3  }
0xe5: {  	[tilespmem:$0x9410] =	vst v1  }
0xe6: {  	v1 =	vld [tilespmem:s18+$0x6820];
	_ =	sdelay $0x4  }
0xe7: {  	[tilespmem:$0x9420] =	vst v1  }
0xe8: {  	v1 =	vld [tilespmem:s18+$0x6830];
	_ =	sdelay $0x3  }
0xe9: {  	s20 =	spop (v2sf)  }
0xea: {  	s18 =	sand.u32 $0x380, s20;
	[tilespmem:$0x9430] =	vst v1  }
0xeb: {  	v1 =	vld [tilespmem:s18+$0x6C00];
	_ =	sdelay $0x4  }
0xec: {  	[tilespmem:$0x9480] =	vst v1  }
0xed: {  	v1 =	vld [tilespmem:s18+$0x6C10]  }
0xee: {  	(v2sf) =	vpush v0, $0xA;
	_ =	sdelay $0x3  }
0xef: {  	[tilespmem:$0x9490] =	vst v1  }
0xf0: {  	v1 =	vld [tilespmem:s18+$0x6C20];
	_ =	sdelay $0x4  }
0xf1: {  	[tilespmem:$0x94A0] =	vst v1  }
0xf2: {  	v1 =	vld [tilespmem:s18+$0x6C30];
	_ =	sdelay $0x3  }
0xf3: {  	s21 =	spop (v2sf)  }
0xf4: {  	s18 =	sand.u32 $0x380, s21;
	[tilespmem:$0x94B0] =	vst v1  }
0xf5: {  	v1 =	vld [tilespmem:s18+$0x7000];
	_ =	sdelay $0x4  }
0xf6: {  	[tilespmem:$0x9500] =	vst v1  }
0xf7: {  	v1 =	vld [tilespmem:s18+$0x7010]  }
0xf8: {  	(v2sf) =	vpush v0, $0xB;
	_ =	sdelay $0x3  }
0xf9: {  	[tilespmem:$0x9510] =	vst v1  }
0xfa: {  	v1 =	vld [tilespmem:s18+$0x7020];
	_ =	sdelay $0x4  }
0xfb: {  	[tilespmem:$0x9520] =	vst v1  }
0xfc: {  	v1 =	vld [tilespmem:s18+$0x7030];
	_ =	sdelay $0x3  }
0xfd: {  	s19 =	spop (v2sf)  }
0xfe: {  	s18 =	sand.u32 $0x380, s19;
	[tilespmem:$0x9530] =	vst v1  }
0xff: {  	v1 =	vld [tilespmem:s18+$0x7400];
	_ =	sdelay $0x4  }
0x100: {  	[tilespmem:$0x9580] =	vst v1  }
0x101: {  	v1 =	vld [tilespmem:s18+$0x7410]  }
0x102: {  	(v2sf) =	vpush v0, $0xC;
	_ =	sdelay $0x3  }
0x103: {  	[tilespmem:$0x9590] =	vst v1  }
0x104: {  	v1 =	vld [tilespmem:s18+$0x7420];
	_ =	sdelay $0x4  }
0x105: {  	[tilespmem:$0x95A0] =	vst v1  }
0x106: {  	v1 =	vld [tilespmem:s18+$0x7430];
	_ =	sdelay $0x3  }
0x107: {  	s20 =	spop (v2sf)  }
0x108: {  	s18 =	sand.u32 $0x380, s20;
	[tilespmem:$0x95B0] =	vst v1  }
0x109: {  	v1 =	vld [tilespmem:s18+$0x7800];
	_ =	sdelay $0x4  }
0x10a: {  	[tilespmem:$0x9600] =	vst v1  }
0x10b: {  	v1 =	vld [tilespmem:s18+$0x7810]  }
0x10c: {  	(v2sf) =	vpush v0, $0xD;
	_ =	sdelay $0x3  }
0x10d: {  	[tilespmem:$0x9610] =	vst v1  }
0x10e: {  	v1 =	vld [tilespmem:s18+$0x7820];
	_ =	sdelay $0x4  }
0x10f: {  	[tilespmem:$0x9620] =	vst v1  }
0x110: {  	v1 =	vld [tilespmem:s18+$0x7830];
	_ =	sdelay $0x3  }
0x111: {  	s21 =	spop (v2sf)  }
0x112: {  	s18 =	sand.u32 $0x380, s21;
	[tilespmem:$0x9630] =	vst v1  }
0x113: {  	v1 =	vld [tilespmem:s18+$0x7C00];
	_ =	sdelay $0x4  }
0x114: {  	[tilespmem:$0x9680] =	vst v1  }
0x115: {  	v1 =	vld [tilespmem:s18+$0x7C10]  }
0x116: {  	(v2sf) =	vpush v0, $0xE;
	_ =	sdelay $0x3  }
0x117: {  	[tilespmem:$0x9690] =	vst v1  }
0x118: {  	v1 =	vld [tilespmem:s18+$0x7C20];
	_ =	sdelay $0x4  }
0x119: {  	[tilespmem:$0x96A0] =	vst v1  }
0x11a: {  	v1 =	vld [tilespmem:s18+$0x7C30];
	_ =	sdelay $0x3  }
0x11b: {  	s19 =	spop (v2sf)  }
0x11c: {  	s18 =	sand.u32 $0x380, s19;
	[tilespmem:$0x96B0] =	vst v1  }
0x11d: {  	v1 =	vld [tilespmem:s18+$0x8000];
	_ =	sdelay $0x4  }
0x11e: {  	[tilespmem:$0x9700] =	vst v1  }
0x11f: {  	v1 =	vld [tilespmem:s18+$0x8010]  }
0x120: {  	(v2sf) =	vpush v0, $0xF;
	_ =	sdelay $0x3  }
0x121: {  	[tilespmem:$0x9710] =	vst v1  }
0x122: {  	v63 =	vld [tilespmem:s18+$0x8020];
	_ =	sdelay $0x4  }
0x123: {  	[tilespmem:$0x9720] =	vst v63  }
0x124: {  	v0 =	vld [tilespmem:s18+$0x8030];
	_ =	sdelay $0x3  }
0x125: {  	s20 =	spop (v2sf)  }
0x126: {  	s18 =	sand.u32 $0x380, s20;
	[tilespmem:$0x9730] =	vst v0  }
0x127: {  	v0 =	vld [tilespmem:s18+$0x8400];
	_ =	sdelay $0x4  }
0x128: {  	[tilespmem:$0x9780] =	vst v0  }
0x129: {  	v0 =	vld [tilespmem:s18+$0x8410];
	_ =	sdelay $0x4  }
0x12a: {  	[tilespmem:$0x9790] =	vst v0  }
0x12b: {  	v0 =	vld [tilespmem:s18+$0x8420];
	_ =	sdelay $0x4  }
0x12c: {  	[tilespmem:$0x97A0] =	vst v0  }
0x12d: {  	s15 =	sadd.s32 $0x20, s15;
	v0 =	vld [tilespmem:s18+$0x8430]  }
0x12e: {  	p0 =	sne.s32 s15, $0x820  }
.Ltmp3:
0x12f: {  	_ = 	snop;
	(pc) =	sbr.rel @!p0 .LBB2_5-.Ltmp3, $3  }
0x130: {  	_ =	sdelay $0x1  }
0x131: {  	s16 =	sadd.s32 $0x80, s16;
	s21 =	sadd.s32 $0x100, s17;
	s17 =	sadd.s32 $0x200, s17;
	[tilespmem:$0x97B0] =	vst v0  }
0x132: {  	[hbm4b:s21+s1] =	stream.linear.scatter [tilespmem:s14], [sflag:$0x4], $0x800, $0x38;
	[tilespmem:$0x9800] =	vst v63  }
.LBB2_2:
0x133: {  	p0 =	seq.s32 s15, $0x20  }
0x134: {  	s19 =	sadd.s32 $0xFFFFFF80, s16;
	s18 =	simm.s32 @!p0 $0x3  }
0x135: {  	s20 =	sadd.s32 $0xFFFFFFF0, s15;
	s19 =	sand.u32 $0x1E00, s19;
	_ =	swait.ge @!p0 [sflag:s18], $0x800  }
0x136: {  	s20 =	sand.u32 $0x70, s20;
	s19 =	sshrl.u32 s19, $0x2;
	[sflag:s18] =	ssyncset.done @!p0 $0x0  }
0x137: {  	[sflag:s18] =	ssyncadd.s32 @!p0 $0xFFFFF800;
	s18 =	sor.u32 s20, s19  }
0x138: {  	v0 =	vld [tilespmem:s18+$0x0];
	_ =	sdelay $0x4  }
0x139: {  	v0 =	vshll.u32 v0, $0x4  }
0x13a: {  	(v2sf) =	vpush v0, $0x0;
	_ =	sdelay $0x1  }
0x13b: {  	(v2sf) =	vpush v0, $0x1;
	_ =	sdelay $0x2  }
0x13c: {  	(v2sf) =	vpush v0, $0x2;
	_ =	sdelay $0x2  }
0x13d: {  	(v2sf) =	vpush v0, $0x3;
	_ =	sdelay $0x6  }
0x13e: {  	s21 =	spop (v2sf);
	(v2sf) =	vpush v0, $0x4;
	_ =	sdelay $0x1  }
0x13f: {  	s20 =	sand.u32 $0xFFFFF80, s21;
	s21 =	spop (v2sf);
	(v2sf) =	vpush v0, $0x5  }
0x140: {  	s20 =	sadd.s32 s3, s20  }
0x141: {  	[tilespmem:s24], [sflag:$0x2] =	stream.linear.gather [hbm4b:s20+s1], $0x400, $0x38;
	[tilespmem:$0x9800] =	vst v63  }
0x142: {  	s20 =	sand.u32 $0xFFFFF80, s21;
	s21 =	spop (v2sf);
	(v2sf) =	vpush v0, $0x6  }
0x143: {  	s20 =	sadd.s32 s3, s20  }
0x144: {  	[tilespmem:s25], [sflag:$0x2] =	stream.linear.gather [hbm4b:s20+s1], $0x400, $0x38;
	[tilespmem:$0x9800] =	vst v63  }
0x145: {  	s20 =	sand.u32 $0xFFFFF80, s21;
	s21 =	spop (v2sf);
	(v2sf) =	vpush v0, $0x7;
	_ =	sdelay $0x3  }
0x146: {  	s20 =	sadd.s32 s3, s20  }
0x147: {  	[tilespmem:s26], [sflag:$0x2] =	stream.linear.gather [hbm4b:s20+s1], $0x400, $0x38;
	[tilespmem:$0x9800] =	vst v63  }
0x148: {  	s20 =	sand.u32 $0xFFFFF80, s21  }
0x149: {  	s20 =	sadd.s32 s3, s20;
	s21 =	spop (v2sf);
	(v2sf) =	vpush v0, $0x8  }
0x14a: {  	[tilespmem:s28], [sflag:$0x2] =	stream.linear.gather [hbm4b:s20+s1], $0x400, $0x38;
	[tilespmem:$0x9800] =	vst v63  }
0x14b: {  	s20 =	sand.u32 $0xFFFFF80, s21;
	s21 =	spop (v2sf);
	(v2sf) =	vpush v0, $0x9  }
0x14c: {  	s20 =	sadd.s32 s3, s20  }
0x14d: {  	[tilespmem:s29], [sflag:$0x2] =	stream.linear.gather [hbm4b:s20+s1], $0x400, $0x38;
	[tilespmem:$0x9800] =	vst v63  }
0x14e: {  	s20 =	sand.u32 $0xFFFFF80, s21;
	s21 =	spop (v2sf);
	(v2sf) =	vpush v0, $0xA  }
0x14f: {  	s20 =	sadd.s32 s3, s20  }
0x150: {  	[tilespmem:s30], [sflag:$0x2] =	stream.linear.gather [hbm4b:s20+s1], $0x400, $0x38;
	[tilespmem:$0x9800] =	vst v63  }
0x151: {  	s20 =	sand.u32 $0xFFFFF80, s21;
	s21 =	spop (v2sf);
	(v2sf) =	vpush v0, $0xB;
	_ =	sdelay $0x3  }
0x152: {  	s20 =	sadd.s32 s3, s20  }
0x153: {  	[tilespmem:s31], [sflag:$0x2] =	stream.linear.gather [hbm4b:s20+s1], $0x400, $0x38;
	[tilespmem:$0x9800] =	vst v63  }
0x154: {  	s20 =	sand.u32 $0xFFFFF80, s21  }
0x155: {  	s20 =	sadd.s32 s3, s20;
	s21 =	spop (v2sf);
	(v2sf) =	vpush v0, $0xC  }
0x156: {  	[tilespmem:s0], [sflag:$0x2] =	stream.linear.gather [hbm4b:s20+s1], $0x400, $0x38;
	[tilespmem:$0x9800] =	vst v63  }
0x157: {  	s20 =	sand.u32 $0xFFFFF80, s21;
	s21 =	spop (v2sf);
	(v2sf) =	vpush v0, $0xD  }
0x158: {  	s20 =	sadd.s32 s3, s20  }
0x159: {  	[tilespmem:s2], [sflag:$0x2] =	stream.linear.gather [hbm4b:s20+s1], $0x400, $0x38;
	[tilespmem:$0x9800] =	vst v63  }
0x15a: {  	s20 =	sand.u32 $0xFFFFF80, s21;
	s21 =	spop (v2sf);
	(v2sf) =	vpush v0, $0xE  }
0x15b: {  	s20 =	sadd.s32 s3, s20  }
0x15c: {  	[tilespmem:s4], [sflag:$0x2] =	stream.linear.gather [hbm4b:s20+s1], $0x400, $0x38;
	[tilespmem:$0x9800] =	vst v63  }
0x15d: {  	s20 =	sand.u32 $0xFFFFF80, s21;
	s21 =	spop (v2sf);
	(v2sf) =	vpush v0, $0xF;
	_ =	sdelay $0x1  }
0x15e: {  	s20 =	sadd.s32 s3, s20  }
0x15f: {  	[tilespmem:s5], [sflag:$0x2] =	stream.linear.gather [hbm4b:s20+s1], $0x400, $0x38;
	[tilespmem:$0x9800] =	vst v63  }
0x160: {  	s20 =	sand.u32 $0xFFFFF80, s21  }
0x161: {  	s20 =	sadd.s32 s3, s20  }
0x162: {  	[tilespmem:s6], [sflag:$0x2] =	stream.linear.gather [hbm4b:s20+s1], $0x400, $0x38;
	[tilespmem:$0x9800] =	vst v63  }
0x163: {  	s21 =	spop (v2sf)  }
0x164: {  	s20 =	sand.u32 $0xFFFFF80, s21  }
0x165: {  	s21 =	spop (v2sf);
	s20 =	sadd.s32 s3, s20  }
0x166: {  	[tilespmem:s7], [sflag:$0x2] =	stream.linear.gather [hbm4b:s20+s1], $0x400, $0x38;
	[tilespmem:$0x9800] =	vst v63  }
0x167: {  	s20 =	sand.u32 $0xFFFFF80, s21  }
0x168: {  	s21 =	spop (v2sf);
	s20 =	sadd.s32 s3, s20  }
0x169: {  	[tilespmem:s8], [sflag:$0x2] =	stream.linear.gather [hbm4b:s20+s1], $0x400, $0x38;
	[tilespmem:$0x9800] =	vst v63  }
0x16a: {  	s20 =	sand.u32 $0xFFFFF80, s21  }
0x16b: {  	s21 =	spop (v2sf);
	s20 =	sadd.s32 s3, s20  }
0x16c: {  	[tilespmem:s9], [sflag:$0x2] =	stream.linear.gather [hbm4b:s20+s1], $0x400, $0x38;
	[tilespmem:$0x9800] =	vst v63  }
0x16d: {  	s20 =	sand.u32 $0xFFFFF80, s21  }
0x16e: {  	s21 =	sadd.s32 $0xFFFFFFE0, s15;
	s20 =	sadd.s32 s3, s20  }
0x16f: {  	[tilespmem:s10], [sflag:$0x2] =	stream.linear.gather [hbm4b:s20+s1], $0x400, $0x38;
	[tilespmem:$0x9800] =	vst v63  }
0x170: {  	s20 =	sand.u32 $0x60, s21  }
0x171: {  	s19 =	sor.u32 s20, s19  }
0x172: {  	v62 =	vld [tilespmem:s19+$0x0];
	_ =	swait.ge [sflag:s11], $0x400  }
0x173: {  	[sflag:s11] =	ssyncset.done $0x0  }
0x174: {  	[sflag:s11] =	ssyncadd.s32 $0xFFFFFC00  }
0x175: {  	_ =	swait.ge [sflag:s11], $0x400  }
0x176: {  	[sflag:s11] =	ssyncset.done $0x0  }
0x177: {  	[sflag:s11] =	ssyncadd.s32 $0xFFFFFC00  }
0x178: {  	_ =	swait.ge [sflag:s11], $0x400  }
0x179: {  	[sflag:s11] =	ssyncset.done $0x0  }
0x17a: {  	[sflag:s11] =	ssyncadd.s32 $0xFFFFFC00  }
0x17b: {  	_ =	swait.ge [sflag:s11], $0x400  }
0x17c: {  	[sflag:s11] =	ssyncset.done $0x0  }
0x17d: {  	[sflag:s11] =	ssyncadd.s32 $0xFFFFFC00  }
0x17e: {  	_ =	swait.ge [sflag:s11], $0x400  }
0x17f: {  	[sflag:s11] =	ssyncset.done $0x0  }
0x180: {  	[sflag:s11] =	ssyncadd.s32 $0xFFFFFC00  }
0x181: {  	_ =	swait.ge [sflag:s11], $0x400  }
0x182: {  	[sflag:s11] =	ssyncset.done $0x0  }
0x183: {  	[sflag:s11] =	ssyncadd.s32 $0xFFFFFC00  }
0x184: {  	_ =	swait.ge [sflag:s11], $0x400  }
0x185: {  	[sflag:s11] =	ssyncset.done $0x0  }
0x186: {  	[sflag:s11] =	ssyncadd.s32 $0xFFFFFC00  }
0x187: {  	_ =	swait.ge [sflag:s11], $0x400  }
0x188: {  	[sflag:s11] =	ssyncset.done $0x0  }
0x189: {  	[sflag:s11] =	ssyncadd.s32 $0xFFFFFC00  }
0x18a: {  	_ =	swait.ge [sflag:s11], $0x400  }
0x18b: {  	[sflag:s11] =	ssyncset.done $0x0  }
0x18c: {  	[sflag:s11] =	ssyncadd.s32 $0xFFFFFC00  }
0x18d: {  	_ =	swait.ge [sflag:s11], $0x400  }
0x18e: {  	[sflag:s11] =	ssyncset.done $0x0  }
0x18f: {  	[sflag:s11] =	ssyncadd.s32 $0xFFFFFC00  }
0x190: {  	_ =	swait.ge [sflag:s11], $0x400  }
0x191: {  	[sflag:s11] =	ssyncset.done $0x0  }
0x192: {  	[sflag:s11] =	ssyncadd.s32 $0xFFFFFC00  }
0x193: {  	_ =	swait.ge [sflag:s11], $0x400  }
0x194: {  	[sflag:s11] =	ssyncset.done $0x0  }
0x195: {  	[sflag:s11] =	ssyncadd.s32 $0xFFFFFC00  }
0x196: {  	_ =	swait.ge [sflag:s11], $0x400  }
0x197: {  	[sflag:s11] =	ssyncset.done $0x0  }
0x198: {  	[sflag:s11] =	ssyncadd.s32 $0xFFFFFC00  }
0x199: {  	_ =	swait.ge [sflag:s11], $0x400  }
0x19a: {  	[sflag:s11] =	ssyncset.done $0x0  }
0x19b: {  	[sflag:s11] =	ssyncadd.s32 $0xFFFFFC00  }
0x19c: {  	_ =	swait.ge [sflag:s11], $0x400  }
0x19d: {  	[sflag:s11] =	ssyncset.done $0x0  }
0x19e: {  	[sflag:s11] =	ssyncadd.s32 $0xFFFFFC00  }
0x19f: {  	v0 =	vshll.u32 v62, $0x7;
	_ =	swait.ge [sflag:s11], $0x400  }
0x1a0: {  	(v2sf) =	vpush v0, $0x0;
	_ =	sdelay $0xe  }
0x1a1: {  	[sflag:s11] =	ssyncset.done $0x0;
	s20 =	spop (v2sf)  }
0x1a2: {  	[sflag:s11] =	ssyncadd.s32 $0xFFFFFC00;
	s19 =	sand.u32 $0x380, s20  }
0x1a3: {  	v1 =	vld [tilespmem:s19+$0x800];
	_ =	sdelay $0x4  }
0x1a4: {  	[tilespmem:$0x8800] =	vst v1  }
0x1a5: {  	v1 =	vld [tilespmem:s19+$0x810]  }
0x1a6: {  	(v2sf) =	vpush v0, $0x1;
	_ =	sdelay $0x3  }
0x1a7: {  	[tilespmem:$0x8810] =	vst v1  }
0x1a8: {  	v1 =	vld [tilespmem:s19+$0x820];
	_ =	sdelay $0x4  }
0x1a9: {  	[tilespmem:$0x8820] =	vst v1  }
0x1aa: {  	v1 =	vld [tilespmem:s19+$0x830];
	_ =	sdelay $0x3  }
0x1ab: {  	s21 =	spop (v2sf)  }
0x1ac: {  	s19 =	sand.u32 $0x380, s21;
	[tilespmem:$0x8830] =	vst v1  }
0x1ad: {  	v1 =	vld [tilespmem:s19+$0xC00];
	_ =	sdelay $0x4  }
0x1ae: {  	[tilespmem:$0x8880] =	vst v1  }
0x1af: {  	v1 =	vld [tilespmem:s19+$0xC10]  }
0x1b0: {  	(v2sf) =	vpush v0, $0x2;
	_ =	sdelay $0x3  }
0x1b1: {  	[tilespmem:$0x8890] =	vst v1  }
0x1b2: {  	v1 =	vld [tilespmem:s19+$0xC20];
	_ =	sdelay $0x4  }
0x1b3: {  	[tilespmem:$0x88A0] =	vst v1  }
0x1b4: {  	v1 =	vld [tilespmem:s19+$0xC30];
	_ =	sdelay $0x3  }
0x1b5: {  	s20 =	spop (v2sf)  }
0x1b6: {  	s19 =	sand.u32 $0x380, s20;
	[tilespmem:$0x88B0] =	vst v1  }
0x1b7: {  	v1 =	vld [tilespmem:s19+$0x1000];
	_ =	sdelay $0x4  }
0x1b8: {  	[tilespmem:$0x8900] =	vst v1  }
0x1b9: {  	v1 =	vld [tilespmem:s19+$0x1010]  }
0x1ba: {  	(v2sf) =	vpush v0, $0x3;
	_ =	sdelay $0x3  }
0x1bb: {  	[tilespmem:$0x8910] =	vst v1  }
0x1bc: {  	v1 =	vld [tilespmem:s19+$0x1020];
	_ =	sdelay $0x4  }
0x1bd: {  	[tilespmem:$0x8920] =	vst v1  }
0x1be: {  	v1 =	vld [tilespmem:s19+$0x1030];
	_ =	sdelay $0x3  }
0x1bf: {  	s21 =	spop (v2sf)  }
0x1c0: {  	s19 =	sand.u32 $0x380, s21;
	[tilespmem:$0x8930] =	vst v1  }
0x1c1: {  	v1 =	vld [tilespmem:s19+$0x1400];
	_ =	sdelay $0x4  }
0x1c2: {  	[tilespmem:$0x8980] =	vst v1  }
0x1c3: {  	v1 =	vld [tilespmem:s19+$0x1410]  }
0x1c4: {  	(v2sf) =	vpush v0, $0x4;
	_ =	sdelay $0x3  }
0x1c5: {  	[tilespmem:$0x8990] =	vst v1  }
0x1c6: {  	v1 =	vld [tilespmem:s19+$0x1420];
	_ =	sdelay $0x4  }
0x1c7: {  	[tilespmem:$0x89A0] =	vst v1  }
0x1c8: {  	v1 =	vld [tilespmem:s19+$0x1430];
	_ =	sdelay $0x3  }
0x1c9: {  	s20 =	spop (v2sf)  }
0x1ca: {  	s19 =	sand.u32 $0x380, s20;
	[tilespmem:$0x89B0] =	vst v1  }
0x1cb: {  	v1 =	vld [tilespmem:s19+$0x1800];
	_ =	sdelay $0x4  }
0x1cc: {  	[tilespmem:$0x8A00] =	vst v1  }
0x1cd: {  	v1 =	vld [tilespmem:s19+$0x1810]  }
0x1ce: {  	(v2sf) =	vpush v0, $0x5;
	_ =	sdelay $0x3  }
0x1cf: {  	[tilespmem:$0x8A10] =	vst v1  }
0x1d0: {  	v1 =	vld [tilespmem:s19+$0x1820];
	_ =	sdelay $0x4  }
0x1d1: {  	[tilespmem:$0x8A20] =	vst v1  }
0x1d2: {  	v1 =	vld [tilespmem:s19+$0x1830];
	_ =	sdelay $0x3  }
0x1d3: {  	s21 =	spop (v2sf)  }
0x1d4: {  	s19 =	sand.u32 $0x380, s21;
	[tilespmem:$0x8A30] =	vst v1  }
0x1d5: {  	v1 =	vld [tilespmem:s19+$0x1C00];
	_ =	sdelay $0x4  }
0x1d6: {  	[tilespmem:$0x8A80] =	vst v1  }
0x1d7: {  	v1 =	vld [tilespmem:s19+$0x1C10]  }
0x1d8: {  	(v2sf) =	vpush v0, $0x6;
	_ =	sdelay $0x3  }
0x1d9: {  	[tilespmem:$0x8A90] =	vst v1  }
0x1da: {  	v1 =	vld [tilespmem:s19+$0x1C20];
	_ =	sdelay $0x4  }
0x1db: {  	[tilespmem:$0x8AA0] =	vst v1  }
0x1dc: {  	v1 =	vld [tilespmem:s19+$0x1C30];
	_ =	sdelay $0x3  }
0x1dd: {  	s20 =	spop (v2sf)  }
0x1de: {  	s19 =	sand.u32 $0x380, s20;
	[tilespmem:$0x8AB0] =	vst v1  }
0x1df: {  	v1 =	vld [tilespmem:s19+$0x2000];
	_ =	sdelay $0x4  }
0x1e0: {  	[tilespmem:$0x8B00] =	vst v1  }
0x1e1: {  	v1 =	vld [tilespmem:s19+$0x2010]  }
0x1e2: {  	(v2sf) =	vpush v0, $0x7;
	_ =	sdelay $0x3  }
0x1e3: {  	[tilespmem:$0x8B10] =	vst v1  }
0x1e4: {  	v1 =	vld [tilespmem:s19+$0x2020];
	_ =	sdelay $0x4  }
0x1e5: {  	[tilespmem:$0x8B20] =	vst v1  }
0x1e6: {  	v1 =	vld [tilespmem:s19+$0x2030];
	_ =	sdelay $0x3  }
0x1e7: {  	s21 =	spop (v2sf)  }
0x1e8: {  	s19 =	sand.u32 $0x380, s21;
	[tilespmem:$0x8B30] =	vst v1  }
0x1e9: {  	v1 =	vld [tilespmem:s19+$0x2400];
	_ =	sdelay $0x4  }
0x1ea: {  	[tilespmem:$0x8B80] =	vst v1  }
0x1eb: {  	v1 =	vld [tilespmem:s19+$0x2410]  }
0x1ec: {  	(v2sf) =	vpush v0, $0x8;
	_ =	sdelay $0x3  }
0x1ed: {  	[tilespmem:$0x8B90] =	vst v1  }
0x1ee: {  	v1 =	vld [tilespmem:s19+$0x2420];
	_ =	sdelay $0x4  }
0x1ef: {  	[tilespmem:$0x8BA0] =	vst v1  }
0x1f0: {  	v1 =	vld [tilespmem:s19+$0x2430];
	_ =	sdelay $0x3  }
0x1f1: {  	s20 =	spop (v2sf)  }
0x1f2: {  	s19 =	sand.u32 $0x380, s20;
	[tilespmem:$0x8BB0] =	vst v1  }
0x1f3: {  	v1 =	vld [tilespmem:s19+$0x2800];
	_ =	sdelay $0x4  }
0x1f4: {  	[tilespmem:$0x8C00] =	vst v1  }
0x1f5: {  	v1 =	vld [tilespmem:s19+$0x2810]  }
0x1f6: {  	(v2sf) =	vpush v0, $0x9;
	_ =	sdelay $0x3  }
0x1f7: {  	[tilespmem:$0x8C10] =	vst v1  }
0x1f8: {  	v1 =	vld [tilespmem:s19+$0x2820];
	_ =	sdelay $0x4  }
0x1f9: {  	[tilespmem:$0x8C20] =	vst v1  }
0x1fa: {  	v1 =	vld [tilespmem:s19+$0x2830];
	_ =	sdelay $0x3  }
0x1fb: {  	s21 =	spop (v2sf)  }
0x1fc: {  	s19 =	sand.u32 $0x380, s21;
	[tilespmem:$0x8C30] =	vst v1  }
0x1fd: {  	v1 =	vld [tilespmem:s19+$0x2C00];
	_ =	sdelay $0x4  }
0x1fe: {  	[tilespmem:$0x8C80] =	vst v1  }
0x1ff: {  	v1 =	vld [tilespmem:s19+$0x2C10]  }
0x200: {  	(v2sf) =	vpush v0, $0xA;
	_ =	sdelay $0x3  }
0x201: {  	[tilespmem:$0x8C90] =	vst v1  }
0x202: {  	v1 =	vld [tilespmem:s19+$0x2C20];
	_ =	sdelay $0x4  }
0x203: {  	[tilespmem:$0x8CA0] =	vst v1  }
0x204: {  	v1 =	vld [tilespmem:s19+$0x2C30];
	_ =	sdelay $0x3  }
0x205: {  	s20 =	spop (v2sf)  }
0x206: {  	s19 =	sand.u32 $0x380, s20;
	[tilespmem:$0x8CB0] =	vst v1  }
0x207: {  	v1 =	vld [tilespmem:s19+$0x3000];
	_ =	sdelay $0x4  }
0x208: {  	[tilespmem:$0x8D00] =	vst v1  }
0x209: {  	v1 =	vld [tilespmem:s19+$0x3010]  }
0x20a: {  	(v2sf) =	vpush v0, $0xB;
	_ =	sdelay $0x3  }
0x20b: {  	[tilespmem:$0x8D10] =	vst v1  }
0x20c: {  	v1 =	vld [tilespmem:s19+$0x3020];
	_ =	sdelay $0x4  }
0x20d: {  	[tilespmem:$0x8D20] =	vst v1  }
0x20e: {  	v1 =	vld [tilespmem:s19+$0x3030];
	_ =	sdelay $0x3  }
0x20f: {  	s21 =	spop (v2sf)  }
0x210: {  	s19 =	sand.u32 $0x380, s21;
	[tilespmem:$0x8D30] =	vst v1  }
0x211: {  	v1 =	vld [tilespmem:s19+$0x3400];
	_ =	sdelay $0x4  }
0x212: {  	[tilespmem:$0x8D80] =	vst v1  }
0x213: {  	v1 =	vld [tilespmem:s19+$0x3410]  }
0x214: {  	(v2sf) =	vpush v0, $0xC;
	_ =	sdelay $0x3  }
0x215: {  	[tilespmem:$0x8D90] =	vst v1  }
0x216: {  	v1 =	vld [tilespmem:s19+$0x3420];
	_ =	sdelay $0x4  }
0x217: {  	[tilespmem:$0x8DA0] =	vst v1  }
0x218: {  	v1 =	vld [tilespmem:s19+$0x3430];
	_ =	sdelay $0x3  }
0x219: {  	s20 =	spop (v2sf)  }
0x21a: {  	s19 =	sand.u32 $0x380, s20;
	[tilespmem:$0x8DB0] =	vst v1  }
0x21b: {  	v1 =	vld [tilespmem:s19+$0x3800];
	_ =	sdelay $0x4  }
0x21c: {  	[tilespmem:$0x8E00] =	vst v1  }
0x21d: {  	v1 =	vld [tilespmem:s19+$0x3810]  }
0x21e: {  	(v2sf) =	vpush v0, $0xD;
	_ =	sdelay $0x3  }
0x21f: {  	[tilespmem:$0x8E10] =	vst v1  }
0x220: {  	v1 =	vld [tilespmem:s19+$0x3820];
	_ =	sdelay $0x4  }
0x221: {  	[tilespmem:$0x8E20] =	vst v1  }
0x222: {  	v1 =	vld [tilespmem:s19+$0x3830];
	_ =	sdelay $0x3  }
0x223: {  	s21 =	spop (v2sf)  }
0x224: {  	s19 =	sand.u32 $0x380, s21;
	[tilespmem:$0x8E30] =	vst v1  }
0x225: {  	v1 =	vld [tilespmem:s19+$0x3C00];
	_ =	sdelay $0x4  }
0x226: {  	[tilespmem:$0x8E80] =	vst v1  }
0x227: {  	v1 =	vld [tilespmem:s19+$0x3C10]  }
0x228: {  	(v2sf) =	vpush v0, $0xE;
	_ =	sdelay $0x3  }
0x229: {  	[tilespmem:$0x8E90] =	vst v1  }
0x22a: {  	v1 =	vld [tilespmem:s19+$0x3C20];
	_ =	sdelay $0x4  }
0x22b: {  	[tilespmem:$0x8EA0] =	vst v1  }
0x22c: {  	v1 =	vld [tilespmem:s19+$0x3C30];
	_ =	sdelay $0x3  }
0x22d: {  	s20 =	spop (v2sf)  }
0x22e: {  	s19 =	sand.u32 $0x380, s20;
	[tilespmem:$0x8EB0] =	vst v1  }
0x22f: {  	v1 =	vld [tilespmem:s19+$0x4000];
	_ =	sdelay $0x4  }
0x230: {  	[tilespmem:$0x8F00] =	vst v1  }
0x231: {  	v1 =	vld [tilespmem:s19+$0x4010]  }
0x232: {  	(v2sf) =	vpush v0, $0xF;
	_ =	sdelay $0x3  }
0x233: {  	[tilespmem:$0x8F10] =	vst v1  }
0x234: {  	v63 =	vld [tilespmem:s19+$0x4020];
	_ =	sdelay $0x4  }
0x235: {  	[tilespmem:$0x8F20] =	vst v63  }
0x236: {  	v0 =	vld [tilespmem:s19+$0x4030];
	_ =	sdelay $0x3  }
0x237: {  	s21 =	spop (v2sf)  }
0x238: {  	s19 =	sand.u32 $0x380, s21;
	[tilespmem:$0x8F30] =	vst v0  }
0x239: {  	v0 =	vld [tilespmem:s19+$0x4400];
	_ =	sdelay $0x4  }
0x23a: {  	[tilespmem:$0x8F80] =	vst v0  }
0x23b: {  	v0 =	vld [tilespmem:s19+$0x4410];
	_ =	sdelay $0x4  }
0x23c: {  	[tilespmem:$0x8F90] =	vst v0  }
0x23d: {  	v0 =	vld [tilespmem:s19+$0x4420];
	_ =	sdelay $0x4  }
0x23e: {  	[tilespmem:$0x8FA0] =	vst v0  }
0x23f: {  	v0 =	vld [tilespmem:s19+$0x4430];
	_ =	sdelay $0x2  }
0x240: {  	p1 =	seq.s32 @!p0 s15, $0x800  }
0x241: {  	p1 =	por p0, !p1  }
.Ltmp4:
0x242: {  	s19 =	simm.s32 @!p0 $0x4;
	[tilespmem:$0x8FB0] =	vst v0;
	(pc) =	sbr.rel @!p1 .LBB2_4-.Ltmp4, $4  }
0x243: {  	[hbm4b:s17+s1] =	stream.linear.scatter [tilespmem:s12], [sflag:$0x3], $0x800, $0x38;
	[tilespmem:$0x9800] =	vst v63  }
0x244: {  	_ =	swait.ge @!p0 [sflag:s19], $0x800  }
0x245: {  	[sflag:s19] =	ssyncset.done @!p0 $0x0  }
0x246: {  	[sflag:s19] =	ssyncadd.s32 @!p0 $0xFFFFF800  }
0x247: {  	s19 =	sand.u32 $0x3E00, s16  }
0x248: {  	s20 =	sand.u32 $0x60, s15;
	s19 =	sshrl.u32 s19, $0x2  }
0x249: {  	s19 =	sor.u32 s20, s19  }
0x24a: {  	v0 =	vld [tilespmem:s19+$0x0];
	_ =	sdelay $0x4  }
0x24b: {  	v0 =	vshll.u32 v0, $0x4  }
0x24c: {  	(v2sf) =	vpush v0, $0x0;
	_ =	sdelay $0x1  }
0x24d: {  	(v2sf) =	vpush v0, $0x1;
	_ =	sdelay $0x5  }
0x24e: {  	(v2sf) =	vpush v0, $0x2;
	_ =	sdelay $0x1  }
0x24f: {  	(v2sf) =	vpush v0, $0x3;
	_ =	sdelay $0x4  }
0x250: {  	s20 =	spop (v2sf);
	(v2sf) =	vpush v0, $0x4;
	_ =	sdelay $0x1  }
0x251: {  	s19 =	sand.u32 $0xFFFFF80, s20;
	s20 =	spop (v2sf);
	(v2sf) =	vpush v0, $0x5;
	_ =	sdelay $0x2  }
0x252: {  	s21 =	simm.s32 $0x800;
	s19 =	sadd.s32 s3, s19  }
0x253: {  	[tilespmem:s21], [sflag:$0x1] =	stream.linear.gather [hbm4b:s19+s1], $0x400, $0x38;
	[tilespmem:$0x9800] =	vst v63  }
0x254: {  	(v2sf) =	vpush v0, $0x6;
	s19 =	sand.u32 $0xFFFFF80, s20  }
0x255: {  	s21 =	simm.s32 $0xC00;
	s20 =	spop (v2sf);
	s19 =	sadd.s32 s3, s19  }
0x256: {  	[tilespmem:s21], [sflag:$0x1] =	stream.linear.gather [hbm4b:s19+s1], $0x400, $0x38;
	[tilespmem:$0x9800] =	vst v63  }
0x257: {  	s19 =	sand.u32 $0xFFFFF80, s20;
	s20 =	spop (v2sf);
	(v2sf) =	vpush v0, $0x7;
	_ =	sdelay $0x1  }
0x258: {  	s21 =	simm.s32 $0x1000;
	s19 =	sadd.s32 s3, s19  }
0x259: {  	[tilespmem:s21], [sflag:$0x1] =	stream.linear.gather [hbm4b:s19+s1], $0x400, $0x38;
	[tilespmem:$0x9800] =	vst v63  }
0x25a: {  	s19 =	sand.u32 $0xFFFFF80, s20  }
0x25b: {  	s21 =	simm.s32 $0x1400;
	s19 =	sadd.s32 s3, s19;
	s20 =	spop (v2sf);
	(v2sf) =	vpush v0, $0x8  }
0x25c: {  	[tilespmem:s21], [sflag:$0x1] =	stream.linear.gather [hbm4b:s19+s1], $0x400, $0x38;
	[tilespmem:$0x9800] =	vst v63  }
0x25d: {  	s19 =	sand.u32 $0xFFFFF80, s20;
	s20 =	spop (v2sf);
	(v2sf) =	vpush v0, $0x9;
	_ =	sdelay $0x1  }
0x25e: {  	s21 =	simm.s32 $0x1800;
	s19 =	sadd.s32 s3, s19  }
0x25f: {  	(v2sf) =	vpush v0, $0xA;
	[tilespmem:s21], [sflag:$0x1] =	stream.linear.gather [hbm4b:s19+s1], $0x400, $0x38;
	[tilespmem:$0x9800] =	vst v63  }
0x260: {  	s19 =	sand.u32 $0xFFFFF80, s20  }
0x261: {  	s21 =	simm.s32 $0x1C00;
	s20 =	spop (v2sf);
	s19 =	sadd.s32 s3, s19  }
0x262: {  	(v2sf) =	vpush v0, $0xB;
	[tilespmem:s21], [sflag:$0x1] =	stream.linear.gather [hbm4b:s19+s1], $0x400, $0x38;
	[tilespmem:$0x9800] =	vst v63  }
0x263: {  	s19 =	sand.u32 $0xFFFFF80, s20  }
0x264: {  	s21 =	simm.s32 $0x2000;
	s20 =	spop (v2sf);
	s19 =	sadd.s32 s3, s19  }
0x265: {  	(v2sf) =	vpush v0, $0xC;
	[tilespmem:s21], [sflag:$0x1] =	stream.linear.gather [hbm4b:s19+s1], $0x400, $0x38;
	[tilespmem:$0x9800] =	vst v63  }
0x266: {  	s19 =	sand.u32 $0xFFFFF80, s20  }
0x267: {  	s21 =	simm.s32 $0x2400;
	s19 =	sadd.s32 s3, s19  }
0x268: {  	[tilespmem:s21], [sflag:$0x1] =	stream.linear.gather [hbm4b:s19+s1], $0x400, $0x38;
	[tilespmem:$0x9800] =	vst v63  }
0x269: {  	s20 =	spop (v2sf)  }
0x26a: {  	(v2sf) =	vpush v0, $0xD;
	s19 =	sand.u32 $0xFFFFF80, s20  }
0x26b: {  	s21 =	simm.s32 $0x2800;
	s20 =	spop (v2sf);
	(v2sf) =	vpush v0, $0xE;
	s19 =	sadd.s32 s3, s19  }
0x26c: {  	[tilespmem:s21], [sflag:$0x1] =	stream.linear.gather [hbm4b:s19+s1], $0x400, $0x38;
	[tilespmem:$0x9800] =	vst v63  }
0x26d: {  	s19 =	sand.u32 $0xFFFFF80, s20  }
0x26e: {  	s21 =	simm.s32 $0x2C00;
	s20 =	spop (v2sf);
	(v2sf) =	vpush v0, $0xF;
	s19 =	sadd.s32 s3, s19  }
0x26f: {  	[tilespmem:s21], [sflag:$0x1] =	stream.linear.gather [hbm4b:s19+s1], $0x400, $0x38;
	[tilespmem:$0x9800] =	vst v63  }
0x270: {  	s19 =	sand.u32 $0xFFFFF80, s20  }
0x271: {  	s20 =	spop (v2sf);
	s21 =	simm.s32 $0x3000;
	s19 =	sadd.s32 s3, s19  }
0x272: {  	[tilespmem:s21], [sflag:$0x1] =	stream.linear.gather [hbm4b:s19+s1], $0x400, $0x38;
	[tilespmem:$0x9800] =	vst v63  }
0x273: {  	s21 =	sand.u32 $0xFFFFF80, s20  }
0x274: {  	s20 =	spop (v2sf);
	s19 =	sadd.s32 s3, s21;
	s21 =	simm.s32 $0x3400  }
0x275: {  	[tilespmem:s21], [sflag:$0x1] =	stream.linear.gather [hbm4b:s19+s1], $0x400, $0x38;
	[tilespmem:$0x9800] =	vst v63  }
0x276: {  	s21 =	sand.u32 $0xFFFFF80, s20  }
0x277: {  	s19 =	sadd.s32 s3, s21;
	s21 =	simm.s32 $0x3800  }
0x278: {  	[tilespmem:s21], [sflag:$0x1] =	stream.linear.gather [hbm4b:s19+s1], $0x400, $0x38;
	[tilespmem:$0x9800] =	vst v63  }
0x279: {  	s20 =	spop (v2sf)  }
0x27a: {  	s21 =	sand.u32 $0xFFFFF80, s20;
	s20 =	spop (v2sf)  }
0x27b: {  	s19 =	sadd.s32 s3, s21;
	s21 =	simm.s32 $0x3C00;
	s20 =	sand.u32 $0xFFFFF80, s20  }
0x27c: {  	[tilespmem:s21], [sflag:$0x1] =	stream.linear.gather [hbm4b:s19+s1], $0x400, $0x38;
	[tilespmem:$0x9800] =	vst v63  }
.Ltmp5:
0x27d: {  	s19 =	sadd.s32 s3, s20;
	s21 =	spop (v2sf);
	(pc) =	sbr.rel .LBB2_4-.Ltmp5, $4  }
0x27e: {  	[tilespmem:s22], [sflag:$0x1] =	stream.linear.gather [hbm4b:s19+s1], $0x400, $0x38;
	[tilespmem:$0x9800] =	vst v63  }
0x27f: {  	s19 =	sand.u32 $0xFFFFF80, s21  }
0x280: {  	s19 =	sadd.s32 s3, s19  }
0x281: {  	[tilespmem:s23], [sflag:$0x1] =	stream.linear.gather [hbm4b:s19+s1], $0x400, $0x38;
	[tilespmem:$0x9800] =	vst v63  }
.LBB2_6:
0x282: {  	_ =	sfence.sel $0x180000  }
0x283: {  	[bflag:$0x0] =	sbarrier.arrive $0xFFFF  }
0x284: {  	_ =	strace $0x90000047  }
0x285: {  	s0 =	stileid.u32;
	[bflag:$0x2] =	sbarrier.arrive $0xFFFF  }
0x286: {  	p0 =	sne.s32 s0, $0x0;
	s0 =	rddreg [dreg:$0x2]  }
0x287: {  	s0 =	sadd.s32 @!p0 $0x100000, s0  }
0x288: {  	[sflag:s0] =	ssyncadd.tile.s32 @!p0 $0x1;
	_ =	shalt  }
.Lfunc_end2:
_tile_overlayer_lowered:
.L_overlay_start_2:
0x289: {  	(tag) =	ssettag $0x2  }
0x28a: {  	s0 =	rddreg [dreg:$0x0];
	s2 =	stileid.u32  }
0x28b: {  	s1 =	rddreg [dreg:$0x1];
	p0 =	sne.s32 s2, $0x0  }
0x28c: {  	s3 =	rddreg [dreg:$0x2];
	[bflag:$0x3] =	sbarrier.arrive $0xFFFF;
	s2 =	simm.s32 @!p0 $0x1C05  }
0x28d: {  	[timem:s3], [sflag:s2] =	dma.local @!p0 [hbm:s0], s1  }
0x28e: {  	s0 =	simm.s32 @!p0 $0x5  }
0x28f: {  	_ =	swait.ge @!p0 [sflag:s0], s1  }
0x290: {  	s1 =	ssub.s32 @!p0 $0x0, s1;
	[sflag:s0] =	ssyncset.done @!p0 $0x0  }
0x291: {  	[sflag:s0] =	ssyncadd.s32 @!p0 s1  }
0x292: {  	[bflag:$0x3] =	sbarrier.arrive $0xFFFF  }
0x293: {  	_ =	shalt  }

</sc_bundles>
